<compile_context>
chip_gen: v7x
topology: tpu7x:2x2x1
jax: 0.10.2.dev20260603
libtpu: 0.0.44.dev20260713+nightly
codegen_flags: <defaults>
</compile_context>

<pallas_src>
import functools

import jax
import jax.numpy as jnp
from jax import lax
from jax.experimental import pallas as pl
from jax.experimental.pallas import tpu as pltpu
from jax.experimental.pallas import tpu_sc as plsc

VOCAB = 32000
HIDDEN = 1024
HEADS = 16
CHUNK = 32
NKEYS = 100000
KDIM = 256
DH = HIDDEN // HEADS

_SC_MESH = plsc.VectorSubcoreMesh(core_axis_name="c", subcore_axis_name="s")


@functools.partial(
    pl.kernel,
    out_type=jax.ShapeDtypeStruct((KDIM,), jnp.float32),
    mesh=_SC_MESH,
    scratch_types=[
        pltpu.VMEM((CHUNK,), jnp.int32),
        pltpu.VMEM((CHUNK, KDIM), jnp.float32),
        pltpu.VMEM((KDIM,), jnp.float32),
        pltpu.SemaphoreType.DMA,
    ],
)
def _sc_qemb(ids_hbm, qtab_hbm, out_hbm, idx_v, rows_v, qemb_v, sem):
    cid = lax.axis_index("c")
    sid = lax.axis_index("s")

    @pl.when(jnp.logical_and(cid == 0, sid == 0))
    def _():
        pltpu.sync_copy(ids_hbm.at[pl.ds(CHUNK, CHUNK)], idx_v)
        pltpu.async_copy(qtab_hbm.at[idx_v], rows_v, sem).wait()
        inv = 1.0 / float(CHUNK)
        for dc in range(KDIM // 16):
            acc = rows_v[0, pl.ds(dc * 16, 16)]
            for r in range(1, CHUNK):
                acc = acc + rows_v[r, pl.ds(dc * 16, 16)]
            qemb_v[pl.ds(dc * 16, 16)] = acc * inv
        pltpu.sync_copy(qemb_v, out_hbm)


_BLK = 2000
_NB = NKEYS // _BLK


def _tc_argmax_body(qe_ref, keys_ref, out_ref, best_v, best_i):
    i = pl.program_id(0)

    @pl.when(i == 0)
    def _():
        best_v[0] = -jnp.inf
        best_i[0] = 0

    s = lax.dot_general(
        keys_ref[...], qe_ref[...],
        (((1,), (1,)), ((), ())),
        preferred_element_type=jnp.float32,
    )
    m = jnp.max(s)
    iota0 = lax.broadcasted_iota(jnp.int32, (_BLK, 1), 0)
    li = jnp.min(jnp.where(s >= m, iota0, NKEYS))

    @pl.when(m > best_v[0])
    def _():
        best_v[0] = m
        best_i[0] = i * _BLK + li

    @pl.when(i == _NB - 1)
    def _():
        for j in range(16):
            out_ref[j] = best_i[0]


def _tc_argmax(q_emb, keys):
    return pl.pallas_call(
        _tc_argmax_body,
        grid=(_NB,),
        in_specs=[
            pl.BlockSpec((1, KDIM), lambda i: (0, 0)),
            pl.BlockSpec((_BLK, KDIM), lambda i: (i, 0)),
        ],
        out_specs=pl.BlockSpec(memory_space=pltpu.SMEM),
        out_shape=jax.ShapeDtypeStruct((16,), jnp.int32),
        scratch_shapes=[
            pltpu.SMEM((1,), jnp.float32),
            pltpu.SMEM((1,), jnp.int32),
        ],
        compiler_params=pltpu.CompilerParams(
            dimension_semantics=("arbitrary",),
        ),
    )(q_emb, keys)


@functools.partial(
    pl.kernel,
    out_type=jax.ShapeDtypeStruct((CHUNK, HIDDEN), jnp.float32),
    mesh=_SC_MESH,
    scratch_types=[
        pltpu.VMEM((16,), jnp.int32),
        pltpu.VMEM((CHUNK,), jnp.int32),
        pltpu.VMEM((CHUNK, HIDDEN), jnp.float32),
        pltpu.SemaphoreType.DMA,
    ],
)
def _sc_retrieve(tidx_hbm, db_hbm, emb_hbm, out_hbm,
                 tidx_v, ids_v, rows_v, sem1):
    cid = lax.axis_index("c")
    sid = lax.axis_index("s")

    @pl.when(jnp.logical_and(cid == 0, sid == 0))
    def _():
        pltpu.sync_copy(tidx_hbm, tidx_v)
        t0 = tidx_v[...][0]
        pltpu.sync_copy(db_hbm.at[pl.ds(t0 * CHUNK, CHUNK)], ids_v)
        pltpu.async_copy(emb_hbm.at[ids_v], rows_v, sem1).wait()
        pltpu.sync_copy(rows_v, out_hbm)


def _tc_attn_body(h_ref, mask_ref, pos_ref, g_ref, b_ref,
                  wq_ref, wk_ref, wv_ref, wo_ref, out_ref, o_scr):
    h = h_ref[...]
    mu = jnp.mean(h, axis=1, keepdims=True)
    xc = h - mu
    var = jnp.mean(xc * xc, axis=1, keepdims=True)
    hn = xc * lax.rsqrt(var + 1e-5) * g_ref[...] + b_ref[...]

    dot = functools.partial(
        jnp.dot, preferred_element_type=jnp.float32,
        precision=lax.Precision.HIGHEST)
    q = dot(hn, wq_ref[...])
    k = dot(hn, wk_ref[...])
    v = dot(hn, wv_ref[...])

    jj = lax.broadcasted_iota(jnp.int32, (1, DH // 2), 1).astype(jnp.float32)
    inv_freq = jnp.exp(jj * (-2.0 / DH * 9.210340371976184))
    ang = pos_ref[...] * inv_freq
    cos_t = jnp.cos(ang)
    sin_t = jnp.sin(ang)

    def rope(x):
        x1 = x[:, : DH // 2]
        x2 = x[:, DH // 2:]
        return jnp.concatenate(
            [x1 * cos_t - x2 * sin_t, x2 * cos_t + x1 * sin_t], axis=1)

    scale = 1.0 / (DH ** 0.5)
    mask = mask_ref[...]
    for hd in range(HEADS):
        sl = slice(hd * DH, (hd + 1) * DH)
        qh = rope(q[:, sl])
        kh = rope(k[:, sl])
        att = lax.dot_general(
            qh, kh, (((1,), (1,)), ((), ())),
            preferred_element_type=jnp.float32,
            precision=lax.Precision.HIGHEST) * scale + mask
        att = att - jnp.max(att, axis=1, keepdims=True)
        e = jnp.exp(att)
        p = e / jnp.sum(e, axis=1, keepdims=True)
        o_scr[:, sl] = dot(p, v[:, sl])
    out_ref[...] = dot(o_scr[...], wo_ref[...])


def _tc_attn(h, mask2d, posf, gamma, beta, Wq, Wk, Wv, Wo):
    return pl.pallas_call(
        _tc_attn_body,
        out_shape=jax.ShapeDtypeStruct((CHUNK, HIDDEN), jnp.float32),
        scratch_shapes=[pltpu.VMEM((CHUNK, HIDDEN), jnp.float32)],
    )(h, mask2d, posf, gamma, beta, Wq, Wk, Wv, Wo)


def kernel(input_ids, attention_mask, position_ids, keys, db_chunk_ids,
           query_table, embed_table, ln_gamma, ln_beta, Wq, Wk, Wv, Wo):
    ids_flat = input_ids.reshape(-1).astype(jnp.int32)
    q_emb = _sc_qemb(ids_flat, query_table)
    top_idx = _tc_argmax(q_emb.reshape(1, KDIM), keys)
    h = _sc_retrieve(top_idx, db_chunk_ids.reshape(-1), embed_table)
    mask2d = attention_mask.reshape(CHUNK, CHUNK)
    posf = position_ids.reshape(CHUNK, 1).astype(jnp.float32)
    out = _tc_attn(h, mask2d, posf,
                   ln_gamma.reshape(1, HIDDEN), ln_beta.reshape(1, HIDDEN),
                   Wq, Wk, Wv, Wo)
    return out.reshape(1, CHUNK, HIDDEN)

# --- scband reference (transcript-rebuilt; emitter-appended) ---
"""Pipeline reference for scband-cca-19292993094213 (READ-ONLY COPY).

The authoritative reference and input builder live on the scoring server;
editing this copy changes nothing except your own understanding.
"""

import jax, jax.numpy as jnp
import numpy as np

VOCAB = 32000
HIDDEN = 1024
HEADS = 16
CHUNK = 32
NKEYS = 100000
KDIM = 256


def setup_inputs(seed: int = 0):
    key = jax.random.key(seed)
    ks = jax.random.split(key, 10)
    input_ids = jax.random.randint(ks[0], (1, 64), 0, VOCAB)
    attention_mask = jnp.zeros((1, 1, CHUNK, CHUNK), dtype=jnp.float32)
    position_ids = jnp.arange(CHUNK, dtype=jnp.int32)[None, :]
    keys = jax.random.normal(ks[1], (NKEYS, KDIM), dtype=jnp.float32)
    db_chunk_ids = jax.random.randint(ks[2], (NKEYS, CHUNK), 0, VOCAB)
    query_table = 0.02 * jax.random.normal(ks[3], (VOCAB, KDIM), dtype=jnp.float32)
    embed_table = 0.02 * jax.random.normal(ks[4], (VOCAB, HIDDEN), dtype=jnp.float32)
    ln_gamma = jnp.ones((HIDDEN,), dtype=jnp.float32)
    ln_beta = jnp.zeros((HIDDEN,), dtype=jnp.float32)
    s = 1.0 / np.sqrt(HIDDEN)
    Wq = s * jax.random.normal(ks[5], (HIDDEN, HIDDEN), dtype=jnp.float32)
    Wk = s * jax.random.normal(ks[6], (HIDDEN, HIDDEN), dtype=jnp.float32)
    Wv = s * jax.random.normal(ks[7], (HIDDEN, HIDDEN), dtype=jnp.float32)
    Wo = s * jax.random.normal(ks[8], (HIDDEN, HIDDEN), dtype=jnp.float32)
    return {"input_ids": input_ids, "attention_mask": attention_mask, "position_ids": position_ids, "keys": keys, "db_chunk_ids": db_chunk_ids, "query_table": query_table, "embed_table": embed_table, "ln_gamma": ln_gamma, "ln_beta": ln_beta, "Wq": Wq, "Wk": Wk, "Wv": Wv, "Wo": Wo}


def _rotate_half(t):
    t1, t2 = jnp.split(t, 2, axis=-1)
    return jnp.concatenate([-t2, t1], axis=-1)


def _rope(x, position_ids):
    dh = x.shape[-1]
    inv_freq = 1.0 / (10000.0 ** (jnp.arange(0, dh, 2, dtype=jnp.float32) / dh))
    ang = position_ids[0].astype(jnp.float32)[:, None] * inv_freq[None, :]
    cos = jnp.concatenate([jnp.cos(ang), jnp.cos(ang)], axis=-1)[None, None]
    sin = jnp.concatenate([jnp.sin(ang), jnp.sin(ang)], axis=-1)[None, None]
    return x * cos + _rotate_half(x) * sin


def reference(input_ids, attention_mask, position_ids, keys, db_chunk_ids, query_table, embed_table, ln_gamma, ln_beta, Wq, Wk, Wv, Wo):
    # slice the last chunk_length input ids (mirrors input_ids[-chunk_length:])
    ids = input_ids[0][-CHUNK:]
    # query encoder proxy: mean-pooled query-embedding of the trailing chunk (medcpt query_model)
    q_emb = jnp.mean(jnp.take(query_table, ids, axis=0), axis=0)
    # FAISS inner-product retrieval over the chunk database, top-1 (rerank collapsed to top-1)
    scores = keys @ q_emb
    _, top_idx = jax.lax.top_k(scores, 1)
    retrieved = jnp.take(db_chunk_ids, top_idx[0], axis=0)
    # tokenizer -> chunk_input_ids, sliced to cutoff = len(input_ids)
    chunk_ids = retrieved[:CHUNK][None, :]
    # embed_tokens
    h = jnp.take(embed_table, chunk_ids, axis=0)
    # pre_CCA_layernorm
    mu = jnp.mean(h, axis=-1, keepdims=True)
    var = jnp.var(h, axis=-1, keepdims=True)
    h = (h - mu) / jnp.sqrt(var + 1e-5) * ln_gamma + ln_beta
    # layer.self_attn (llama-style attention with RoPE)
    B, S, H = h.shape
    dh = H // HEADS
    q = (h @ Wq).reshape(B, S, HEADS, dh).transpose(0, 2, 1, 3)
    k = (h @ Wk).reshape(B, S, HEADS, dh).transpose(0, 2, 1, 3)
    v = (h @ Wv).reshape(B, S, HEADS, dh).transpose(0, 2, 1, 3)
    q = _rope(q, position_ids)
    k = _rope(k, position_ids)
    att = (q @ k.transpose(0, 1, 3, 2)) / jnp.sqrt(jnp.float32(dh)) + attention_mask
    att = jax.nn.softmax(att, axis=-1)
    out = (att @ v).transpose(0, 2, 1, 3).reshape(B, S, H) @ Wo
    return out

if __name__ == "__main__":
    import jax
    _d = setup_inputs()
    print(jax.jit(kernel)(*tuple(_d.values())))

</pallas_src>

<mosaic_0001>
#map = affine_map<(d0, d1) -> (0)>
#map1 = affine_map<(d0, d1) -> (0, 0)>
module attributes {stable_mosaic.version = 14 : i64} {
  func.func @_sc_qemb(%arg0: i32, %arg1: i32, %arg2: memref<64xi32, #tpu.memory_space<hbm>>, %arg3: memref<32000x256xf32, #tpu.memory_space<hbm>>, %arg4: memref<256xf32, #tpu.memory_space<hbm>>, %arg5: memref<32xi32, #tpu.memory_space<vmem>>, %arg6: memref<32x256xf32, #tpu.memory_space<vmem>>, %arg7: memref<256xf32, #tpu.memory_space<vmem>>, %arg8: memref<!tpu.dma_semaphore, #tpu.memory_space<semaphore_mem>>) attributes {dimension_semantics = [#tpu.dimension_semantics<core_parallel>, #tpu.dimension_semantics<subcore_parallel>], iteration_bounds = array<i64: 2, 16>, scalar_prefetch = 0 : i64, scratch_operands = 4 : i64, tpu.core_type = #tpu.core_type<sc_vector_subcore>, window_params = [{transform_indices = #map}, {transform_indices = #map1}, {transform_indices = #map}]} {
    %eq3A = arith.constant 0 : i32
    %eq3A_0 = arith.cmpi eq, %arg0, %eq3A : i32
    %eq3A_1 = arith.constant 0 : i32
    %eq3A_2 = arith.cmpi eq, %arg1, %eq3A_1 : i32
    %and3A = arith.andi %eq3A_0, %eq3A_2 : i1
    %convert_element_type3A = arith.extui %and3A : i1 to i32
    %cond3A = arith.constant 0 : i32
    %cond3A_3 = arith.cmpi ne, %convert_element_type3A, %cond3A : i32
    scf.if %cond3A_3 {
      "tpu.region"() ({
        %run_scoped3A = tpu.sem_alloc : memref<!tpu.dma_semaphore, #tpu.memory_space<semaphore_mem>>
        %dma_start3A_3172 = arith.constant 32 : i32
        %dma_start3A_3173 = tpu.memref_slice %arg2[%dma_start3A_3172] : memref<64xi32, #tpu.memory_space<hbm>> -> memref<32xi32, #tpu.memory_space<hbm>>
        %dma_start3A_3174 = arith.constant 32 : i32
        %dma_start3A_3175 = tpu.memref_slice %arg2[%dma_start3A_3174] : memref<64xi32, #tpu.memory_space<hbm>> -> memref<32xi32, #tpu.memory_space<hbm>>
        tpu.enqueue_dma source(%dma_start3A_3175 : memref<32xi32, #tpu.memory_space<hbm>>) target(%arg5 : memref<32xi32, #tpu.memory_space<vmem>>) target_semaphore(%run_scoped3A : memref<!tpu.dma_semaphore, #tpu.memory_space<semaphore_mem>>)
        %dma_wait3A_3176 = arith.constant 32 : i32
        %dma_wait3A_3177 = tpu.memref_slice %arg2[%dma_wait3A_3176] : memref<64xi32, #tpu.memory_space<hbm>> -> memref<32xi32, #tpu.memory_space<hbm>>
        %dma_wait3A_3178 = arith.constant 32 : i32
        %dma_wait3A_3179 = tpu.memref_slice %arg2[%dma_wait3A_3178] : memref<64xi32, #tpu.memory_space<hbm>> -> memref<32xi32, #tpu.memory_space<hbm>>
        tpu.wait_dma2 semaphore(%run_scoped3A : memref<!tpu.dma_semaphore, #tpu.memory_space<semaphore_mem>>) src(%dma_wait3A_3179 : memref<32xi32, #tpu.memory_space<hbm>>) dst(%arg5 : memref<32xi32, #tpu.memory_space<vmem>>)
        tpu.yield
      }) : () -> ()
      %dma_start3A = arith.constant 0 : i32
      %dma_start3A_4 = arith.constant 0 : i32
      %dma_start3A_5 = tpu.memref_slice %arg3[%dma_start3A, %dma_start3A_4] : memref<32000x256xf32, #tpu.memory_space<hbm>> -> memref<32000x256xf32, #tpu.memory_space<hbm>>
      tpu.enqueue_indirect_dma source(%dma_start3A_5 : memref<32000x256xf32, #tpu.memory_space<hbm>>) target(%arg6 : memref<32x256xf32, #tpu.memory_space<vmem>>) offsets(%arg5 : memref<32xi32, #tpu.memory_space<vmem>>) semaphore(%arg8 : memref<!tpu.dma_semaphore, #tpu.memory_space<semaphore_mem>>)
      %dma_wait3A = arith.constant 0 : i32
      %dma_wait3A_6 = arith.constant 0 : i32
      %dma_wait3A_7 = tpu.memref_slice %arg3[%dma_wait3A, %dma_wait3A_6] : memref<32000x256xf32, #tpu.memory_space<hbm>> -> memref<32000x256xf32, #tpu.memory_space<hbm>>
      tpu.wait_indirect_dma semaphore(%arg8 : memref<!tpu.dma_semaphore, #tpu.memory_space<semaphore_mem>>) src(%dma_wait3A_7 : memref<32000x256xf32, #tpu.memory_space<hbm>>) dst(%arg6 : memref<32x256xf32, #tpu.memory_space<vmem>>)
      %get3A = arith.constant 0 : i32
      %get3A_8 = arith.index_cast %get3A : i32 to index
      %get3A_9 = arith.constant 0 : index
      %get3A_10 = tpu.vector_load %arg6[%get3A_8, %get3A_9] {strides = array<i32>} : memref<32x256xf32, #tpu.memory_space<vmem>>, vector<1x16xf32>,
      %get3A_11 = vector.shape_cast %get3A_10 : vector<1x16xf32> to vector<16xf32>
      %get3A_12 = arith.constant 1 : i32
      %get3A_13 = arith.index_cast %get3A_12 : i32 to index
      %get3A_14 = arith.constant 0 : index
      %get3A_15 = tpu.vector_load %arg6[%get3A_13, %get3A_14] {strides = array<i32>} : memref<32x256xf32, #tpu.memory_space<vmem>>, vector<1x16xf32>,
      %get3A_16 = vector.shape_cast %get3A_15 : vector<1x16xf32> to vector<16xf32>
      %add3A = arith.addf %get3A_11, %get3A_16 : vector<16xf32>
      %get3A_17 = arith.constant 2 : i32
      %get3A_18 = arith.index_cast %get3A_17 : i32 to index
      %get3A_19 = arith.constant 0 : index
      %get3A_20 = tpu.vector_load %arg6[%get3A_18, %get3A_19] {strides = array<i32>} : memref<32x256xf32, #tpu.memory_space<vmem>>, vector<1x16xf32>,
      %get3A_21 = vector.shape_cast %get3A_20 : vector<1x16xf32> to vector<16xf32>
      %add3A_22 = arith.addf %add3A, %get3A_21 : vector<16xf32>
      %get3A_23 = arith.constant 3 : i32
      %get3A_24 = arith.index_cast %get3A_23 : i32 to index
      %get3A_25 = arith.constant 0 : index
      %get3A_26 = tpu.vector_load %arg6[%get3A_24, %get3A_25] {strides = array<i32>} : memref<32x256xf32, #tpu.memory_space<vmem>>, vector<1x16xf32>,
      %get3A_27 = vector.shape_cast %get3A_26 : vector<1x16xf32> to vector<16xf32>
      %add3A_28 = arith.addf %add3A_22, %get3A_27 : vector<16xf32>
      %get3A_29 = arith.constant 4 : i32
      %get3A_30 = arith.index_cast %get3A_29 : i32 to index
      %get3A_31 = arith.constant 0 : index
      %get3A_32 = tpu.vector_load %arg6[%get3A_30, %get3A_31] {strides = array<i32>} : memref<32x256xf32, #tpu.memory_space<vmem>>, vector<1x16xf32>,
      %get3A_33 = vector.shape_cast %get3A_32 : vector<1x16xf32> to vector<16xf32>
      %add3A_34 = arith.addf %add3A_28, %get3A_33 : vector<16xf32>
      %get3A_35 = arith.constant 5 : i32
      %get3A_36 = arith.index_cast %get3A_35 : i32 to index
      %get3A_37 = arith.constant 0 : index
      %get3A_38 = tpu.vector_load %arg6[%get3A_36, %get3A_37] {strides = array<i32>} : memref<32x256xf32, #tpu.memory_space<vmem>>, vector<1x16xf32>,
      %get3A_39 = vector.shape_cast %get3A_38 : vector<1x16xf32> to vector<16xf32>
      %add3A_40 = arith.addf %add3A_34, %get3A_39 : vector<16xf32>
      %get3A_41 = arith.constant 6 : i32
      %get3A_42 = arith.index_cast %get3A_41 : i32 to index
      %get3A_43 = arith.constant 0 : index
      %get3A_44 = tpu.vector_load %arg6[%get3A_42, %get3A_43] {strides = array<i32>} : memref<32x256xf32, #tpu.memory_space<vmem>>, vector<1x16xf32>,
      %get3A_45 = vector.shape_cast %get3A_44 : vector<1x16xf32> to vector<16xf32>
      %add3A_46 = arith.addf %add3A_40, %get3A_45 : vector<16xf32>
      %get3A_47 = arith.constant 7 : i32
      %get3A_48 = arith.index_cast %get3A_47 : i32 to index
      %get3A_49 = arith.constant 0 : index
      %get3A_50 = tpu.vector_load %arg6[%get3A_48, %get3A_49] {strides = array<i32>} : memref<32x256xf32, #tpu.memory_space<vmem>>, vector<1x16xf32>,
      %get3A_51 = vector.shape_cast %get3A_50 : vector<1x16xf32> to vector<16xf32>
      %add3A_52 = arith.addf %add3A_46, %get3A_51 : vector<16xf32>
      %get3A_53 = arith.constant 8 : i32
      %get3A_54 = arith.index_cast %get3A_53 : i32 to index
      %get3A_55 = arith.constant 0 : index
      %get3A_56 = tpu.vector_load %arg6[%get3A_54, %get3A_55] {strides = array<i32>} : memref<32x256xf32, #tpu.memory_space<vmem>>, vector<1x16xf32>,
      %get3A_57 = vector.shape_cast %get3A_56 : vector<1x16xf32> to vector<16xf32>
      %add3A_58 = arith.addf %add3A_52, %get3A_57 : vector<16xf32>
      %get3A_59 = arith.constant 9 : i32
      %get3A_60 = arith.index_cast %get3A_59 : i32 to index
      %get3A_61 = arith.constant 0 : index
      %get3A_62 = tpu.vector_load %arg6[%get3A_60, %get3A_61] {strides = array<i32>} : memref<32x256xf32, #tpu.memory_space<vmem>>, vector<1x16xf32>,
      %get3A_63 = vector.shape_cast %get3A_62 : vector<1x16xf32> to vector<16xf32>
      %add3A_64 = arith.addf %add3A_58, %get3A_63 : vector<16xf32>
      %get3A_65 = arith.constant 10 : i32
      %get3A_66 = arith.index_cast %get3A_65 : i32 to index
      %get3A_67 = arith.constant 0 : index
      %get3A_68 = tpu.vector_load %arg6[%get3A_66, %get3A_67] {strides = array<i32>} : memref<32x256xf32, #tpu.memory_space<vmem>>, vector<1x16xf32>,
      %get3A_69 = vector.shape_cast %get3A_68 : vector<1x16xf32> to vector<16xf32>
      %add3A_70 = arith.addf %add3A_64, %get3A_69 : vector<16xf32>
      %get3A_71 = arith.constant 11 : i32
      %get3A_72 = arith.index_cast %get3A_71 : i32 to index
      %get3A_73 = arith.constant 0 : index
      %get3A_74 = tpu.vector_load %arg6[%get3A_72, %get3A_73] {strides = array<i32>} : memref<32x256xf32, #tpu.memory_space<vmem>>, vector<1x16xf32>,
      %get3A_75 = vector.shape_cast %get3A_74 : vector<1x16xf32> to vector<16xf32>
      %add3A_76 = arith.addf %add3A_70, %get3A_75 : vector<16xf32>
      %get3A_77 = arith.constant 12 : i32
      %get3A_78 = arith.index_cast %get3A_77 : i32 to index
      %get3A_79 = arith.constant 0 : index
      %get3A_80 = tpu.vector_load %arg6[%get3A_78, %get3A_79] {strides = array<i32>} : memref<32x256xf32, #tpu.memory_space<vmem>>, vector<1x16xf32>,
      %get3A_81 = vector.shape_cast %get3A_80 : vector<1x16xf32> to vector<16xf32>
      %add3A_82 = arith.addf %add3A_76, %get3A_81 : vector<16xf32>
      %get3A_83 = arith.constant 13 : i32
      %get3A_84 = arith.index_cast %get3A_83 : i32 to index
      %get3A_85 = arith.constant 0 : index
      %get3A_86 = tpu.vector_load %arg6[%get3A_84, %get3A_85] {strides = array<i32>} : memref<32x256xf32, #tpu.memory_space<vmem>>, vector<1x16xf32>,
      %get3A_87 = vector.shape_cast %get3A_86 : vector<1x16xf32> to vector<16xf32>
      %add3A_88 = arith.addf %add3A_82, %get3A_87 : vector<16xf32>
      %get3A_89 = arith.constant 14 : i32
      %get3A_90 = arith.index_cast %get3A_89 : i32 to index
      %get3A_91 = arith.constant 0 : index
      %get3A_92 = tpu.vector_load %arg6[%get3A_90, %get3A_91] {strides = array<i32>} : memref<32x256xf32, #tpu.memory_space<vmem>>, vector<1x16xf32>,
      %get3A_93 = vector.shape_cast %get3A_92 : vector<1x16xf32> to vector<16xf32>
      %add3A_94 = arith.addf %add3A_88, %get3A_93 : vector<16xf32>
      %get3A_95 = arith.constant 15 : i32
      %get3A_96 = arith.index_cast %get3A_95 : i32 to index
      %get3A_97 = arith.constant 0 : index
      %get3A_98 = tpu.vector_load %arg6[%get3A_96, %get3A_97] {strides = array<i32>} : memref<32x256xf32, #tpu.memory_space<vmem>>, vector<1x16xf32>,
      %get3A_99 = vector.shape_cast %get3A_98 : vector<1x16xf32> to vector<16xf32>
      %add3A_100 = arith.addf %add3A_94, %get3A_99 : vector<16xf32>
      %get3A_101 = arith.constant 16 : i32
      %get3A_102 = arith.index_cast %get3A_101 : i32 to index
      %get3A_103 = arith.constant 0 : index
      %get3A_104 = tpu.vector_load %arg6[%get3A_102, %get3A_103] {strides = array<i32>} : memref<32x256xf32, #tpu.memory_space<vmem>>, vector<1x16xf32>,
      %get3A_105 = vector.shape_cast %get3A_104 : vector<1x16xf32> to vector<16xf32>
      %add3A_106 = arith.addf %add3A_100, %get3A_105 : vector<16xf32>
      %get3A_107 = arith.constant 17 : i32
      %get3A_108 = arith.index_cast %get3A_107 : i32 to index
      %get3A_109 = arith.constant 0 : index
      %get3A_110 = tpu.vector_load %arg6[%get3A_108, %get3A_109] {strides = array<i32>} : memref<32x256xf32, #tpu.memory_space<vmem>>, vector<1x16xf32>,
      %get3A_111 = vector.shape_cast %get3A_110 : vector<1x16xf32> to vector<16xf32>
      %add3A_112 = arith.addf %add3A_106, %get3A_111 : vector<16xf32>
      %get3A_113 = arith.constant 18 : i32
      %get3A_114 = arith.index_cast %get3A_113 : i32 to index
      %get3A_115 = arith.constant 0 : index
      %get3A_116 = tpu.vector_load %arg6[%get3A_114, %get3A_115] {strides = array<i32>} : memref<32x256xf32, #tpu.memory_space<vmem>>, vector<1x16xf32>,
      %get3A_117 = vector.shape_cast %get3A_116 : vector<1x16xf32> to vector<16xf32>
      %add3A_118 = arith.addf %add3A_112, %get3A_117 : vector<16xf32>
      %get3A_119 = arith.constant 19 : i32
      %get3A_120 = arith.index_cast %get3A_119 : i32 to index
      %get3A_121 = arith.constant 0 : index
      %get3A_122 = tpu.vector_load %arg6[%get3A_120, %get3A_121] {strides = array<i32>} : memref<32x256xf32, #tpu.memory_space<vmem>>, vector<1x16xf32>,
      %get3A_123 = vector.shape_cast %get3A_122 : vector<1x16xf32> to vector<16xf32>
      %add3A_124 = arith.addf %add3A_118, %get3A_123 : vector<16xf32>
      %get3A_125 = arith.constant 20 : i32
      %get3A_126 = arith.index_cast %get3A_125 : i32 to index
      %get3A_127 = arith.constant 0 : index
      %get3A_128 = tpu.vector_load %arg6[%get3A_126, %get3A_127] {strides = array<i32>} : memref<32x256xf32, #tpu.memory_space<vmem>>, vector<1x16xf32>,
      %get3A_129 = vector.shape_cast %get3A_128 : vector<1x16xf32> to vector<16xf32>
      %add3A_130 = arith.addf %add3A_124, %get3A_129 : vector<16xf32>
      %get3A_131 = arith.constant 21 : i32
      %get3A_132 = arith.index_cast %get3A_131 : i32 to index
      %get3A_133 = arith.constant 0 : index
      %get3A_134 = tpu.vector_load %arg6[%get3A_132, %get3A_133] {strides = array<i32>} : memref<32x256xf32, #tpu.memory_space<vmem>>, vector<1x16xf32>,
      %get3A_135 = vector.shape_cast %get3A_134 : vector<1x16xf32> to vector<16xf32>
      %add3A_136 = arith.addf %add3A_130, %get3A_135 : vector<16xf32>
      %get3A_137 = arith.constant 22 : i32
      %get3A_138 = arith.index_cast %get3A_137 : i32 to index
      %get3A_139 = arith.constant 0 : index
      %get3A_140 = tpu.vector_load %arg6[%get3A_138, %get3A_139] {strides = array<i32>} : memref<32x256xf32, #tpu.memory_space<vmem>>, vector<1x16xf32>,
      %get3A_141 = vector.shape_cast %get3A_140 : vector<1x16xf32> to vector<16xf32>
      %add3A_142 = arith.addf %add3A_136, %get3A_141 : vector<16xf32>
      %get3A_143 = arith.constant 23 : i32
      %get3A_144 = arith.index_cast %get3A_143 : i32 to index
      %get3A_145 = arith.constant 0 : index
      %get3A_146 = tpu.vector_load %arg6[%get3A_144, %get3A_145] {strides = array<i32>} : memref<32x256xf32, #tpu.memory_space<vmem>>, vector<1x16xf32>,
      %get3A_147 = vector.shape_cast %get3A_146 : vector<1x16xf32> to vector<16xf32>
      %add3A_148 = arith.addf %add3A_142, %get3A_147 : vector<16xf32>
      %get3A_149 = arith.constant 24 : i32
      %get3A_150 = arith.index_cast %get3A_149 : i32 to index
      %get3A_151 = arith.constant 0 : index
      %get3A_152 = tpu.vector_load %arg6[%get3A_150, %get3A_151] {strides = array<i32>} : memref<32x256xf32, #tpu.memory_space<vmem>>, vector<1x16xf32>,
      %get3A_153 = vector.shape_cast %get3A_152 : vector<1x16xf32> to vector<16xf32>
      %add3A_154 = arith.addf %add3A_148, %get3A_153 : vector<16xf32>
      %get3A_155 = arith.constant 25 : i32
      %get3A_156 = arith.index_cast %get3A_155 : i32 to index
      %get3A_157 = arith.constant 0 : index
      %get3A_158 = tpu.vector_load %arg6[%get3A_156, %get3A_157] {strides = array<i32>} : memref<32x256xf32, #tpu.memory_space<vmem>>, vector<1x16xf32>,
      %get3A_159 = vector.shape_cast %get3A_158 : vector<1x16xf32> to vector<16xf32>
      %add3A_160 = arith.addf %add3A_154, %get3A_159 : vector<16xf32>
      %get3A_161 = arith.constant 26 : i32
      %get3A_162 = arith.index_cast %get3A_161 : i32 to index
      %get3A_163 = arith.constant 0 : index
      %get3A_164 = tpu.vector_load %arg6[%get3A_162, %get3A_163] {strides = array<i32>} : memref<32x256xf32, #tpu.memory_space<vmem>>, vector<1x16xf32>,
      %get3A_165 = vector.shape_cast %get3A_164 : vector<1x16xf32> to vector<16xf32>
      %add3A_166 = arith.addf %add3A_160, %get3A_165 : vector<16xf32>
      %get3A_167 = arith.constant 27 : i32
      %get3A_168 = arith.index_cast %get3A_167 : i32 to index
      %get3A_169 = arith.constant 0 : index
      %get3A_170 = tpu.vector_load %arg6[%get3A_168, %get3A_169] {strides = array<i32>} : memref<32x256xf32, #tpu.memory_space<vmem>>, vector<1x16xf32>,
      %get3A_171 = vector.shape_cast %get3A_170 : vector<1x16xf32> to vector<16xf32>
      %add3A_172 = arith.addf %add3A_166, %get3A_171 : vector<16xf32>
      %get3A_173 = arith.constant 28 : i32
      %get3A_174 = arith.index_cast %get3A_173 : i32 to index
      %get3A_175 = arith.constant 0 : index
      %get3A_176 = tpu.vector_load %arg6[%get3A_174, %get3A_175] {strides = array<i32>} : memref<32x256xf32, #tpu.memory_space<vmem>>, vector<1x16xf32>,
      %get3A_177 = vector.shape_cast %get3A_176 : vector<1x16xf32> to vector<16xf32>
      %add3A_178 = arith.addf %add3A_172, %get3A_177 : vector<16xf32>
      %get3A_179 = arith.constant 29 : i32
      %get3A_180 = arith.index_cast %get3A_179 : i32 to index
      %get3A_181 = arith.constant 0 : index
      %get3A_182 = tpu.vector_load %arg6[%get3A_180, %get3A_181] {strides = array<i32>} : memref<32x256xf32, #tpu.memory_space<vmem>>, vector<1x16xf32>,
      %get3A_183 = vector.shape_cast %get3A_182 : vector<1x16xf32> to vector<16xf32>
      %add3A_184 = arith.addf %add3A_178, %get3A_183 : vector<16xf32>
      %get3A_185 = arith.constant 30 : i32
      %get3A_186 = arith.index_cast %get3A_185 : i32 to index
      %get3A_187 = arith.constant 0 : index
      %get3A_188 = tpu.vector_load %arg6[%get3A_186, %get3A_187] {strides = array<i32>} : memref<32x256xf32, #tpu.memory_space<vmem>>, vector<1x16xf32>,
      %get3A_189 = vector.shape_cast %get3A_188 : vector<1x16xf32> to vector<16xf32>
      %add3A_190 = arith.addf %add3A_184, %get3A_189 : vector<16xf32>
      %get3A_191 = arith.constant 31 : i32
      %get3A_192 = arith.index_cast %get3A_191 : i32 to index
      %get3A_193 = arith.constant 0 : index
      %get3A_194 = tpu.vector_load %arg6[%get3A_192, %get3A_193] {strides = array<i32>} : memref<32x256xf32, #tpu.memory_space<vmem>>, vector<1x16xf32>,
      %get3A_195 = vector.shape_cast %get3A_194 : vector<1x16xf32> to vector<16xf32>
      %add3A_196 = arith.addf %add3A_190, %get3A_195 : vector<16xf32>
      %mul3A = arith.constant 3.125000e-02 : f32
      %mul3A_197 = vector.broadcast %mul3A : f32 to vector<16xf32>
      %mul3A_198 = arith.mulf %add3A_196, %mul3A_197 : vector<16xf32>
      %swap3A = arith.constant 0 : index
      %swap3A_199 = tpu.vector_load %arg7[%swap3A] {strides = array<i32>} : memref<256xf32, #tpu.memory_space<vmem>>, vector<16xf32>,
      %swap3A_200 = vector.shape_cast %swap3A_199 : vector<16xf32> to vector<16xf32>
      %swap3A_201 = vector.shape_cast %mul3A_198 : vector<16xf32> to vector<16xf32>
      tpu.vector_store %arg7[%swap3A], %swap3A_201 {strides = array<i32>} : memref<256xf32, #tpu.memory_space<vmem>>, vector<16xf32>,
      %get3A_202 = arith.constant 0 : i32
      %get3A_203 = arith.index_cast %get3A_202 : i32 to index
      %get3A_204 = arith.constant 16 : index
      %get3A_205 = tpu.vector_load %arg6[%get3A_203, %get3A_204] {strides = array<i32>} : memref<32x256xf32, #tpu.memory_space<vmem>>, vector<1x16xf32>,
      %get3A_206 = vector.shape_cast %get3A_205 : vector<1x16xf32> to vector<16xf32>
      %get3A_207 = arith.constant 1 : i32
      %get3A_208 = arith.index_cast %get3A_207 : i32 to index
      %get3A_209 = arith.constant 16 : index
      %get3A_210 = tpu.vector_load %arg6[%get3A_208, %get3A_209] {strides = array<i32>} : memref<32x256xf32, #tpu.memory_space<vmem>>, vector<1x16xf32>,
      %get3A_211 = vector.shape_cast %get3A_210 : vector<1x16xf32> to vector<16xf32>
      %add3A_212 = arith.addf %get3A_206, %get3A_211 : vector<16xf32>
      %get3A_213 = arith.constant 2 : i32
      %get3A_214 = arith.index_cast %get3A_213 : i32 to index
      %get3A_215 = arith.constant 16 : index
      %get3A_216 = tpu.vector_load %arg6[%get3A_214, %get3A_215] {strides = array<i32>} : memref<32x256xf32, #tpu.memory_space<vmem>>, vector<1x16xf32>,
      %get3A_217 = vector.shape_cast %get3A_216 : vector<1x16xf32> to vector<16xf32>
      %add3A_218 = arith.addf %add3A_212, %get3A_217 : vector<16xf32>
      %get3A_219 = arith.constant 3 : i32
      %get3A_220 = arith.index_cast %get3A_219 : i32 to index
      %get3A_221 = arith.constant 16 : index
      %get3A_222 = tpu.vector_load %arg6[%get3A_220, %get3A_221] {strides = array<i32>} : memref<32x256xf32, #tpu.memory_space<vmem>>, vector<1x16xf32>,
      %get3A_223 = vector.shape_cast %get3A_222 : vector<1x16xf32> to vector<16xf32>
      %add3A_224 = arith.addf %add3A_218, %get3A_223 : vector<16xf32>
      %get3A_225 = arith.constant 4 : i32
      %get3A_226 = arith.index_cast %get3A_225 : i32 to index
      %get3A_227 = arith.constant 16 : index
      %get3A_228 = tpu.vector_load %arg6[%get3A_226, %get3A_227] {strides = array<i32>} : memref<32x256xf32, #tpu.memory_space<vmem>>, vector<1x16xf32>,
      %get3A_229 = vector.shape_cast %get3A_228 : vector<1x16xf32> to vector<16xf32>
      %add3A_230 = arith.addf %add3A_224, %get3A_229 : vector<16xf32>
      %get3A_231 = arith.constant 5 : i32
      %get3A_232 = arith.index_cast %get3A_231 : i32 to index
      %get3A_233 = arith.constant 16 : index
      %get3A_234 = tpu.vector_load %arg6[%get3A_232, %get3A_233] {strides = array<i32>} : memref<32x256xf32, #tpu.memory_space<vmem>>, vector<1x16xf32>,
      %get3A_235 = vector.shape_cast %get3A_234 : vector<1x16xf32> to vector<16xf32>
      %add3A_236 = arith.addf %add3A_230, %get3A_235 : vector<16xf32>
      %get3A_237 = arith.constant 6 : i32
      %get3A_238 = arith.index_cast %get3A_237 : i32 to index
      %get3A_239 = arith.constant 16 : index
      %get3A_240 = tpu.vector_load %arg6[%get3A_238, %get3A_239] {strides = array<i32>} : memref<32x256xf32, #tpu.memory_space<vmem>>, vector<1x16xf32>,
      %get3A_241 = vector.shape_cast %get3A_240 : vector<1x16xf32> to vector<16xf32>
      %add3A_242 = arith.addf %add3A_236, %get3A_241 : vector<16xf32>
      %get3A_243 = arith.constant 7 : i32
      %get3A_244 = arith.index_cast %get3A_243 : i32 to index
      %get3A_245 = arith.constant 16 : index
      %get3A_246 = tpu.vector_load %arg6[%get3A_244, %get3A_245] {strides = array<i32>} : memref<32x256xf32, #tpu.memory_space<vmem>>, vector<1x16xf32>,
      %get3A_247 = vector.shape_cast %get3A_246 : vector<1x16xf32> to vector<16xf32>
      %add3A_248 = arith.addf %add3A_242, %get3A_247 : vector<16xf32>
      %get3A_249 = arith.constant 8 : i32
      %get3A_250 = arith.index_cast %get3A_249 : i32 to index
      %get3A_251 = arith.constant 16 : index
      %get3A_252 = tpu.vector_load %arg6[%get3A_250, %get3A_251] {strides = array<i32>} : memref<32x256xf32, #tpu.memory_space<vmem>>, vector<1x16xf32>,
      %get3A_253 = vector.shape_cast %get3A_252 : vector<1x16xf32> to vector<16xf32>
      %add3A_254 = arith.addf %add3A_248, %get3A_253 : vector<16xf32>
      %get3A_255 = arith.constant 9 : i32
      %get3A_256 = arith.index_cast %get3A_255 : i32 to index
      %get3A_257 = arith.constant 16 : index
      %get3A_258 = tpu.vector_load %arg6[%get3A_256, %get3A_257] {strides = array<i32>} : memref<32x256xf32, #tpu.memory_space<vmem>>, vector<1x16xf32>,
      %get3A_259 = vector.shape_cast %get3A_258 : vector<1x16xf32> to vector<16xf32>
      %add3A_260 = arith.addf %add3A_254, %get3A_259 : vector<16xf32>
      %get3A_261 = arith.constant 10 : i32
      %get3A_262 = arith.index_cast %get3A_261 : i32 to index
      %get3A_263 = arith.constant 16 : index
      %get3A_264 = tpu.vector_load %arg6[%get3A_262, %get3A_263] {strides = array<i32>} : memref<32x256xf32, #tpu.memory_space<vmem>>, vector<1x16xf32>,
      %get3A_265 = vector.shape_cast %get3A_264 : vector<1x16xf32> to vector<16xf32>
      %add3A_266 = arith.addf %add3A_260, %get3A_265 : vector<16xf32>
      %get3A_267 = arith.constant 11 : i32
      %get3A_268 = arith.index_cast %get3A_267 : i32 to index
      %get3A_269 = arith.constant 16 : index
      %get3A_270 = tpu.vector_load %arg6[%get3A_268, %get3A_269] {strides = array<i32>} : memref<32x256xf32, #tpu.memory_space<vmem>>, vector<1x16xf32>,
      %get3A_271 = vector.shape_cast %get3A_270 : vector<1x16xf32> to vector<16xf32>
      %add3A_272 = arith.addf %add3A_266, %get3A_271 : vector<16xf32>
      %get3A_273 = arith.constant 12 : i32
      %get3A_274 = arith.index_cast %get3A_273 : i32 to index
      %get3A_275 = arith.constant 16 : index
      %get3A_276 = tpu.vector_load %arg6[%get3A_274, %get3A_275] {strides = array<i32>} : memref<32x256xf32, #tpu.memory_space<vmem>>, vector<1x16xf32>,
      %get3A_277 = vector.shape_cast %get3A_276 : vector<1x16xf32> to vector<16xf32>
      %add3A_278 = arith.addf %add3A_272, %get3A_277 : vector<16xf32>
      %get3A_279 = arith.constant 13 : i32
      %get3A_280 = arith.index_cast %get3A_279 : i32 to index
      %get3A_281 = arith.constant 16 : index
      %get3A_282 = tpu.vector_load %arg6[%get3A_280, %get3A_281] {strides = array<i32>} : memref<32x256xf32, #tpu.memory_space<vmem>>, vector<1x16xf32>,
      %get3A_283 = vector.shape_cast %get3A_282 : vector<1x16xf32> to vector<16xf32>
      %add3A_284 = arith.addf %add3A_278, %get3A_283 : vector<16xf32>
      %get3A_285 = arith.constant 14 : i32
      %get3A_286 = arith.index_cast %get3A_285 : i32 to index
      %get3A_287 = arith.constant 16 : index
      %get3A_288 = tpu.vector_load %arg6[%get3A_286, %get3A_287] {strides = array<i32>} : memref<32x256xf32, #tpu.memory_space<vmem>>, vector<1x16xf32>,
      %get3A_289 = vector.shape_cast %get3A_288 : vector<1x16xf32> to vector<16xf32>
      %add3A_290 = arith.addf %add3A_284, %get3A_289 : vector<16xf32>
      %get3A_291 = arith.constant 15 : i32
      %get3A_292 = arith.index_cast %get3A_291 : i32 to index
      %get3A_293 = arith.constant 16 : index
      %get3A_294 = tpu.vector_load %arg6[%get3A_292, %get3A_293] {strides = array<i32>} : memref<32x256xf32, #tpu.memory_space<vmem>>, vector<1x16xf32>,
      %get3A_295 = vector.shape_cast %get3A_294 : vector<1x16xf32> to vector<16xf32>
      %add3A_296 = arith.addf %add3A_290, %get3A_295 : vector<16xf32>
      %get3A_297 = arith.constant 16 : i32
      %get3A_298 = arith.index_cast %get3A_297 : i32 to index
      %get3A_299 = arith.constant 16 : index
      %get3A_300 = tpu.vector_load %arg6[%get3A_298, %get3A_299] {strides = array<i32>} : memref<32x256xf32, #tpu.memory_space<vmem>>, vector<1x16xf32>,
      %get3A_301 = vector.shape_cast %get3A_300 : vector<1x16xf32> to vector<16xf32>
      %add3A_302 = arith.addf %add3A_296, %get3A_301 : vector<16xf32>
      %get3A_303 = arith.constant 17 : i32
      %get3A_304 = arith.index_cast %get3A_303 : i32 to index
      %get3A_305 = arith.constant 16 : index
      %get3A_306 = tpu.vector_load %arg6[%get3A_304, %get3A_305] {strides = array<i32>} : memref<32x256xf32, #tpu.memory_space<vmem>>, vector<1x16xf32>,
      %get3A_307 = vector.shape_cast %get3A_306 : vector<1x16xf32> to vector<16xf32>
      %add3A_308 = arith.addf %add3A_302, %get3A_307 : vector<16xf32>
      %get3A_309 = arith.constant 18 : i32
      %get3A_310 = arith.index_cast %get3A_309 : i32 to index
      %get3A_311 = arith.constant 16 : index
      %get3A_312 = tpu.vector_load %arg6[%get3A_310, %get3A_311] {strides = array<i32>} : memref<32x256xf32, #tpu.memory_space<vmem>>, vector<1x16xf32>,
      %get3A_313 = vector.shape_cast %get3A_312 : vector<1x16xf32> to vector<16xf32>
      %add3A_314 = arith.addf %add3A_308, %get3A_313 : vector<16xf32>
      %get3A_315 = arith.constant 19 : i32
      %get3A_316 = arith.index_cast %get3A_315 : i32 to index
      %get3A_317 = arith.constant 16 : index
      %get3A_318 = tpu.vector_load %arg6[%get3A_316, %get3A_317] {strides = array<i32>} : memref<32x256xf32, #tpu.memory_space<vmem>>, vector<1x16xf32>,
      %get3A_319 = vector.shape_cast %get3A_318 : vector<1x16xf32> to vector<16xf32>
      %add3A_320 = arith.addf %add3A_314, %get3A_319 : vector<16xf32>
      %get3A_321 = arith.constant 20 : i32
      %get3A_322 = arith.index_cast %get3A_321 : i32 to index
      %get3A_323 = arith.constant 16 : index
      %get3A_324 = tpu.vector_load %arg6[%get3A_322, %get3A_323] {strides = array<i32>} : memref<32x256xf32, #tpu.memory_space<vmem>>, vector<1x16xf32>,
      %get3A_325 = vector.shape_cast %get3A_324 : vector<1x16xf32> to vector<16xf32>
      %add3A_326 = arith.addf %add3A_320, %get3A_325 : vector<16xf32>
      %get3A_327 = arith.constant 21 : i32
      %get3A_328 = arith.index_cast %get3A_327 : i32 to index
      %get3A_329 = arith.constant 16 : index
      %get3A_330 = tpu.vector_load %arg6[%get3A_328, %get3A_329] {strides = array<i32>} : memref<32x256xf32, #tpu.memory_space<vmem>>, vector<1x16xf32>,
      %get3A_331 = vector.shape_cast %get3A_330 : vector<1x16xf32> to vector<16xf32>
      %add3A_332 = arith.addf %add3A_326, %get3A_331 : vector<16xf32>
      %get3A_333 = arith.constant 22 : i32
      %get3A_334 = arith.index_cast %get3A_333 : i32 to index
      %get3A_335 = arith.constant 16 : index
      %get3A_336 = tpu.vector_load %arg6[%get3A_334, %get3A_335] {strides = array<i32>} : memref<32x256xf32, #tpu.memory_space<vmem>>, vector<1x16xf32>,
      %get3A_337 = vector.shape_cast %get3A_336 : vector<1x16xf32> to vector<16xf32>
      %add3A_338 = arith.addf %add3A_332, %get3A_337 : vector<16xf32>
      %get3A_339 = arith.constant 23 : i32
      %get3A_340 = arith.index_cast %get3A_339 : i32 to index
      %get3A_341 = arith.constant 16 : index
      %get3A_342 = tpu.vector_load %arg6[%get3A_340, %get3A_341] {strides = array<i32>} : memref<32x256xf32, #tpu.memory_space<vmem>>, vector<1x16xf32>,
      %get3A_343 = vector.shape_cast %get3A_342 : vector<1x16xf32> to vector<16xf32>
      %add3A_344 = arith.addf %add3A_338, %get3A_343 : vector<16xf32>
      %get3A_345 = arith.constant 24 : i32
      %get3A_346 = arith.index_cast %get3A_345 : i32 to index
      %get3A_347 = arith.constant 16 : index
      %get3A_348 = tpu.vector_load %arg6[%get3A_346, %get3A_347] {strides = array<i32>} : memref<32x256xf32, #tpu.memory_space<vmem>>, vector<1x16xf32>,
      %get3A_349 = vector.shape_cast %get3A_348 : vector<1x16xf32> to vector<16xf32>
      %add3A_350 = arith.addf %add3A_344, %get3A_349 : vector<16xf32>
      %get3A_351 = arith.constant 25 : i32
      %get3A_352 = arith.index_cast %get3A_351 : i32 to index
      %get3A_353 = arith.constant 16 : index
      %get3A_354 = tpu.vector_load %arg6[%get3A_352, %get3A_353] {strides = array<i32>} : memref<32x256xf32, #tpu.memory_space<vmem>>, vector<1x16xf32>,
      %get3A_355 = vector.shape_cast %get3A_354 : vector<1x16xf32> to vector<16xf32>
      %add3A_356 = arith.addf %add3A_350, %get3A_355 : vector<16xf32>
      %get3A_357 = arith.constant 26 : i32
      %get3A_358 = arith.index_cast %get3A_357 : i32 to index
      %get3A_359 = arith.constant 16 : index
      %get3A_360 = tpu.vector_load %arg6[%get3A_358, %get3A_359] {strides = array<i32>} : memref<32x256xf32, #tpu.memory_space<vmem>>, vector<1x16xf32>,
      %get3A_361 = vector.shape_cast %get3A_360 : vector<1x16xf32> to vector<16xf32>
      %add3A_362 = arith.addf %add3A_356, %get3A_361 : vector<16xf32>
      %get3A_363 = arith.constant 27 : i32
      %get3A_364 = arith.index_cast %get3A_363 : i32 to index
      %get3A_365 = arith.constant 16 : index
      %get3A_366 = tpu.vector_load %arg6[%get3A_364, %get3A_365] {strides = array<i32>} : memref<32x256xf32, #tpu.memory_space<vmem>>, vector<1x16xf32>,
      %get3A_367 = vector.shape_cast %get3A_366 : vector<1x16xf32> to vector<16xf32>
      %add3A_368 = arith.addf %add3A_362, %get3A_367 : vector<16xf32>
      %get3A_369 = arith.constant 28 : i32
      %get3A_370 = arith.index_cast %get3A_369 : i32 to index
      %get3A_371 = arith.constant 16 : index
      %get3A_372 = tpu.vector_load %arg6[%get3A_370, %get3A_371] {strides = array<i32>} : memref<32x256xf32, #tpu.memory_space<vmem>>, vector<1x16xf32>,
      %get3A_373 = vector.shape_cast %get3A_372 : vector<1x16xf32> to vector<16xf32>
      %add3A_374 = arith.addf %add3A_368, %get3A_373 : vector<16xf32>
      %get3A_375 = arith.constant 29 : i32
      %get3A_376 = arith.index_cast %get3A_375 : i32 to index
      %get3A_377 = arith.constant 16 : index
      %get3A_378 = tpu.vector_load %arg6[%get3A_376, %get3A_377] {strides = array<i32>} : memref<32x256xf32, #tpu.memory_space<vmem>>, vector<1x16xf32>,
      %get3A_379 = vector.shape_cast %get3A_378 : vector<1x16xf32> to vector<16xf32>
      %add3A_380 = arith.addf %add3A_374, %get3A_379 : vector<16xf32>
      %get3A_381 = arith.constant 30 : i32
      %get3A_382 = arith.index_cast %get3A_381 : i32 to index
      %get3A_383 = arith.constant 16 : index
      %get3A_384 = tpu.vector_load %arg6[%get3A_382, %get3A_383] {strides = array<i32>} : memref<32x256xf32, #tpu.memory_space<vmem>>, vector<1x16xf32>,
      %get3A_385 = vector.shape_cast %get3A_384 : vector<1x16xf32> to vector<16xf32>
      %add3A_386 = arith.addf %add3A_380, %get3A_385 : vector<16xf32>
      %get3A_387 = arith.constant 31 : i32
      %get3A_388 = arith.index_cast %get3A_387 : i32 to index
      %get3A_389 = arith.constant 16 : index
      %get3A_390 = tpu.vector_load %arg6[%get3A_388, %get3A_389] {strides = array<i32>} : memref<32x256xf32, #tpu.memory_space<vmem>>, vector<1x16xf32>,
      %get3A_391 = vector.shape_cast %get3A_390 : vector<1x16xf32> to vector<16xf32>
      %add3A_392 = arith.addf %add3A_386, %get3A_391 : vector<16xf32>
      %mul3A_393 = arith.constant 3.125000e-02 : f32
      %mul3A_394 = vector.broadcast %mul3A_393 : f32 to vector<16xf32>
      %mul3A_395 = arith.mulf %add3A_392, %mul3A_394 : vector<16xf32>
      %swap3A_396 = arith.constant 16 : index
      %swap3A_397 = tpu.vector_load %arg7[%swap3A_396] {strides = array<i32>} : memref<256xf32, #tpu.memory_space<vmem>>, vector<16xf32>,
      %swap3A_398 = vector.shape_cast %swap3A_397 : vector<16xf32> to vector<16xf32>
      %swap3A_399 = vector.shape_cast %mul3A_395 : vector<16xf32> to vector<16xf32>
      tpu.vector_store %arg7[%swap3A_396], %swap3A_399 {strides = array<i32>} : memref<256xf32, #tpu.memory_space<vmem>>, vector<16xf32>,
      %get3A_400 = arith.constant 0 : i32
      %get3A_401 = arith.index_cast %get3A_400 : i32 to index
      %get3A_402 = arith.constant 32 : index
      %get3A_403 = tpu.vector_load %arg6[%get3A_401, %get3A_402] {strides = array<i32>} : memref<32x256xf32, #tpu.memory_space<vmem>>, vector<1x16xf32>,
      %get3A_404 = vector.shape_cast %get3A_403 : vector<1x16xf32> to vector<16xf32>
      %get3A_405 = arith.constant 1 : i32
      %get3A_406 = arith.index_cast %get3A_405 : i32 to index
      %get3A_407 = arith.constant 32 : index
      %get3A_408 = tpu.vector_load %arg6[%get3A_406, %get3A_407] {strides = array<i32>} : memref<32x256xf32, #tpu.memory_space<vmem>>, vector<1x16xf32>,
      %get3A_409 = vector.shape_cast %get3A_408 : vector<1x16xf32> to vector<16xf32>
      %add3A_410 = arith.addf %get3A_404, %get3A_409 : vector<16xf32>
      %get3A_411 = arith.constant 2 : i32
      %get3A_412 = arith.index_cast %get3A_411 : i32 to index
      %get3A_413 = arith.constant 32 : index
      %get3A_414 = tpu.vector_load %arg6[%get3A_412, %get3A_413] {strides = array<i32>} : memref<32x256xf32, #tpu.memory_space<vmem>>, vector<1x16xf32>,
      %get3A_415 = vector.shape_cast %get3A_414 : vector<1x16xf32> to vector<16xf32>
      %add3A_416 = arith.addf %add3A_410, %get3A_415 : vector<16xf32>
      %get3A_417 = arith.constant 3 : i32
      %get3A_418 = arith.index_cast %get3A_417 : i32 to index
      %get3A_419 = arith.constant 32 : index
      %get3A_420 = tpu.vector_load %arg6[%get3A_418, %get3A_419] {strides = array<i32>} : memref<32x256xf32, #tpu.memory_space<vmem>>, vector<1x16xf32>,
      %get3A_421 = vector.shape_cast %get3A_420 : vector<1x16xf32> to vector<16xf32>
      %add3A_422 = arith.addf %add3A_416, %get3A_421 : vector<16xf32>
      %get3A_423 = arith.constant 4 : i32
      %get3A_424 = arith.index_cast %get3A_423 : i32 to index
      %get3A_425 = arith.constant 32 : index
      %get3A_426 = tpu.vector_load %arg6[%get3A_424, %get3A_425] {strides = array<i32>} : memref<32x256xf32, #tpu.memory_space<vmem>>, vector<1x16xf32>,
      %get3A_427 = vector.shape_cast %get3A_426 : vector<1x16xf32> to vector<16xf32>
      %add3A_428 = arith.addf %add3A_422, %get3A_427 : vector<16xf32>
      %get3A_429 = arith.constant 5 : i32
      %get3A_430 = arith.index_cast %get3A_429 : i32 to index
      %get3A_431 = arith.constant 32 : index
      %get3A_432 = tpu.vector_load %arg6[%get3A_430, %get3A_431] {strides = array<i32>} : memref<32x256xf32, #tpu.memory_space<vmem>>, vector<1x16xf32>,
      %get3A_433 = vector.shape_cast %get3A_432 : vector<1x16xf32> to vector<16xf32>
      %add3A_434 = arith.addf %add3A_428, %get3A_433 : vector<16xf32>
      %get3A_435 = arith.constant 6 : i32
      %get3A_436 = arith.index_cast %get3A_435 : i32 to index
      %get3A_437 = arith.constant 32 : index
      %get3A_438 = tpu.vector_load %arg6[%get3A_436, %get3A_437] {strides = array<i32>} : memref<32x256xf32, #tpu.memory_space<vmem>>, vector<1x16xf32>,
      %get3A_439 = vector.shape_cast %get3A_438 : vector<1x16xf32> to vector<16xf32>
      %add3A_440 = arith.addf %add3A_434, %get3A_439 : vector<16xf32>
      %get3A_441 = arith.constant 7 : i32
      %get3A_442 = arith.index_cast %get3A_441 : i32 to index
      %get3A_443 = arith.constant 32 : index
      %get3A_444 = tpu.vector_load %arg6[%get3A_442, %get3A_443] {strides = array<i32>} : memref<32x256xf32, #tpu.memory_space<vmem>>, vector<1x16xf32>,
      %get3A_445 = vector.shape_cast %get3A_444 : vector<1x16xf32> to vector<16xf32>
      %add3A_446 = arith.addf %add3A_440, %get3A_445 : vector<16xf32>
      %get3A_447 = arith.constant 8 : i32
      %get3A_448 = arith.index_cast %get3A_447 : i32 to index
      %get3A_449 = arith.constant 32 : index
      %get3A_450 = tpu.vector_load %arg6[%get3A_448, %get3A_449] {strides = array<i32>} : memref<32x256xf32, #tpu.memory_space<vmem>>, vector<1x16xf32>,
      %get3A_451 = vector.shape_cast %get3A_450 : vector<1x16xf32> to vector<16xf32>
      %add3A_452 = arith.addf %add3A_446, %get3A_451 : vector<16xf32>
      %get3A_453 = arith.constant 9 : i32
      %get3A_454 = arith.index_cast %get3A_453 : i32 to index
      %get3A_455 = arith.constant 32 : index
      %get3A_456 = tpu.vector_load %arg6[%get3A_454, %get3A_455] {strides = array<i32>} : memref<32x256xf32, #tpu.memory_space<vmem>>, vector<1x16xf32>,
      %get3A_457 = vector.shape_cast %get3A_456 : vector<1x16xf32> to vector<16xf32>
      %add3A_458 = arith.addf %add3A_452, %get3A_457 : vector<16xf32>
      %get3A_459 = arith.constant 10 : i32
      %get3A_460 = arith.index_cast %get3A_459 : i32 to index
      %get3A_461 = arith.constant 32 : index
      %get3A_462 = tpu.vector_load %arg6[%get3A_460, %get3A_461] {strides = array<i32>} : memref<32x256xf32, #tpu.memory_space<vmem>>, vector<1x16xf32>,
      %get3A_463 = vector.shape_cast %get3A_462 : vector<1x16xf32> to vector<16xf32>
      %add3A_464 = arith.addf %add3A_458, %get3A_463 : vector<16xf32>
      %get3A_465 = arith.constant 11 : i32
      %get3A_466 = arith.index_cast %get3A_465 : i32 to index
      %get3A_467 = arith.constant 32 : index
      %get3A_468 = tpu.vector_load %arg6[%get3A_466, %get3A_467] {strides = array<i32>} : memref<32x256xf32, #tpu.memory_space<vmem>>, vector<1x16xf32>,
      %get3A_469 = vector.shape_cast %get3A_468 : vector<1x16xf32> to vector<16xf32>
      %add3A_470 = arith.addf %add3A_464, %get3A_469 : vector<16xf32>
      %get3A_471 = arith.constant 12 : i32
      %get3A_472 = arith.index_cast %get3A_471 : i32 to index
      %get3A_473 = arith.constant 32 : index
      %get3A_474 = tpu.vector_load %arg6[%get3A_472, %get3A_473] {strides = array<i32>} : memref<32x256xf32, #tpu.memory_space<vmem>>, vector<1x16xf32>,
      %get3A_475 = vector.shape_cast %get3A_474 : vector<1x16xf32> to vector<16xf32>
      %add3A_476 = arith.addf %add3A_470, %get3A_475 : vector<16xf32>
      %get3A_477 = arith.constant 13 : i32
      %get3A_478 = arith.index_cast %get3A_477 : i32 to index
      %get3A_479 = arith.constant 32 : index
      %get3A_480 = tpu.vector_load %arg6[%get3A_478, %get3A_479] {strides = array<i32>} : memref<32x256xf32, #tpu.memory_space<vmem>>, vector<1x16xf32>,
      %get3A_481 = vector.shape_cast %get3A_480 : vector<1x16xf32> to vector<16xf32>
      %add3A_482 = arith.addf %add3A_476, %get3A_481 : vector<16xf32>
      %get3A_483 = arith.constant 14 : i32
      %get3A_484 = arith.index_cast %get3A_483 : i32 to index
      %get3A_485 = arith.constant 32 : index
      %get3A_486 = tpu.vector_load %arg6[%get3A_484, %get3A_485] {strides = array<i32>} : memref<32x256xf32, #tpu.memory_space<vmem>>, vector<1x16xf32>,
      %get3A_487 = vector.shape_cast %get3A_486 : vector<1x16xf32> to vector<16xf32>
      %add3A_488 = arith.addf %add3A_482, %get3A_487 : vector<16xf32>
      %get3A_489 = arith.constant 15 : i32
      %get3A_490 = arith.index_cast %get3A_489 : i32 to index
      %get3A_491 = arith.constant 32 : index
      %get3A_492 = tpu.vector_load %arg6[%get3A_490, %get3A_491] {strides = array<i32>} : memref<32x256xf32, #tpu.memory_space<vmem>>, vector<1x16xf32>,
      %get3A_493 = vector.shape_cast %get3A_492 : vector<1x16xf32> to vector<16xf32>
      %add3A_494 = arith.addf %add3A_488, %get3A_493 : vector<16xf32>
      %get3A_495 = arith.constant 16 : i32
      %get3A_496 = arith.index_cast %get3A_495 : i32 to index
      %get3A_497 = arith.constant 32 : index
      %get3A_498 = tpu.vector_load %arg6[%get3A_496, %get3A_497] {strides = array<i32>} : memref<32x256xf32, #tpu.memory_space<vmem>>, vector<1x16xf32>,
      %get3A_499 = vector.shape_cast %get3A_498 : vector<1x16xf32> to vector<16xf32>
      %add3A_500 = arith.addf %add3A_494, %get3A_499 : vector<16xf32>
      %get3A_501 = arith.constant 17 : i32
      %get3A_502 = arith.index_cast %get3A_501 : i32 to index
      %get3A_503 = arith.constant 32 : index
      %get3A_504 = tpu.vector_load %arg6[%get3A_502, %get3A_503] {strides = array<i32>} : memref<32x256xf32, #tpu.memory_space<vmem>>, vector<1x16xf32>,
      %get3A_505 = vector.shape_cast %get3A_504 : vector<1x16xf32> to vector<16xf32>
      %add3A_506 = arith.addf %add3A_500, %get3A_505 : vector<16xf32>
      %get3A_507 = arith.constant 18 : i32
      %get3A_508 = arith.index_cast %get3A_507 : i32 to index
      %get3A_509 = arith.constant 32 : index
      %get3A_510 = tpu.vector_load %arg6[%get3A_508, %get3A_509] {strides = array<i32>} : memref<32x256xf32, #tpu.memory_space<vmem>>, vector<1x16xf32>,
      %get3A_511 = vector.shape_cast %get3A_510 : vector<1x16xf32> to vector<16xf32>
      %add3A_512 = arith.addf %add3A_506, %get3A_511 : vector<16xf32>
      %get3A_513 = arith.constant 19 : i32
      %get3A_514 = arith.index_cast %get3A_513 : i32 to index
      %get3A_515 = arith.constant 32 : index
      %get3A_516 = tpu.vector_load %arg6[%get3A_514, %get3A_515] {strides = array<i32>} : memref<32x256xf32, #tpu.memory_space<vmem>>, vector<1x16xf32>,
      %get3A_517 = vector.shape_cast %get3A_516 : vector<1x16xf32> to vector<16xf32>
      %add3A_518 = arith.addf %add3A_512, %get3A_517 : vector<16xf32>
      %get3A_519 = arith.constant 20 : i32
      %get3A_520 = arith.index_cast %get3A_519 : i32 to index
      %get3A_521 = arith.constant 32 : index
      %get3A_522 = tpu.vector_load %arg6[%get3A_520, %get3A_521] {strides = array<i32>} : memref<32x256xf32, #tpu.memory_space<vmem>>, vector<1x16xf32>,
      %get3A_523 = vector.shape_cast %get3A_522 : vector<1x16xf32> to vector<16xf32>
      %add3A_524 = arith.addf %add3A_518, %get3A_523 : vector<16xf32>
      %get3A_525 = arith.constant 21 : i32
      %get3A_526 = arith.index_cast %get3A_525 : i32 to index
      %get3A_527 = arith.constant 32 : index
      %get3A_528 = tpu.vector_load %arg6[%get3A_526, %get3A_527] {strides = array<i32>} : memref<32x256xf32, #tpu.memory_space<vmem>>, vector<1x16xf32>,
      %get3A_529 = vector.shape_cast %get3A_528 : vector<1x16xf32> to vector<16xf32>
      %add3A_530 = arith.addf %add3A_524, %get3A_529 : vector<16xf32>
      %get3A_531 = arith.constant 22 : i32
      %get3A_532 = arith.index_cast %get3A_531 : i32 to index
      %get3A_533 = arith.constant 32 : index
      %get3A_534 = tpu.vector_load %arg6[%get3A_532, %get3A_533] {strides = array<i32>} : memref<32x256xf32, #tpu.memory_space<vmem>>, vector<1x16xf32>,
      %get3A_535 = vector.shape_cast %get3A_534 : vector<1x16xf32> to vector<16xf32>
      %add3A_536 = arith.addf %add3A_530, %get3A_535 : vector<16xf32>
      %get3A_537 = arith.constant 23 : i32
      %get3A_538 = arith.index_cast %get3A_537 : i32 to index
      %get3A_539 = arith.constant 32 : index
      %get3A_540 = tpu.vector_load %arg6[%get3A_538, %get3A_539] {strides = array<i32>} : memref<32x256xf32, #tpu.memory_space<vmem>>, vector<1x16xf32>,
      %get3A_541 = vector.shape_cast %get3A_540 : vector<1x16xf32> to vector<16xf32>
      %add3A_542 = arith.addf %add3A_536, %get3A_541 : vector<16xf32>
      %get3A_543 = arith.constant 24 : i32
      %get3A_544 = arith.index_cast %get3A_543 : i32 to index
      %get3A_545 = arith.constant 32 : index
      %get3A_546 = tpu.vector_load %arg6[%get3A_544, %get3A_545] {strides = array<i32>} : memref<32x256xf32, #tpu.memory_space<vmem>>, vector<1x16xf32>,
      %get3A_547 = vector.shape_cast %get3A_546 : vector<1x16xf32> to vector<16xf32>
      %add3A_548 = arith.addf %add3A_542, %get3A_547 : vector<16xf32>
      %get3A_549 = arith.constant 25 : i32
      %get3A_550 = arith.index_cast %get3A_549 : i32 to index
      %get3A_551 = arith.constant 32 : index
      %get3A_552 = tpu.vector_load %arg6[%get3A_550, %get3A_551] {strides = array<i32>} : memref<32x256xf32, #tpu.memory_space<vmem>>, vector<1x16xf32>,
      %get3A_553 = vector.shape_cast %get3A_552 : vector<1x16xf32> to vector<16xf32>
      %add3A_554 = arith.addf %add3A_548, %get3A_553 : vector<16xf32>
      %get3A_555 = arith.constant 26 : i32
      %get3A_556 = arith.index_cast %get3A_555 : i32 to index
      %get3A_557 = arith.constant 32 : index
      %get3A_558 = tpu.vector_load %arg6[%get3A_556, %get3A_557] {strides = array<i32>} : memref<32x256xf32, #tpu.memory_space<vmem>>, vector<1x16xf32>,
      %get3A_559 = vector.shape_cast %get3A_558 : vector<1x16xf32> to vector<16xf32>
      %add3A_560 = arith.addf %add3A_554, %get3A_559 : vector<16xf32>
      %get3A_561 = arith.constant 27 : i32
      %get3A_562 = arith.index_cast %get3A_561 : i32 to index
      %get3A_563 = arith.constant 32 : index
      %get3A_564 = tpu.vector_load %arg6[%get3A_562, %get3A_563] {strides = array<i32>} : memref<32x256xf32, #tpu.memory_space<vmem>>, vector<1x16xf32>,
      %get3A_565 = vector.shape_cast %get3A_564 : vector<1x16xf32> to vector<16xf32>
      %add3A_566 = arith.addf %add3A_560, %get3A_565 : vector<16xf32>
      %get3A_567 = arith.constant 28 : i32
      %get3A_568 = arith.index_cast %get3A_567 : i32 to index
      %get3A_569 = arith.constant 32 : index
      %get3A_570 = tpu.vector_load %arg6[%get3A_568, %get3A_569] {strides = array<i32>} : memref<32x256xf32, #tpu.memory_space<vmem>>, vector<1x16xf32>,
      %get3A_571 = vector.shape_cast %get3A_570 : vector<1x16xf32> to vector<16xf32>
      %add3A_572 = arith.addf %add3A_566, %get3A_571 : vector<16xf32>
      %get3A_573 = arith.constant 29 : i32
      %get3A_574 = arith.index_cast %get3A_573 : i32 to index
      %get3A_575 = arith.constant 32 : index
      %get3A_576 = tpu.vector_load %arg6[%get3A_574, %get3A_575] {strides = array<i32>} : memref<32x256xf32, #tpu.memory_space<vmem>>, vector<1x16xf32>,
      %get3A_577 = vector.shape_cast %get3A_576 : vector<1x16xf32> to vector<16xf32>
      %add3A_578 = arith.addf %add3A_572, %get3A_577 : vector<16xf32>
      %get3A_579 = arith.constant 30 : i32
      %get3A_580 = arith.index_cast %get3A_579 : i32 to index
      %get3A_581 = arith.constant 32 : index
      %get3A_582 = tpu.vector_load %arg6[%get3A_580, %get3A_581] {strides = array<i32>} : memref<32x256xf32, #tpu.memory_space<vmem>>, vector<1x16xf32>,
      %get3A_583 = vector.shape_cast %get3A_582 : vector<1x16xf32> to vector<16xf32>
      %add3A_584 = arith.addf %add3A_578, %get3A_583 : vector<16xf32>
      %get3A_585 = arith.constant 31 : i32
      %get3A_586 = arith.index_cast %get3A_585 : i32 to index
      %get3A_587 = arith.constant 32 : index
      %get3A_588 = tpu.vector_load %arg6[%get3A_586, %get3A_587] {strides = array<i32>} : memref<32x256xf32, #tpu.memory_space<vmem>>, vector<1x16xf32>,
      %get3A_589 = vector.shape_cast %get3A_588 : vector<1x16xf32> to vector<16xf32>
      %add3A_590 = arith.addf %add3A_584, %get3A_589 : vector<16xf32>
      %mul3A_591 = arith.constant 3.125000e-02 : f32
      %mul3A_592 = vector.broadcast %mul3A_591 : f32 to vector<16xf32>
      %mul3A_593 = arith.mulf %add3A_590, %mul3A_592 : vector<16xf32>
      %swap3A_594 = arith.constant 32 : index
      %swap3A_595 = tpu.vector_load %arg7[%swap3A_594] {strides = array<i32>} : memref<256xf32, #tpu.memory_space<vmem>>, vector<16xf32>,
      %swap3A_596 = vector.shape_cast %swap3A_595 : vector<16xf32> to vector<16xf32>
      %swap3A_597 = vector.shape_cast %mul3A_593 : vector<16xf32> to vector<16xf32>
      tpu.vector_store %arg7[%swap3A_594], %swap3A_597 {strides = array<i32>} : memref<256xf32, #tpu.memory_space<vmem>>, vector<16xf32>,
      %get3A_598 = arith.constant 0 : i32
      %get3A_599 = arith.index_cast %get3A_598 : i32 to index
      %get3A_600 = arith.constant 48 : index
      %get3A_601 = tpu.vector_load %arg6[%get3A_599, %get3A_600] {strides = array<i32>} : memref<32x256xf32, #tpu.memory_space<vmem>>, vector<1x16xf32>,
      %get3A_602 = vector.shape_cast %get3A_601 : vector<1x16xf32> to vector<16xf32>
      %get3A_603 = arith.constant 1 : i32
      %get3A_604 = arith.index_cast %get3A_603 : i32 to index
      %get3A_605 = arith.constant 48 : index
      %get3A_606 = tpu.vector_load %arg6[%get3A_604, %get3A_605] {strides = array<i32>} : memref<32x256xf32, #tpu.memory_space<vmem>>, vector<1x16xf32>,
      %get3A_607 = vector.shape_cast %get3A_606 : vector<1x16xf32> to vector<16xf32>
      %add3A_608 = arith.addf %get3A_602, %get3A_607 : vector<16xf32>
      %get3A_609 = arith.constant 2 : i32
      %get3A_610 = arith.index_cast %get3A_609 : i32 to index
      %get3A_611 = arith.constant 48 : index
      %get3A_612 = tpu.vector_load %arg6[%get3A_610, %get3A_611] {strides = array<i32>} : memref<32x256xf32, #tpu.memory_space<vmem>>, vector<1x16xf32>,
      %get3A_613 = vector.shape_cast %get3A_612 : vector<1x16xf32> to vector<16xf32>
      %add3A_614 = arith.addf %add3A_608, %get3A_613 : vector<16xf32>
      %get3A_615 = arith.constant 3 : i32
      %get3A_616 = arith.index_cast %get3A_615 : i32 to index
      %get3A_617 = arith.constant 48 : index
      %get3A_618 = tpu.vector_load %arg6[%get3A_616, %get3A_617] {strides = array<i32>} : memref<32x256xf32, #tpu.memory_space<vmem>>, vector<1x16xf32>,
      %get3A_619 = vector.shape_cast %get3A_618 : vector<1x16xf32> to vector<16xf32>
      %add3A_620 = arith.addf %add3A_614, %get3A_619 : vector<16xf32>
      %get3A_621 = arith.constant 4 : i32
      %get3A_622 = arith.index_cast %get3A_621 : i32 to index
      %get3A_623 = arith.constant 48 : index
      %get3A_624 = tpu.vector_load %arg6[%get3A_622, %get3A_623] {strides = array<i32>} : memref<32x256xf32, #tpu.memory_space<vmem>>, vector<1x16xf32>,
      %get3A_625 = vector.shape_cast %get3A_624 : vector<1x16xf32> to vector<16xf32>
      %add3A_626 = arith.addf %add3A_620, %get3A_625 : vector<16xf32>
      %get3A_627 = arith.constant 5 : i32
      %get3A_628 = arith.index_cast %get3A_627 : i32 to index
      %get3A_629 = arith.constant 48 : index
      %get3A_630 = tpu.vector_load %arg6[%get3A_628, %get3A_629] {strides = array<i32>} : memref<32x256xf32, #tpu.memory_space<vmem>>, vector<1x16xf32>,
      %get3A_631 = vector.shape_cast %get3A_630 : vector<1x16xf32> to vector<16xf32>
      %add3A_632 = arith.addf %add3A_626, %get3A_631 : vector<16xf32>
      %get3A_633 = arith.constant 6 : i32
      %get3A_634 = arith.index_cast %get3A_633 : i32 to index
      %get3A_635 = arith.constant 48 : index
      %get3A_636 = tpu.vector_load %arg6[%get3A_634, %get3A_635] {strides = array<i32>} : memref<32x256xf32, #tpu.memory_space<vmem>>, vector<1x16xf32>,
      %get3A_637 = vector.shape_cast %get3A_636 : vector<1x16xf32> to vector<16xf32>
      %add3A_638 = arith.addf %add3A_632, %get3A_637 : vector<16xf32>
      %get3A_639 = arith.constant 7 : i32
      %get3A_640 = arith.index_cast %get3A_639 : i32 to index
      %get3A_641 = arith.constant 48 : index
      %get3A_642 = tpu.vector_load %arg6[%get3A_640, %get3A_641] {strides = array<i32>} : memref<32x256xf32, #tpu.memory_space<vmem>>, vector<1x16xf32>,
      %get3A_643 = vector.shape_cast %get3A_642 : vector<1x16xf32> to vector<16xf32>
      %add3A_644 = arith.addf %add3A_638, %get3A_643 : vector<16xf32>
      %get3A_645 = arith.constant 8 : i32
      %get3A_646 = arith.index_cast %get3A_645 : i32 to index
      %get3A_647 = arith.constant 48 : index
      %get3A_648 = tpu.vector_load %arg6[%get3A_646, %get3A_647] {strides = array<i32>} : memref<32x256xf32, #tpu.memory_space<vmem>>, vector<1x16xf32>,
      %get3A_649 = vector.shape_cast %get3A_648 : vector<1x16xf32> to vector<16xf32>
      %add3A_650 = arith.addf %add3A_644, %get3A_649 : vector<16xf32>
      %get3A_651 = arith.constant 9 : i32
      %get3A_652 = arith.index_cast %get3A_651 : i32 to index
      %get3A_653 = arith.constant 48 : index
      %get3A_654 = tpu.vector_load %arg6[%get3A_652, %get3A_653] {strides = array<i32>} : memref<32x256xf32, #tpu.memory_space<vmem>>, vector<1x16xf32>,
      %get3A_655 = vector.shape_cast %get3A_654 : vector<1x16xf32> to vector<16xf32>
      %add3A_656 = arith.addf %add3A_650, %get3A_655 : vector<16xf32>
      %get3A_657 = arith.constant 10 : i32
      %get3A_658 = arith.index_cast %get3A_657 : i32 to index
      %get3A_659 = arith.constant 48 : index
      %get3A_660 = tpu.vector_load %arg6[%get3A_658, %get3A_659] {strides = array<i32>} : memref<32x256xf32, #tpu.memory_space<vmem>>, vector<1x16xf32>,
      %get3A_661 = vector.shape_cast %get3A_660 : vector<1x16xf32> to vector<16xf32>
      %add3A_662 = arith.addf %add3A_656, %get3A_661 : vector<16xf32>
      %get3A_663 = arith.constant 11 : i32
      %get3A_664 = arith.index_cast %get3A_663 : i32 to index
      %get3A_665 = arith.constant 48 : index
      %get3A_666 = tpu.vector_load %arg6[%get3A_664, %get3A_665] {strides = array<i32>} : memref<32x256xf32, #tpu.memory_space<vmem>>, vector<1x16xf32>,
      %get3A_667 = vector.shape_cast %get3A_666 : vector<1x16xf32> to vector<16xf32>
      %add3A_668 = arith.addf %add3A_662, %get3A_667 : vector<16xf32>
      %get3A_669 = arith.constant 12 : i32
      %get3A_670 = arith.index_cast %get3A_669 : i32 to index
      %get3A_671 = arith.constant 48 : index
      %get3A_672 = tpu.vector_load %arg6[%get3A_670, %get3A_671] {strides = array<i32>} : memref<32x256xf32, #tpu.memory_space<vmem>>, vector<1x16xf32>,
      %get3A_673 = vector.shape_cast %get3A_672 : vector<1x16xf32> to vector<16xf32>
      %add3A_674 = arith.addf %add3A_668, %get3A_673 : vector<16xf32>
      %get3A_675 = arith.constant 13 : i32
      %get3A_676 = arith.index_cast %get3A_675 : i32 to index
      %get3A_677 = arith.constant 48 : index
      %get3A_678 = tpu.vector_load %arg6[%get3A_676, %get3A_677] {strides = array<i32>} : memref<32x256xf32, #tpu.memory_space<vmem>>, vector<1x16xf32>,
      %get3A_679 = vector.shape_cast %get3A_678 : vector<1x16xf32> to vector<16xf32>
      %add3A_680 = arith.addf %add3A_674, %get3A_679 : vector<16xf32>
      %get3A_681 = arith.constant 14 : i32
      %get3A_682 = arith.index_cast %get3A_681 : i32 to index
      %get3A_683 = arith.constant 48 : index
      %get3A_684 = tpu.vector_load %arg6[%get3A_682, %get3A_683] {strides = array<i32>} : memref<32x256xf32, #tpu.memory_space<vmem>>, vector<1x16xf32>,
      %get3A_685 = vector.shape_cast %get3A_684 : vector<1x16xf32> to vector<16xf32>
      %add3A_686 = arith.addf %add3A_680, %get3A_685 : vector<16xf32>
      %get3A_687 = arith.constant 15 : i32
      %get3A_688 = arith.index_cast %get3A_687 : i32 to index
      %get3A_689 = arith.constant 48 : index
      %get3A_690 = tpu.vector_load %arg6[%get3A_688, %get3A_689] {strides = array<i32>} : memref<32x256xf32, #tpu.memory_space<vmem>>, vector<1x16xf32>,
      %get3A_691 = vector.shape_cast %get3A_690 : vector<1x16xf32> to vector<16xf32>
      %add3A_692 = arith.addf %add3A_686, %get3A_691 : vector<16xf32>
      %get3A_693 = arith.constant 16 : i32
      %get3A_694 = arith.index_cast %get3A_693 : i32 to index
      %get3A_695 = arith.constant 48 : index
      %get3A_696 = tpu.vector_load %arg6[%get3A_694, %get3A_695] {strides = array<i32>} : memref<32x256xf32, #tpu.memory_space<vmem>>, vector<1x16xf32>,
      %get3A_697 = vector.shape_cast %get3A_696 : vector<1x16xf32> to vector<16xf32>
      %add3A_698 = arith.addf %add3A_692, %get3A_697 : vector<16xf32>
      %get3A_699 = arith.constant 17 : i32
      %get3A_700 = arith.index_cast %get3A_699 : i32 to index
      %get3A_701 = arith.constant 48 : index
      %get3A_702 = tpu.vector_load %arg6[%get3A_700, %get3A_701] {strides = array<i32>} : memref<32x256xf32, #tpu.memory_space<vmem>>, vector<1x16xf32>,
      %get3A_703 = vector.shape_cast %get3A_702 : vector<1x16xf32> to vector<16xf32>
      %add3A_704 = arith.addf %add3A_698, %get3A_703 : vector<16xf32>
      %get3A_705 = arith.constant 18 : i32
      %get3A_706 = arith.index_cast %get3A_705 : i32 to index
      %get3A_707 = arith.constant 48 : index
      %get3A_708 = tpu.vector_load %arg6[%get3A_706, %get3A_707] {strides = array<i32>} : memref<32x256xf32, #tpu.memory_space<vmem>>, vector<1x16xf32>,
      %get3A_709 = vector.shape_cast %get3A_708 : vector<1x16xf32> to vector<16xf32>
      %add3A_710 = arith.addf %add3A_704, %get3A_709 : vector<16xf32>
      %get3A_711 = arith.constant 19 : i32
      %get3A_712 = arith.index_cast %get3A_711 : i32 to index
      %get3A_713 = arith.constant 48 : index
      %get3A_714 = tpu.vector_load %arg6[%get3A_712, %get3A_713] {strides = array<i32>} : memref<32x256xf32, #tpu.memory_space<vmem>>, vector<1x16xf32>,
      %get3A_715 = vector.shape_cast %get3A_714 : vector<1x16xf32> to vector<16xf32>
      %add3A_716 = arith.addf %add3A_710, %get3A_715 : vector<16xf32>
      %get3A_717 = arith.constant 20 : i32
      %get3A_718 = arith.index_cast %get3A_717 : i32 to index
      %get3A_719 = arith.constant 48 : index
      %get3A_720 = tpu.vector_load %arg6[%get3A_718, %get3A_719] {strides = array<i32>} : memref<32x256xf32, #tpu.memory_space<vmem>>, vector<1x16xf32>,
      %get3A_721 = vector.shape_cast %get3A_720 : vector<1x16xf32> to vector<16xf32>
      %add3A_722 = arith.addf %add3A_716, %get3A_721 : vector<16xf32>
      %get3A_723 = arith.constant 21 : i32
      %get3A_724 = arith.index_cast %get3A_723 : i32 to index
      %get3A_725 = arith.constant 48 : index
      %get3A_726 = tpu.vector_load %arg6[%get3A_724, %get3A_725] {strides = array<i32>} : memref<32x256xf32, #tpu.memory_space<vmem>>, vector<1x16xf32>,
      %get3A_727 = vector.shape_cast %get3A_726 : vector<1x16xf32> to vector<16xf32>
      %add3A_728 = arith.addf %add3A_722, %get3A_727 : vector<16xf32>
      %get3A_729 = arith.constant 22 : i32
      %get3A_730 = arith.index_cast %get3A_729 : i32 to index
      %get3A_731 = arith.constant 48 : index
      %get3A_732 = tpu.vector_load %arg6[%get3A_730, %get3A_731] {strides = array<i32>} : memref<32x256xf32, #tpu.memory_space<vmem>>, vector<1x16xf32>,
      %get3A_733 = vector.shape_cast %get3A_732 : vector<1x16xf32> to vector<16xf32>
      %add3A_734 = arith.addf %add3A_728, %get3A_733 : vector<16xf32>
      %get3A_735 = arith.constant 23 : i32
      %get3A_736 = arith.index_cast %get3A_735 : i32 to index
      %get3A_737 = arith.constant 48 : index
      %get3A_738 = tpu.vector_load %arg6[%get3A_736, %get3A_737] {strides = array<i32>} : memref<32x256xf32, #tpu.memory_space<vmem>>, vector<1x16xf32>,
      %get3A_739 = vector.shape_cast %get3A_738 : vector<1x16xf32> to vector<16xf32>
      %add3A_740 = arith.addf %add3A_734, %get3A_739 : vector<16xf32>
      %get3A_741 = arith.constant 24 : i32
      %get3A_742 = arith.index_cast %get3A_741 : i32 to index
      %get3A_743 = arith.constant 48 : index
      %get3A_744 = tpu.vector_load %arg6[%get3A_742, %get3A_743] {strides = array<i32>} : memref<32x256xf32, #tpu.memory_space<vmem>>, vector<1x16xf32>,
      %get3A_745 = vector.shape_cast %get3A_744 : vector<1x16xf32> to vector<16xf32>
      %add3A_746 = arith.addf %add3A_740, %get3A_745 : vector<16xf32>
      %get3A_747 = arith.constant 25 : i32
      %get3A_748 = arith.index_cast %get3A_747 : i32 to index
      %get3A_749 = arith.constant 48 : index
      %get3A_750 = tpu.vector_load %arg6[%get3A_748, %get3A_749] {strides = array<i32>} : memref<32x256xf32, #tpu.memory_space<vmem>>, vector<1x16xf32>,
      %get3A_751 = vector.shape_cast %get3A_750 : vector<1x16xf32> to vector<16xf32>
      %add3A_752 = arith.addf %add3A_746, %get3A_751 : vector<16xf32>
      %get3A_753 = arith.constant 26 : i32
      %get3A_754 = arith.index_cast %get3A_753 : i32 to index
      %get3A_755 = arith.constant 48 : index
      %get3A_756 = tpu.vector_load %arg6[%get3A_754, %get3A_755] {strides = array<i32>} : memref<32x256xf32, #tpu.memory_space<vmem>>, vector<1x16xf32>,
      %get3A_757 = vector.shape_cast %get3A_756 : vector<1x16xf32> to vector<16xf32>
      %add3A_758 = arith.addf %add3A_752, %get3A_757 : vector<16xf32>
      %get3A_759 = arith.constant 27 : i32
      %get3A_760 = arith.index_cast %get3A_759 : i32 to index
      %get3A_761 = arith.constant 48 : index
      %get3A_762 = tpu.vector_load %arg6[%get3A_760, %get3A_761] {strides = array<i32>} : memref<32x256xf32, #tpu.memory_space<vmem>>, vector<1x16xf32>,
      %get3A_763 = vector.shape_cast %get3A_762 : vector<1x16xf32> to vector<16xf32>
      %add3A_764 = arith.addf %add3A_758, %get3A_763 : vector<16xf32>
      %get3A_765 = arith.constant 28 : i32
      %get3A_766 = arith.index_cast %get3A_765 : i32 to index
      %get3A_767 = arith.constant 48 : index
      %get3A_768 = tpu.vector_load %arg6[%get3A_766, %get3A_767] {strides = array<i32>} : memref<32x256xf32, #tpu.memory_space<vmem>>, vector<1x16xf32>,
      %get3A_769 = vector.shape_cast %get3A_768 : vector<1x16xf32> to vector<16xf32>
      %add3A_770 = arith.addf %add3A_764, %get3A_769 : vector<16xf32>
      %get3A_771 = arith.constant 29 : i32
      %get3A_772 = arith.index_cast %get3A_771 : i32 to index
      %get3A_773 = arith.constant 48 : index
      %get3A_774 = tpu.vector_load %arg6[%get3A_772, %get3A_773] {strides = array<i32>} : memref<32x256xf32, #tpu.memory_space<vmem>>, vector<1x16xf32>,
      %get3A_775 = vector.shape_cast %get3A_774 : vector<1x16xf32> to vector<16xf32>
      %add3A_776 = arith.addf %add3A_770, %get3A_775 : vector<16xf32>
      %get3A_777 = arith.constant 30 : i32
      %get3A_778 = arith.index_cast %get3A_777 : i32 to index
      %get3A_779 = arith.constant 48 : index
      %get3A_780 = tpu.vector_load %arg6[%get3A_778, %get3A_779] {strides = array<i32>} : memref<32x256xf32, #tpu.memory_space<vmem>>, vector<1x16xf32>,
      %get3A_781 = vector.shape_cast %get3A_780 : vector<1x16xf32> to vector<16xf32>
      %add3A_782 = arith.addf %add3A_776, %get3A_781 : vector<16xf32>
      %get3A_783 = arith.constant 31 : i32
      %get3A_784 = arith.index_cast %get3A_783 : i32 to index
      %get3A_785 = arith.constant 48 : index
      %get3A_786 = tpu.vector_load %arg6[%get3A_784, %get3A_785] {strides = array<i32>} : memref<32x256xf32, #tpu.memory_space<vmem>>, vector<1x16xf32>,
      %get3A_787 = vector.shape_cast %get3A_786 : vector<1x16xf32> to vector<16xf32>
      %add3A_788 = arith.addf %add3A_782, %get3A_787 : vector<16xf32>
      %mul3A_789 = arith.constant 3.125000e-02 : f32
      %mul3A_790 = vector.broadcast %mul3A_789 : f32 to vector<16xf32>
      %mul3A_791 = arith.mulf %add3A_788, %mul3A_790 : vector<16xf32>
      %swap3A_792 = arith.constant 48 : index
      %swap3A_793 = tpu.vector_load %arg7[%swap3A_792] {strides = array<i32>} : memref<256xf32, #tpu.memory_space<vmem>>, vector<16xf32>,
      %swap3A_794 = vector.shape_cast %swap3A_793 : vector<16xf32> to vector<16xf32>
      %swap3A_795 = vector.shape_cast %mul3A_791 : vector<16xf32> to vector<16xf32>
      tpu.vector_store %arg7[%swap3A_792], %swap3A_795 {strides = array<i32>} : memref<256xf32, #tpu.memory_space<vmem>>, vector<16xf32>,
      %get3A_796 = arith.constant 0 : i32
      %get3A_797 = arith.index_cast %get3A_796 : i32 to index
      %get3A_798 = arith.constant 64 : index
      %get3A_799 = tpu.vector_load %arg6[%get3A_797, %get3A_798] {strides = array<i32>} : memref<32x256xf32, #tpu.memory_space<vmem>>, vector<1x16xf32>,
      %get3A_800 = vector.shape_cast %get3A_799 : vector<1x16xf32> to vector<16xf32>
      %get3A_801 = arith.constant 1 : i32
      %get3A_802 = arith.index_cast %get3A_801 : i32 to index
      %get3A_803 = arith.constant 64 : index
      %get3A_804 = tpu.vector_load %arg6[%get3A_802, %get3A_803] {strides = array<i32>} : memref<32x256xf32, #tpu.memory_space<vmem>>, vector<1x16xf32>,
      %get3A_805 = vector.shape_cast %get3A_804 : vector<1x16xf32> to vector<16xf32>
      %add3A_806 = arith.addf %get3A_800, %get3A_805 : vector<16xf32>
      %get3A_807 = arith.constant 2 : i32
      %get3A_808 = arith.index_cast %get3A_807 : i32 to index
      %get3A_809 = arith.constant 64 : index
      %get3A_810 = tpu.vector_load %arg6[%get3A_808, %get3A_809] {strides = array<i32>} : memref<32x256xf32, #tpu.memory_space<vmem>>, vector<1x16xf32>,
      %get3A_811 = vector.shape_cast %get3A_810 : vector<1x16xf32> to vector<16xf32>
      %add3A_812 = arith.addf %add3A_806, %get3A_811 : vector<16xf32>
      %get3A_813 = arith.constant 3 : i32
      %get3A_814 = arith.index_cast %get3A_813 : i32 to index
      %get3A_815 = arith.constant 64 : index
      %get3A_816 = tpu.vector_load %arg6[%get3A_814, %get3A_815] {strides = array<i32>} : memref<32x256xf32, #tpu.memory_space<vmem>>, vector<1x16xf32>,
      %get3A_817 = vector.shape_cast %get3A_816 : vector<1x16xf32> to vector<16xf32>
      %add3A_818 = arith.addf %add3A_812, %get3A_817 : vector<16xf32>
      %get3A_819 = arith.constant 4 : i32
      %get3A_820 = arith.index_cast %get3A_819 : i32 to index
      %get3A_821 = arith.constant 64 : index
      %get3A_822 = tpu.vector_load %arg6[%get3A_820, %get3A_821] {strides = array<i32>} : memref<32x256xf32, #tpu.memory_space<vmem>>, vector<1x16xf32>,
      %get3A_823 = vector.shape_cast %get3A_822 : vector<1x16xf32> to vector<16xf32>
      %add3A_824 = arith.addf %add3A_818, %get3A_823 : vector<16xf32>
      %get3A_825 = arith.constant 5 : i32
      %get3A_826 = arith.index_cast %get3A_825 : i32 to index
      %get3A_827 = arith.constant 64 : index
      %get3A_828 = tpu.vector_load %arg6[%get3A_826, %get3A_827] {strides = array<i32>} : memref<32x256xf32, #tpu.memory_space<vmem>>, vector<1x16xf32>,
      %get3A_829 = vector.shape_cast %get3A_828 : vector<1x16xf32> to vector<16xf32>
      %add3A_830 = arith.addf %add3A_824, %get3A_829 : vector<16xf32>
      %get3A_831 = arith.constant 6 : i32
      %get3A_832 = arith.index_cast %get3A_831 : i32 to index
      %get3A_833 = arith.constant 64 : index
      %get3A_834 = tpu.vector_load %arg6[%get3A_832, %get3A_833] {strides = array<i32>} : memref<32x256xf32, #tpu.memory_space<vmem>>, vector<1x16xf32>,
      %get3A_835 = vector.shape_cast %get3A_834 : vector<1x16xf32> to vector<16xf32>
      %add3A_836 = arith.addf %add3A_830, %get3A_835 : vector<16xf32>
      %get3A_837 = arith.constant 7 : i32
      %get3A_838 = arith.index_cast %get3A_837 : i32 to index
      %get3A_839 = arith.constant 64 : index
      %get3A_840 = tpu.vector_load %arg6[%get3A_838, %get3A_839] {strides = array<i32>} : memref<32x256xf32, #tpu.memory_space<vmem>>, vector<1x16xf32>,
      %get3A_841 = vector.shape_cast %get3A_840 : vector<1x16xf32> to vector<16xf32>
      %add3A_842 = arith.addf %add3A_836, %get3A_841 : vector<16xf32>
      %get3A_843 = arith.constant 8 : i32
      %get3A_844 = arith.index_cast %get3A_843 : i32 to index
      %get3A_845 = arith.constant 64 : index
      %get3A_846 = tpu.vector_load %arg6[%get3A_844, %get3A_845] {strides = array<i32>} : memref<32x256xf32, #tpu.memory_space<vmem>>, vector<1x16xf32>,
      %get3A_847 = vector.shape_cast %get3A_846 : vector<1x16xf32> to vector<16xf32>
      %add3A_848 = arith.addf %add3A_842, %get3A_847 : vector<16xf32>
      %get3A_849 = arith.constant 9 : i32
      %get3A_850 = arith.index_cast %get3A_849 : i32 to index
      %get3A_851 = arith.constant 64 : index
      %get3A_852 = tpu.vector_load %arg6[%get3A_850, %get3A_851] {strides = array<i32>} : memref<32x256xf32, #tpu.memory_space<vmem>>, vector<1x16xf32>,
      %get3A_853 = vector.shape_cast %get3A_852 : vector<1x16xf32> to vector<16xf32>
      %add3A_854 = arith.addf %add3A_848, %get3A_853 : vector<16xf32>
      %get3A_855 = arith.constant 10 : i32
      %get3A_856 = arith.index_cast %get3A_855 : i32 to index
      %get3A_857 = arith.constant 64 : index
      %get3A_858 = tpu.vector_load %arg6[%get3A_856, %get3A_857] {strides = array<i32>} : memref<32x256xf32, #tpu.memory_space<vmem>>, vector<1x16xf32>,
      %get3A_859 = vector.shape_cast %get3A_858 : vector<1x16xf32> to vector<16xf32>
      %add3A_860 = arith.addf %add3A_854, %get3A_859 : vector<16xf32>
      %get3A_861 = arith.constant 11 : i32
      %get3A_862 = arith.index_cast %get3A_861 : i32 to index
      %get3A_863 = arith.constant 64 : index
      %get3A_864 = tpu.vector_load %arg6[%get3A_862, %get3A_863] {strides = array<i32>} : memref<32x256xf32, #tpu.memory_space<vmem>>, vector<1x16xf32>,
      %get3A_865 = vector.shape_cast %get3A_864 : vector<1x16xf32> to vector<16xf32>
      %add3A_866 = arith.addf %add3A_860, %get3A_865 : vector<16xf32>
      %get3A_867 = arith.constant 12 : i32
      %get3A_868 = arith.index_cast %get3A_867 : i32 to index
      %get3A_869 = arith.constant 64 : index
      %get3A_870 = tpu.vector_load %arg6[%get3A_868, %get3A_869] {strides = array<i32>} : memref<32x256xf32, #tpu.memory_space<vmem>>, vector<1x16xf32>,
      %get3A_871 = vector.shape_cast %get3A_870 : vector<1x16xf32> to vector<16xf32>
      %add3A_872 = arith.addf %add3A_866, %get3A_871 : vector<16xf32>
      %get3A_873 = arith.constant 13 : i32
      %get3A_874 = arith.index_cast %get3A_873 : i32 to index
      %get3A_875 = arith.constant 64 : index
      %get3A_876 = tpu.vector_load %arg6[%get3A_874, %get3A_875] {strides = array<i32>} : memref<32x256xf32, #tpu.memory_space<vmem>>, vector<1x16xf32>,
      %get3A_877 = vector.shape_cast %get3A_876 : vector<1x16xf32> to vector<16xf32>
      %add3A_878 = arith.addf %add3A_872, %get3A_877 : vector<16xf32>
      %get3A_879 = arith.constant 14 : i32
      %get3A_880 = arith.index_cast %get3A_879 : i32 to index
      %get3A_881 = arith.constant 64 : index
      %get3A_882 = tpu.vector_load %arg6[%get3A_880, %get3A_881] {strides = array<i32>} : memref<32x256xf32, #tpu.memory_space<vmem>>, vector<1x16xf32>,
      %get3A_883 = vector.shape_cast %get3A_882 : vector<1x16xf32> to vector<16xf32>
      %add3A_884 = arith.addf %add3A_878, %get3A_883 : vector<16xf32>
      %get3A_885 = arith.constant 15 : i32
      %get3A_886 = arith.index_cast %get3A_885 : i32 to index
      %get3A_887 = arith.constant 64 : index
      %get3A_888 = tpu.vector_load %arg6[%get3A_886, %get3A_887] {strides = array<i32>} : memref<32x256xf32, #tpu.memory_space<vmem>>, vector<1x16xf32>,
      %get3A_889 = vector.shape_cast %get3A_888 : vector<1x16xf32> to vector<16xf32>
      %add3A_890 = arith.addf %add3A_884, %get3A_889 : vector<16xf32>
      %get3A_891 = arith.constant 16 : i32
      %get3A_892 = arith.index_cast %get3A_891 : i32 to index
      %get3A_893 = arith.constant 64 : index
      %get3A_894 = tpu.vector_load %arg6[%get3A_892, %get3A_893] {strides = array<i32>} : memref<32x256xf32, #tpu.memory_space<vmem>>, vector<1x16xf32>,
      %get3A_895 = vector.shape_cast %get3A_894 : vector<1x16xf32> to vector<16xf32>
      %add3A_896 = arith.addf %add3A_890, %get3A_895 : vector<16xf32>
      %get3A_897 = arith.constant 17 : i32
      %get3A_898 = arith.index_cast %get3A_897 : i32 to index
      %get3A_899 = arith.constant 64 : index
      %get3A_900 = tpu.vector_load %arg6[%get3A_898, %get3A_899] {strides = array<i32>} : memref<32x256xf32, #tpu.memory_space<vmem>>, vector<1x16xf32>,
      %get3A_901 = vector.shape_cast %get3A_900 : vector<1x16xf32> to vector<16xf32>
      %add3A_902 = arith.addf %add3A_896, %get3A_901 : vector<16xf32>
      %get3A_903 = arith.constant 18 : i32
      %get3A_904 = arith.index_cast %get3A_903 : i32 to index
      %get3A_905 = arith.constant 64 : index
      %get3A_906 = tpu.vector_load %arg6[%get3A_904, %get3A_905] {strides = array<i32>} : memref<32x256xf32, #tpu.memory_space<vmem>>, vector<1x16xf32>,
      %get3A_907 = vector.shape_cast %get3A_906 : vector<1x16xf32> to vector<16xf32>
      %add3A_908 = arith.addf %add3A_902, %get3A_907 : vector<16xf32>
      %get3A_909 = arith.constant 19 : i32
      %get3A_910 = arith.index_cast %get3A_909 : i32 to index
      %get3A_911 = arith.constant 64 : index
      %get3A_912 = tpu.vector_load %arg6[%get3A_910, %get3A_911] {strides = array<i32>} : memref<32x256xf32, #tpu.memory_space<vmem>>, vector<1x16xf32>,
      %get3A_913 = vector.shape_cast %get3A_912 : vector<1x16xf32> to vector<16xf32>
      %add3A_914 = arith.addf %add3A_908, %get3A_913 : vector<16xf32>
      %get3A_915 = arith.constant 20 : i32
      %get3A_916 = arith.index_cast %get3A_915 : i32 to index
      %get3A_917 = arith.constant 64 : index
      %get3A_918 = tpu.vector_load %arg6[%get3A_916, %get3A_917] {strides = array<i32>} : memref<32x256xf32, #tpu.memory_space<vmem>>, vector<1x16xf32>,
      %get3A_919 = vector.shape_cast %get3A_918 : vector<1x16xf32> to vector<16xf32>
      %add3A_920 = arith.addf %add3A_914, %get3A_919 : vector<16xf32>
      %get3A_921 = arith.constant 21 : i32
      %get3A_922 = arith.index_cast %get3A_921 : i32 to index
      %get3A_923 = arith.constant 64 : index
      %get3A_924 = tpu.vector_load %arg6[%get3A_922, %get3A_923] {strides = array<i32>} : memref<32x256xf32, #tpu.memory_space<vmem>>, vector<1x16xf32>,
      %get3A_925 = vector.shape_cast %get3A_924 : vector<1x16xf32> to vector<16xf32>
      %add3A_926 = arith.addf %add3A_920, %get3A_925 : vector<16xf32>
      %get3A_927 = arith.constant 22 : i32
      %get3A_928 = arith.index_cast %get3A_927 : i32 to index
      %get3A_929 = arith.constant 64 : index
      %get3A_930 = tpu.vector_load %arg6[%get3A_928, %get3A_929] {strides = array<i32>} : memref<32x256xf32, #tpu.memory_space<vmem>>, vector<1x16xf32>,
      %get3A_931 = vector.shape_cast %get3A_930 : vector<1x16xf32> to vector<16xf32>
      %add3A_932 = arith.addf %add3A_926, %get3A_931 : vector<16xf32>
      %get3A_933 = arith.constant 23 : i32
      %get3A_934 = arith.index_cast %get3A_933 : i32 to index
      %get3A_935 = arith.constant 64 : index
      %get3A_936 = tpu.vector_load %arg6[%get3A_934, %get3A_935] {strides = array<i32>} : memref<32x256xf32, #tpu.memory_space<vmem>>, vector<1x16xf32>,
      %get3A_937 = vector.shape_cast %get3A_936 : vector<1x16xf32> to vector<16xf32>
      %add3A_938 = arith.addf %add3A_932, %get3A_937 : vector<16xf32>
      %get3A_939 = arith.constant 24 : i32
      %get3A_940 = arith.index_cast %get3A_939 : i32 to index
      %get3A_941 = arith.constant 64 : index
      %get3A_942 = tpu.vector_load %arg6[%get3A_940, %get3A_941] {strides = array<i32>} : memref<32x256xf32, #tpu.memory_space<vmem>>, vector<1x16xf32>,
      %get3A_943 = vector.shape_cast %get3A_942 : vector<1x16xf32> to vector<16xf32>
      %add3A_944 = arith.addf %add3A_938, %get3A_943 : vector<16xf32>
      %get3A_945 = arith.constant 25 : i32
      %get3A_946 = arith.index_cast %get3A_945 : i32 to index
      %get3A_947 = arith.constant 64 : index
      %get3A_948 = tpu.vector_load %arg6[%get3A_946, %get3A_947] {strides = array<i32>} : memref<32x256xf32, #tpu.memory_space<vmem>>, vector<1x16xf32>,
      %get3A_949 = vector.shape_cast %get3A_948 : vector<1x16xf32> to vector<16xf32>
      %add3A_950 = arith.addf %add3A_944, %get3A_949 : vector<16xf32>
      %get3A_951 = arith.constant 26 : i32
      %get3A_952 = arith.index_cast %get3A_951 : i32 to index
      %get3A_953 = arith.constant 64 : index
      %get3A_954 = tpu.vector_load %arg6[%get3A_952, %get3A_953] {strides = array<i32>} : memref<32x256xf32, #tpu.memory_space<vmem>>, vector<1x16xf32>,
      %get3A_955 = vector.shape_cast %get3A_954 : vector<1x16xf32> to vector<16xf32>
      %add3A_956 = arith.addf %add3A_950, %get3A_955 : vector<16xf32>
      %get3A_957 = arith.constant 27 : i32
      %get3A_958 = arith.index_cast %get3A_957 : i32 to index
      %get3A_959 = arith.constant 64 : index
      %get3A_960 = tpu.vector_load %arg6[%get3A_958, %get3A_959] {strides = array<i32>} : memref<32x256xf32, #tpu.memory_space<vmem>>, vector<1x16xf32>,
      %get3A_961 = vector.shape_cast %get3A_960 : vector<1x16xf32> to vector<16xf32>
      %add3A_962 = arith.addf %add3A_956, %get3A_961 : vector<16xf32>
      %get3A_963 = arith.constant 28 : i32
      %get3A_964 = arith.index_cast %get3A_963 : i32 to index
      %get3A_965 = arith.constant 64 : index
      %get3A_966 = tpu.vector_load %arg6[%get3A_964, %get3A_965] {strides = array<i32>} : memref<32x256xf32, #tpu.memory_space<vmem>>, vector<1x16xf32>,
      %get3A_967 = vector.shape_cast %get3A_966 : vector<1x16xf32> to vector<16xf32>
      %add3A_968 = arith.addf %add3A_962, %get3A_967 : vector<16xf32>
      %get3A_969 = arith.constant 29 : i32
      %get3A_970 = arith.index_cast %get3A_969 : i32 to index
      %get3A_971 = arith.constant 64 : index
      %get3A_972 = tpu.vector_load %arg6[%get3A_970, %get3A_971] {strides = array<i32>} : memref<32x256xf32, #tpu.memory_space<vmem>>, vector<1x16xf32>,
      %get3A_973 = vector.shape_cast %get3A_972 : vector<1x16xf32> to vector<16xf32>
      %add3A_974 = arith.addf %add3A_968, %get3A_973 : vector<16xf32>
      %get3A_975 = arith.constant 30 : i32
      %get3A_976 = arith.index_cast %get3A_975 : i32 to index
      %get3A_977 = arith.constant 64 : index
      %get3A_978 = tpu.vector_load %arg6[%get3A_976, %get3A_977] {strides = array<i32>} : memref<32x256xf32, #tpu.memory_space<vmem>>, vector<1x16xf32>,
      %get3A_979 = vector.shape_cast %get3A_978 : vector<1x16xf32> to vector<16xf32>
      %add3A_980 = arith.addf %add3A_974, %get3A_979 : vector<16xf32>
      %get3A_981 = arith.constant 31 : i32
      %get3A_982 = arith.index_cast %get3A_981 : i32 to index
      %get3A_983 = arith.constant 64 : index
      %get3A_984 = tpu.vector_load %arg6[%get3A_982, %get3A_983] {strides = array<i32>} : memref<32x256xf32, #tpu.memory_space<vmem>>, vector<1x16xf32>,
      %get3A_985 = vector.shape_cast %get3A_984 : vector<1x16xf32> to vector<16xf32>
      %add3A_986 = arith.addf %add3A_980, %get3A_985 : vector<16xf32>
      %mul3A_987 = arith.constant 3.125000e-02 : f32
      %mul3A_988 = vector.broadcast %mul3A_987 : f32 to vector<16xf32>
      %mul3A_989 = arith.mulf %add3A_986, %mul3A_988 : vector<16xf32>
      %swap3A_990 = arith.constant 64 : index
      %swap3A_991 = tpu.vector_load %arg7[%swap3A_990] {strides = array<i32>} : memref<256xf32, #tpu.memory_space<vmem>>, vector<16xf32>,
      %swap3A_992 = vector.shape_cast %swap3A_991 : vector<16xf32> to vector<16xf32>
      %swap3A_993 = vector.shape_cast %mul3A_989 : vector<16xf32> to vector<16xf32>
      tpu.vector_store %arg7[%swap3A_990], %swap3A_993 {strides = array<i32>} : memref<256xf32, #tpu.memory_space<vmem>>, vector<16xf32>,
      %get3A_994 = arith.constant 0 : i32
      %get3A_995 = arith.index_cast %get3A_994 : i32 to index
      %get3A_996 = arith.constant 80 : index
      %get3A_997 = tpu.vector_load %arg6[%get3A_995, %get3A_996] {strides = array<i32>} : memref<32x256xf32, #tpu.memory_space<vmem>>, vector<1x16xf32>,
      %get3A_998 = vector.shape_cast %get3A_997 : vector<1x16xf32> to vector<16xf32>
      %get3A_999 = arith.constant 1 : i32
      %get3A_1000 = arith.index_cast %get3A_999 : i32 to index
      %get3A_1001 = arith.constant 80 : index
      %get3A_1002 = tpu.vector_load %arg6[%get3A_1000, %get3A_1001] {strides = array<i32>} : memref<32x256xf32, #tpu.memory_space<vmem>>, vector<1x16xf32>,
      %get3A_1003 = vector.shape_cast %get3A_1002 : vector<1x16xf32> to vector<16xf32>
      %add3A_1004 = arith.addf %get3A_998, %get3A_1003 : vector<16xf32>
      %get3A_1005 = arith.constant 2 : i32
      %get3A_1006 = arith.index_cast %get3A_1005 : i32 to index
      %get3A_1007 = arith.constant 80 : index
      %get3A_1008 = tpu.vector_load %arg6[%get3A_1006, %get3A_1007] {strides = array<i32>} : memref<32x256xf32, #tpu.memory_space<vmem>>, vector<1x16xf32>,
      %get3A_1009 = vector.shape_cast %get3A_1008 : vector<1x16xf32> to vector<16xf32>
      %add3A_1010 = arith.addf %add3A_1004, %get3A_1009 : vector<16xf32>
      %get3A_1011 = arith.constant 3 : i32
      %get3A_1012 = arith.index_cast %get3A_1011 : i32 to index
      %get3A_1013 = arith.constant 80 : index
      %get3A_1014 = tpu.vector_load %arg6[%get3A_1012, %get3A_1013] {strides = array<i32>} : memref<32x256xf32, #tpu.memory_space<vmem>>, vector<1x16xf32>,
      %get3A_1015 = vector.shape_cast %get3A_1014 : vector<1x16xf32> to vector<16xf32>
      %add3A_1016 = arith.addf %add3A_1010, %get3A_1015 : vector<16xf32>
      %get3A_1017 = arith.constant 4 : i32
      %get3A_1018 = arith.index_cast %get3A_1017 : i32 to index
      %get3A_1019 = arith.constant 80 : index
      %get3A_1020 = tpu.vector_load %arg6[%get3A_1018, %get3A_1019] {strides = array<i32>} : memref<32x256xf32, #tpu.memory_space<vmem>>, vector<1x16xf32>,
      %get3A_1021 = vector.shape_cast %get3A_1020 : vector<1x16xf32> to vector<16xf32>
      %add3A_1022 = arith.addf %add3A_1016, %get3A_1021 : vector<16xf32>
      %get3A_1023 = arith.constant 5 : i32
      %get3A_1024 = arith.index_cast %get3A_1023 : i32 to index
      %get3A_1025 = arith.constant 80 : index
      %get3A_1026 = tpu.vector_load %arg6[%get3A_1024, %get3A_1025] {strides = array<i32>} : memref<32x256xf32, #tpu.memory_space<vmem>>, vector<1x16xf32>,
      %get3A_1027 = vector.shape_cast %get3A_1026 : vector<1x16xf32> to vector<16xf32>
      %add3A_1028 = arith.addf %add3A_1022, %get3A_1027 : vector<16xf32>
      %get3A_1029 = arith.constant 6 : i32
      %get3A_1030 = arith.index_cast %get3A_1029 : i32 to index
      %get3A_1031 = arith.constant 80 : index
      %get3A_1032 = tpu.vector_load %arg6[%get3A_1030, %get3A_1031] {strides = array<i32>} : memref<32x256xf32, #tpu.memory_space<vmem>>, vector<1x16xf32>,
      %get3A_1033 = vector.shape_cast %get3A_1032 : vector<1x16xf32> to vector<16xf32>
      %add3A_1034 = arith.addf %add3A_1028, %get3A_1033 : vector<16xf32>
      %get3A_1035 = arith.constant 7 : i32
      %get3A_1036 = arith.index_cast %get3A_1035 : i32 to index
      %get3A_1037 = arith.constant 80 : index
      %get3A_1038 = tpu.vector_load %arg6[%get3A_1036, %get3A_1037] {strides = array<i32>} : memref<32x256xf32, #tpu.memory_space<vmem>>, vector<1x16xf32>,
      %get3A_1039 = vector.shape_cast %get3A_1038 : vector<1x16xf32> to vector<16xf32>
      %add3A_1040 = arith.addf %add3A_1034, %get3A_1039 : vector<16xf32>
      %get3A_1041 = arith.constant 8 : i32
      %get3A_1042 = arith.index_cast %get3A_1041 : i32 to index
      %get3A_1043 = arith.constant 80 : index
      %get3A_1044 = tpu.vector_load %arg6[%get3A_1042, %get3A_1043] {strides = array<i32>} : memref<32x256xf32, #tpu.memory_space<vmem>>, vector<1x16xf32>,
      %get3A_1045 = vector.shape_cast %get3A_1044 : vector<1x16xf32> to vector<16xf32>
      %add3A_1046 = arith.addf %add3A_1040, %get3A_1045 : vector<16xf32>
      %get3A_1047 = arith.constant 9 : i32
      %get3A_1048 = arith.index_cast %get3A_1047 : i32 to index
      %get3A_1049 = arith.constant 80 : index
      %get3A_1050 = tpu.vector_load %arg6[%get3A_1048, %get3A_1049] {strides = array<i32>} : memref<32x256xf32, #tpu.memory_space<vmem>>, vector<1x16xf32>,
      %get3A_1051 = vector.shape_cast %get3A_1050 : vector<1x16xf32> to vector<16xf32>
      %add3A_1052 = arith.addf %add3A_1046, %get3A_1051 : vector<16xf32>
      %get3A_1053 = arith.constant 10 : i32
      %get3A_1054 = arith.index_cast %get3A_1053 : i32 to index
      %get3A_1055 = arith.constant 80 : index
      %get3A_1056 = tpu.vector_load %arg6[%get3A_1054, %get3A_1055] {strides = array<i32>} : memref<32x256xf32, #tpu.memory_space<vmem>>, vector<1x16xf32>,
      %get3A_1057 = vector.shape_cast %get3A_1056 : vector<1x16xf32> to vector<16xf32>
      %add3A_1058 = arith.addf %add3A_1052, %get3A_1057 : vector<16xf32>
      %get3A_1059 = arith.constant 11 : i32
      %get3A_1060 = arith.index_cast %get3A_1059 : i32 to index
      %get3A_1061 = arith.constant 80 : index
      %get3A_1062 = tpu.vector_load %arg6[%get3A_1060, %get3A_1061] {strides = array<i32>} : memref<32x256xf32, #tpu.memory_space<vmem>>, vector<1x16xf32>,
      %get3A_1063 = vector.shape_cast %get3A_1062 : vector<1x16xf32> to vector<16xf32>
      %add3A_1064 = arith.addf %add3A_1058, %get3A_1063 : vector<16xf32>
      %get3A_1065 = arith.constant 12 : i32
      %get3A_1066 = arith.index_cast %get3A_1065 : i32 to index
      %get3A_1067 = arith.constant 80 : index
      %get3A_1068 = tpu.vector_load %arg6[%get3A_1066, %get3A_1067] {strides = array<i32>} : memref<32x256xf32, #tpu.memory_space<vmem>>, vector<1x16xf32>,
      %get3A_1069 = vector.shape_cast %get3A_1068 : vector<1x16xf32> to vector<16xf32>
      %add3A_1070 = arith.addf %add3A_1064, %get3A_1069 : vector<16xf32>
      %get3A_1071 = arith.constant 13 : i32
      %get3A_1072 = arith.index_cast %get3A_1071 : i32 to index
      %get3A_1073 = arith.constant 80 : index
      %get3A_1074 = tpu.vector_load %arg6[%get3A_1072, %get3A_1073] {strides = array<i32>} : memref<32x256xf32, #tpu.memory_space<vmem>>, vector<1x16xf32>,
      %get3A_1075 = vector.shape_cast %get3A_1074 : vector<1x16xf32> to vector<16xf32>
      %add3A_1076 = arith.addf %add3A_1070, %get3A_1075 : vector<16xf32>
      %get3A_1077 = arith.constant 14 : i32
      %get3A_1078 = arith.index_cast %get3A_1077 : i32 to index
      %get3A_1079 = arith.constant 80 : index
      %get3A_1080 = tpu.vector_load %arg6[%get3A_1078, %get3A_1079] {strides = array<i32>} : memref<32x256xf32, #tpu.memory_space<vmem>>, vector<1x16xf32>,
      %get3A_1081 = vector.shape_cast %get3A_1080 : vector<1x16xf32> to vector<16xf32>
      %add3A_1082 = arith.addf %add3A_1076, %get3A_1081 : vector<16xf32>
      %get3A_1083 = arith.constant 15 : i32
      %get3A_1084 = arith.index_cast %get3A_1083 : i32 to index
      %get3A_1085 = arith.constant 80 : index
      %get3A_1086 = tpu.vector_load %arg6[%get3A_1084, %get3A_1085] {strides = array<i32>} : memref<32x256xf32, #tpu.memory_space<vmem>>, vector<1x16xf32>,
      %get3A_1087 = vector.shape_cast %get3A_1086 : vector<1x16xf32> to vector<16xf32>
      %add3A_1088 = arith.addf %add3A_1082, %get3A_1087 : vector<16xf32>
      %get3A_1089 = arith.constant 16 : i32
      %get3A_1090 = arith.index_cast %get3A_1089 : i32 to index
      %get3A_1091 = arith.constant 80 : index
      %get3A_1092 = tpu.vector_load %arg6[%get3A_1090, %get3A_1091] {strides = array<i32>} : memref<32x256xf32, #tpu.memory_space<vmem>>, vector<1x16xf32>,
      %get3A_1093 = vector.shape_cast %get3A_1092 : vector<1x16xf32> to vector<16xf32>
      %add3A_1094 = arith.addf %add3A_1088, %get3A_1093 : vector<16xf32>
      %get3A_1095 = arith.constant 17 : i32
      %get3A_1096 = arith.index_cast %get3A_1095 : i32 to index
      %get3A_1097 = arith.constant 80 : index
      %get3A_1098 = tpu.vector_load %arg6[%get3A_1096, %get3A_1097] {strides = array<i32>} : memref<32x256xf32, #tpu.memory_space<vmem>>, vector<1x16xf32>,
      %get3A_1099 = vector.shape_cast %get3A_1098 : vector<1x16xf32> to vector<16xf32>
      %add3A_1100 = arith.addf %add3A_1094, %get3A_1099 : vector<16xf32>
      %get3A_1101 = arith.constant 18 : i32
      %get3A_1102 = arith.index_cast %get3A_1101 : i32 to index
      %get3A_1103 = arith.constant 80 : index
      %get3A_1104 = tpu.vector_load %arg6[%get3A_1102, %get3A_1103] {strides = array<i32>} : memref<32x256xf32, #tpu.memory_space<vmem>>, vector<1x16xf32>,
      %get3A_1105 = vector.shape_cast %get3A_1104 : vector<1x16xf32> to vector<16xf32>
      %add3A_1106 = arith.addf %add3A_1100, %get3A_1105 : vector<16xf32>
      %get3A_1107 = arith.constant 19 : i32
      %get3A_1108 = arith.index_cast %get3A_1107 : i32 to index
      %get3A_1109 = arith.constant 80 : index
      %get3A_1110 = tpu.vector_load %arg6[%get3A_1108, %get3A_1109] {strides = array<i32>} : memref<32x256xf32, #tpu.memory_space<vmem>>, vector<1x16xf32>,
      %get3A_1111 = vector.shape_cast %get3A_1110 : vector<1x16xf32> to vector<16xf32>
      %add3A_1112 = arith.addf %add3A_1106, %get3A_1111 : vector<16xf32>
      %get3A_1113 = arith.constant 20 : i32
      %get3A_1114 = arith.index_cast %get3A_1113 : i32 to index
      %get3A_1115 = arith.constant 80 : index
      %get3A_1116 = tpu.vector_load %arg6[%get3A_1114, %get3A_1115] {strides = array<i32>} : memref<32x256xf32, #tpu.memory_space<vmem>>, vector<1x16xf32>,
      %get3A_1117 = vector.shape_cast %get3A_1116 : vector<1x16xf32> to vector<16xf32>
      %add3A_1118 = arith.addf %add3A_1112, %get3A_1117 : vector<16xf32>
      %get3A_1119 = arith.constant 21 : i32
      %get3A_1120 = arith.index_cast %get3A_1119 : i32 to index
      %get3A_1121 = arith.constant 80 : index
      %get3A_1122 = tpu.vector_load %arg6[%get3A_1120, %get3A_1121] {strides = array<i32>} : memref<32x256xf32, #tpu.memory_space<vmem>>, vector<1x16xf32>,
      %get3A_1123 = vector.shape_cast %get3A_1122 : vector<1x16xf32> to vector<16xf32>
      %add3A_1124 = arith.addf %add3A_1118, %get3A_1123 : vector<16xf32>
      %get3A_1125 = arith.constant 22 : i32
      %get3A_1126 = arith.index_cast %get3A_1125 : i32 to index
      %get3A_1127 = arith.constant 80 : index
      %get3A_1128 = tpu.vector_load %arg6[%get3A_1126, %get3A_1127] {strides = array<i32>} : memref<32x256xf32, #tpu.memory_space<vmem>>, vector<1x16xf32>,
      %get3A_1129 = vector.shape_cast %get3A_1128 : vector<1x16xf32> to vector<16xf32>
      %add3A_1130 = arith.addf %add3A_1124, %get3A_1129 : vector<16xf32>
      %get3A_1131 = arith.constant 23 : i32
      %get3A_1132 = arith.index_cast %get3A_1131 : i32 to index
      %get3A_1133 = arith.constant 80 : index
      %get3A_1134 = tpu.vector_load %arg6[%get3A_1132, %get3A_1133] {strides = array<i32>} : memref<32x256xf32, #tpu.memory_space<vmem>>, vector<1x16xf32>,
      %get3A_1135 = vector.shape_cast %get3A_1134 : vector<1x16xf32> to vector<16xf32>
      %add3A_1136 = arith.addf %add3A_1130, %get3A_1135 : vector<16xf32>
      %get3A_1137 = arith.constant 24 : i32
      %get3A_1138 = arith.index_cast %get3A_1137 : i32 to index
      %get3A_1139 = arith.constant 80 : index
      %get3A_1140 = tpu.vector_load %arg6[%get3A_1138, %get3A_1139] {strides = array<i32>} : memref<32x256xf32, #tpu.memory_space<vmem>>, vector<1x16xf32>,
      %get3A_1141 = vector.shape_cast %get3A_1140 : vector<1x16xf32> to vector<16xf32>
      %add3A_1142 = arith.addf %add3A_1136, %get3A_1141 : vector<16xf32>
      %get3A_1143 = arith.constant 25 : i32
      %get3A_1144 = arith.index_cast %get3A_1143 : i32 to index
      %get3A_1145 = arith.constant 80 : index
      %get3A_1146 = tpu.vector_load %arg6[%get3A_1144, %get3A_1145] {strides = array<i32>} : memref<32x256xf32, #tpu.memory_space<vmem>>, vector<1x16xf32>,
      %get3A_1147 = vector.shape_cast %get3A_1146 : vector<1x16xf32> to vector<16xf32>
      %add3A_1148 = arith.addf %add3A_1142, %get3A_1147 : vector<16xf32>
      %get3A_1149 = arith.constant 26 : i32
      %get3A_1150 = arith.index_cast %get3A_1149 : i32 to index
      %get3A_1151 = arith.constant 80 : index
      %get3A_1152 = tpu.vector_load %arg6[%get3A_1150, %get3A_1151] {strides = array<i32>} : memref<32x256xf32, #tpu.memory_space<vmem>>, vector<1x16xf32>,
      %get3A_1153 = vector.shape_cast %get3A_1152 : vector<1x16xf32> to vector<16xf32>
      %add3A_1154 = arith.addf %add3A_1148, %get3A_1153 : vector<16xf32>
      %get3A_1155 = arith.constant 27 : i32
      %get3A_1156 = arith.index_cast %get3A_1155 : i32 to index
      %get3A_1157 = arith.constant 80 : index
      %get3A_1158 = tpu.vector_load %arg6[%get3A_1156, %get3A_1157] {strides = array<i32>} : memref<32x256xf32, #tpu.memory_space<vmem>>, vector<1x16xf32>,
      %get3A_1159 = vector.shape_cast %get3A_1158 : vector<1x16xf32> to vector<16xf32>
      %add3A_1160 = arith.addf %add3A_1154, %get3A_1159 : vector<16xf32>
      %get3A_1161 = arith.constant 28 : i32
      %get3A_1162 = arith.index_cast %get3A_1161 : i32 to index
      %get3A_1163 = arith.constant 80 : index
      %get3A_1164 = tpu.vector_load %arg6[%get3A_1162, %get3A_1163] {strides = array<i32>} : memref<32x256xf32, #tpu.memory_space<vmem>>, vector<1x16xf32>,
      %get3A_1165 = vector.shape_cast %get3A_1164 : vector<1x16xf32> to vector<16xf32>
      %add3A_1166 = arith.addf %add3A_1160, %get3A_1165 : vector<16xf32>
      %get3A_1167 = arith.constant 29 : i32
      %get3A_1168 = arith.index_cast %get3A_1167 : i32 to index
      %get3A_1169 = arith.constant 80 : index
      %get3A_1170 = tpu.vector_load %arg6[%get3A_1168, %get3A_1169] {strides = array<i32>} : memref<32x256xf32, #tpu.memory_space<vmem>>, vector<1x16xf32>,
      %get3A_1171 = vector.shape_cast %get3A_1170 : vector<1x16xf32> to vector<16xf32>
      %add3A_1172 = arith.addf %add3A_1166, %get3A_1171 : vector<16xf32>
      %get3A_1173 = arith.constant 30 : i32
      %get3A_1174 = arith.index_cast %get3A_1173 : i32 to index
      %get3A_1175 = arith.constant 80 : index
      %get3A_1176 = tpu.vector_load %arg6[%get3A_1174, %get3A_1175] {strides = array<i32>} : memref<32x256xf32, #tpu.memory_space<vmem>>, vector<1x16xf32>,
      %get3A_1177 = vector.shape_cast %get3A_1176 : vector<1x16xf32> to vector<16xf32>
      %add3A_1178 = arith.addf %add3A_1172, %get3A_1177 : vector<16xf32>
      %get3A_1179 = arith.constant 31 : i32
      %get3A_1180 = arith.index_cast %get3A_1179 : i32 to index
      %get3A_1181 = arith.constant 80 : index
      %get3A_1182 = tpu.vector_load %arg6[%get3A_1180, %get3A_1181] {strides = array<i32>} : memref<32x256xf32, #tpu.memory_space<vmem>>, vector<1x16xf32>,
      %get3A_1183 = vector.shape_cast %get3A_1182 : vector<1x16xf32> to vector<16xf32>
      %add3A_1184 = arith.addf %add3A_1178, %get3A_1183 : vector<16xf32>
      %mul3A_1185 = arith.constant 3.125000e-02 : f32
      %mul3A_1186 = vector.broadcast %mul3A_1185 : f32 to vector<16xf32>
      %mul3A_1187 = arith.mulf %add3A_1184, %mul3A_1186 : vector<16xf32>
      %swap3A_1188 = arith.constant 80 : index
      %swap3A_1189 = tpu.vector_load %arg7[%swap3A_1188] {strides = array<i32>} : memref<256xf32, #tpu.memory_space<vmem>>, vector<16xf32>,
      %swap3A_1190 = vector.shape_cast %swap3A_1189 : vector<16xf32> to vector<16xf32>
      %swap3A_1191 = vector.shape_cast %mul3A_1187 : vector<16xf32> to vector<16xf32>
      tpu.vector_store %arg7[%swap3A_1188], %swap3A_1191 {strides = array<i32>} : memref<256xf32, #tpu.memory_space<vmem>>, vector<16xf32>,
      %get3A_1192 = arith.constant 0 : i32
      %get3A_1193 = arith.index_cast %get3A_1192 : i32 to index
      %get3A_1194 = arith.constant 96 : index
      %get3A_1195 = tpu.vector_load %arg6[%get3A_1193, %get3A_1194] {strides = array<i32>} : memref<32x256xf32, #tpu.memory_space<vmem>>, vector<1x16xf32>,
      %get3A_1196 = vector.shape_cast %get3A_1195 : vector<1x16xf32> to vector<16xf32>
      %get3A_1197 = arith.constant 1 : i32
      %get3A_1198 = arith.index_cast %get3A_1197 : i32 to index
      %get3A_1199 = arith.constant 96 : index
      %get3A_1200 = tpu.vector_load %arg6[%get3A_1198, %get3A_1199] {strides = array<i32>} : memref<32x256xf32, #tpu.memory_space<vmem>>, vector<1x16xf32>,
      %get3A_1201 = vector.shape_cast %get3A_1200 : vector<1x16xf32> to vector<16xf32>
      %add3A_1202 = arith.addf %get3A_1196, %get3A_1201 : vector<16xf32>
      %get3A_1203 = arith.constant 2 : i32
      %get3A_1204 = arith.index_cast %get3A_1203 : i32 to index
      %get3A_1205 = arith.constant 96 : index
      %get3A_1206 = tpu.vector_load %arg6[%get3A_1204, %get3A_1205] {strides = array<i32>} : memref<32x256xf32, #tpu.memory_space<vmem>>, vector<1x16xf32>,
      %get3A_1207 = vector.shape_cast %get3A_1206 : vector<1x16xf32> to vector<16xf32>
      %add3A_1208 = arith.addf %add3A_1202, %get3A_1207 : vector<16xf32>
      %get3A_1209 = arith.constant 3 : i32
      %get3A_1210 = arith.index_cast %get3A_1209 : i32 to index
      %get3A_1211 = arith.constant 96 : index
      %get3A_1212 = tpu.vector_load %arg6[%get3A_1210, %get3A_1211] {strides = array<i32>} : memref<32x256xf32, #tpu.memory_space<vmem>>, vector<1x16xf32>,
      %get3A_1213 = vector.shape_cast %get3A_1212 : vector<1x16xf32> to vector<16xf32>
      %add3A_1214 = arith.addf %add3A_1208, %get3A_1213 : vector<16xf32>
      %get3A_1215 = arith.constant 4 : i32
      %get3A_1216 = arith.index_cast %get3A_1215 : i32 to index
      %get3A_1217 = arith.constant 96 : index
      %get3A_1218 = tpu.vector_load %arg6[%get3A_1216, %get3A_1217] {strides = array<i32>} : memref<32x256xf32, #tpu.memory_space<vmem>>, vector<1x16xf32>,
      %get3A_1219 = vector.shape_cast %get3A_1218 : vector<1x16xf32> to vector<16xf32>
      %add3A_1220 = arith.addf %add3A_1214, %get3A_1219 : vector<16xf32>
      %get3A_1221 = arith.constant 5 : i32
      %get3A_1222 = arith.index_cast %get3A_1221 : i32 to index
      %get3A_1223 = arith.constant 96 : index
      %get3A_1224 = tpu.vector_load %arg6[%get3A_1222, %get3A_1223] {strides = array<i32>} : memref<32x256xf32, #tpu.memory_space<vmem>>, vector<1x16xf32>,
      %get3A_1225 = vector.shape_cast %get3A_1224 : vector<1x16xf32> to vector<16xf32>
      %add3A_1226 = arith.addf %add3A_1220, %get3A_1225 : vector<16xf32>
      %get3A_1227 = arith.constant 6 : i32
      %get3A_1228 = arith.index_cast %get3A_1227 : i32 to index
      %get3A_1229 = arith.constant 96 : index
      %get3A_1230 = tpu.vector_load %arg6[%get3A_1228, %get3A_1229] {strides = array<i32>} : memref<32x256xf32, #tpu.memory_space<vmem>>, vector<1x16xf32>,
      %get3A_1231 = vector.shape_cast %get3A_1230 : vector<1x16xf32> to vector<16xf32>
      %add3A_1232 = arith.addf %add3A_1226, %get3A_1231 : vector<16xf32>
      %get3A_1233 = arith.constant 7 : i32
      %get3A_1234 = arith.index_cast %get3A_1233 : i32 to index
      %get3A_1235 = arith.constant 96 : index
      %get3A_1236 = tpu.vector_load %arg6[%get3A_1234, %get3A_1235] {strides = array<i32>} : memref<32x256xf32, #tpu.memory_space<vmem>>, vector<1x16xf32>,
      %get3A_1237 = vector.shape_cast %get3A_1236 : vector<1x16xf32> to vector<16xf32>
      %add3A_1238 = arith.addf %add3A_1232, %get3A_1237 : vector<16xf32>
      %get3A_1239 = arith.constant 8 : i32
      %get3A_1240 = arith.index_cast %get3A_1239 : i32 to index
      %get3A_1241 = arith.constant 96 : index
      %get3A_1242 = tpu.vector_load %arg6[%get3A_1240, %get3A_1241] {strides = array<i32>} : memref<32x256xf32, #tpu.memory_space<vmem>>, vector<1x16xf32>,
      %get3A_1243 = vector.shape_cast %get3A_1242 : vector<1x16xf32> to vector<16xf32>
      %add3A_1244 = arith.addf %add3A_1238, %get3A_1243 : vector<16xf32>
      %get3A_1245 = arith.constant 9 : i32
      %get3A_1246 = arith.index_cast %get3A_1245 : i32 to index
      %get3A_1247 = arith.constant 96 : index
      %get3A_1248 = tpu.vector_load %arg6[%get3A_1246, %get3A_1247] {strides = array<i32>} : memref<32x256xf32, #tpu.memory_space<vmem>>, vector<1x16xf32>,
      %get3A_1249 = vector.shape_cast %get3A_1248 : vector<1x16xf32> to vector<16xf32>
      %add3A_1250 = arith.addf %add3A_1244, %get3A_1249 : vector<16xf32>
      %get3A_1251 = arith.constant 10 : i32
      %get3A_1252 = arith.index_cast %get3A_1251 : i32 to index
      %get3A_1253 = arith.constant 96 : index
      %get3A_1254 = tpu.vector_load %arg6[%get3A_1252, %get3A_1253] {strides = array<i32>} : memref<32x256xf32, #tpu.memory_space<vmem>>, vector<1x16xf32>,
      %get3A_1255 = vector.shape_cast %get3A_1254 : vector<1x16xf32> to vector<16xf32>
      %add3A_1256 = arith.addf %add3A_1250, %get3A_1255 : vector<16xf32>
      %get3A_1257 = arith.constant 11 : i32
      %get3A_1258 = arith.index_cast %get3A_1257 : i32 to index
      %get3A_1259 = arith.constant 96 : index
      %get3A_1260 = tpu.vector_load %arg6[%get3A_1258, %get3A_1259] {strides = array<i32>} : memref<32x256xf32, #tpu.memory_space<vmem>>, vector<1x16xf32>,
      %get3A_1261 = vector.shape_cast %get3A_1260 : vector<1x16xf32> to vector<16xf32>
      %add3A_1262 = arith.addf %add3A_1256, %get3A_1261 : vector<16xf32>
      %get3A_1263 = arith.constant 12 : i32
      %get3A_1264 = arith.index_cast %get3A_1263 : i32 to index
      %get3A_1265 = arith.constant 96 : index
      %get3A_1266 = tpu.vector_load %arg6[%get3A_1264, %get3A_1265] {strides = array<i32>} : memref<32x256xf32, #tpu.memory_space<vmem>>, vector<1x16xf32>,
      %get3A_1267 = vector.shape_cast %get3A_1266 : vector<1x16xf32> to vector<16xf32>
      %add3A_1268 = arith.addf %add3A_1262, %get3A_1267 : vector<16xf32>
      %get3A_1269 = arith.constant 13 : i32
      %get3A_1270 = arith.index_cast %get3A_1269 : i32 to index
      %get3A_1271 = arith.constant 96 : index
      %get3A_1272 = tpu.vector_load %arg6[%get3A_1270, %get3A_1271] {strides = array<i32>} : memref<32x256xf32, #tpu.memory_space<vmem>>, vector<1x16xf32>,
      %get3A_1273 = vector.shape_cast %get3A_1272 : vector<1x16xf32> to vector<16xf32>
      %add3A_1274 = arith.addf %add3A_1268, %get3A_1273 : vector<16xf32>
      %get3A_1275 = arith.constant 14 : i32
      %get3A_1276 = arith.index_cast %get3A_1275 : i32 to index
      %get3A_1277 = arith.constant 96 : index
      %get3A_1278 = tpu.vector_load %arg6[%get3A_1276, %get3A_1277] {strides = array<i32>} : memref<32x256xf32, #tpu.memory_space<vmem>>, vector<1x16xf32>,
      %get3A_1279 = vector.shape_cast %get3A_1278 : vector<1x16xf32> to vector<16xf32>
      %add3A_1280 = arith.addf %add3A_1274, %get3A_1279 : vector<16xf32>
      %get3A_1281 = arith.constant 15 : i32
      %get3A_1282 = arith.index_cast %get3A_1281 : i32 to index
      %get3A_1283 = arith.constant 96 : index
      %get3A_1284 = tpu.vector_load %arg6[%get3A_1282, %get3A_1283] {strides = array<i32>} : memref<32x256xf32, #tpu.memory_space<vmem>>, vector<1x16xf32>,
      %get3A_1285 = vector.shape_cast %get3A_1284 : vector<1x16xf32> to vector<16xf32>
      %add3A_1286 = arith.addf %add3A_1280, %get3A_1285 : vector<16xf32>
      %get3A_1287 = arith.constant 16 : i32
      %get3A_1288 = arith.index_cast %get3A_1287 : i32 to index
      %get3A_1289 = arith.constant 96 : index
      %get3A_1290 = tpu.vector_load %arg6[%get3A_1288, %get3A_1289] {strides = array<i32>} : memref<32x256xf32, #tpu.memory_space<vmem>>, vector<1x16xf32>,
      %get3A_1291 = vector.shape_cast %get3A_1290 : vector<1x16xf32> to vector<16xf32>
      %add3A_1292 = arith.addf %add3A_1286, %get3A_1291 : vector<16xf32>
      %get3A_1293 = arith.constant 17 : i32
      %get3A_1294 = arith.index_cast %get3A_1293 : i32 to index
      %get3A_1295 = arith.constant 96 : index
      %get3A_1296 = tpu.vector_load %arg6[%get3A_1294, %get3A_1295] {strides = array<i32>} : memref<32x256xf32, #tpu.memory_space<vmem>>, vector<1x16xf32>,
      %get3A_1297 = vector.shape_cast %get3A_1296 : vector<1x16xf32> to vector<16xf32>
      %add3A_1298 = arith.addf %add3A_1292, %get3A_1297 : vector<16xf32>
      %get3A_1299 = arith.constant 18 : i32
      %get3A_1300 = arith.index_cast %get3A_1299 : i32 to index
      %get3A_1301 = arith.constant 96 : index
      %get3A_1302 = tpu.vector_load %arg6[%get3A_1300, %get3A_1301] {strides = array<i32>} : memref<32x256xf32, #tpu.memory_space<vmem>>, vector<1x16xf32>,
      %get3A_1303 = vector.shape_cast %get3A_1302 : vector<1x16xf32> to vector<16xf32>
      %add3A_1304 = arith.addf %add3A_1298, %get3A_1303 : vector<16xf32>
      %get3A_1305 = arith.constant 19 : i32
      %get3A_1306 = arith.index_cast %get3A_1305 : i32 to index
      %get3A_1307 = arith.constant 96 : index
      %get3A_1308 = tpu.vector_load %arg6[%get3A_1306, %get3A_1307] {strides = array<i32>} : memref<32x256xf32, #tpu.memory_space<vmem>>, vector<1x16xf32>,
      %get3A_1309 = vector.shape_cast %get3A_1308 : vector<1x16xf32> to vector<16xf32>
      %add3A_1310 = arith.addf %add3A_1304, %get3A_1309 : vector<16xf32>
      %get3A_1311 = arith.constant 20 : i32
      %get3A_1312 = arith.index_cast %get3A_1311 : i32 to index
      %get3A_1313 = arith.constant 96 : index
      %get3A_1314 = tpu.vector_load %arg6[%get3A_1312, %get3A_1313] {strides = array<i32>} : memref<32x256xf32, #tpu.memory_space<vmem>>, vector<1x16xf32>,
      %get3A_1315 = vector.shape_cast %get3A_1314 : vector<1x16xf32> to vector<16xf32>
      %add3A_1316 = arith.addf %add3A_1310, %get3A_1315 : vector<16xf32>
      %get3A_1317 = arith.constant 21 : i32
      %get3A_1318 = arith.index_cast %get3A_1317 : i32 to index
      %get3A_1319 = arith.constant 96 : index
      %get3A_1320 = tpu.vector_load %arg6[%get3A_1318, %get3A_1319] {strides = array<i32>} : memref<32x256xf32, #tpu.memory_space<vmem>>, vector<1x16xf32>,
      %get3A_1321 = vector.shape_cast %get3A_1320 : vector<1x16xf32> to vector<16xf32>
      %add3A_1322 = arith.addf %add3A_1316, %get3A_1321 : vector<16xf32>
      %get3A_1323 = arith.constant 22 : i32
      %get3A_1324 = arith.index_cast %get3A_1323 : i32 to index
      %get3A_1325 = arith.constant 96 : index
      %get3A_1326 = tpu.vector_load %arg6[%get3A_1324, %get3A_1325] {strides = array<i32>} : memref<32x256xf32, #tpu.memory_space<vmem>>, vector<1x16xf32>,
      %get3A_1327 = vector.shape_cast %get3A_1326 : vector<1x16xf32> to vector<16xf32>
      %add3A_1328 = arith.addf %add3A_1322, %get3A_1327 : vector<16xf32>
      %get3A_1329 = arith.constant 23 : i32
      %get3A_1330 = arith.index_cast %get3A_1329 : i32 to index
      %get3A_1331 = arith.constant 96 : index
      %get3A_1332 = tpu.vector_load %arg6[%get3A_1330, %get3A_1331] {strides = array<i32>} : memref<32x256xf32, #tpu.memory_space<vmem>>, vector<1x16xf32>,
      %get3A_1333 = vector.shape_cast %get3A_1332 : vector<1x16xf32> to vector<16xf32>
      %add3A_1334 = arith.addf %add3A_1328, %get3A_1333 : vector<16xf32>
      %get3A_1335 = arith.constant 24 : i32
      %get3A_1336 = arith.index_cast %get3A_1335 : i32 to index
      %get3A_1337 = arith.constant 96 : index
      %get3A_1338 = tpu.vector_load %arg6[%get3A_1336, %get3A_1337] {strides = array<i32>} : memref<32x256xf32, #tpu.memory_space<vmem>>, vector<1x16xf32>,
      %get3A_1339 = vector.shape_cast %get3A_1338 : vector<1x16xf32> to vector<16xf32>
      %add3A_1340 = arith.addf %add3A_1334, %get3A_1339 : vector<16xf32>
      %get3A_1341 = arith.constant 25 : i32
      %get3A_1342 = arith.index_cast %get3A_1341 : i32 to index
      %get3A_1343 = arith.constant 96 : index
      %get3A_1344 = tpu.vector_load %arg6[%get3A_1342, %get3A_1343] {strides = array<i32>} : memref<32x256xf32, #tpu.memory_space<vmem>>, vector<1x16xf32>,
      %get3A_1345 = vector.shape_cast %get3A_1344 : vector<1x16xf32> to vector<16xf32>
      %add3A_1346 = arith.addf %add3A_1340, %get3A_1345 : vector<16xf32>
      %get3A_1347 = arith.constant 26 : i32
      %get3A_1348 = arith.index_cast %get3A_1347 : i32 to index
      %get3A_1349 = arith.constant 96 : index
      %get3A_1350 = tpu.vector_load %arg6[%get3A_1348, %get3A_1349] {strides = array<i32>} : memref<32x256xf32, #tpu.memory_space<vmem>>, vector<1x16xf32>,
      %get3A_1351 = vector.shape_cast %get3A_1350 : vector<1x16xf32> to vector<16xf32>
      %add3A_1352 = arith.addf %add3A_1346, %get3A_1351 : vector<16xf32>
      %get3A_1353 = arith.constant 27 : i32
      %get3A_1354 = arith.index_cast %get3A_1353 : i32 to index
      %get3A_1355 = arith.constant 96 : index
      %get3A_1356 = tpu.vector_load %arg6[%get3A_1354, %get3A_1355] {strides = array<i32>} : memref<32x256xf32, #tpu.memory_space<vmem>>, vector<1x16xf32>,
      %get3A_1357 = vector.shape_cast %get3A_1356 : vector<1x16xf32> to vector<16xf32>
      %add3A_1358 = arith.addf %add3A_1352, %get3A_1357 : vector<16xf32>
      %get3A_1359 = arith.constant 28 : i32
      %get3A_1360 = arith.index_cast %get3A_1359 : i32 to index
      %get3A_1361 = arith.constant 96 : index
      %get3A_1362 = tpu.vector_load %arg6[%get3A_1360, %get3A_1361] {strides = array<i32>} : memref<32x256xf32, #tpu.memory_space<vmem>>, vector<1x16xf32>,
      %get3A_1363 = vector.shape_cast %get3A_1362 : vector<1x16xf32> to vector<16xf32>
      %add3A_1364 = arith.addf %add3A_1358, %get3A_1363 : vector<16xf32>
      %get3A_1365 = arith.constant 29 : i32
      %get3A_1366 = arith.index_cast %get3A_1365 : i32 to index
      %get3A_1367 = arith.constant 96 : index
      %get3A_1368 = tpu.vector_load %arg6[%get3A_1366, %get3A_1367] {strides = array<i32>} : memref<32x256xf32, #tpu.memory_space<vmem>>, vector<1x16xf32>,
      %get3A_1369 = vector.shape_cast %get3A_1368 : vector<1x16xf32> to vector<16xf32>
      %add3A_1370 = arith.addf %add3A_1364, %get3A_1369 : vector<16xf32>
      %get3A_1371 = arith.constant 30 : i32
      %get3A_1372 = arith.index_cast %get3A_1371 : i32 to index
      %get3A_1373 = arith.constant 96 : index
      %get3A_1374 = tpu.vector_load %arg6[%get3A_1372, %get3A_1373] {strides = array<i32>} : memref<32x256xf32, #tpu.memory_space<vmem>>, vector<1x16xf32>,
      %get3A_1375 = vector.shape_cast %get3A_1374 : vector<1x16xf32> to vector<16xf32>
      %add3A_1376 = arith.addf %add3A_1370, %get3A_1375 : vector<16xf32>
      %get3A_1377 = arith.constant 31 : i32
      %get3A_1378 = arith.index_cast %get3A_1377 : i32 to index
      %get3A_1379 = arith.constant 96 : index
      %get3A_1380 = tpu.vector_load %arg6[%get3A_1378, %get3A_1379] {strides = array<i32>} : memref<32x256xf32, #tpu.memory_space<vmem>>, vector<1x16xf32>,
      %get3A_1381 = vector.shape_cast %get3A_1380 : vector<1x16xf32> to vector<16xf32>
      %add3A_1382 = arith.addf %add3A_1376, %get3A_1381 : vector<16xf32>
      %mul3A_1383 = arith.constant 3.125000e-02 : f32
      %mul3A_1384 = vector.broadcast %mul3A_1383 : f32 to vector<16xf32>
      %mul3A_1385 = arith.mulf %add3A_1382, %mul3A_1384 : vector<16xf32>
      %swap3A_1386 = arith.constant 96 : index
      %swap3A_1387 = tpu.vector_load %arg7[%swap3A_1386] {strides = array<i32>} : memref<256xf32, #tpu.memory_space<vmem>>, vector<16xf32>,
      %swap3A_1388 = vector.shape_cast %swap3A_1387 : vector<16xf32> to vector<16xf32>
      %swap3A_1389 = vector.shape_cast %mul3A_1385 : vector<16xf32> to vector<16xf32>
      tpu.vector_store %arg7[%swap3A_1386], %swap3A_1389 {strides = array<i32>} : memref<256xf32, #tpu.memory_space<vmem>>, vector<16xf32>,
      %get3A_1390 = arith.constant 0 : i32
      %get3A_1391 = arith.index_cast %get3A_1390 : i32 to index
      %get3A_1392 = arith.constant 112 : index
      %get3A_1393 = tpu.vector_load %arg6[%get3A_1391, %get3A_1392] {strides = array<i32>} : memref<32x256xf32, #tpu.memory_space<vmem>>, vector<1x16xf32>,
      %get3A_1394 = vector.shape_cast %get3A_1393 : vector<1x16xf32> to vector<16xf32>
      %get3A_1395 = arith.constant 1 : i32
      %get3A_1396 = arith.index_cast %get3A_1395 : i32 to index
      %get3A_1397 = arith.constant 112 : index
      %get3A_1398 = tpu.vector_load %arg6[%get3A_1396, %get3A_1397] {strides = array<i32>} : memref<32x256xf32, #tpu.memory_space<vmem>>, vector<1x16xf32>,
      %get3A_1399 = vector.shape_cast %get3A_1398 : vector<1x16xf32> to vector<16xf32>
      %add3A_1400 = arith.addf %get3A_1394, %get3A_1399 : vector<16xf32>
      %get3A_1401 = arith.constant 2 : i32
      %get3A_1402 = arith.index_cast %get3A_1401 : i32 to index
      %get3A_1403 = arith.constant 112 : index
      %get3A_1404 = tpu.vector_load %arg6[%get3A_1402, %get3A_1403] {strides = array<i32>} : memref<32x256xf32, #tpu.memory_space<vmem>>, vector<1x16xf32>,
      %get3A_1405 = vector.shape_cast %get3A_1404 : vector<1x16xf32> to vector<16xf32>
      %add3A_1406 = arith.addf %add3A_1400, %get3A_1405 : vector<16xf32>
      %get3A_1407 = arith.constant 3 : i32
      %get3A_1408 = arith.index_cast %get3A_1407 : i32 to index
      %get3A_1409 = arith.constant 112 : index
      %get3A_1410 = tpu.vector_load %arg6[%get3A_1408, %get3A_1409] {strides = array<i32>} : memref<32x256xf32, #tpu.memory_space<vmem>>, vector<1x16xf32>,
      %get3A_1411 = vector.shape_cast %get3A_1410 : vector<1x16xf32> to vector<16xf32>
      %add3A_1412 = arith.addf %add3A_1406, %get3A_1411 : vector<16xf32>
      %get3A_1413 = arith.constant 4 : i32
      %get3A_1414 = arith.index_cast %get3A_1413 : i32 to index
      %get3A_1415 = arith.constant 112 : index
      %get3A_1416 = tpu.vector_load %arg6[%get3A_1414, %get3A_1415] {strides = array<i32>} : memref<32x256xf32, #tpu.memory_space<vmem>>, vector<1x16xf32>,
      %get3A_1417 = vector.shape_cast %get3A_1416 : vector<1x16xf32> to vector<16xf32>
      %add3A_1418 = arith.addf %add3A_1412, %get3A_1417 : vector<16xf32>
      %get3A_1419 = arith.constant 5 : i32
      %get3A_1420 = arith.index_cast %get3A_1419 : i32 to index
      %get3A_1421 = arith.constant 112 : index
      %get3A_1422 = tpu.vector_load %arg6[%get3A_1420, %get3A_1421] {strides = array<i32>} : memref<32x256xf32, #tpu.memory_space<vmem>>, vector<1x16xf32>,
      %get3A_1423 = vector.shape_cast %get3A_1422 : vector<1x16xf32> to vector<16xf32>
      %add3A_1424 = arith.addf %add3A_1418, %get3A_1423 : vector<16xf32>
      %get3A_1425 = arith.constant 6 : i32
      %get3A_1426 = arith.index_cast %get3A_1425 : i32 to index
      %get3A_1427 = arith.constant 112 : index
      %get3A_1428 = tpu.vector_load %arg6[%get3A_1426, %get3A_1427] {strides = array<i32>} : memref<32x256xf32, #tpu.memory_space<vmem>>, vector<1x16xf32>,
      %get3A_1429 = vector.shape_cast %get3A_1428 : vector<1x16xf32> to vector<16xf32>
      %add3A_1430 = arith.addf %add3A_1424, %get3A_1429 : vector<16xf32>
      %get3A_1431 = arith.constant 7 : i32
      %get3A_1432 = arith.index_cast %get3A_1431 : i32 to index
      %get3A_1433 = arith.constant 112 : index
      %get3A_1434 = tpu.vector_load %arg6[%get3A_1432, %get3A_1433] {strides = array<i32>} : memref<32x256xf32, #tpu.memory_space<vmem>>, vector<1x16xf32>,
      %get3A_1435 = vector.shape_cast %get3A_1434 : vector<1x16xf32> to vector<16xf32>
      %add3A_1436 = arith.addf %add3A_1430, %get3A_1435 : vector<16xf32>
      %get3A_1437 = arith.constant 8 : i32
      %get3A_1438 = arith.index_cast %get3A_1437 : i32 to index
      %get3A_1439 = arith.constant 112 : index
      %get3A_1440 = tpu.vector_load %arg6[%get3A_1438, %get3A_1439] {strides = array<i32>} : memref<32x256xf32, #tpu.memory_space<vmem>>, vector<1x16xf32>,
      %get3A_1441 = vector.shape_cast %get3A_1440 : vector<1x16xf32> to vector<16xf32>
      %add3A_1442 = arith.addf %add3A_1436, %get3A_1441 : vector<16xf32>
      %get3A_1443 = arith.constant 9 : i32
      %get3A_1444 = arith.index_cast %get3A_1443 : i32 to index
      %get3A_1445 = arith.constant 112 : index
      %get3A_1446 = tpu.vector_load %arg6[%get3A_1444, %get3A_1445] {strides = array<i32>} : memref<32x256xf32, #tpu.memory_space<vmem>>, vector<1x16xf32>,
      %get3A_1447 = vector.shape_cast %get3A_1446 : vector<1x16xf32> to vector<16xf32>
      %add3A_1448 = arith.addf %add3A_1442, %get3A_1447 : vector<16xf32>
      %get3A_1449 = arith.constant 10 : i32
      %get3A_1450 = arith.index_cast %get3A_1449 : i32 to index
      %get3A_1451 = arith.constant 112 : index
      %get3A_1452 = tpu.vector_load %arg6[%get3A_1450, %get3A_1451] {strides = array<i32>} : memref<32x256xf32, #tpu.memory_space<vmem>>, vector<1x16xf32>,
      %get3A_1453 = vector.shape_cast %get3A_1452 : vector<1x16xf32> to vector<16xf32>
      %add3A_1454 = arith.addf %add3A_1448, %get3A_1453 : vector<16xf32>
      %get3A_1455 = arith.constant 11 : i32
      %get3A_1456 = arith.index_cast %get3A_1455 : i32 to index
      %get3A_1457 = arith.constant 112 : index
      %get3A_1458 = tpu.vector_load %arg6[%get3A_1456, %get3A_1457] {strides = array<i32>} : memref<32x256xf32, #tpu.memory_space<vmem>>, vector<1x16xf32>,
      %get3A_1459 = vector.shape_cast %get3A_1458 : vector<1x16xf32> to vector<16xf32>
      %add3A_1460 = arith.addf %add3A_1454, %get3A_1459 : vector<16xf32>
      %get3A_1461 = arith.constant 12 : i32
      %get3A_1462 = arith.index_cast %get3A_1461 : i32 to index
      %get3A_1463 = arith.constant 112 : index
      %get3A_1464 = tpu.vector_load %arg6[%get3A_1462, %get3A_1463] {strides = array<i32>} : memref<32x256xf32, #tpu.memory_space<vmem>>, vector<1x16xf32>,
      %get3A_1465 = vector.shape_cast %get3A_1464 : vector<1x16xf32> to vector<16xf32>
      %add3A_1466 = arith.addf %add3A_1460, %get3A_1465 : vector<16xf32>
      %get3A_1467 = arith.constant 13 : i32
      %get3A_1468 = arith.index_cast %get3A_1467 : i32 to index
      %get3A_1469 = arith.constant 112 : index
      %get3A_1470 = tpu.vector_load %arg6[%get3A_1468, %get3A_1469] {strides = array<i32>} : memref<32x256xf32, #tpu.memory_space<vmem>>, vector<1x16xf32>,
      %get3A_1471 = vector.shape_cast %get3A_1470 : vector<1x16xf32> to vector<16xf32>
      %add3A_1472 = arith.addf %add3A_1466, %get3A_1471 : vector<16xf32>
      %get3A_1473 = arith.constant 14 : i32
      %get3A_1474 = arith.index_cast %get3A_1473 : i32 to index
      %get3A_1475 = arith.constant 112 : index
      %get3A_1476 = tpu.vector_load %arg6[%get3A_1474, %get3A_1475] {strides = array<i32>} : memref<32x256xf32, #tpu.memory_space<vmem>>, vector<1x16xf32>,
      %get3A_1477 = vector.shape_cast %get3A_1476 : vector<1x16xf32> to vector<16xf32>
      %add3A_1478 = arith.addf %add3A_1472, %get3A_1477 : vector<16xf32>
      %get3A_1479 = arith.constant 15 : i32
      %get3A_1480 = arith.index_cast %get3A_1479 : i32 to index
      %get3A_1481 = arith.constant 112 : index
      %get3A_1482 = tpu.vector_load %arg6[%get3A_1480, %get3A_1481] {strides = array<i32>} : memref<32x256xf32, #tpu.memory_space<vmem>>, vector<1x16xf32>,
      %get3A_1483 = vector.shape_cast %get3A_1482 : vector<1x16xf32> to vector<16xf32>
      %add3A_1484 = arith.addf %add3A_1478, %get3A_1483 : vector<16xf32>
      %get3A_1485 = arith.constant 16 : i32
      %get3A_1486 = arith.index_cast %get3A_1485 : i32 to index
      %get3A_1487 = arith.constant 112 : index
      %get3A_1488 = tpu.vector_load %arg6[%get3A_1486, %get3A_1487] {strides = array<i32>} : memref<32x256xf32, #tpu.memory_space<vmem>>, vector<1x16xf32>,
      %get3A_1489 = vector.shape_cast %get3A_1488 : vector<1x16xf32> to vector<16xf32>
      %add3A_1490 = arith.addf %add3A_1484, %get3A_1489 : vector<16xf32>
      %get3A_1491 = arith.constant 17 : i32
      %get3A_1492 = arith.index_cast %get3A_1491 : i32 to index
      %get3A_1493 = arith.constant 112 : index
      %get3A_1494 = tpu.vector_load %arg6[%get3A_1492, %get3A_1493] {strides = array<i32>} : memref<32x256xf32, #tpu.memory_space<vmem>>, vector<1x16xf32>,
      %get3A_1495 = vector.shape_cast %get3A_1494 : vector<1x16xf32> to vector<16xf32>
      %add3A_1496 = arith.addf %add3A_1490, %get3A_1495 : vector<16xf32>
      %get3A_1497 = arith.constant 18 : i32
      %get3A_1498 = arith.index_cast %get3A_1497 : i32 to index
      %get3A_1499 = arith.constant 112 : index
      %get3A_1500 = tpu.vector_load %arg6[%get3A_1498, %get3A_1499] {strides = array<i32>} : memref<32x256xf32, #tpu.memory_space<vmem>>, vector<1x16xf32>,
      %get3A_1501 = vector.shape_cast %get3A_1500 : vector<1x16xf32> to vector<16xf32>
      %add3A_1502 = arith.addf %add3A_1496, %get3A_1501 : vector<16xf32>
      %get3A_1503 = arith.constant 19 : i32
      %get3A_1504 = arith.index_cast %get3A_1503 : i32 to index
      %get3A_1505 = arith.constant 112 : index
      %get3A_1506 = tpu.vector_load %arg6[%get3A_1504, %get3A_1505] {strides = array<i32>} : memref<32x256xf32, #tpu.memory_space<vmem>>, vector<1x16xf32>,
      %get3A_1507 = vector.shape_cast %get3A_1506 : vector<1x16xf32> to vector<16xf32>
      %add3A_1508 = arith.addf %add3A_1502, %get3A_1507 : vector<16xf32>
      %get3A_1509 = arith.constant 20 : i32
      %get3A_1510 = arith.index_cast %get3A_1509 : i32 to index
      %get3A_1511 = arith.constant 112 : index
      %get3A_1512 = tpu.vector_load %arg6[%get3A_1510, %get3A_1511] {strides = array<i32>} : memref<32x256xf32, #tpu.memory_space<vmem>>, vector<1x16xf32>,
      %get3A_1513 = vector.shape_cast %get3A_1512 : vector<1x16xf32> to vector<16xf32>
      %add3A_1514 = arith.addf %add3A_1508, %get3A_1513 : vector<16xf32>
      %get3A_1515 = arith.constant 21 : i32
      %get3A_1516 = arith.index_cast %get3A_1515 : i32 to index
      %get3A_1517 = arith.constant 112 : index
      %get3A_1518 = tpu.vector_load %arg6[%get3A_1516, %get3A_1517] {strides = array<i32>} : memref<32x256xf32, #tpu.memory_space<vmem>>, vector<1x16xf32>,
      %get3A_1519 = vector.shape_cast %get3A_1518 : vector<1x16xf32> to vector<16xf32>
      %add3A_1520 = arith.addf %add3A_1514, %get3A_1519 : vector<16xf32>
      %get3A_1521 = arith.constant 22 : i32
      %get3A_1522 = arith.index_cast %get3A_1521 : i32 to index
      %get3A_1523 = arith.constant 112 : index
      %get3A_1524 = tpu.vector_load %arg6[%get3A_1522, %get3A_1523] {strides = array<i32>} : memref<32x256xf32, #tpu.memory_space<vmem>>, vector<1x16xf32>,
      %get3A_1525 = vector.shape_cast %get3A_1524 : vector<1x16xf32> to vector<16xf32>
      %add3A_1526 = arith.addf %add3A_1520, %get3A_1525 : vector<16xf32>
      %get3A_1527 = arith.constant 23 : i32
      %get3A_1528 = arith.index_cast %get3A_1527 : i32 to index
      %get3A_1529 = arith.constant 112 : index
      %get3A_1530 = tpu.vector_load %arg6[%get3A_1528, %get3A_1529] {strides = array<i32>} : memref<32x256xf32, #tpu.memory_space<vmem>>, vector<1x16xf32>,
      %get3A_1531 = vector.shape_cast %get3A_1530 : vector<1x16xf32> to vector<16xf32>
      %add3A_1532 = arith.addf %add3A_1526, %get3A_1531 : vector<16xf32>
      %get3A_1533 = arith.constant 24 : i32
      %get3A_1534 = arith.index_cast %get3A_1533 : i32 to index
      %get3A_1535 = arith.constant 112 : index
      %get3A_1536 = tpu.vector_load %arg6[%get3A_1534, %get3A_1535] {strides = array<i32>} : memref<32x256xf32, #tpu.memory_space<vmem>>, vector<1x16xf32>,
      %get3A_1537 = vector.shape_cast %get3A_1536 : vector<1x16xf32> to vector<16xf32>
      %add3A_1538 = arith.addf %add3A_1532, %get3A_1537 : vector<16xf32>
      %get3A_1539 = arith.constant 25 : i32
      %get3A_1540 = arith.index_cast %get3A_1539 : i32 to index
      %get3A_1541 = arith.constant 112 : index
      %get3A_1542 = tpu.vector_load %arg6[%get3A_1540, %get3A_1541] {strides = array<i32>} : memref<32x256xf32, #tpu.memory_space<vmem>>, vector<1x16xf32>,
      %get3A_1543 = vector.shape_cast %get3A_1542 : vector<1x16xf32> to vector<16xf32>
      %add3A_1544 = arith.addf %add3A_1538, %get3A_1543 : vector<16xf32>
      %get3A_1545 = arith.constant 26 : i32
      %get3A_1546 = arith.index_cast %get3A_1545 : i32 to index
      %get3A_1547 = arith.constant 112 : index
      %get3A_1548 = tpu.vector_load %arg6[%get3A_1546, %get3A_1547] {strides = array<i32>} : memref<32x256xf32, #tpu.memory_space<vmem>>, vector<1x16xf32>,
      %get3A_1549 = vector.shape_cast %get3A_1548 : vector<1x16xf32> to vector<16xf32>
      %add3A_1550 = arith.addf %add3A_1544, %get3A_1549 : vector<16xf32>
      %get3A_1551 = arith.constant 27 : i32
      %get3A_1552 = arith.index_cast %get3A_1551 : i32 to index
      %get3A_1553 = arith.constant 112 : index
      %get3A_1554 = tpu.vector_load %arg6[%get3A_1552, %get3A_1553] {strides = array<i32>} : memref<32x256xf32, #tpu.memory_space<vmem>>, vector<1x16xf32>,
      %get3A_1555 = vector.shape_cast %get3A_1554 : vector<1x16xf32> to vector<16xf32>
      %add3A_1556 = arith.addf %add3A_1550, %get3A_1555 : vector<16xf32>
      %get3A_1557 = arith.constant 28 : i32
      %get3A_1558 = arith.index_cast %get3A_1557 : i32 to index
      %get3A_1559 = arith.constant 112 : index
      %get3A_1560 = tpu.vector_load %arg6[%get3A_1558, %get3A_1559] {strides = array<i32>} : memref<32x256xf32, #tpu.memory_space<vmem>>, vector<1x16xf32>,
      %get3A_1561 = vector.shape_cast %get3A_1560 : vector<1x16xf32> to vector<16xf32>
      %add3A_1562 = arith.addf %add3A_1556, %get3A_1561 : vector<16xf32>
      %get3A_1563 = arith.constant 29 : i32
      %get3A_1564 = arith.index_cast %get3A_1563 : i32 to index
      %get3A_1565 = arith.constant 112 : index
      %get3A_1566 = tpu.vector_load %arg6[%get3A_1564, %get3A_1565] {strides = array<i32>} : memref<32x256xf32, #tpu.memory_space<vmem>>, vector<1x16xf32>,
      %get3A_1567 = vector.shape_cast %get3A_1566 : vector<1x16xf32> to vector<16xf32>
      %add3A_1568 = arith.addf %add3A_1562, %get3A_1567 : vector<16xf32>
      %get3A_1569 = arith.constant 30 : i32
      %get3A_1570 = arith.index_cast %get3A_1569 : i32 to index
      %get3A_1571 = arith.constant 112 : index
      %get3A_1572 = tpu.vector_load %arg6[%get3A_1570, %get3A_1571] {strides = array<i32>} : memref<32x256xf32, #tpu.memory_space<vmem>>, vector<1x16xf32>,
      %get3A_1573 = vector.shape_cast %get3A_1572 : vector<1x16xf32> to vector<16xf32>
      %add3A_1574 = arith.addf %add3A_1568, %get3A_1573 : vector<16xf32>
      %get3A_1575 = arith.constant 31 : i32
      %get3A_1576 = arith.index_cast %get3A_1575 : i32 to index
      %get3A_1577 = arith.constant 112 : index
      %get3A_1578 = tpu.vector_load %arg6[%get3A_1576, %get3A_1577] {strides = array<i32>} : memref<32x256xf32, #tpu.memory_space<vmem>>, vector<1x16xf32>,
      %get3A_1579 = vector.shape_cast %get3A_1578 : vector<1x16xf32> to vector<16xf32>
      %add3A_1580 = arith.addf %add3A_1574, %get3A_1579 : vector<16xf32>
      %mul3A_1581 = arith.constant 3.125000e-02 : f32
      %mul3A_1582 = vector.broadcast %mul3A_1581 : f32 to vector<16xf32>
      %mul3A_1583 = arith.mulf %add3A_1580, %mul3A_1582 : vector<16xf32>
      %swap3A_1584 = arith.constant 112 : index
      %swap3A_1585 = tpu.vector_load %arg7[%swap3A_1584] {strides = array<i32>} : memref<256xf32, #tpu.memory_space<vmem>>, vector<16xf32>,
      %swap3A_1586 = vector.shape_cast %swap3A_1585 : vector<16xf32> to vector<16xf32>
      %swap3A_1587 = vector.shape_cast %mul3A_1583 : vector<16xf32> to vector<16xf32>
      tpu.vector_store %arg7[%swap3A_1584], %swap3A_1587 {strides = array<i32>} : memref<256xf32, #tpu.memory_space<vmem>>, vector<16xf32>,
      %get3A_1588 = arith.constant 0 : i32
      %get3A_1589 = arith.index_cast %get3A_1588 : i32 to index
      %get3A_1590 = arith.constant 128 : index
      %get3A_1591 = tpu.vector_load %arg6[%get3A_1589, %get3A_1590] {strides = array<i32>} : memref<32x256xf32, #tpu.memory_space<vmem>>, vector<1x16xf32>,
      %get3A_1592 = vector.shape_cast %get3A_1591 : vector<1x16xf32> to vector<16xf32>
      %get3A_1593 = arith.constant 1 : i32
      %get3A_1594 = arith.index_cast %get3A_1593 : i32 to index
      %get3A_1595 = arith.constant 128 : index
      %get3A_1596 = tpu.vector_load %arg6[%get3A_1594, %get3A_1595] {strides = array<i32>} : memref<32x256xf32, #tpu.memory_space<vmem>>, vector<1x16xf32>,
      %get3A_1597 = vector.shape_cast %get3A_1596 : vector<1x16xf32> to vector<16xf32>
      %add3A_1598 = arith.addf %get3A_1592, %get3A_1597 : vector<16xf32>
      %get3A_1599 = arith.constant 2 : i32
      %get3A_1600 = arith.index_cast %get3A_1599 : i32 to index
      %get3A_1601 = arith.constant 128 : index
      %get3A_1602 = tpu.vector_load %arg6[%get3A_1600, %get3A_1601] {strides = array<i32>} : memref<32x256xf32, #tpu.memory_space<vmem>>, vector<1x16xf32>,
      %get3A_1603 = vector.shape_cast %get3A_1602 : vector<1x16xf32> to vector<16xf32>
      %add3A_1604 = arith.addf %add3A_1598, %get3A_1603 : vector<16xf32>
      %get3A_1605 = arith.constant 3 : i32
      %get3A_1606 = arith.index_cast %get3A_1605 : i32 to index
      %get3A_1607 = arith.constant 128 : index
      %get3A_1608 = tpu.vector_load %arg6[%get3A_1606, %get3A_1607] {strides = array<i32>} : memref<32x256xf32, #tpu.memory_space<vmem>>, vector<1x16xf32>,
      %get3A_1609 = vector.shape_cast %get3A_1608 : vector<1x16xf32> to vector<16xf32>
      %add3A_1610 = arith.addf %add3A_1604, %get3A_1609 : vector<16xf32>
      %get3A_1611 = arith.constant 4 : i32
      %get3A_1612 = arith.index_cast %get3A_1611 : i32 to index
      %get3A_1613 = arith.constant 128 : index
      %get3A_1614 = tpu.vector_load %arg6[%get3A_1612, %get3A_1613] {strides = array<i32>} : memref<32x256xf32, #tpu.memory_space<vmem>>, vector<1x16xf32>,
      %get3A_1615 = vector.shape_cast %get3A_1614 : vector<1x16xf32> to vector<16xf32>
      %add3A_1616 = arith.addf %add3A_1610, %get3A_1615 : vector<16xf32>
      %get3A_1617 = arith.constant 5 : i32
      %get3A_1618 = arith.index_cast %get3A_1617 : i32 to index
      %get3A_1619 = arith.constant 128 : index
      %get3A_1620 = tpu.vector_load %arg6[%get3A_1618, %get3A_1619] {strides = array<i32>} : memref<32x256xf32, #tpu.memory_space<vmem>>, vector<1x16xf32>,
      %get3A_1621 = vector.shape_cast %get3A_1620 : vector<1x16xf32> to vector<16xf32>
      %add3A_1622 = arith.addf %add3A_1616, %get3A_1621 : vector<16xf32>
      %get3A_1623 = arith.constant 6 : i32
      %get3A_1624 = arith.index_cast %get3A_1623 : i32 to index
      %get3A_1625 = arith.constant 128 : index
      %get3A_1626 = tpu.vector_load %arg6[%get3A_1624, %get3A_1625] {strides = array<i32>} : memref<32x256xf32, #tpu.memory_space<vmem>>, vector<1x16xf32>,
      %get3A_1627 = vector.shape_cast %get3A_1626 : vector<1x16xf32> to vector<16xf32>
      %add3A_1628 = arith.addf %add3A_1622, %get3A_1627 : vector<16xf32>
      %get3A_1629 = arith.constant 7 : i32
      %get3A_1630 = arith.index_cast %get3A_1629 : i32 to index
      %get3A_1631 = arith.constant 128 : index
      %get3A_1632 = tpu.vector_load %arg6[%get3A_1630, %get3A_1631] {strides = array<i32>} : memref<32x256xf32, #tpu.memory_space<vmem>>, vector<1x16xf32>,
      %get3A_1633 = vector.shape_cast %get3A_1632 : vector<1x16xf32> to vector<16xf32>
      %add3A_1634 = arith.addf %add3A_1628, %get3A_1633 : vector<16xf32>
      %get3A_1635 = arith.constant 8 : i32
      %get3A_1636 = arith.index_cast %get3A_1635 : i32 to index
      %get3A_1637 = arith.constant 128 : index
      %get3A_1638 = tpu.vector_load %arg6[%get3A_1636, %get3A_1637] {strides = array<i32>} : memref<32x256xf32, #tpu.memory_space<vmem>>, vector<1x16xf32>,
      %get3A_1639 = vector.shape_cast %get3A_1638 : vector<1x16xf32> to vector<16xf32>
      %add3A_1640 = arith.addf %add3A_1634, %get3A_1639 : vector<16xf32>
      %get3A_1641 = arith.constant 9 : i32
      %get3A_1642 = arith.index_cast %get3A_1641 : i32 to index
      %get3A_1643 = arith.constant 128 : index
      %get3A_1644 = tpu.vector_load %arg6[%get3A_1642, %get3A_1643] {strides = array<i32>} : memref<32x256xf32, #tpu.memory_space<vmem>>, vector<1x16xf32>,
      %get3A_1645 = vector.shape_cast %get3A_1644 : vector<1x16xf32> to vector<16xf32>
      %add3A_1646 = arith.addf %add3A_1640, %get3A_1645 : vector<16xf32>
      %get3A_1647 = arith.constant 10 : i32
      %get3A_1648 = arith.index_cast %get3A_1647 : i32 to index
      %get3A_1649 = arith.constant 128 : index
      %get3A_1650 = tpu.vector_load %arg6[%get3A_1648, %get3A_1649] {strides = array<i32>} : memref<32x256xf32, #tpu.memory_space<vmem>>, vector<1x16xf32>,
      %get3A_1651 = vector.shape_cast %get3A_1650 : vector<1x16xf32> to vector<16xf32>
      %add3A_1652 = arith.addf %add3A_1646, %get3A_1651 : vector<16xf32>
      %get3A_1653 = arith.constant 11 : i32
      %get3A_1654 = arith.index_cast %get3A_1653 : i32 to index
      %get3A_1655 = arith.constant 128 : index
      %get3A_1656 = tpu.vector_load %arg6[%get3A_1654, %get3A_1655] {strides = array<i32>} : memref<32x256xf32, #tpu.memory_space<vmem>>, vector<1x16xf32>,
      %get3A_1657 = vector.shape_cast %get3A_1656 : vector<1x16xf32> to vector<16xf32>
      %add3A_1658 = arith.addf %add3A_1652, %get3A_1657 : vector<16xf32>
      %get3A_1659 = arith.constant 12 : i32
      %get3A_1660 = arith.index_cast %get3A_1659 : i32 to index
      %get3A_1661 = arith.constant 128 : index
      %get3A_1662 = tpu.vector_load %arg6[%get3A_1660, %get3A_1661] {strides = array<i32>} : memref<32x256xf32, #tpu.memory_space<vmem>>, vector<1x16xf32>,
      %get3A_1663 = vector.shape_cast %get3A_1662 : vector<1x16xf32> to vector<16xf32>
      %add3A_1664 = arith.addf %add3A_1658, %get3A_1663 : vector<16xf32>
      %get3A_1665 = arith.constant 13 : i32
      %get3A_1666 = arith.index_cast %get3A_1665 : i32 to index
      %get3A_1667 = arith.constant 128 : index
      %get3A_1668 = tpu.vector_load %arg6[%get3A_1666, %get3A_1667] {strides = array<i32>} : memref<32x256xf32, #tpu.memory_space<vmem>>, vector<1x16xf32>,
      %get3A_1669 = vector.shape_cast %get3A_1668 : vector<1x16xf32> to vector<16xf32>
      %add3A_1670 = arith.addf %add3A_1664, %get3A_1669 : vector<16xf32>
      %get3A_1671 = arith.constant 14 : i32
      %get3A_1672 = arith.index_cast %get3A_1671 : i32 to index
      %get3A_1673 = arith.constant 128 : index
      %get3A_1674 = tpu.vector_load %arg6[%get3A_1672, %get3A_1673] {strides = array<i32>} : memref<32x256xf32, #tpu.memory_space<vmem>>, vector<1x16xf32>,
      %get3A_1675 = vector.shape_cast %get3A_1674 : vector<1x16xf32> to vector<16xf32>
      %add3A_1676 = arith.addf %add3A_1670, %get3A_1675 : vector<16xf32>
      %get3A_1677 = arith.constant 15 : i32
      %get3A_1678 = arith.index_cast %get3A_1677 : i32 to index
      %get3A_1679 = arith.constant 128 : index
      %get3A_1680 = tpu.vector_load %arg6[%get3A_1678, %get3A_1679] {strides = array<i32>} : memref<32x256xf32, #tpu.memory_space<vmem>>, vector<1x16xf32>,
      %get3A_1681 = vector.shape_cast %get3A_1680 : vector<1x16xf32> to vector<16xf32>
      %add3A_1682 = arith.addf %add3A_1676, %get3A_1681 : vector<16xf32>
      %get3A_1683 = arith.constant 16 : i32
      %get3A_1684 = arith.index_cast %get3A_1683 : i32 to index
      %get3A_1685 = arith.constant 128 : index
      %get3A_1686 = tpu.vector_load %arg6[%get3A_1684, %get3A_1685] {strides = array<i32>} : memref<32x256xf32, #tpu.memory_space<vmem>>, vector<1x16xf32>,
      %get3A_1687 = vector.shape_cast %get3A_1686 : vector<1x16xf32> to vector<16xf32>
      %add3A_1688 = arith.addf %add3A_1682, %get3A_1687 : vector<16xf32>
      %get3A_1689 = arith.constant 17 : i32
      %get3A_1690 = arith.index_cast %get3A_1689 : i32 to index
      %get3A_1691 = arith.constant 128 : index
      %get3A_1692 = tpu.vector_load %arg6[%get3A_1690, %get3A_1691] {strides = array<i32>} : memref<32x256xf32, #tpu.memory_space<vmem>>, vector<1x16xf32>,
      %get3A_1693 = vector.shape_cast %get3A_1692 : vector<1x16xf32> to vector<16xf32>
      %add3A_1694 = arith.addf %add3A_1688, %get3A_1693 : vector<16xf32>
      %get3A_1695 = arith.constant 18 : i32
      %get3A_1696 = arith.index_cast %get3A_1695 : i32 to index
      %get3A_1697 = arith.constant 128 : index
      %get3A_1698 = tpu.vector_load %arg6[%get3A_1696, %get3A_1697] {strides = array<i32>} : memref<32x256xf32, #tpu.memory_space<vmem>>, vector<1x16xf32>,
      %get3A_1699 = vector.shape_cast %get3A_1698 : vector<1x16xf32> to vector<16xf32>
      %add3A_1700 = arith.addf %add3A_1694, %get3A_1699 : vector<16xf32>
      %get3A_1701 = arith.constant 19 : i32
      %get3A_1702 = arith.index_cast %get3A_1701 : i32 to index
      %get3A_1703 = arith.constant 128 : index
      %get3A_1704 = tpu.vector_load %arg6[%get3A_1702, %get3A_1703] {strides = array<i32>} : memref<32x256xf32, #tpu.memory_space<vmem>>, vector<1x16xf32>,
      %get3A_1705 = vector.shape_cast %get3A_1704 : vector<1x16xf32> to vector<16xf32>
      %add3A_1706 = arith.addf %add3A_1700, %get3A_1705 : vector<16xf32>
      %get3A_1707 = arith.constant 20 : i32
      %get3A_1708 = arith.index_cast %get3A_1707 : i32 to index
      %get3A_1709 = arith.constant 128 : index
      %get3A_1710 = tpu.vector_load %arg6[%get3A_1708, %get3A_1709] {strides = array<i32>} : memref<32x256xf32, #tpu.memory_space<vmem>>, vector<1x16xf32>,
      %get3A_1711 = vector.shape_cast %get3A_1710 : vector<1x16xf32> to vector<16xf32>
      %add3A_1712 = arith.addf %add3A_1706, %get3A_1711 : vector<16xf32>
      %get3A_1713 = arith.constant 21 : i32
      %get3A_1714 = arith.index_cast %get3A_1713 : i32 to index
      %get3A_1715 = arith.constant 128 : index
      %get3A_1716 = tpu.vector_load %arg6[%get3A_1714, %get3A_1715] {strides = array<i32>} : memref<32x256xf32, #tpu.memory_space<vmem>>, vector<1x16xf32>,
      %get3A_1717 = vector.shape_cast %get3A_1716 : vector<1x16xf32> to vector<16xf32>
      %add3A_1718 = arith.addf %add3A_1712, %get3A_1717 : vector<16xf32>
      %get3A_1719 = arith.constant 22 : i32
      %get3A_1720 = arith.index_cast %get3A_1719 : i32 to index
      %get3A_1721 = arith.constant 128 : index
      %get3A_1722 = tpu.vector_load %arg6[%get3A_1720, %get3A_1721] {strides = array<i32>} : memref<32x256xf32, #tpu.memory_space<vmem>>, vector<1x16xf32>,
      %get3A_1723 = vector.shape_cast %get3A_1722 : vector<1x16xf32> to vector<16xf32>
      %add3A_1724 = arith.addf %add3A_1718, %get3A_1723 : vector<16xf32>
      %get3A_1725 = arith.constant 23 : i32
      %get3A_1726 = arith.index_cast %get3A_1725 : i32 to index
      %get3A_1727 = arith.constant 128 : index
      %get3A_1728 = tpu.vector_load %arg6[%get3A_1726, %get3A_1727] {strides = array<i32>} : memref<32x256xf32, #tpu.memory_space<vmem>>, vector<1x16xf32>,
      %get3A_1729 = vector.shape_cast %get3A_1728 : vector<1x16xf32> to vector<16xf32>
      %add3A_1730 = arith.addf %add3A_1724, %get3A_1729 : vector<16xf32>
      %get3A_1731 = arith.constant 24 : i32
      %get3A_1732 = arith.index_cast %get3A_1731 : i32 to index
      %get3A_1733 = arith.constant 128 : index
      %get3A_1734 = tpu.vector_load %arg6[%get3A_1732, %get3A_1733] {strides = array<i32>} : memref<32x256xf32, #tpu.memory_space<vmem>>, vector<1x16xf32>,
      %get3A_1735 = vector.shape_cast %get3A_1734 : vector<1x16xf32> to vector<16xf32>
      %add3A_1736 = arith.addf %add3A_1730, %get3A_1735 : vector<16xf32>
      %get3A_1737 = arith.constant 25 : i32
      %get3A_1738 = arith.index_cast %get3A_1737 : i32 to index
      %get3A_1739 = arith.constant 128 : index
      %get3A_1740 = tpu.vector_load %arg6[%get3A_1738, %get3A_1739] {strides = array<i32>} : memref<32x256xf32, #tpu.memory_space<vmem>>, vector<1x16xf32>,
      %get3A_1741 = vector.shape_cast %get3A_1740 : vector<1x16xf32> to vector<16xf32>
      %add3A_1742 = arith.addf %add3A_1736, %get3A_1741 : vector<16xf32>
      %get3A_1743 = arith.constant 26 : i32
      %get3A_1744 = arith.index_cast %get3A_1743 : i32 to index
      %get3A_1745 = arith.constant 128 : index
      %get3A_1746 = tpu.vector_load %arg6[%get3A_1744, %get3A_1745] {strides = array<i32>} : memref<32x256xf32, #tpu.memory_space<vmem>>, vector<1x16xf32>,
      %get3A_1747 = vector.shape_cast %get3A_1746 : vector<1x16xf32> to vector<16xf32>
      %add3A_1748 = arith.addf %add3A_1742, %get3A_1747 : vector<16xf32>
      %get3A_1749 = arith.constant 27 : i32
      %get3A_1750 = arith.index_cast %get3A_1749 : i32 to index
      %get3A_1751 = arith.constant 128 : index
      %get3A_1752 = tpu.vector_load %arg6[%get3A_1750, %get3A_1751] {strides = array<i32>} : memref<32x256xf32, #tpu.memory_space<vmem>>, vector<1x16xf32>,
      %get3A_1753 = vector.shape_cast %get3A_1752 : vector<1x16xf32> to vector<16xf32>
      %add3A_1754 = arith.addf %add3A_1748, %get3A_1753 : vector<16xf32>
      %get3A_1755 = arith.constant 28 : i32
      %get3A_1756 = arith.index_cast %get3A_1755 : i32 to index
      %get3A_1757 = arith.constant 128 : index
      %get3A_1758 = tpu.vector_load %arg6[%get3A_1756, %get3A_1757] {strides = array<i32>} : memref<32x256xf32, #tpu.memory_space<vmem>>, vector<1x16xf32>,
      %get3A_1759 = vector.shape_cast %get3A_1758 : vector<1x16xf32> to vector<16xf32>
      %add3A_1760 = arith.addf %add3A_1754, %get3A_1759 : vector<16xf32>
      %get3A_1761 = arith.constant 29 : i32
      %get3A_1762 = arith.index_cast %get3A_1761 : i32 to index
      %get3A_1763 = arith.constant 128 : index
      %get3A_1764 = tpu.vector_load %arg6[%get3A_1762, %get3A_1763] {strides = array<i32>} : memref<32x256xf32, #tpu.memory_space<vmem>>, vector<1x16xf32>,
      %get3A_1765 = vector.shape_cast %get3A_1764 : vector<1x16xf32> to vector<16xf32>
      %add3A_1766 = arith.addf %add3A_1760, %get3A_1765 : vector<16xf32>
      %get3A_1767 = arith.constant 30 : i32
      %get3A_1768 = arith.index_cast %get3A_1767 : i32 to index
      %get3A_1769 = arith.constant 128 : index
      %get3A_1770 = tpu.vector_load %arg6[%get3A_1768, %get3A_1769] {strides = array<i32>} : memref<32x256xf32, #tpu.memory_space<vmem>>, vector<1x16xf32>,
      %get3A_1771 = vector.shape_cast %get3A_1770 : vector<1x16xf32> to vector<16xf32>
      %add3A_1772 = arith.addf %add3A_1766, %get3A_1771 : vector<16xf32>
      %get3A_1773 = arith.constant 31 : i32
      %get3A_1774 = arith.index_cast %get3A_1773 : i32 to index
      %get3A_1775 = arith.constant 128 : index
      %get3A_1776 = tpu.vector_load %arg6[%get3A_1774, %get3A_1775] {strides = array<i32>} : memref<32x256xf32, #tpu.memory_space<vmem>>, vector<1x16xf32>,
      %get3A_1777 = vector.shape_cast %get3A_1776 : vector<1x16xf32> to vector<16xf32>
      %add3A_1778 = arith.addf %add3A_1772, %get3A_1777 : vector<16xf32>
      %mul3A_1779 = arith.constant 3.125000e-02 : f32
      %mul3A_1780 = vector.broadcast %mul3A_1779 : f32 to vector<16xf32>
      %mul3A_1781 = arith.mulf %add3A_1778, %mul3A_1780 : vector<16xf32>
      %swap3A_1782 = arith.constant 128 : index
      %swap3A_1783 = tpu.vector_load %arg7[%swap3A_1782] {strides = array<i32>} : memref<256xf32, #tpu.memory_space<vmem>>, vector<16xf32>,
      %swap3A_1784 = vector.shape_cast %swap3A_1783 : vector<16xf32> to vector<16xf32>
      %swap3A_1785 = vector.shape_cast %mul3A_1781 : vector<16xf32> to vector<16xf32>
      tpu.vector_store %arg7[%swap3A_1782], %swap3A_1785 {strides = array<i32>} : memref<256xf32, #tpu.memory_space<vmem>>, vector<16xf32>,
      %get3A_1786 = arith.constant 0 : i32
      %get3A_1787 = arith.index_cast %get3A_1786 : i32 to index
      %get3A_1788 = arith.constant 144 : index
      %get3A_1789 = tpu.vector_load %arg6[%get3A_1787, %get3A_1788] {strides = array<i32>} : memref<32x256xf32, #tpu.memory_space<vmem>>, vector<1x16xf32>,
      %get3A_1790 = vector.shape_cast %get3A_1789 : vector<1x16xf32> to vector<16xf32>
      %get3A_1791 = arith.constant 1 : i32
      %get3A_1792 = arith.index_cast %get3A_1791 : i32 to index
      %get3A_1793 = arith.constant 144 : index
      %get3A_1794 = tpu.vector_load %arg6[%get3A_1792, %get3A_1793] {strides = array<i32>} : memref<32x256xf32, #tpu.memory_space<vmem>>, vector<1x16xf32>,
      %get3A_1795 = vector.shape_cast %get3A_1794 : vector<1x16xf32> to vector<16xf32>
      %add3A_1796 = arith.addf %get3A_1790, %get3A_1795 : vector<16xf32>
      %get3A_1797 = arith.constant 2 : i32
      %get3A_1798 = arith.index_cast %get3A_1797 : i32 to index
      %get3A_1799 = arith.constant 144 : index
      %get3A_1800 = tpu.vector_load %arg6[%get3A_1798, %get3A_1799] {strides = array<i32>} : memref<32x256xf32, #tpu.memory_space<vmem>>, vector<1x16xf32>,
      %get3A_1801 = vector.shape_cast %get3A_1800 : vector<1x16xf32> to vector<16xf32>
      %add3A_1802 = arith.addf %add3A_1796, %get3A_1801 : vector<16xf32>
      %get3A_1803 = arith.constant 3 : i32
      %get3A_1804 = arith.index_cast %get3A_1803 : i32 to index
      %get3A_1805 = arith.constant 144 : index
      %get3A_1806 = tpu.vector_load %arg6[%get3A_1804, %get3A_1805] {strides = array<i32>} : memref<32x256xf32, #tpu.memory_space<vmem>>, vector<1x16xf32>,
      %get3A_1807 = vector.shape_cast %get3A_1806 : vector<1x16xf32> to vector<16xf32>
      %add3A_1808 = arith.addf %add3A_1802, %get3A_1807 : vector<16xf32>
      %get3A_1809 = arith.constant 4 : i32
      %get3A_1810 = arith.index_cast %get3A_1809 : i32 to index
      %get3A_1811 = arith.constant 144 : index
      %get3A_1812 = tpu.vector_load %arg6[%get3A_1810, %get3A_1811] {strides = array<i32>} : memref<32x256xf32, #tpu.memory_space<vmem>>, vector<1x16xf32>,
      %get3A_1813 = vector.shape_cast %get3A_1812 : vector<1x16xf32> to vector<16xf32>
      %add3A_1814 = arith.addf %add3A_1808, %get3A_1813 : vector<16xf32>
      %get3A_1815 = arith.constant 5 : i32
      %get3A_1816 = arith.index_cast %get3A_1815 : i32 to index
      %get3A_1817 = arith.constant 144 : index
      %get3A_1818 = tpu.vector_load %arg6[%get3A_1816, %get3A_1817] {strides = array<i32>} : memref<32x256xf32, #tpu.memory_space<vmem>>, vector<1x16xf32>,
      %get3A_1819 = vector.shape_cast %get3A_1818 : vector<1x16xf32> to vector<16xf32>
      %add3A_1820 = arith.addf %add3A_1814, %get3A_1819 : vector<16xf32>
      %get3A_1821 = arith.constant 6 : i32
      %get3A_1822 = arith.index_cast %get3A_1821 : i32 to index
      %get3A_1823 = arith.constant 144 : index
      %get3A_1824 = tpu.vector_load %arg6[%get3A_1822, %get3A_1823] {strides = array<i32>} : memref<32x256xf32, #tpu.memory_space<vmem>>, vector<1x16xf32>,
      %get3A_1825 = vector.shape_cast %get3A_1824 : vector<1x16xf32> to vector<16xf32>
      %add3A_1826 = arith.addf %add3A_1820, %get3A_1825 : vector<16xf32>
      %get3A_1827 = arith.constant 7 : i32
      %get3A_1828 = arith.index_cast %get3A_1827 : i32 to index
      %get3A_1829 = arith.constant 144 : index
      %get3A_1830 = tpu.vector_load %arg6[%get3A_1828, %get3A_1829] {strides = array<i32>} : memref<32x256xf32, #tpu.memory_space<vmem>>, vector<1x16xf32>,
      %get3A_1831 = vector.shape_cast %get3A_1830 : vector<1x16xf32> to vector<16xf32>
      %add3A_1832 = arith.addf %add3A_1826, %get3A_1831 : vector<16xf32>
      %get3A_1833 = arith.constant 8 : i32
      %get3A_1834 = arith.index_cast %get3A_1833 : i32 to index
      %get3A_1835 = arith.constant 144 : index
      %get3A_1836 = tpu.vector_load %arg6[%get3A_1834, %get3A_1835] {strides = array<i32>} : memref<32x256xf32, #tpu.memory_space<vmem>>, vector<1x16xf32>,
      %get3A_1837 = vector.shape_cast %get3A_1836 : vector<1x16xf32> to vector<16xf32>
      %add3A_1838 = arith.addf %add3A_1832, %get3A_1837 : vector<16xf32>
      %get3A_1839 = arith.constant 9 : i32
      %get3A_1840 = arith.index_cast %get3A_1839 : i32 to index
      %get3A_1841 = arith.constant 144 : index
      %get3A_1842 = tpu.vector_load %arg6[%get3A_1840, %get3A_1841] {strides = array<i32>} : memref<32x256xf32, #tpu.memory_space<vmem>>, vector<1x16xf32>,
      %get3A_1843 = vector.shape_cast %get3A_1842 : vector<1x16xf32> to vector<16xf32>
      %add3A_1844 = arith.addf %add3A_1838, %get3A_1843 : vector<16xf32>
      %get3A_1845 = arith.constant 10 : i32
      %get3A_1846 = arith.index_cast %get3A_1845 : i32 to index
      %get3A_1847 = arith.constant 144 : index
      %get3A_1848 = tpu.vector_load %arg6[%get3A_1846, %get3A_1847] {strides = array<i32>} : memref<32x256xf32, #tpu.memory_space<vmem>>, vector<1x16xf32>,
      %get3A_1849 = vector.shape_cast %get3A_1848 : vector<1x16xf32> to vector<16xf32>
      %add3A_1850 = arith.addf %add3A_1844, %get3A_1849 : vector<16xf32>
      %get3A_1851 = arith.constant 11 : i32
      %get3A_1852 = arith.index_cast %get3A_1851 : i32 to index
      %get3A_1853 = arith.constant 144 : index
      %get3A_1854 = tpu.vector_load %arg6[%get3A_1852, %get3A_1853] {strides = array<i32>} : memref<32x256xf32, #tpu.memory_space<vmem>>, vector<1x16xf32>,
      %get3A_1855 = vector.shape_cast %get3A_1854 : vector<1x16xf32> to vector<16xf32>
      %add3A_1856 = arith.addf %add3A_1850, %get3A_1855 : vector<16xf32>
      %get3A_1857 = arith.constant 12 : i32
      %get3A_1858 = arith.index_cast %get3A_1857 : i32 to index
      %get3A_1859 = arith.constant 144 : index
      %get3A_1860 = tpu.vector_load %arg6[%get3A_1858, %get3A_1859] {strides = array<i32>} : memref<32x256xf32, #tpu.memory_space<vmem>>, vector<1x16xf32>,
      %get3A_1861 = vector.shape_cast %get3A_1860 : vector<1x16xf32> to vector<16xf32>
      %add3A_1862 = arith.addf %add3A_1856, %get3A_1861 : vector<16xf32>
      %get3A_1863 = arith.constant 13 : i32
      %get3A_1864 = arith.index_cast %get3A_1863 : i32 to index
      %get3A_1865 = arith.constant 144 : index
      %get3A_1866 = tpu.vector_load %arg6[%get3A_1864, %get3A_1865] {strides = array<i32>} : memref<32x256xf32, #tpu.memory_space<vmem>>, vector<1x16xf32>,
      %get3A_1867 = vector.shape_cast %get3A_1866 : vector<1x16xf32> to vector<16xf32>
      %add3A_1868 = arith.addf %add3A_1862, %get3A_1867 : vector<16xf32>
      %get3A_1869 = arith.constant 14 : i32
      %get3A_1870 = arith.index_cast %get3A_1869 : i32 to index
      %get3A_1871 = arith.constant 144 : index
      %get3A_1872 = tpu.vector_load %arg6[%get3A_1870, %get3A_1871] {strides = array<i32>} : memref<32x256xf32, #tpu.memory_space<vmem>>, vector<1x16xf32>,
      %get3A_1873 = vector.shape_cast %get3A_1872 : vector<1x16xf32> to vector<16xf32>
      %add3A_1874 = arith.addf %add3A_1868, %get3A_1873 : vector<16xf32>
      %get3A_1875 = arith.constant 15 : i32
      %get3A_1876 = arith.index_cast %get3A_1875 : i32 to index
      %get3A_1877 = arith.constant 144 : index
      %get3A_1878 = tpu.vector_load %arg6[%get3A_1876, %get3A_1877] {strides = array<i32>} : memref<32x256xf32, #tpu.memory_space<vmem>>, vector<1x16xf32>,
      %get3A_1879 = vector.shape_cast %get3A_1878 : vector<1x16xf32> to vector<16xf32>
      %add3A_1880 = arith.addf %add3A_1874, %get3A_1879 : vector<16xf32>
      %get3A_1881 = arith.constant 16 : i32
      %get3A_1882 = arith.index_cast %get3A_1881 : i32 to index
      %get3A_1883 = arith.constant 144 : index
      %get3A_1884 = tpu.vector_load %arg6[%get3A_1882, %get3A_1883] {strides = array<i32>} : memref<32x256xf32, #tpu.memory_space<vmem>>, vector<1x16xf32>,
      %get3A_1885 = vector.shape_cast %get3A_1884 : vector<1x16xf32> to vector<16xf32>
      %add3A_1886 = arith.addf %add3A_1880, %get3A_1885 : vector<16xf32>
      %get3A_1887 = arith.constant 17 : i32
      %get3A_1888 = arith.index_cast %get3A_1887 : i32 to index
      %get3A_1889 = arith.constant 144 : index
      %get3A_1890 = tpu.vector_load %arg6[%get3A_1888, %get3A_1889] {strides = array<i32>} : memref<32x256xf32, #tpu.memory_space<vmem>>, vector<1x16xf32>,
      %get3A_1891 = vector.shape_cast %get3A_1890 : vector<1x16xf32> to vector<16xf32>
      %add3A_1892 = arith.addf %add3A_1886, %get3A_1891 : vector<16xf32>
      %get3A_1893 = arith.constant 18 : i32
      %get3A_1894 = arith.index_cast %get3A_1893 : i32 to index
      %get3A_1895 = arith.constant 144 : index
      %get3A_1896 = tpu.vector_load %arg6[%get3A_1894, %get3A_1895] {strides = array<i32>} : memref<32x256xf32, #tpu.memory_space<vmem>>, vector<1x16xf32>,
      %get3A_1897 = vector.shape_cast %get3A_1896 : vector<1x16xf32> to vector<16xf32>
      %add3A_1898 = arith.addf %add3A_1892, %get3A_1897 : vector<16xf32>
      %get3A_1899 = arith.constant 19 : i32
      %get3A_1900 = arith.index_cast %get3A_1899 : i32 to index
      %get3A_1901 = arith.constant 144 : index
      %get3A_1902 = tpu.vector_load %arg6[%get3A_1900, %get3A_1901] {strides = array<i32>} : memref<32x256xf32, #tpu.memory_space<vmem>>, vector<1x16xf32>,
      %get3A_1903 = vector.shape_cast %get3A_1902 : vector<1x16xf32> to vector<16xf32>
      %add3A_1904 = arith.addf %add3A_1898, %get3A_1903 : vector<16xf32>
      %get3A_1905 = arith.constant 20 : i32
      %get3A_1906 = arith.index_cast %get3A_1905 : i32 to index
      %get3A_1907 = arith.constant 144 : index
      %get3A_1908 = tpu.vector_load %arg6[%get3A_1906, %get3A_1907] {strides = array<i32>} : memref<32x256xf32, #tpu.memory_space<vmem>>, vector<1x16xf32>,
      %get3A_1909 = vector.shape_cast %get3A_1908 : vector<1x16xf32> to vector<16xf32>
      %add3A_1910 = arith.addf %add3A_1904, %get3A_1909 : vector<16xf32>
      %get3A_1911 = arith.constant 21 : i32
      %get3A_1912 = arith.index_cast %get3A_1911 : i32 to index
      %get3A_1913 = arith.constant 144 : index
      %get3A_1914 = tpu.vector_load %arg6[%get3A_1912, %get3A_1913] {strides = array<i32>} : memref<32x256xf32, #tpu.memory_space<vmem>>, vector<1x16xf32>,
      %get3A_1915 = vector.shape_cast %get3A_1914 : vector<1x16xf32> to vector<16xf32>
      %add3A_1916 = arith.addf %add3A_1910, %get3A_1915 : vector<16xf32>
      %get3A_1917 = arith.constant 22 : i32
      %get3A_1918 = arith.index_cast %get3A_1917 : i32 to index
      %get3A_1919 = arith.constant 144 : index
      %get3A_1920 = tpu.vector_load %arg6[%get3A_1918, %get3A_1919] {strides = array<i32>} : memref<32x256xf32, #tpu.memory_space<vmem>>, vector<1x16xf32>,
      %get3A_1921 = vector.shape_cast %get3A_1920 : vector<1x16xf32> to vector<16xf32>
      %add3A_1922 = arith.addf %add3A_1916, %get3A_1921 : vector<16xf32>
      %get3A_1923 = arith.constant 23 : i32
      %get3A_1924 = arith.index_cast %get3A_1923 : i32 to index
      %get3A_1925 = arith.constant 144 : index
      %get3A_1926 = tpu.vector_load %arg6[%get3A_1924, %get3A_1925] {strides = array<i32>} : memref<32x256xf32, #tpu.memory_space<vmem>>, vector<1x16xf32>,
      %get3A_1927 = vector.shape_cast %get3A_1926 : vector<1x16xf32> to vector<16xf32>
      %add3A_1928 = arith.addf %add3A_1922, %get3A_1927 : vector<16xf32>
      %get3A_1929 = arith.constant 24 : i32
      %get3A_1930 = arith.index_cast %get3A_1929 : i32 to index
      %get3A_1931 = arith.constant 144 : index
      %get3A_1932 = tpu.vector_load %arg6[%get3A_1930, %get3A_1931] {strides = array<i32>} : memref<32x256xf32, #tpu.memory_space<vmem>>, vector<1x16xf32>,
      %get3A_1933 = vector.shape_cast %get3A_1932 : vector<1x16xf32> to vector<16xf32>
      %add3A_1934 = arith.addf %add3A_1928, %get3A_1933 : vector<16xf32>
      %get3A_1935 = arith.constant 25 : i32
      %get3A_1936 = arith.index_cast %get3A_1935 : i32 to index
      %get3A_1937 = arith.constant 144 : index
      %get3A_1938 = tpu.vector_load %arg6[%get3A_1936, %get3A_1937] {strides = array<i32>} : memref<32x256xf32, #tpu.memory_space<vmem>>, vector<1x16xf32>,
      %get3A_1939 = vector.shape_cast %get3A_1938 : vector<1x16xf32> to vector<16xf32>
      %add3A_1940 = arith.addf %add3A_1934, %get3A_1939 : vector<16xf32>
      %get3A_1941 = arith.constant 26 : i32
      %get3A_1942 = arith.index_cast %get3A_1941 : i32 to index
      %get3A_1943 = arith.constant 144 : index
      %get3A_1944 = tpu.vector_load %arg6[%get3A_1942, %get3A_1943] {strides = array<i32>} : memref<32x256xf32, #tpu.memory_space<vmem>>, vector<1x16xf32>,
      %get3A_1945 = vector.shape_cast %get3A_1944 : vector<1x16xf32> to vector<16xf32>
      %add3A_1946 = arith.addf %add3A_1940, %get3A_1945 : vector<16xf32>
      %get3A_1947 = arith.constant 27 : i32
      %get3A_1948 = arith.index_cast %get3A_1947 : i32 to index
      %get3A_1949 = arith.constant 144 : index
      %get3A_1950 = tpu.vector_load %arg6[%get3A_1948, %get3A_1949] {strides = array<i32>} : memref<32x256xf32, #tpu.memory_space<vmem>>, vector<1x16xf32>,
      %get3A_1951 = vector.shape_cast %get3A_1950 : vector<1x16xf32> to vector<16xf32>
      %add3A_1952 = arith.addf %add3A_1946, %get3A_1951 : vector<16xf32>
      %get3A_1953 = arith.constant 28 : i32
      %get3A_1954 = arith.index_cast %get3A_1953 : i32 to index
      %get3A_1955 = arith.constant 144 : index
      %get3A_1956 = tpu.vector_load %arg6[%get3A_1954, %get3A_1955] {strides = array<i32>} : memref<32x256xf32, #tpu.memory_space<vmem>>, vector<1x16xf32>,
      %get3A_1957 = vector.shape_cast %get3A_1956 : vector<1x16xf32> to vector<16xf32>
      %add3A_1958 = arith.addf %add3A_1952, %get3A_1957 : vector<16xf32>
      %get3A_1959 = arith.constant 29 : i32
      %get3A_1960 = arith.index_cast %get3A_1959 : i32 to index
      %get3A_1961 = arith.constant 144 : index
      %get3A_1962 = tpu.vector_load %arg6[%get3A_1960, %get3A_1961] {strides = array<i32>} : memref<32x256xf32, #tpu.memory_space<vmem>>, vector<1x16xf32>,
      %get3A_1963 = vector.shape_cast %get3A_1962 : vector<1x16xf32> to vector<16xf32>
      %add3A_1964 = arith.addf %add3A_1958, %get3A_1963 : vector<16xf32>
      %get3A_1965 = arith.constant 30 : i32
      %get3A_1966 = arith.index_cast %get3A_1965 : i32 to index
      %get3A_1967 = arith.constant 144 : index
      %get3A_1968 = tpu.vector_load %arg6[%get3A_1966, %get3A_1967] {strides = array<i32>} : memref<32x256xf32, #tpu.memory_space<vmem>>, vector<1x16xf32>,
      %get3A_1969 = vector.shape_cast %get3A_1968 : vector<1x16xf32> to vector<16xf32>
      %add3A_1970 = arith.addf %add3A_1964, %get3A_1969 : vector<16xf32>
      %get3A_1971 = arith.constant 31 : i32
      %get3A_1972 = arith.index_cast %get3A_1971 : i32 to index
      %get3A_1973 = arith.constant 144 : index
      %get3A_1974 = tpu.vector_load %arg6[%get3A_1972, %get3A_1973] {strides = array<i32>} : memref<32x256xf32, #tpu.memory_space<vmem>>, vector<1x16xf32>,
      %get3A_1975 = vector.shape_cast %get3A_1974 : vector<1x16xf32> to vector<16xf32>
      %add3A_1976 = arith.addf %add3A_1970, %get3A_1975 : vector<16xf32>
      %mul3A_1977 = arith.constant 3.125000e-02 : f32
      %mul3A_1978 = vector.broadcast %mul3A_1977 : f32 to vector<16xf32>
      %mul3A_1979 = arith.mulf %add3A_1976, %mul3A_1978 : vector<16xf32>
      %swap3A_1980 = arith.constant 144 : index
      %swap3A_1981 = tpu.vector_load %arg7[%swap3A_1980] {strides = array<i32>} : memref<256xf32, #tpu.memory_space<vmem>>, vector<16xf32>,
      %swap3A_1982 = vector.shape_cast %swap3A_1981 : vector<16xf32> to vector<16xf32>
      %swap3A_1983 = vector.shape_cast %mul3A_1979 : vector<16xf32> to vector<16xf32>
      tpu.vector_store %arg7[%swap3A_1980], %swap3A_1983 {strides = array<i32>} : memref<256xf32, #tpu.memory_space<vmem>>, vector<16xf32>,
      %get3A_1984 = arith.constant 0 : i32
      %get3A_1985 = arith.index_cast %get3A_1984 : i32 to index
      %get3A_1986 = arith.constant 160 : index
      %get3A_1987 = tpu.vector_load %arg6[%get3A_1985, %get3A_1986] {strides = array<i32>} : memref<32x256xf32, #tpu.memory_space<vmem>>, vector<1x16xf32>,
      %get3A_1988 = vector.shape_cast %get3A_1987 : vector<1x16xf32> to vector<16xf32>
      %get3A_1989 = arith.constant 1 : i32
      %get3A_1990 = arith.index_cast %get3A_1989 : i32 to index
      %get3A_1991 = arith.constant 160 : index
      %get3A_1992 = tpu.vector_load %arg6[%get3A_1990, %get3A_1991] {strides = array<i32>} : memref<32x256xf32, #tpu.memory_space<vmem>>, vector<1x16xf32>,
      %get3A_1993 = vector.shape_cast %get3A_1992 : vector<1x16xf32> to vector<16xf32>
      %add3A_1994 = arith.addf %get3A_1988, %get3A_1993 : vector<16xf32>
      %get3A_1995 = arith.constant 2 : i32
      %get3A_1996 = arith.index_cast %get3A_1995 : i32 to index
      %get3A_1997 = arith.constant 160 : index
      %get3A_1998 = tpu.vector_load %arg6[%get3A_1996, %get3A_1997] {strides = array<i32>} : memref<32x256xf32, #tpu.memory_space<vmem>>, vector<1x16xf32>,
      %get3A_1999 = vector.shape_cast %get3A_1998 : vector<1x16xf32> to vector<16xf32>
      %add3A_2000 = arith.addf %add3A_1994, %get3A_1999 : vector<16xf32>
      %get3A_2001 = arith.constant 3 : i32
      %get3A_2002 = arith.index_cast %get3A_2001 : i32 to index
      %get3A_2003 = arith.constant 160 : index
      %get3A_2004 = tpu.vector_load %arg6[%get3A_2002, %get3A_2003] {strides = array<i32>} : memref<32x256xf32, #tpu.memory_space<vmem>>, vector<1x16xf32>,
      %get3A_2005 = vector.shape_cast %get3A_2004 : vector<1x16xf32> to vector<16xf32>
      %add3A_2006 = arith.addf %add3A_2000, %get3A_2005 : vector<16xf32>
      %get3A_2007 = arith.constant 4 : i32
      %get3A_2008 = arith.index_cast %get3A_2007 : i32 to index
      %get3A_2009 = arith.constant 160 : index
      %get3A_2010 = tpu.vector_load %arg6[%get3A_2008, %get3A_2009] {strides = array<i32>} : memref<32x256xf32, #tpu.memory_space<vmem>>, vector<1x16xf32>,
      %get3A_2011 = vector.shape_cast %get3A_2010 : vector<1x16xf32> to vector<16xf32>
      %add3A_2012 = arith.addf %add3A_2006, %get3A_2011 : vector<16xf32>
      %get3A_2013 = arith.constant 5 : i32
      %get3A_2014 = arith.index_cast %get3A_2013 : i32 to index
      %get3A_2015 = arith.constant 160 : index
      %get3A_2016 = tpu.vector_load %arg6[%get3A_2014, %get3A_2015] {strides = array<i32>} : memref<32x256xf32, #tpu.memory_space<vmem>>, vector<1x16xf32>,
      %get3A_2017 = vector.shape_cast %get3A_2016 : vector<1x16xf32> to vector<16xf32>
      %add3A_2018 = arith.addf %add3A_2012, %get3A_2017 : vector<16xf32>
      %get3A_2019 = arith.constant 6 : i32
      %get3A_2020 = arith.index_cast %get3A_2019 : i32 to index
      %get3A_2021 = arith.constant 160 : index
      %get3A_2022 = tpu.vector_load %arg6[%get3A_2020, %get3A_2021] {strides = array<i32>} : memref<32x256xf32, #tpu.memory_space<vmem>>, vector<1x16xf32>,
      %get3A_2023 = vector.shape_cast %get3A_2022 : vector<1x16xf32> to vector<16xf32>
      %add3A_2024 = arith.addf %add3A_2018, %get3A_2023 : vector<16xf32>
      %get3A_2025 = arith.constant 7 : i32
      %get3A_2026 = arith.index_cast %get3A_2025 : i32 to index
      %get3A_2027 = arith.constant 160 : index
      %get3A_2028 = tpu.vector_load %arg6[%get3A_2026, %get3A_2027] {strides = array<i32>} : memref<32x256xf32, #tpu.memory_space<vmem>>, vector<1x16xf32>,
      %get3A_2029 = vector.shape_cast %get3A_2028 : vector<1x16xf32> to vector<16xf32>
      %add3A_2030 = arith.addf %add3A_2024, %get3A_2029 : vector<16xf32>
      %get3A_2031 = arith.constant 8 : i32
      %get3A_2032 = arith.index_cast %get3A_2031 : i32 to index
      %get3A_2033 = arith.constant 160 : index
      %get3A_2034 = tpu.vector_load %arg6[%get3A_2032, %get3A_2033] {strides = array<i32>} : memref<32x256xf32, #tpu.memory_space<vmem>>, vector<1x16xf32>,
      %get3A_2035 = vector.shape_cast %get3A_2034 : vector<1x16xf32> to vector<16xf32>
      %add3A_2036 = arith.addf %add3A_2030, %get3A_2035 : vector<16xf32>
      %get3A_2037 = arith.constant 9 : i32
      %get3A_2038 = arith.index_cast %get3A_2037 : i32 to index
      %get3A_2039 = arith.constant 160 : index
      %get3A_2040 = tpu.vector_load %arg6[%get3A_2038, %get3A_2039] {strides = array<i32>} : memref<32x256xf32, #tpu.memory_space<vmem>>, vector<1x16xf32>,
      %get3A_2041 = vector.shape_cast %get3A_2040 : vector<1x16xf32> to vector<16xf32>
      %add3A_2042 = arith.addf %add3A_2036, %get3A_2041 : vector<16xf32>
      %get3A_2043 = arith.constant 10 : i32
      %get3A_2044 = arith.index_cast %get3A_2043 : i32 to index
      %get3A_2045 = arith.constant 160 : index
      %get3A_2046 = tpu.vector_load %arg6[%get3A_2044, %get3A_2045] {strides = array<i32>} : memref<32x256xf32, #tpu.memory_space<vmem>>, vector<1x16xf32>,
      %get3A_2047 = vector.shape_cast %get3A_2046 : vector<1x16xf32> to vector<16xf32>
      %add3A_2048 = arith.addf %add3A_2042, %get3A_2047 : vector<16xf32>
      %get3A_2049 = arith.constant 11 : i32
      %get3A_2050 = arith.index_cast %get3A_2049 : i32 to index
      %get3A_2051 = arith.constant 160 : index
      %get3A_2052 = tpu.vector_load %arg6[%get3A_2050, %get3A_2051] {strides = array<i32>} : memref<32x256xf32, #tpu.memory_space<vmem>>, vector<1x16xf32>,
      %get3A_2053 = vector.shape_cast %get3A_2052 : vector<1x16xf32> to vector<16xf32>
      %add3A_2054 = arith.addf %add3A_2048, %get3A_2053 : vector<16xf32>
      %get3A_2055 = arith.constant 12 : i32
      %get3A_2056 = arith.index_cast %get3A_2055 : i32 to index
      %get3A_2057 = arith.constant 160 : index
      %get3A_2058 = tpu.vector_load %arg6[%get3A_2056, %get3A_2057] {strides = array<i32>} : memref<32x256xf32, #tpu.memory_space<vmem>>, vector<1x16xf32>,
      %get3A_2059 = vector.shape_cast %get3A_2058 : vector<1x16xf32> to vector<16xf32>
      %add3A_2060 = arith.addf %add3A_2054, %get3A_2059 : vector<16xf32>
      %get3A_2061 = arith.constant 13 : i32
      %get3A_2062 = arith.index_cast %get3A_2061 : i32 to index
      %get3A_2063 = arith.constant 160 : index
      %get3A_2064 = tpu.vector_load %arg6[%get3A_2062, %get3A_2063] {strides = array<i32>} : memref<32x256xf32, #tpu.memory_space<vmem>>, vector<1x16xf32>,
      %get3A_2065 = vector.shape_cast %get3A_2064 : vector<1x16xf32> to vector<16xf32>
      %add3A_2066 = arith.addf %add3A_2060, %get3A_2065 : vector<16xf32>
      %get3A_2067 = arith.constant 14 : i32
      %get3A_2068 = arith.index_cast %get3A_2067 : i32 to index
      %get3A_2069 = arith.constant 160 : index
      %get3A_2070 = tpu.vector_load %arg6[%get3A_2068, %get3A_2069] {strides = array<i32>} : memref<32x256xf32, #tpu.memory_space<vmem>>, vector<1x16xf32>,
      %get3A_2071 = vector.shape_cast %get3A_2070 : vector<1x16xf32> to vector<16xf32>
      %add3A_2072 = arith.addf %add3A_2066, %get3A_2071 : vector<16xf32>
      %get3A_2073 = arith.constant 15 : i32
      %get3A_2074 = arith.index_cast %get3A_2073 : i32 to index
      %get3A_2075 = arith.constant 160 : index
      %get3A_2076 = tpu.vector_load %arg6[%get3A_2074, %get3A_2075] {strides = array<i32>} : memref<32x256xf32, #tpu.memory_space<vmem>>, vector<1x16xf32>,
      %get3A_2077 = vector.shape_cast %get3A_2076 : vector<1x16xf32> to vector<16xf32>
      %add3A_2078 = arith.addf %add3A_2072, %get3A_2077 : vector<16xf32>
      %get3A_2079 = arith.constant 16 : i32
      %get3A_2080 = arith.index_cast %get3A_2079 : i32 to index
      %get3A_2081 = arith.constant 160 : index
      %get3A_2082 = tpu.vector_load %arg6[%get3A_2080, %get3A_2081] {strides = array<i32>} : memref<32x256xf32, #tpu.memory_space<vmem>>, vector<1x16xf32>,
      %get3A_2083 = vector.shape_cast %get3A_2082 : vector<1x16xf32> to vector<16xf32>
      %add3A_2084 = arith.addf %add3A_2078, %get3A_2083 : vector<16xf32>
      %get3A_2085 = arith.constant 17 : i32
      %get3A_2086 = arith.index_cast %get3A_2085 : i32 to index
      %get3A_2087 = arith.constant 160 : index
      %get3A_2088 = tpu.vector_load %arg6[%get3A_2086, %get3A_2087] {strides = array<i32>} : memref<32x256xf32, #tpu.memory_space<vmem>>, vector<1x16xf32>,
      %get3A_2089 = vector.shape_cast %get3A_2088 : vector<1x16xf32> to vector<16xf32>
      %add3A_2090 = arith.addf %add3A_2084, %get3A_2089 : vector<16xf32>
      %get3A_2091 = arith.constant 18 : i32
      %get3A_2092 = arith.index_cast %get3A_2091 : i32 to index
      %get3A_2093 = arith.constant 160 : index
      %get3A_2094 = tpu.vector_load %arg6[%get3A_2092, %get3A_2093] {strides = array<i32>} : memref<32x256xf32, #tpu.memory_space<vmem>>, vector<1x16xf32>,
      %get3A_2095 = vector.shape_cast %get3A_2094 : vector<1x16xf32> to vector<16xf32>
      %add3A_2096 = arith.addf %add3A_2090, %get3A_2095 : vector<16xf32>
      %get3A_2097 = arith.constant 19 : i32
      %get3A_2098 = arith.index_cast %get3A_2097 : i32 to index
      %get3A_2099 = arith.constant 160 : index
      %get3A_2100 = tpu.vector_load %arg6[%get3A_2098, %get3A_2099] {strides = array<i32>} : memref<32x256xf32, #tpu.memory_space<vmem>>, vector<1x16xf32>,
      %get3A_2101 = vector.shape_cast %get3A_2100 : vector<1x16xf32> to vector<16xf32>
      %add3A_2102 = arith.addf %add3A_2096, %get3A_2101 : vector<16xf32>
      %get3A_2103 = arith.constant 20 : i32
      %get3A_2104 = arith.index_cast %get3A_2103 : i32 to index
      %get3A_2105 = arith.constant 160 : index
      %get3A_2106 = tpu.vector_load %arg6[%get3A_2104, %get3A_2105] {strides = array<i32>} : memref<32x256xf32, #tpu.memory_space<vmem>>, vector<1x16xf32>,
      %get3A_2107 = vector.shape_cast %get3A_2106 : vector<1x16xf32> to vector<16xf32>
      %add3A_2108 = arith.addf %add3A_2102, %get3A_2107 : vector<16xf32>
      %get3A_2109 = arith.constant 21 : i32
      %get3A_2110 = arith.index_cast %get3A_2109 : i32 to index
      %get3A_2111 = arith.constant 160 : index
      %get3A_2112 = tpu.vector_load %arg6[%get3A_2110, %get3A_2111] {strides = array<i32>} : memref<32x256xf32, #tpu.memory_space<vmem>>, vector<1x16xf32>,
      %get3A_2113 = vector.shape_cast %get3A_2112 : vector<1x16xf32> to vector<16xf32>
      %add3A_2114 = arith.addf %add3A_2108, %get3A_2113 : vector<16xf32>
      %get3A_2115 = arith.constant 22 : i32
      %get3A_2116 = arith.index_cast %get3A_2115 : i32 to index
      %get3A_2117 = arith.constant 160 : index
      %get3A_2118 = tpu.vector_load %arg6[%get3A_2116, %get3A_2117] {strides = array<i32>} : memref<32x256xf32, #tpu.memory_space<vmem>>, vector<1x16xf32>,
      %get3A_2119 = vector.shape_cast %get3A_2118 : vector<1x16xf32> to vector<16xf32>
      %add3A_2120 = arith.addf %add3A_2114, %get3A_2119 : vector<16xf32>
      %get3A_2121 = arith.constant 23 : i32
      %get3A_2122 = arith.index_cast %get3A_2121 : i32 to index
      %get3A_2123 = arith.constant 160 : index
      %get3A_2124 = tpu.vector_load %arg6[%get3A_2122, %get3A_2123] {strides = array<i32>} : memref<32x256xf32, #tpu.memory_space<vmem>>, vector<1x16xf32>,
      %get3A_2125 = vector.shape_cast %get3A_2124 : vector<1x16xf32> to vector<16xf32>
      %add3A_2126 = arith.addf %add3A_2120, %get3A_2125 : vector<16xf32>
      %get3A_2127 = arith.constant 24 : i32
      %get3A_2128 = arith.index_cast %get3A_2127 : i32 to index
      %get3A_2129 = arith.constant 160 : index
      %get3A_2130 = tpu.vector_load %arg6[%get3A_2128, %get3A_2129] {strides = array<i32>} : memref<32x256xf32, #tpu.memory_space<vmem>>, vector<1x16xf32>,
      %get3A_2131 = vector.shape_cast %get3A_2130 : vector<1x16xf32> to vector<16xf32>
      %add3A_2132 = arith.addf %add3A_2126, %get3A_2131 : vector<16xf32>
      %get3A_2133 = arith.constant 25 : i32
      %get3A_2134 = arith.index_cast %get3A_2133 : i32 to index
      %get3A_2135 = arith.constant 160 : index
      %get3A_2136 = tpu.vector_load %arg6[%get3A_2134, %get3A_2135] {strides = array<i32>} : memref<32x256xf32, #tpu.memory_space<vmem>>, vector<1x16xf32>,
      %get3A_2137 = vector.shape_cast %get3A_2136 : vector<1x16xf32> to vector<16xf32>
      %add3A_2138 = arith.addf %add3A_2132, %get3A_2137 : vector<16xf32>
      %get3A_2139 = arith.constant 26 : i32
      %get3A_2140 = arith.index_cast %get3A_2139 : i32 to index
      %get3A_2141 = arith.constant 160 : index
      %get3A_2142 = tpu.vector_load %arg6[%get3A_2140, %get3A_2141] {strides = array<i32>} : memref<32x256xf32, #tpu.memory_space<vmem>>, vector<1x16xf32>,
      %get3A_2143 = vector.shape_cast %get3A_2142 : vector<1x16xf32> to vector<16xf32>
      %add3A_2144 = arith.addf %add3A_2138, %get3A_2143 : vector<16xf32>
      %get3A_2145 = arith.constant 27 : i32
      %get3A_2146 = arith.index_cast %get3A_2145 : i32 to index
      %get3A_2147 = arith.constant 160 : index
      %get3A_2148 = tpu.vector_load %arg6[%get3A_2146, %get3A_2147] {strides = array<i32>} : memref<32x256xf32, #tpu.memory_space<vmem>>, vector<1x16xf32>,
      %get3A_2149 = vector.shape_cast %get3A_2148 : vector<1x16xf32> to vector<16xf32>
      %add3A_2150 = arith.addf %add3A_2144, %get3A_2149 : vector<16xf32>
      %get3A_2151 = arith.constant 28 : i32
      %get3A_2152 = arith.index_cast %get3A_2151 : i32 to index
      %get3A_2153 = arith.constant 160 : index
      %get3A_2154 = tpu.vector_load %arg6[%get3A_2152, %get3A_2153] {strides = array<i32>} : memref<32x256xf32, #tpu.memory_space<vmem>>, vector<1x16xf32>,
      %get3A_2155 = vector.shape_cast %get3A_2154 : vector<1x16xf32> to vector<16xf32>
      %add3A_2156 = arith.addf %add3A_2150, %get3A_2155 : vector<16xf32>
      %get3A_2157 = arith.constant 29 : i32
      %get3A_2158 = arith.index_cast %get3A_2157 : i32 to index
      %get3A_2159 = arith.constant 160 : index
      %get3A_2160 = tpu.vector_load %arg6[%get3A_2158, %get3A_2159] {strides = array<i32>} : memref<32x256xf32, #tpu.memory_space<vmem>>, vector<1x16xf32>,
      %get3A_2161 = vector.shape_cast %get3A_2160 : vector<1x16xf32> to vector<16xf32>
      %add3A_2162 = arith.addf %add3A_2156, %get3A_2161 : vector<16xf32>
      %get3A_2163 = arith.constant 30 : i32
      %get3A_2164 = arith.index_cast %get3A_2163 : i32 to index
      %get3A_2165 = arith.constant 160 : index
      %get3A_2166 = tpu.vector_load %arg6[%get3A_2164, %get3A_2165] {strides = array<i32>} : memref<32x256xf32, #tpu.memory_space<vmem>>, vector<1x16xf32>,
      %get3A_2167 = vector.shape_cast %get3A_2166 : vector<1x16xf32> to vector<16xf32>
      %add3A_2168 = arith.addf %add3A_2162, %get3A_2167 : vector<16xf32>
      %get3A_2169 = arith.constant 31 : i32
      %get3A_2170 = arith.index_cast %get3A_2169 : i32 to index
      %get3A_2171 = arith.constant 160 : index
      %get3A_2172 = tpu.vector_load %arg6[%get3A_2170, %get3A_2171] {strides = array<i32>} : memref<32x256xf32, #tpu.memory_space<vmem>>, vector<1x16xf32>,
      %get3A_2173 = vector.shape_cast %get3A_2172 : vector<1x16xf32> to vector<16xf32>
      %add3A_2174 = arith.addf %add3A_2168, %get3A_2173 : vector<16xf32>
      %mul3A_2175 = arith.constant 3.125000e-02 : f32
      %mul3A_2176 = vector.broadcast %mul3A_2175 : f32 to vector<16xf32>
      %mul3A_2177 = arith.mulf %add3A_2174, %mul3A_2176 : vector<16xf32>
      %swap3A_2178 = arith.constant 160 : index
      %swap3A_2179 = tpu.vector_load %arg7[%swap3A_2178] {strides = array<i32>} : memref<256xf32, #tpu.memory_space<vmem>>, vector<16xf32>,
      %swap3A_2180 = vector.shape_cast %swap3A_2179 : vector<16xf32> to vector<16xf32>
      %swap3A_2181 = vector.shape_cast %mul3A_2177 : vector<16xf32> to vector<16xf32>
      tpu.vector_store %arg7[%swap3A_2178], %swap3A_2181 {strides = array<i32>} : memref<256xf32, #tpu.memory_space<vmem>>, vector<16xf32>,
      %get3A_2182 = arith.constant 0 : i32
      %get3A_2183 = arith.index_cast %get3A_2182 : i32 to index
      %get3A_2184 = arith.constant 176 : index
      %get3A_2185 = tpu.vector_load %arg6[%get3A_2183, %get3A_2184] {strides = array<i32>} : memref<32x256xf32, #tpu.memory_space<vmem>>, vector<1x16xf32>,
      %get3A_2186 = vector.shape_cast %get3A_2185 : vector<1x16xf32> to vector<16xf32>
      %get3A_2187 = arith.constant 1 : i32
      %get3A_2188 = arith.index_cast %get3A_2187 : i32 to index
      %get3A_2189 = arith.constant 176 : index
      %get3A_2190 = tpu.vector_load %arg6[%get3A_2188, %get3A_2189] {strides = array<i32>} : memref<32x256xf32, #tpu.memory_space<vmem>>, vector<1x16xf32>,
      %get3A_2191 = vector.shape_cast %get3A_2190 : vector<1x16xf32> to vector<16xf32>
      %add3A_2192 = arith.addf %get3A_2186, %get3A_2191 : vector<16xf32>
      %get3A_2193 = arith.constant 2 : i32
      %get3A_2194 = arith.index_cast %get3A_2193 : i32 to index
      %get3A_2195 = arith.constant 176 : index
      %get3A_2196 = tpu.vector_load %arg6[%get3A_2194, %get3A_2195] {strides = array<i32>} : memref<32x256xf32, #tpu.memory_space<vmem>>, vector<1x16xf32>,
      %get3A_2197 = vector.shape_cast %get3A_2196 : vector<1x16xf32> to vector<16xf32>
      %add3A_2198 = arith.addf %add3A_2192, %get3A_2197 : vector<16xf32>
      %get3A_2199 = arith.constant 3 : i32
      %get3A_2200 = arith.index_cast %get3A_2199 : i32 to index
      %get3A_2201 = arith.constant 176 : index
      %get3A_2202 = tpu.vector_load %arg6[%get3A_2200, %get3A_2201] {strides = array<i32>} : memref<32x256xf32, #tpu.memory_space<vmem>>, vector<1x16xf32>,
      %get3A_2203 = vector.shape_cast %get3A_2202 : vector<1x16xf32> to vector<16xf32>
      %add3A_2204 = arith.addf %add3A_2198, %get3A_2203 : vector<16xf32>
      %get3A_2205 = arith.constant 4 : i32
      %get3A_2206 = arith.index_cast %get3A_2205 : i32 to index
      %get3A_2207 = arith.constant 176 : index
      %get3A_2208 = tpu.vector_load %arg6[%get3A_2206, %get3A_2207] {strides = array<i32>} : memref<32x256xf32, #tpu.memory_space<vmem>>, vector<1x16xf32>,
      %get3A_2209 = vector.shape_cast %get3A_2208 : vector<1x16xf32> to vector<16xf32>
      %add3A_2210 = arith.addf %add3A_2204, %get3A_2209 : vector<16xf32>
      %get3A_2211 = arith.constant 5 : i32
      %get3A_2212 = arith.index_cast %get3A_2211 : i32 to index
      %get3A_2213 = arith.constant 176 : index
      %get3A_2214 = tpu.vector_load %arg6[%get3A_2212, %get3A_2213] {strides = array<i32>} : memref<32x256xf32, #tpu.memory_space<vmem>>, vector<1x16xf32>,
      %get3A_2215 = vector.shape_cast %get3A_2214 : vector<1x16xf32> to vector<16xf32>
      %add3A_2216 = arith.addf %add3A_2210, %get3A_2215 : vector<16xf32>
      %get3A_2217 = arith.constant 6 : i32
      %get3A_2218 = arith.index_cast %get3A_2217 : i32 to index
      %get3A_2219 = arith.constant 176 : index
      %get3A_2220 = tpu.vector_load %arg6[%get3A_2218, %get3A_2219] {strides = array<i32>} : memref<32x256xf32, #tpu.memory_space<vmem>>, vector<1x16xf32>,
      %get3A_2221 = vector.shape_cast %get3A_2220 : vector<1x16xf32> to vector<16xf32>
      %add3A_2222 = arith.addf %add3A_2216, %get3A_2221 : vector<16xf32>
      %get3A_2223 = arith.constant 7 : i32
      %get3A_2224 = arith.index_cast %get3A_2223 : i32 to index
      %get3A_2225 = arith.constant 176 : index
      %get3A_2226 = tpu.vector_load %arg6[%get3A_2224, %get3A_2225] {strides = array<i32>} : memref<32x256xf32, #tpu.memory_space<vmem>>, vector<1x16xf32>,
      %get3A_2227 = vector.shape_cast %get3A_2226 : vector<1x16xf32> to vector<16xf32>
      %add3A_2228 = arith.addf %add3A_2222, %get3A_2227 : vector<16xf32>
      %get3A_2229 = arith.constant 8 : i32
      %get3A_2230 = arith.index_cast %get3A_2229 : i32 to index
      %get3A_2231 = arith.constant 176 : index
      %get3A_2232 = tpu.vector_load %arg6[%get3A_2230, %get3A_2231] {strides = array<i32>} : memref<32x256xf32, #tpu.memory_space<vmem>>, vector<1x16xf32>,
      %get3A_2233 = vector.shape_cast %get3A_2232 : vector<1x16xf32> to vector<16xf32>
      %add3A_2234 = arith.addf %add3A_2228, %get3A_2233 : vector<16xf32>
      %get3A_2235 = arith.constant 9 : i32
      %get3A_2236 = arith.index_cast %get3A_2235 : i32 to index
      %get3A_2237 = arith.constant 176 : index
      %get3A_2238 = tpu.vector_load %arg6[%get3A_2236, %get3A_2237] {strides = array<i32>} : memref<32x256xf32, #tpu.memory_space<vmem>>, vector<1x16xf32>,
      %get3A_2239 = vector.shape_cast %get3A_2238 : vector<1x16xf32> to vector<16xf32>
      %add3A_2240 = arith.addf %add3A_2234, %get3A_2239 : vector<16xf32>
      %get3A_2241 = arith.constant 10 : i32
      %get3A_2242 = arith.index_cast %get3A_2241 : i32 to index
      %get3A_2243 = arith.constant 176 : index
      %get3A_2244 = tpu.vector_load %arg6[%get3A_2242, %get3A_2243] {strides = array<i32>} : memref<32x256xf32, #tpu.memory_space<vmem>>, vector<1x16xf32>,
      %get3A_2245 = vector.shape_cast %get3A_2244 : vector<1x16xf32> to vector<16xf32>
      %add3A_2246 = arith.addf %add3A_2240, %get3A_2245 : vector<16xf32>
      %get3A_2247 = arith.constant 11 : i32
      %get3A_2248 = arith.index_cast %get3A_2247 : i32 to index
      %get3A_2249 = arith.constant 176 : index
      %get3A_2250 = tpu.vector_load %arg6[%get3A_2248, %get3A_2249] {strides = array<i32>} : memref<32x256xf32, #tpu.memory_space<vmem>>, vector<1x16xf32>,
      %get3A_2251 = vector.shape_cast %get3A_2250 : vector<1x16xf32> to vector<16xf32>
      %add3A_2252 = arith.addf %add3A_2246, %get3A_2251 : vector<16xf32>
      %get3A_2253 = arith.constant 12 : i32
      %get3A_2254 = arith.index_cast %get3A_2253 : i32 to index
      %get3A_2255 = arith.constant 176 : index
      %get3A_2256 = tpu.vector_load %arg6[%get3A_2254, %get3A_2255] {strides = array<i32>} : memref<32x256xf32, #tpu.memory_space<vmem>>, vector<1x16xf32>,
      %get3A_2257 = vector.shape_cast %get3A_2256 : vector<1x16xf32> to vector<16xf32>
      %add3A_2258 = arith.addf %add3A_2252, %get3A_2257 : vector<16xf32>
      %get3A_2259 = arith.constant 13 : i32
      %get3A_2260 = arith.index_cast %get3A_2259 : i32 to index
      %get3A_2261 = arith.constant 176 : index
      %get3A_2262 = tpu.vector_load %arg6[%get3A_2260, %get3A_2261] {strides = array<i32>} : memref<32x256xf32, #tpu.memory_space<vmem>>, vector<1x16xf32>,
      %get3A_2263 = vector.shape_cast %get3A_2262 : vector<1x16xf32> to vector<16xf32>
      %add3A_2264 = arith.addf %add3A_2258, %get3A_2263 : vector<16xf32>
      %get3A_2265 = arith.constant 14 : i32
      %get3A_2266 = arith.index_cast %get3A_2265 : i32 to index
      %get3A_2267 = arith.constant 176 : index
      %get3A_2268 = tpu.vector_load %arg6[%get3A_2266, %get3A_2267] {strides = array<i32>} : memref<32x256xf32, #tpu.memory_space<vmem>>, vector<1x16xf32>,
      %get3A_2269 = vector.shape_cast %get3A_2268 : vector<1x16xf32> to vector<16xf32>
      %add3A_2270 = arith.addf %add3A_2264, %get3A_2269 : vector<16xf32>
      %get3A_2271 = arith.constant 15 : i32
      %get3A_2272 = arith.index_cast %get3A_2271 : i32 to index
      %get3A_2273 = arith.constant 176 : index
      %get3A_2274 = tpu.vector_load %arg6[%get3A_2272, %get3A_2273] {strides = array<i32>} : memref<32x256xf32, #tpu.memory_space<vmem>>, vector<1x16xf32>,
      %get3A_2275 = vector.shape_cast %get3A_2274 : vector<1x16xf32> to vector<16xf32>
      %add3A_2276 = arith.addf %add3A_2270, %get3A_2275 : vector<16xf32>
      %get3A_2277 = arith.constant 16 : i32
      %get3A_2278 = arith.index_cast %get3A_2277 : i32 to index
      %get3A_2279 = arith.constant 176 : index
      %get3A_2280 = tpu.vector_load %arg6[%get3A_2278, %get3A_2279] {strides = array<i32>} : memref<32x256xf32, #tpu.memory_space<vmem>>, vector<1x16xf32>,
      %get3A_2281 = vector.shape_cast %get3A_2280 : vector<1x16xf32> to vector<16xf32>
      %add3A_2282 = arith.addf %add3A_2276, %get3A_2281 : vector<16xf32>
      %get3A_2283 = arith.constant 17 : i32
      %get3A_2284 = arith.index_cast %get3A_2283 : i32 to index
      %get3A_2285 = arith.constant 176 : index
      %get3A_2286 = tpu.vector_load %arg6[%get3A_2284, %get3A_2285] {strides = array<i32>} : memref<32x256xf32, #tpu.memory_space<vmem>>, vector<1x16xf32>,
      %get3A_2287 = vector.shape_cast %get3A_2286 : vector<1x16xf32> to vector<16xf32>
      %add3A_2288 = arith.addf %add3A_2282, %get3A_2287 : vector<16xf32>
      %get3A_2289 = arith.constant 18 : i32
      %get3A_2290 = arith.index_cast %get3A_2289 : i32 to index
      %get3A_2291 = arith.constant 176 : index
      %get3A_2292 = tpu.vector_load %arg6[%get3A_2290, %get3A_2291] {strides = array<i32>} : memref<32x256xf32, #tpu.memory_space<vmem>>, vector<1x16xf32>,
      %get3A_2293 = vector.shape_cast %get3A_2292 : vector<1x16xf32> to vector<16xf32>
      %add3A_2294 = arith.addf %add3A_2288, %get3A_2293 : vector<16xf32>
      %get3A_2295 = arith.constant 19 : i32
      %get3A_2296 = arith.index_cast %get3A_2295 : i32 to index
      %get3A_2297 = arith.constant 176 : index
      %get3A_2298 = tpu.vector_load %arg6[%get3A_2296, %get3A_2297] {strides = array<i32>} : memref<32x256xf32, #tpu.memory_space<vmem>>, vector<1x16xf32>,
      %get3A_2299 = vector.shape_cast %get3A_2298 : vector<1x16xf32> to vector<16xf32>
      %add3A_2300 = arith.addf %add3A_2294, %get3A_2299 : vector<16xf32>
      %get3A_2301 = arith.constant 20 : i32
      %get3A_2302 = arith.index_cast %get3A_2301 : i32 to index
      %get3A_2303 = arith.constant 176 : index
      %get3A_2304 = tpu.vector_load %arg6[%get3A_2302, %get3A_2303] {strides = array<i32>} : memref<32x256xf32, #tpu.memory_space<vmem>>, vector<1x16xf32>,
      %get3A_2305 = vector.shape_cast %get3A_2304 : vector<1x16xf32> to vector<16xf32>
      %add3A_2306 = arith.addf %add3A_2300, %get3A_2305 : vector<16xf32>
      %get3A_2307 = arith.constant 21 : i32
      %get3A_2308 = arith.index_cast %get3A_2307 : i32 to index
      %get3A_2309 = arith.constant 176 : index
      %get3A_2310 = tpu.vector_load %arg6[%get3A_2308, %get3A_2309] {strides = array<i32>} : memref<32x256xf32, #tpu.memory_space<vmem>>, vector<1x16xf32>,
      %get3A_2311 = vector.shape_cast %get3A_2310 : vector<1x16xf32> to vector<16xf32>
      %add3A_2312 = arith.addf %add3A_2306, %get3A_2311 : vector<16xf32>
      %get3A_2313 = arith.constant 22 : i32
      %get3A_2314 = arith.index_cast %get3A_2313 : i32 to index
      %get3A_2315 = arith.constant 176 : index
      %get3A_2316 = tpu.vector_load %arg6[%get3A_2314, %get3A_2315] {strides = array<i32>} : memref<32x256xf32, #tpu.memory_space<vmem>>, vector<1x16xf32>,
      %get3A_2317 = vector.shape_cast %get3A_2316 : vector<1x16xf32> to vector<16xf32>
      %add3A_2318 = arith.addf %add3A_2312, %get3A_2317 : vector<16xf32>
      %get3A_2319 = arith.constant 23 : i32
      %get3A_2320 = arith.index_cast %get3A_2319 : i32 to index
      %get3A_2321 = arith.constant 176 : index
      %get3A_2322 = tpu.vector_load %arg6[%get3A_2320, %get3A_2321] {strides = array<i32>} : memref<32x256xf32, #tpu.memory_space<vmem>>, vector<1x16xf32>,
      %get3A_2323 = vector.shape_cast %get3A_2322 : vector<1x16xf32> to vector<16xf32>
      %add3A_2324 = arith.addf %add3A_2318, %get3A_2323 : vector<16xf32>
      %get3A_2325 = arith.constant 24 : i32
      %get3A_2326 = arith.index_cast %get3A_2325 : i32 to index
      %get3A_2327 = arith.constant 176 : index
      %get3A_2328 = tpu.vector_load %arg6[%get3A_2326, %get3A_2327] {strides = array<i32>} : memref<32x256xf32, #tpu.memory_space<vmem>>, vector<1x16xf32>,
      %get3A_2329 = vector.shape_cast %get3A_2328 : vector<1x16xf32> to vector<16xf32>
      %add3A_2330 = arith.addf %add3A_2324, %get3A_2329 : vector<16xf32>
      %get3A_2331 = arith.constant 25 : i32
      %get3A_2332 = arith.index_cast %get3A_2331 : i32 to index
      %get3A_2333 = arith.constant 176 : index
      %get3A_2334 = tpu.vector_load %arg6[%get3A_2332, %get3A_2333] {strides = array<i32>} : memref<32x256xf32, #tpu.memory_space<vmem>>, vector<1x16xf32>,
      %get3A_2335 = vector.shape_cast %get3A_2334 : vector<1x16xf32> to vector<16xf32>
      %add3A_2336 = arith.addf %add3A_2330, %get3A_2335 : vector<16xf32>
      %get3A_2337 = arith.constant 26 : i32
      %get3A_2338 = arith.index_cast %get3A_2337 : i32 to index
      %get3A_2339 = arith.constant 176 : index
      %get3A_2340 = tpu.vector_load %arg6[%get3A_2338, %get3A_2339] {strides = array<i32>} : memref<32x256xf32, #tpu.memory_space<vmem>>, vector<1x16xf32>,
      %get3A_2341 = vector.shape_cast %get3A_2340 : vector<1x16xf32> to vector<16xf32>
      %add3A_2342 = arith.addf %add3A_2336, %get3A_2341 : vector<16xf32>
      %get3A_2343 = arith.constant 27 : i32
      %get3A_2344 = arith.index_cast %get3A_2343 : i32 to index
      %get3A_2345 = arith.constant 176 : index
      %get3A_2346 = tpu.vector_load %arg6[%get3A_2344, %get3A_2345] {strides = array<i32>} : memref<32x256xf32, #tpu.memory_space<vmem>>, vector<1x16xf32>,
      %get3A_2347 = vector.shape_cast %get3A_2346 : vector<1x16xf32> to vector<16xf32>
      %add3A_2348 = arith.addf %add3A_2342, %get3A_2347 : vector<16xf32>
      %get3A_2349 = arith.constant 28 : i32
      %get3A_2350 = arith.index_cast %get3A_2349 : i32 to index
      %get3A_2351 = arith.constant 176 : index
      %get3A_2352 = tpu.vector_load %arg6[%get3A_2350, %get3A_2351] {strides = array<i32>} : memref<32x256xf32, #tpu.memory_space<vmem>>, vector<1x16xf32>,
      %get3A_2353 = vector.shape_cast %get3A_2352 : vector<1x16xf32> to vector<16xf32>
      %add3A_2354 = arith.addf %add3A_2348, %get3A_2353 : vector<16xf32>
      %get3A_2355 = arith.constant 29 : i32
      %get3A_2356 = arith.index_cast %get3A_2355 : i32 to index
      %get3A_2357 = arith.constant 176 : index
      %get3A_2358 = tpu.vector_load %arg6[%get3A_2356, %get3A_2357] {strides = array<i32>} : memref<32x256xf32, #tpu.memory_space<vmem>>, vector<1x16xf32>,
      %get3A_2359 = vector.shape_cast %get3A_2358 : vector<1x16xf32> to vector<16xf32>
      %add3A_2360 = arith.addf %add3A_2354, %get3A_2359 : vector<16xf32>
      %get3A_2361 = arith.constant 30 : i32
      %get3A_2362 = arith.index_cast %get3A_2361 : i32 to index
      %get3A_2363 = arith.constant 176 : index
      %get3A_2364 = tpu.vector_load %arg6[%get3A_2362, %get3A_2363] {strides = array<i32>} : memref<32x256xf32, #tpu.memory_space<vmem>>, vector<1x16xf32>,
      %get3A_2365 = vector.shape_cast %get3A_2364 : vector<1x16xf32> to vector<16xf32>
      %add3A_2366 = arith.addf %add3A_2360, %get3A_2365 : vector<16xf32>
      %get3A_2367 = arith.constant 31 : i32
      %get3A_2368 = arith.index_cast %get3A_2367 : i32 to index
      %get3A_2369 = arith.constant 176 : index
      %get3A_2370 = tpu.vector_load %arg6[%get3A_2368, %get3A_2369] {strides = array<i32>} : memref<32x256xf32, #tpu.memory_space<vmem>>, vector<1x16xf32>,
      %get3A_2371 = vector.shape_cast %get3A_2370 : vector<1x16xf32> to vector<16xf32>
      %add3A_2372 = arith.addf %add3A_2366, %get3A_2371 : vector<16xf32>
      %mul3A_2373 = arith.constant 3.125000e-02 : f32
      %mul3A_2374 = vector.broadcast %mul3A_2373 : f32 to vector<16xf32>
      %mul3A_2375 = arith.mulf %add3A_2372, %mul3A_2374 : vector<16xf32>
      %swap3A_2376 = arith.constant 176 : index
      %swap3A_2377 = tpu.vector_load %arg7[%swap3A_2376] {strides = array<i32>} : memref<256xf32, #tpu.memory_space<vmem>>, vector<16xf32>,
      %swap3A_2378 = vector.shape_cast %swap3A_2377 : vector<16xf32> to vector<16xf32>
      %swap3A_2379 = vector.shape_cast %mul3A_2375 : vector<16xf32> to vector<16xf32>
      tpu.vector_store %arg7[%swap3A_2376], %swap3A_2379 {strides = array<i32>} : memref<256xf32, #tpu.memory_space<vmem>>, vector<16xf32>,
      %get3A_2380 = arith.constant 0 : i32
      %get3A_2381 = arith.index_cast %get3A_2380 : i32 to index
      %get3A_2382 = arith.constant 192 : index
      %get3A_2383 = tpu.vector_load %arg6[%get3A_2381, %get3A_2382] {strides = array<i32>} : memref<32x256xf32, #tpu.memory_space<vmem>>, vector<1x16xf32>,
      %get3A_2384 = vector.shape_cast %get3A_2383 : vector<1x16xf32> to vector<16xf32>
      %get3A_2385 = arith.constant 1 : i32
      %get3A_2386 = arith.index_cast %get3A_2385 : i32 to index
      %get3A_2387 = arith.constant 192 : index
      %get3A_2388 = tpu.vector_load %arg6[%get3A_2386, %get3A_2387] {strides = array<i32>} : memref<32x256xf32, #tpu.memory_space<vmem>>, vector<1x16xf32>,
      %get3A_2389 = vector.shape_cast %get3A_2388 : vector<1x16xf32> to vector<16xf32>
      %add3A_2390 = arith.addf %get3A_2384, %get3A_2389 : vector<16xf32>
      %get3A_2391 = arith.constant 2 : i32
      %get3A_2392 = arith.index_cast %get3A_2391 : i32 to index
      %get3A_2393 = arith.constant 192 : index
      %get3A_2394 = tpu.vector_load %arg6[%get3A_2392, %get3A_2393] {strides = array<i32>} : memref<32x256xf32, #tpu.memory_space<vmem>>, vector<1x16xf32>,
      %get3A_2395 = vector.shape_cast %get3A_2394 : vector<1x16xf32> to vector<16xf32>
      %add3A_2396 = arith.addf %add3A_2390, %get3A_2395 : vector<16xf32>
      %get3A_2397 = arith.constant 3 : i32
      %get3A_2398 = arith.index_cast %get3A_2397 : i32 to index
      %get3A_2399 = arith.constant 192 : index
      %get3A_2400 = tpu.vector_load %arg6[%get3A_2398, %get3A_2399] {strides = array<i32>} : memref<32x256xf32, #tpu.memory_space<vmem>>, vector<1x16xf32>,
      %get3A_2401 = vector.shape_cast %get3A_2400 : vector<1x16xf32> to vector<16xf32>
      %add3A_2402 = arith.addf %add3A_2396, %get3A_2401 : vector<16xf32>
      %get3A_2403 = arith.constant 4 : i32
      %get3A_2404 = arith.index_cast %get3A_2403 : i32 to index
      %get3A_2405 = arith.constant 192 : index
      %get3A_2406 = tpu.vector_load %arg6[%get3A_2404, %get3A_2405] {strides = array<i32>} : memref<32x256xf32, #tpu.memory_space<vmem>>, vector<1x16xf32>,
      %get3A_2407 = vector.shape_cast %get3A_2406 : vector<1x16xf32> to vector<16xf32>
      %add3A_2408 = arith.addf %add3A_2402, %get3A_2407 : vector<16xf32>
      %get3A_2409 = arith.constant 5 : i32
      %get3A_2410 = arith.index_cast %get3A_2409 : i32 to index
      %get3A_2411 = arith.constant 192 : index
      %get3A_2412 = tpu.vector_load %arg6[%get3A_2410, %get3A_2411] {strides = array<i32>} : memref<32x256xf32, #tpu.memory_space<vmem>>, vector<1x16xf32>,
      %get3A_2413 = vector.shape_cast %get3A_2412 : vector<1x16xf32> to vector<16xf32>
      %add3A_2414 = arith.addf %add3A_2408, %get3A_2413 : vector<16xf32>
      %get3A_2415 = arith.constant 6 : i32
      %get3A_2416 = arith.index_cast %get3A_2415 : i32 to index
      %get3A_2417 = arith.constant 192 : index
      %get3A_2418 = tpu.vector_load %arg6[%get3A_2416, %get3A_2417] {strides = array<i32>} : memref<32x256xf32, #tpu.memory_space<vmem>>, vector<1x16xf32>,
      %get3A_2419 = vector.shape_cast %get3A_2418 : vector<1x16xf32> to vector<16xf32>
      %add3A_2420 = arith.addf %add3A_2414, %get3A_2419 : vector<16xf32>
      %get3A_2421 = arith.constant 7 : i32
      %get3A_2422 = arith.index_cast %get3A_2421 : i32 to index
      %get3A_2423 = arith.constant 192 : index
      %get3A_2424 = tpu.vector_load %arg6[%get3A_2422, %get3A_2423] {strides = array<i32>} : memref<32x256xf32, #tpu.memory_space<vmem>>, vector<1x16xf32>,
      %get3A_2425 = vector.shape_cast %get3A_2424 : vector<1x16xf32> to vector<16xf32>
      %add3A_2426 = arith.addf %add3A_2420, %get3A_2425 : vector<16xf32>
      %get3A_2427 = arith.constant 8 : i32
      %get3A_2428 = arith.index_cast %get3A_2427 : i32 to index
      %get3A_2429 = arith.constant 192 : index
      %get3A_2430 = tpu.vector_load %arg6[%get3A_2428, %get3A_2429] {strides = array<i32>} : memref<32x256xf32, #tpu.memory_space<vmem>>, vector<1x16xf32>,
      %get3A_2431 = vector.shape_cast %get3A_2430 : vector<1x16xf32> to vector<16xf32>
      %add3A_2432 = arith.addf %add3A_2426, %get3A_2431 : vector<16xf32>
      %get3A_2433 = arith.constant 9 : i32
      %get3A_2434 = arith.index_cast %get3A_2433 : i32 to index
      %get3A_2435 = arith.constant 192 : index
      %get3A_2436 = tpu.vector_load %arg6[%get3A_2434, %get3A_2435] {strides = array<i32>} : memref<32x256xf32, #tpu.memory_space<vmem>>, vector<1x16xf32>,
      %get3A_2437 = vector.shape_cast %get3A_2436 : vector<1x16xf32> to vector<16xf32>
      %add3A_2438 = arith.addf %add3A_2432, %get3A_2437 : vector<16xf32>
      %get3A_2439 = arith.constant 10 : i32
      %get3A_2440 = arith.index_cast %get3A_2439 : i32 to index
      %get3A_2441 = arith.constant 192 : index
      %get3A_2442 = tpu.vector_load %arg6[%get3A_2440, %get3A_2441] {strides = array<i32>} : memref<32x256xf32, #tpu.memory_space<vmem>>, vector<1x16xf32>,
      %get3A_2443 = vector.shape_cast %get3A_2442 : vector<1x16xf32> to vector<16xf32>
      %add3A_2444 = arith.addf %add3A_2438, %get3A_2443 : vector<16xf32>
      %get3A_2445 = arith.constant 11 : i32
      %get3A_2446 = arith.index_cast %get3A_2445 : i32 to index
      %get3A_2447 = arith.constant 192 : index
      %get3A_2448 = tpu.vector_load %arg6[%get3A_2446, %get3A_2447] {strides = array<i32>} : memref<32x256xf32, #tpu.memory_space<vmem>>, vector<1x16xf32>,
      %get3A_2449 = vector.shape_cast %get3A_2448 : vector<1x16xf32> to vector<16xf32>
      %add3A_2450 = arith.addf %add3A_2444, %get3A_2449 : vector<16xf32>
      %get3A_2451 = arith.constant 12 : i32
      %get3A_2452 = arith.index_cast %get3A_2451 : i32 to index
      %get3A_2453 = arith.constant 192 : index
      %get3A_2454 = tpu.vector_load %arg6[%get3A_2452, %get3A_2453] {strides = array<i32>} : memref<32x256xf32, #tpu.memory_space<vmem>>, vector<1x16xf32>,
      %get3A_2455 = vector.shape_cast %get3A_2454 : vector<1x16xf32> to vector<16xf32>
      %add3A_2456 = arith.addf %add3A_2450, %get3A_2455 : vector<16xf32>
      %get3A_2457 = arith.constant 13 : i32
      %get3A_2458 = arith.index_cast %get3A_2457 : i32 to index
      %get3A_2459 = arith.constant 192 : index
      %get3A_2460 = tpu.vector_load %arg6[%get3A_2458, %get3A_2459] {strides = array<i32>} : memref<32x256xf32, #tpu.memory_space<vmem>>, vector<1x16xf32>,
      %get3A_2461 = vector.shape_cast %get3A_2460 : vector<1x16xf32> to vector<16xf32>
      %add3A_2462 = arith.addf %add3A_2456, %get3A_2461 : vector<16xf32>
      %get3A_2463 = arith.constant 14 : i32
      %get3A_2464 = arith.index_cast %get3A_2463 : i32 to index
      %get3A_2465 = arith.constant 192 : index
      %get3A_2466 = tpu.vector_load %arg6[%get3A_2464, %get3A_2465] {strides = array<i32>} : memref<32x256xf32, #tpu.memory_space<vmem>>, vector<1x16xf32>,
      %get3A_2467 = vector.shape_cast %get3A_2466 : vector<1x16xf32> to vector<16xf32>
      %add3A_2468 = arith.addf %add3A_2462, %get3A_2467 : vector<16xf32>
      %get3A_2469 = arith.constant 15 : i32
      %get3A_2470 = arith.index_cast %get3A_2469 : i32 to index
      %get3A_2471 = arith.constant 192 : index
      %get3A_2472 = tpu.vector_load %arg6[%get3A_2470, %get3A_2471] {strides = array<i32>} : memref<32x256xf32, #tpu.memory_space<vmem>>, vector<1x16xf32>,
      %get3A_2473 = vector.shape_cast %get3A_2472 : vector<1x16xf32> to vector<16xf32>
      %add3A_2474 = arith.addf %add3A_2468, %get3A_2473 : vector<16xf32>
      %get3A_2475 = arith.constant 16 : i32
      %get3A_2476 = arith.index_cast %get3A_2475 : i32 to index
      %get3A_2477 = arith.constant 192 : index
      %get3A_2478 = tpu.vector_load %arg6[%get3A_2476, %get3A_2477] {strides = array<i32>} : memref<32x256xf32, #tpu.memory_space<vmem>>, vector<1x16xf32>,
      %get3A_2479 = vector.shape_cast %get3A_2478 : vector<1x16xf32> to vector<16xf32>
      %add3A_2480 = arith.addf %add3A_2474, %get3A_2479 : vector<16xf32>
      %get3A_2481 = arith.constant 17 : i32
      %get3A_2482 = arith.index_cast %get3A_2481 : i32 to index
      %get3A_2483 = arith.constant 192 : index
      %get3A_2484 = tpu.vector_load %arg6[%get3A_2482, %get3A_2483] {strides = array<i32>} : memref<32x256xf32, #tpu.memory_space<vmem>>, vector<1x16xf32>,
      %get3A_2485 = vector.shape_cast %get3A_2484 : vector<1x16xf32> to vector<16xf32>
      %add3A_2486 = arith.addf %add3A_2480, %get3A_2485 : vector<16xf32>
      %get3A_2487 = arith.constant 18 : i32
      %get3A_2488 = arith.index_cast %get3A_2487 : i32 to index
      %get3A_2489 = arith.constant 192 : index
      %get3A_2490 = tpu.vector_load %arg6[%get3A_2488, %get3A_2489] {strides = array<i32>} : memref<32x256xf32, #tpu.memory_space<vmem>>, vector<1x16xf32>,
      %get3A_2491 = vector.shape_cast %get3A_2490 : vector<1x16xf32> to vector<16xf32>
      %add3A_2492 = arith.addf %add3A_2486, %get3A_2491 : vector<16xf32>
      %get3A_2493 = arith.constant 19 : i32
      %get3A_2494 = arith.index_cast %get3A_2493 : i32 to index
      %get3A_2495 = arith.constant 192 : index
      %get3A_2496 = tpu.vector_load %arg6[%get3A_2494, %get3A_2495] {strides = array<i32>} : memref<32x256xf32, #tpu.memory_space<vmem>>, vector<1x16xf32>,
      %get3A_2497 = vector.shape_cast %get3A_2496 : vector<1x16xf32> to vector<16xf32>
      %add3A_2498 = arith.addf %add3A_2492, %get3A_2497 : vector<16xf32>
      %get3A_2499 = arith.constant 20 : i32
      %get3A_2500 = arith.index_cast %get3A_2499 : i32 to index
      %get3A_2501 = arith.constant 192 : index
      %get3A_2502 = tpu.vector_load %arg6[%get3A_2500, %get3A_2501] {strides = array<i32>} : memref<32x256xf32, #tpu.memory_space<vmem>>, vector<1x16xf32>,
      %get3A_2503 = vector.shape_cast %get3A_2502 : vector<1x16xf32> to vector<16xf32>
      %add3A_2504 = arith.addf %add3A_2498, %get3A_2503 : vector<16xf32>
      %get3A_2505 = arith.constant 21 : i32
      %get3A_2506 = arith.index_cast %get3A_2505 : i32 to index
      %get3A_2507 = arith.constant 192 : index
      %get3A_2508 = tpu.vector_load %arg6[%get3A_2506, %get3A_2507] {strides = array<i32>} : memref<32x256xf32, #tpu.memory_space<vmem>>, vector<1x16xf32>,
      %get3A_2509 = vector.shape_cast %get3A_2508 : vector<1x16xf32> to vector<16xf32>
      %add3A_2510 = arith.addf %add3A_2504, %get3A_2509 : vector<16xf32>
      %get3A_2511 = arith.constant 22 : i32
      %get3A_2512 = arith.index_cast %get3A_2511 : i32 to index
      %get3A_2513 = arith.constant 192 : index
      %get3A_2514 = tpu.vector_load %arg6[%get3A_2512, %get3A_2513] {strides = array<i32>} : memref<32x256xf32, #tpu.memory_space<vmem>>, vector<1x16xf32>,
      %get3A_2515 = vector.shape_cast %get3A_2514 : vector<1x16xf32> to vector<16xf32>
      %add3A_2516 = arith.addf %add3A_2510, %get3A_2515 : vector<16xf32>
      %get3A_2517 = arith.constant 23 : i32
      %get3A_2518 = arith.index_cast %get3A_2517 : i32 to index
      %get3A_2519 = arith.constant 192 : index
      %get3A_2520 = tpu.vector_load %arg6[%get3A_2518, %get3A_2519] {strides = array<i32>} : memref<32x256xf32, #tpu.memory_space<vmem>>, vector<1x16xf32>,
      %get3A_2521 = vector.shape_cast %get3A_2520 : vector<1x16xf32> to vector<16xf32>
      %add3A_2522 = arith.addf %add3A_2516, %get3A_2521 : vector<16xf32>
      %get3A_2523 = arith.constant 24 : i32
      %get3A_2524 = arith.index_cast %get3A_2523 : i32 to index
      %get3A_2525 = arith.constant 192 : index
      %get3A_2526 = tpu.vector_load %arg6[%get3A_2524, %get3A_2525] {strides = array<i32>} : memref<32x256xf32, #tpu.memory_space<vmem>>, vector<1x16xf32>,
      %get3A_2527 = vector.shape_cast %get3A_2526 : vector<1x16xf32> to vector<16xf32>
      %add3A_2528 = arith.addf %add3A_2522, %get3A_2527 : vector<16xf32>
      %get3A_2529 = arith.constant 25 : i32
      %get3A_2530 = arith.index_cast %get3A_2529 : i32 to index
      %get3A_2531 = arith.constant 192 : index
      %get3A_2532 = tpu.vector_load %arg6[%get3A_2530, %get3A_2531] {strides = array<i32>} : memref<32x256xf32, #tpu.memory_space<vmem>>, vector<1x16xf32>,
      %get3A_2533 = vector.shape_cast %get3A_2532 : vector<1x16xf32> to vector<16xf32>
      %add3A_2534 = arith.addf %add3A_2528, %get3A_2533 : vector<16xf32>
      %get3A_2535 = arith.constant 26 : i32
      %get3A_2536 = arith.index_cast %get3A_2535 : i32 to index
      %get3A_2537 = arith.constant 192 : index
      %get3A_2538 = tpu.vector_load %arg6[%get3A_2536, %get3A_2537] {strides = array<i32>} : memref<32x256xf32, #tpu.memory_space<vmem>>, vector<1x16xf32>,
      %get3A_2539 = vector.shape_cast %get3A_2538 : vector<1x16xf32> to vector<16xf32>
      %add3A_2540 = arith.addf %add3A_2534, %get3A_2539 : vector<16xf32>
      %get3A_2541 = arith.constant 27 : i32
      %get3A_2542 = arith.index_cast %get3A_2541 : i32 to index
      %get3A_2543 = arith.constant 192 : index
      %get3A_2544 = tpu.vector_load %arg6[%get3A_2542, %get3A_2543] {strides = array<i32>} : memref<32x256xf32, #tpu.memory_space<vmem>>, vector<1x16xf32>,
      %get3A_2545 = vector.shape_cast %get3A_2544 : vector<1x16xf32> to vector<16xf32>
      %add3A_2546 = arith.addf %add3A_2540, %get3A_2545 : vector<16xf32>
      %get3A_2547 = arith.constant 28 : i32
      %get3A_2548 = arith.index_cast %get3A_2547 : i32 to index
      %get3A_2549 = arith.constant 192 : index
      %get3A_2550 = tpu.vector_load %arg6[%get3A_2548, %get3A_2549] {strides = array<i32>} : memref<32x256xf32, #tpu.memory_space<vmem>>, vector<1x16xf32>,
      %get3A_2551 = vector.shape_cast %get3A_2550 : vector<1x16xf32> to vector<16xf32>
      %add3A_2552 = arith.addf %add3A_2546, %get3A_2551 : vector<16xf32>
      %get3A_2553 = arith.constant 29 : i32
      %get3A_2554 = arith.index_cast %get3A_2553 : i32 to index
      %get3A_2555 = arith.constant 192 : index
      %get3A_2556 = tpu.vector_load %arg6[%get3A_2554, %get3A_2555] {strides = array<i32>} : memref<32x256xf32, #tpu.memory_space<vmem>>, vector<1x16xf32>,
      %get3A_2557 = vector.shape_cast %get3A_2556 : vector<1x16xf32> to vector<16xf32>
      %add3A_2558 = arith.addf %add3A_2552, %get3A_2557 : vector<16xf32>
      %get3A_2559 = arith.constant 30 : i32
      %get3A_2560 = arith.index_cast %get3A_2559 : i32 to index
      %get3A_2561 = arith.constant 192 : index
      %get3A_2562 = tpu.vector_load %arg6[%get3A_2560, %get3A_2561] {strides = array<i32>} : memref<32x256xf32, #tpu.memory_space<vmem>>, vector<1x16xf32>,
      %get3A_2563 = vector.shape_cast %get3A_2562 : vector<1x16xf32> to vector<16xf32>
      %add3A_2564 = arith.addf %add3A_2558, %get3A_2563 : vector<16xf32>
      %get3A_2565 = arith.constant 31 : i32
      %get3A_2566 = arith.index_cast %get3A_2565 : i32 to index
      %get3A_2567 = arith.constant 192 : index
      %get3A_2568 = tpu.vector_load %arg6[%get3A_2566, %get3A_2567] {strides = array<i32>} : memref<32x256xf32, #tpu.memory_space<vmem>>, vector<1x16xf32>,
      %get3A_2569 = vector.shape_cast %get3A_2568 : vector<1x16xf32> to vector<16xf32>
      %add3A_2570 = arith.addf %add3A_2564, %get3A_2569 : vector<16xf32>
      %mul3A_2571 = arith.constant 3.125000e-02 : f32
      %mul3A_2572 = vector.broadcast %mul3A_2571 : f32 to vector<16xf32>
      %mul3A_2573 = arith.mulf %add3A_2570, %mul3A_2572 : vector<16xf32>
      %swap3A_2574 = arith.constant 192 : index
      %swap3A_2575 = tpu.vector_load %arg7[%swap3A_2574] {strides = array<i32>} : memref<256xf32, #tpu.memory_space<vmem>>, vector<16xf32>,
      %swap3A_2576 = vector.shape_cast %swap3A_2575 : vector<16xf32> to vector<16xf32>
      %swap3A_2577 = vector.shape_cast %mul3A_2573 : vector<16xf32> to vector<16xf32>
      tpu.vector_store %arg7[%swap3A_2574], %swap3A_2577 {strides = array<i32>} : memref<256xf32, #tpu.memory_space<vmem>>, vector<16xf32>,
      %get3A_2578 = arith.constant 0 : i32
      %get3A_2579 = arith.index_cast %get3A_2578 : i32 to index
      %get3A_2580 = arith.constant 208 : index
      %get3A_2581 = tpu.vector_load %arg6[%get3A_2579, %get3A_2580] {strides = array<i32>} : memref<32x256xf32, #tpu.memory_space<vmem>>, vector<1x16xf32>,
      %get3A_2582 = vector.shape_cast %get3A_2581 : vector<1x16xf32> to vector<16xf32>
      %get3A_2583 = arith.constant 1 : i32
      %get3A_2584 = arith.index_cast %get3A_2583 : i32 to index
      %get3A_2585 = arith.constant 208 : index
      %get3A_2586 = tpu.vector_load %arg6[%get3A_2584, %get3A_2585] {strides = array<i32>} : memref<32x256xf32, #tpu.memory_space<vmem>>, vector<1x16xf32>,
      %get3A_2587 = vector.shape_cast %get3A_2586 : vector<1x16xf32> to vector<16xf32>
      %add3A_2588 = arith.addf %get3A_2582, %get3A_2587 : vector<16xf32>
      %get3A_2589 = arith.constant 2 : i32
      %get3A_2590 = arith.index_cast %get3A_2589 : i32 to index
      %get3A_2591 = arith.constant 208 : index
      %get3A_2592 = tpu.vector_load %arg6[%get3A_2590, %get3A_2591] {strides = array<i32>} : memref<32x256xf32, #tpu.memory_space<vmem>>, vector<1x16xf32>,
      %get3A_2593 = vector.shape_cast %get3A_2592 : vector<1x16xf32> to vector<16xf32>
      %add3A_2594 = arith.addf %add3A_2588, %get3A_2593 : vector<16xf32>
      %get3A_2595 = arith.constant 3 : i32
      %get3A_2596 = arith.index_cast %get3A_2595 : i32 to index
      %get3A_2597 = arith.constant 208 : index
      %get3A_2598 = tpu.vector_load %arg6[%get3A_2596, %get3A_2597] {strides = array<i32>} : memref<32x256xf32, #tpu.memory_space<vmem>>, vector<1x16xf32>,
      %get3A_2599 = vector.shape_cast %get3A_2598 : vector<1x16xf32> to vector<16xf32>
      %add3A_2600 = arith.addf %add3A_2594, %get3A_2599 : vector<16xf32>
      %get3A_2601 = arith.constant 4 : i32
      %get3A_2602 = arith.index_cast %get3A_2601 : i32 to index
      %get3A_2603 = arith.constant 208 : index
      %get3A_2604 = tpu.vector_load %arg6[%get3A_2602, %get3A_2603] {strides = array<i32>} : memref<32x256xf32, #tpu.memory_space<vmem>>, vector<1x16xf32>,
      %get3A_2605 = vector.shape_cast %get3A_2604 : vector<1x16xf32> to vector<16xf32>
      %add3A_2606 = arith.addf %add3A_2600, %get3A_2605 : vector<16xf32>
      %get3A_2607 = arith.constant 5 : i32
      %get3A_2608 = arith.index_cast %get3A_2607 : i32 to index
      %get3A_2609 = arith.constant 208 : index
      %get3A_2610 = tpu.vector_load %arg6[%get3A_2608, %get3A_2609] {strides = array<i32>} : memref<32x256xf32, #tpu.memory_space<vmem>>, vector<1x16xf32>,
      %get3A_2611 = vector.shape_cast %get3A_2610 : vector<1x16xf32> to vector<16xf32>
      %add3A_2612 = arith.addf %add3A_2606, %get3A_2611 : vector<16xf32>
      %get3A_2613 = arith.constant 6 : i32
      %get3A_2614 = arith.index_cast %get3A_2613 : i32 to index
      %get3A_2615 = arith.constant 208 : index
      %get3A_2616 = tpu.vector_load %arg6[%get3A_2614, %get3A_2615] {strides = array<i32>} : memref<32x256xf32, #tpu.memory_space<vmem>>, vector<1x16xf32>,
      %get3A_2617 = vector.shape_cast %get3A_2616 : vector<1x16xf32> to vector<16xf32>
      %add3A_2618 = arith.addf %add3A_2612, %get3A_2617 : vector<16xf32>
      %get3A_2619 = arith.constant 7 : i32
      %get3A_2620 = arith.index_cast %get3A_2619 : i32 to index
      %get3A_2621 = arith.constant 208 : index
      %get3A_2622 = tpu.vector_load %arg6[%get3A_2620, %get3A_2621] {strides = array<i32>} : memref<32x256xf32, #tpu.memory_space<vmem>>, vector<1x16xf32>,
      %get3A_2623 = vector.shape_cast %get3A_2622 : vector<1x16xf32> to vector<16xf32>
      %add3A_2624 = arith.addf %add3A_2618, %get3A_2623 : vector<16xf32>
      %get3A_2625 = arith.constant 8 : i32
      %get3A_2626 = arith.index_cast %get3A_2625 : i32 to index
      %get3A_2627 = arith.constant 208 : index
      %get3A_2628 = tpu.vector_load %arg6[%get3A_2626, %get3A_2627] {strides = array<i32>} : memref<32x256xf32, #tpu.memory_space<vmem>>, vector<1x16xf32>,
      %get3A_2629 = vector.shape_cast %get3A_2628 : vector<1x16xf32> to vector<16xf32>
      %add3A_2630 = arith.addf %add3A_2624, %get3A_2629 : vector<16xf32>
      %get3A_2631 = arith.constant 9 : i32
      %get3A_2632 = arith.index_cast %get3A_2631 : i32 to index
      %get3A_2633 = arith.constant 208 : index
      %get3A_2634 = tpu.vector_load %arg6[%get3A_2632, %get3A_2633] {strides = array<i32>} : memref<32x256xf32, #tpu.memory_space<vmem>>, vector<1x16xf32>,
      %get3A_2635 = vector.shape_cast %get3A_2634 : vector<1x16xf32> to vector<16xf32>
      %add3A_2636 = arith.addf %add3A_2630, %get3A_2635 : vector<16xf32>
      %get3A_2637 = arith.constant 10 : i32
      %get3A_2638 = arith.index_cast %get3A_2637 : i32 to index
      %get3A_2639 = arith.constant 208 : index
      %get3A_2640 = tpu.vector_load %arg6[%get3A_2638, %get3A_2639] {strides = array<i32>} : memref<32x256xf32, #tpu.memory_space<vmem>>, vector<1x16xf32>,
      %get3A_2641 = vector.shape_cast %get3A_2640 : vector<1x16xf32> to vector<16xf32>
      %add3A_2642 = arith.addf %add3A_2636, %get3A_2641 : vector<16xf32>
      %get3A_2643 = arith.constant 11 : i32
      %get3A_2644 = arith.index_cast %get3A_2643 : i32 to index
      %get3A_2645 = arith.constant 208 : index
      %get3A_2646 = tpu.vector_load %arg6[%get3A_2644, %get3A_2645] {strides = array<i32>} : memref<32x256xf32, #tpu.memory_space<vmem>>, vector<1x16xf32>,
      %get3A_2647 = vector.shape_cast %get3A_2646 : vector<1x16xf32> to vector<16xf32>
      %add3A_2648 = arith.addf %add3A_2642, %get3A_2647 : vector<16xf32>
      %get3A_2649 = arith.constant 12 : i32
      %get3A_2650 = arith.index_cast %get3A_2649 : i32 to index
      %get3A_2651 = arith.constant 208 : index
      %get3A_2652 = tpu.vector_load %arg6[%get3A_2650, %get3A_2651] {strides = array<i32>} : memref<32x256xf32, #tpu.memory_space<vmem>>, vector<1x16xf32>,
      %get3A_2653 = vector.shape_cast %get3A_2652 : vector<1x16xf32> to vector<16xf32>
      %add3A_2654 = arith.addf %add3A_2648, %get3A_2653 : vector<16xf32>
      %get3A_2655 = arith.constant 13 : i32
      %get3A_2656 = arith.index_cast %get3A_2655 : i32 to index
      %get3A_2657 = arith.constant 208 : index
      %get3A_2658 = tpu.vector_load %arg6[%get3A_2656, %get3A_2657] {strides = array<i32>} : memref<32x256xf32, #tpu.memory_space<vmem>>, vector<1x16xf32>,
      %get3A_2659 = vector.shape_cast %get3A_2658 : vector<1x16xf32> to vector<16xf32>
      %add3A_2660 = arith.addf %add3A_2654, %get3A_2659 : vector<16xf32>
      %get3A_2661 = arith.constant 14 : i32
      %get3A_2662 = arith.index_cast %get3A_2661 : i32 to index
      %get3A_2663 = arith.constant 208 : index
      %get3A_2664 = tpu.vector_load %arg6[%get3A_2662, %get3A_2663] {strides = array<i32>} : memref<32x256xf32, #tpu.memory_space<vmem>>, vector<1x16xf32>,
      %get3A_2665 = vector.shape_cast %get3A_2664 : vector<1x16xf32> to vector<16xf32>
      %add3A_2666 = arith.addf %add3A_2660, %get3A_2665 : vector<16xf32>
      %get3A_2667 = arith.constant 15 : i32
      %get3A_2668 = arith.index_cast %get3A_2667 : i32 to index
      %get3A_2669 = arith.constant 208 : index
      %get3A_2670 = tpu.vector_load %arg6[%get3A_2668, %get3A_2669] {strides = array<i32>} : memref<32x256xf32, #tpu.memory_space<vmem>>, vector<1x16xf32>,
      %get3A_2671 = vector.shape_cast %get3A_2670 : vector<1x16xf32> to vector<16xf32>
      %add3A_2672 = arith.addf %add3A_2666, %get3A_2671 : vector<16xf32>
      %get3A_2673 = arith.constant 16 : i32
      %get3A_2674 = arith.index_cast %get3A_2673 : i32 to index
      %get3A_2675 = arith.constant 208 : index
      %get3A_2676 = tpu.vector_load %arg6[%get3A_2674, %get3A_2675] {strides = array<i32>} : memref<32x256xf32, #tpu.memory_space<vmem>>, vector<1x16xf32>,
      %get3A_2677 = vector.shape_cast %get3A_2676 : vector<1x16xf32> to vector<16xf32>
      %add3A_2678 = arith.addf %add3A_2672, %get3A_2677 : vector<16xf32>
      %get3A_2679 = arith.constant 17 : i32
      %get3A_2680 = arith.index_cast %get3A_2679 : i32 to index
      %get3A_2681 = arith.constant 208 : index
      %get3A_2682 = tpu.vector_load %arg6[%get3A_2680, %get3A_2681] {strides = array<i32>} : memref<32x256xf32, #tpu.memory_space<vmem>>, vector<1x16xf32>,
      %get3A_2683 = vector.shape_cast %get3A_2682 : vector<1x16xf32> to vector<16xf32>
      %add3A_2684 = arith.addf %add3A_2678, %get3A_2683 : vector<16xf32>
      %get3A_2685 = arith.constant 18 : i32
      %get3A_2686 = arith.index_cast %get3A_2685 : i32 to index
      %get3A_2687 = arith.constant 208 : index
      %get3A_2688 = tpu.vector_load %arg6[%get3A_2686, %get3A_2687] {strides = array<i32>} : memref<32x256xf32, #tpu.memory_space<vmem>>, vector<1x16xf32>,
      %get3A_2689 = vector.shape_cast %get3A_2688 : vector<1x16xf32> to vector<16xf32>
      %add3A_2690 = arith.addf %add3A_2684, %get3A_2689 : vector<16xf32>
      %get3A_2691 = arith.constant 19 : i32
      %get3A_2692 = arith.index_cast %get3A_2691 : i32 to index
      %get3A_2693 = arith.constant 208 : index
      %get3A_2694 = tpu.vector_load %arg6[%get3A_2692, %get3A_2693] {strides = array<i32>} : memref<32x256xf32, #tpu.memory_space<vmem>>, vector<1x16xf32>,
      %get3A_2695 = vector.shape_cast %get3A_2694 : vector<1x16xf32> to vector<16xf32>
      %add3A_2696 = arith.addf %add3A_2690, %get3A_2695 : vector<16xf32>
      %get3A_2697 = arith.constant 20 : i32
      %get3A_2698 = arith.index_cast %get3A_2697 : i32 to index
      %get3A_2699 = arith.constant 208 : index
      %get3A_2700 = tpu.vector_load %arg6[%get3A_2698, %get3A_2699] {strides = array<i32>} : memref<32x256xf32, #tpu.memory_space<vmem>>, vector<1x16xf32>,
      %get3A_2701 = vector.shape_cast %get3A_2700 : vector<1x16xf32> to vector<16xf32>
      %add3A_2702 = arith.addf %add3A_2696, %get3A_2701 : vector<16xf32>
      %get3A_2703 = arith.constant 21 : i32
      %get3A_2704 = arith.index_cast %get3A_2703 : i32 to index
      %get3A_2705 = arith.constant 208 : index
      %get3A_2706 = tpu.vector_load %arg6[%get3A_2704, %get3A_2705] {strides = array<i32>} : memref<32x256xf32, #tpu.memory_space<vmem>>, vector<1x16xf32>,
      %get3A_2707 = vector.shape_cast %get3A_2706 : vector<1x16xf32> to vector<16xf32>
      %add3A_2708 = arith.addf %add3A_2702, %get3A_2707 : vector<16xf32>
      %get3A_2709 = arith.constant 22 : i32
      %get3A_2710 = arith.index_cast %get3A_2709 : i32 to index
      %get3A_2711 = arith.constant 208 : index
      %get3A_2712 = tpu.vector_load %arg6[%get3A_2710, %get3A_2711] {strides = array<i32>} : memref<32x256xf32, #tpu.memory_space<vmem>>, vector<1x16xf32>,
      %get3A_2713 = vector.shape_cast %get3A_2712 : vector<1x16xf32> to vector<16xf32>
      %add3A_2714 = arith.addf %add3A_2708, %get3A_2713 : vector<16xf32>
      %get3A_2715 = arith.constant 23 : i32
      %get3A_2716 = arith.index_cast %get3A_2715 : i32 to index
      %get3A_2717 = arith.constant 208 : index
      %get3A_2718 = tpu.vector_load %arg6[%get3A_2716, %get3A_2717] {strides = array<i32>} : memref<32x256xf32, #tpu.memory_space<vmem>>, vector<1x16xf32>,
      %get3A_2719 = vector.shape_cast %get3A_2718 : vector<1x16xf32> to vector<16xf32>
      %add3A_2720 = arith.addf %add3A_2714, %get3A_2719 : vector<16xf32>
      %get3A_2721 = arith.constant 24 : i32
      %get3A_2722 = arith.index_cast %get3A_2721 : i32 to index
      %get3A_2723 = arith.constant 208 : index
      %get3A_2724 = tpu.vector_load %arg6[%get3A_2722, %get3A_2723] {strides = array<i32>} : memref<32x256xf32, #tpu.memory_space<vmem>>, vector<1x16xf32>,
      %get3A_2725 = vector.shape_cast %get3A_2724 : vector<1x16xf32> to vector<16xf32>
      %add3A_2726 = arith.addf %add3A_2720, %get3A_2725 : vector<16xf32>
      %get3A_2727 = arith.constant 25 : i32
      %get3A_2728 = arith.index_cast %get3A_2727 : i32 to index
      %get3A_2729 = arith.constant 208 : index
      %get3A_2730 = tpu.vector_load %arg6[%get3A_2728, %get3A_2729] {strides = array<i32>} : memref<32x256xf32, #tpu.memory_space<vmem>>, vector<1x16xf32>,
      %get3A_2731 = vector.shape_cast %get3A_2730 : vector<1x16xf32> to vector<16xf32>
      %add3A_2732 = arith.addf %add3A_2726, %get3A_2731 : vector<16xf32>
      %get3A_2733 = arith.constant 26 : i32
      %get3A_2734 = arith.index_cast %get3A_2733 : i32 to index
      %get3A_2735 = arith.constant 208 : index
      %get3A_2736 = tpu.vector_load %arg6[%get3A_2734, %get3A_2735] {strides = array<i32>} : memref<32x256xf32, #tpu.memory_space<vmem>>, vector<1x16xf32>,
      %get3A_2737 = vector.shape_cast %get3A_2736 : vector<1x16xf32> to vector<16xf32>
      %add3A_2738 = arith.addf %add3A_2732, %get3A_2737 : vector<16xf32>
      %get3A_2739 = arith.constant 27 : i32
      %get3A_2740 = arith.index_cast %get3A_2739 : i32 to index
      %get3A_2741 = arith.constant 208 : index
      %get3A_2742 = tpu.vector_load %arg6[%get3A_2740, %get3A_2741] {strides = array<i32>} : memref<32x256xf32, #tpu.memory_space<vmem>>, vector<1x16xf32>,
      %get3A_2743 = vector.shape_cast %get3A_2742 : vector<1x16xf32> to vector<16xf32>
      %add3A_2744 = arith.addf %add3A_2738, %get3A_2743 : vector<16xf32>
      %get3A_2745 = arith.constant 28 : i32
      %get3A_2746 = arith.index_cast %get3A_2745 : i32 to index
      %get3A_2747 = arith.constant 208 : index
      %get3A_2748 = tpu.vector_load %arg6[%get3A_2746, %get3A_2747] {strides = array<i32>} : memref<32x256xf32, #tpu.memory_space<vmem>>, vector<1x16xf32>,
      %get3A_2749 = vector.shape_cast %get3A_2748 : vector<1x16xf32> to vector<16xf32>
      %add3A_2750 = arith.addf %add3A_2744, %get3A_2749 : vector<16xf32>
      %get3A_2751 = arith.constant 29 : i32
      %get3A_2752 = arith.index_cast %get3A_2751 : i32 to index
      %get3A_2753 = arith.constant 208 : index
      %get3A_2754 = tpu.vector_load %arg6[%get3A_2752, %get3A_2753] {strides = array<i32>} : memref<32x256xf32, #tpu.memory_space<vmem>>, vector<1x16xf32>,
      %get3A_2755 = vector.shape_cast %get3A_2754 : vector<1x16xf32> to vector<16xf32>
      %add3A_2756 = arith.addf %add3A_2750, %get3A_2755 : vector<16xf32>
      %get3A_2757 = arith.constant 30 : i32
      %get3A_2758 = arith.index_cast %get3A_2757 : i32 to index
      %get3A_2759 = arith.constant 208 : index
      %get3A_2760 = tpu.vector_load %arg6[%get3A_2758, %get3A_2759] {strides = array<i32>} : memref<32x256xf32, #tpu.memory_space<vmem>>, vector<1x16xf32>,
      %get3A_2761 = vector.shape_cast %get3A_2760 : vector<1x16xf32> to vector<16xf32>
      %add3A_2762 = arith.addf %add3A_2756, %get3A_2761 : vector<16xf32>
      %get3A_2763 = arith.constant 31 : i32
      %get3A_2764 = arith.index_cast %get3A_2763 : i32 to index
      %get3A_2765 = arith.constant 208 : index
      %get3A_2766 = tpu.vector_load %arg6[%get3A_2764, %get3A_2765] {strides = array<i32>} : memref<32x256xf32, #tpu.memory_space<vmem>>, vector<1x16xf32>,
      %get3A_2767 = vector.shape_cast %get3A_2766 : vector<1x16xf32> to vector<16xf32>
      %add3A_2768 = arith.addf %add3A_2762, %get3A_2767 : vector<16xf32>
      %mul3A_2769 = arith.constant 3.125000e-02 : f32
      %mul3A_2770 = vector.broadcast %mul3A_2769 : f32 to vector<16xf32>
      %mul3A_2771 = arith.mulf %add3A_2768, %mul3A_2770 : vector<16xf32>
      %swap3A_2772 = arith.constant 208 : index
      %swap3A_2773 = tpu.vector_load %arg7[%swap3A_2772] {strides = array<i32>} : memref<256xf32, #tpu.memory_space<vmem>>, vector<16xf32>,
      %swap3A_2774 = vector.shape_cast %swap3A_2773 : vector<16xf32> to vector<16xf32>
      %swap3A_2775 = vector.shape_cast %mul3A_2771 : vector<16xf32> to vector<16xf32>
      tpu.vector_store %arg7[%swap3A_2772], %swap3A_2775 {strides = array<i32>} : memref<256xf32, #tpu.memory_space<vmem>>, vector<16xf32>,
      %get3A_2776 = arith.constant 0 : i32
      %get3A_2777 = arith.index_cast %get3A_2776 : i32 to index
      %get3A_2778 = arith.constant 224 : index
      %get3A_2779 = tpu.vector_load %arg6[%get3A_2777, %get3A_2778] {strides = array<i32>} : memref<32x256xf32, #tpu.memory_space<vmem>>, vector<1x16xf32>,
      %get3A_2780 = vector.shape_cast %get3A_2779 : vector<1x16xf32> to vector<16xf32>
      %get3A_2781 = arith.constant 1 : i32
      %get3A_2782 = arith.index_cast %get3A_2781 : i32 to index
      %get3A_2783 = arith.constant 224 : index
      %get3A_2784 = tpu.vector_load %arg6[%get3A_2782, %get3A_2783] {strides = array<i32>} : memref<32x256xf32, #tpu.memory_space<vmem>>, vector<1x16xf32>,
      %get3A_2785 = vector.shape_cast %get3A_2784 : vector<1x16xf32> to vector<16xf32>
      %add3A_2786 = arith.addf %get3A_2780, %get3A_2785 : vector<16xf32>
      %get3A_2787 = arith.constant 2 : i32
      %get3A_2788 = arith.index_cast %get3A_2787 : i32 to index
      %get3A_2789 = arith.constant 224 : index
      %get3A_2790 = tpu.vector_load %arg6[%get3A_2788, %get3A_2789] {strides = array<i32>} : memref<32x256xf32, #tpu.memory_space<vmem>>, vector<1x16xf32>,
      %get3A_2791 = vector.shape_cast %get3A_2790 : vector<1x16xf32> to vector<16xf32>
      %add3A_2792 = arith.addf %add3A_2786, %get3A_2791 : vector<16xf32>
      %get3A_2793 = arith.constant 3 : i32
      %get3A_2794 = arith.index_cast %get3A_2793 : i32 to index
      %get3A_2795 = arith.constant 224 : index
      %get3A_2796 = tpu.vector_load %arg6[%get3A_2794, %get3A_2795] {strides = array<i32>} : memref<32x256xf32, #tpu.memory_space<vmem>>, vector<1x16xf32>,
      %get3A_2797 = vector.shape_cast %get3A_2796 : vector<1x16xf32> to vector<16xf32>
      %add3A_2798 = arith.addf %add3A_2792, %get3A_2797 : vector<16xf32>
      %get3A_2799 = arith.constant 4 : i32
      %get3A_2800 = arith.index_cast %get3A_2799 : i32 to index
      %get3A_2801 = arith.constant 224 : index
      %get3A_2802 = tpu.vector_load %arg6[%get3A_2800, %get3A_2801] {strides = array<i32>} : memref<32x256xf32, #tpu.memory_space<vmem>>, vector<1x16xf32>,
      %get3A_2803 = vector.shape_cast %get3A_2802 : vector<1x16xf32> to vector<16xf32>
      %add3A_2804 = arith.addf %add3A_2798, %get3A_2803 : vector<16xf32>
      %get3A_2805 = arith.constant 5 : i32
      %get3A_2806 = arith.index_cast %get3A_2805 : i32 to index
      %get3A_2807 = arith.constant 224 : index
      %get3A_2808 = tpu.vector_load %arg6[%get3A_2806, %get3A_2807] {strides = array<i32>} : memref<32x256xf32, #tpu.memory_space<vmem>>, vector<1x16xf32>,
      %get3A_2809 = vector.shape_cast %get3A_2808 : vector<1x16xf32> to vector<16xf32>
      %add3A_2810 = arith.addf %add3A_2804, %get3A_2809 : vector<16xf32>
      %get3A_2811 = arith.constant 6 : i32
      %get3A_2812 = arith.index_cast %get3A_2811 : i32 to index
      %get3A_2813 = arith.constant 224 : index
      %get3A_2814 = tpu.vector_load %arg6[%get3A_2812, %get3A_2813] {strides = array<i32>} : memref<32x256xf32, #tpu.memory_space<vmem>>, vector<1x16xf32>,
      %get3A_2815 = vector.shape_cast %get3A_2814 : vector<1x16xf32> to vector<16xf32>
      %add3A_2816 = arith.addf %add3A_2810, %get3A_2815 : vector<16xf32>
      %get3A_2817 = arith.constant 7 : i32
      %get3A_2818 = arith.index_cast %get3A_2817 : i32 to index
      %get3A_2819 = arith.constant 224 : index
      %get3A_2820 = tpu.vector_load %arg6[%get3A_2818, %get3A_2819] {strides = array<i32>} : memref<32x256xf32, #tpu.memory_space<vmem>>, vector<1x16xf32>,
      %get3A_2821 = vector.shape_cast %get3A_2820 : vector<1x16xf32> to vector<16xf32>
      %add3A_2822 = arith.addf %add3A_2816, %get3A_2821 : vector<16xf32>
      %get3A_2823 = arith.constant 8 : i32
      %get3A_2824 = arith.index_cast %get3A_2823 : i32 to index
      %get3A_2825 = arith.constant 224 : index
      %get3A_2826 = tpu.vector_load %arg6[%get3A_2824, %get3A_2825] {strides = array<i32>} : memref<32x256xf32, #tpu.memory_space<vmem>>, vector<1x16xf32>,
      %get3A_2827 = vector.shape_cast %get3A_2826 : vector<1x16xf32> to vector<16xf32>
      %add3A_2828 = arith.addf %add3A_2822, %get3A_2827 : vector<16xf32>
      %get3A_2829 = arith.constant 9 : i32
      %get3A_2830 = arith.index_cast %get3A_2829 : i32 to index
      %get3A_2831 = arith.constant 224 : index
      %get3A_2832 = tpu.vector_load %arg6[%get3A_2830, %get3A_2831] {strides = array<i32>} : memref<32x256xf32, #tpu.memory_space<vmem>>, vector<1x16xf32>,
      %get3A_2833 = vector.shape_cast %get3A_2832 : vector<1x16xf32> to vector<16xf32>
      %add3A_2834 = arith.addf %add3A_2828, %get3A_2833 : vector<16xf32>
      %get3A_2835 = arith.constant 10 : i32
      %get3A_2836 = arith.index_cast %get3A_2835 : i32 to index
      %get3A_2837 = arith.constant 224 : index
      %get3A_2838 = tpu.vector_load %arg6[%get3A_2836, %get3A_2837] {strides = array<i32>} : memref<32x256xf32, #tpu.memory_space<vmem>>, vector<1x16xf32>,
      %get3A_2839 = vector.shape_cast %get3A_2838 : vector<1x16xf32> to vector<16xf32>
      %add3A_2840 = arith.addf %add3A_2834, %get3A_2839 : vector<16xf32>
      %get3A_2841 = arith.constant 11 : i32
      %get3A_2842 = arith.index_cast %get3A_2841 : i32 to index
      %get3A_2843 = arith.constant 224 : index
      %get3A_2844 = tpu.vector_load %arg6[%get3A_2842, %get3A_2843] {strides = array<i32>} : memref<32x256xf32, #tpu.memory_space<vmem>>, vector<1x16xf32>,
      %get3A_2845 = vector.shape_cast %get3A_2844 : vector<1x16xf32> to vector<16xf32>
      %add3A_2846 = arith.addf %add3A_2840, %get3A_2845 : vector<16xf32>
      %get3A_2847 = arith.constant 12 : i32
      %get3A_2848 = arith.index_cast %get3A_2847 : i32 to index
      %get3A_2849 = arith.constant 224 : index
      %get3A_2850 = tpu.vector_load %arg6[%get3A_2848, %get3A_2849] {strides = array<i32>} : memref<32x256xf32, #tpu.memory_space<vmem>>, vector<1x16xf32>,
      %get3A_2851 = vector.shape_cast %get3A_2850 : vector<1x16xf32> to vector<16xf32>
      %add3A_2852 = arith.addf %add3A_2846, %get3A_2851 : vector<16xf32>
      %get3A_2853 = arith.constant 13 : i32
      %get3A_2854 = arith.index_cast %get3A_2853 : i32 to index
      %get3A_2855 = arith.constant 224 : index
      %get3A_2856 = tpu.vector_load %arg6[%get3A_2854, %get3A_2855] {strides = array<i32>} : memref<32x256xf32, #tpu.memory_space<vmem>>, vector<1x16xf32>,
      %get3A_2857 = vector.shape_cast %get3A_2856 : vector<1x16xf32> to vector<16xf32>
      %add3A_2858 = arith.addf %add3A_2852, %get3A_2857 : vector<16xf32>
      %get3A_2859 = arith.constant 14 : i32
      %get3A_2860 = arith.index_cast %get3A_2859 : i32 to index
      %get3A_2861 = arith.constant 224 : index
      %get3A_2862 = tpu.vector_load %arg6[%get3A_2860, %get3A_2861] {strides = array<i32>} : memref<32x256xf32, #tpu.memory_space<vmem>>, vector<1x16xf32>,
      %get3A_2863 = vector.shape_cast %get3A_2862 : vector<1x16xf32> to vector<16xf32>
      %add3A_2864 = arith.addf %add3A_2858, %get3A_2863 : vector<16xf32>
      %get3A_2865 = arith.constant 15 : i32
      %get3A_2866 = arith.index_cast %get3A_2865 : i32 to index
      %get3A_2867 = arith.constant 224 : index
      %get3A_2868 = tpu.vector_load %arg6[%get3A_2866, %get3A_2867] {strides = array<i32>} : memref<32x256xf32, #tpu.memory_space<vmem>>, vector<1x16xf32>,
      %get3A_2869 = vector.shape_cast %get3A_2868 : vector<1x16xf32> to vector<16xf32>
      %add3A_2870 = arith.addf %add3A_2864, %get3A_2869 : vector<16xf32>
      %get3A_2871 = arith.constant 16 : i32
      %get3A_2872 = arith.index_cast %get3A_2871 : i32 to index
      %get3A_2873 = arith.constant 224 : index
      %get3A_2874 = tpu.vector_load %arg6[%get3A_2872, %get3A_2873] {strides = array<i32>} : memref<32x256xf32, #tpu.memory_space<vmem>>, vector<1x16xf32>,
      %get3A_2875 = vector.shape_cast %get3A_2874 : vector<1x16xf32> to vector<16xf32>
      %add3A_2876 = arith.addf %add3A_2870, %get3A_2875 : vector<16xf32>
      %get3A_2877 = arith.constant 17 : i32
      %get3A_2878 = arith.index_cast %get3A_2877 : i32 to index
      %get3A_2879 = arith.constant 224 : index
      %get3A_2880 = tpu.vector_load %arg6[%get3A_2878, %get3A_2879] {strides = array<i32>} : memref<32x256xf32, #tpu.memory_space<vmem>>, vector<1x16xf32>,
      %get3A_2881 = vector.shape_cast %get3A_2880 : vector<1x16xf32> to vector<16xf32>
      %add3A_2882 = arith.addf %add3A_2876, %get3A_2881 : vector<16xf32>
      %get3A_2883 = arith.constant 18 : i32
      %get3A_2884 = arith.index_cast %get3A_2883 : i32 to index
      %get3A_2885 = arith.constant 224 : index
      %get3A_2886 = tpu.vector_load %arg6[%get3A_2884, %get3A_2885] {strides = array<i32>} : memref<32x256xf32, #tpu.memory_space<vmem>>, vector<1x16xf32>,
      %get3A_2887 = vector.shape_cast %get3A_2886 : vector<1x16xf32> to vector<16xf32>
      %add3A_2888 = arith.addf %add3A_2882, %get3A_2887 : vector<16xf32>
      %get3A_2889 = arith.constant 19 : i32
      %get3A_2890 = arith.index_cast %get3A_2889 : i32 to index
      %get3A_2891 = arith.constant 224 : index
      %get3A_2892 = tpu.vector_load %arg6[%get3A_2890, %get3A_2891] {strides = array<i32>} : memref<32x256xf32, #tpu.memory_space<vmem>>, vector<1x16xf32>,
      %get3A_2893 = vector.shape_cast %get3A_2892 : vector<1x16xf32> to vector<16xf32>
      %add3A_2894 = arith.addf %add3A_2888, %get3A_2893 : vector<16xf32>
      %get3A_2895 = arith.constant 20 : i32
      %get3A_2896 = arith.index_cast %get3A_2895 : i32 to index
      %get3A_2897 = arith.constant 224 : index
      %get3A_2898 = tpu.vector_load %arg6[%get3A_2896, %get3A_2897] {strides = array<i32>} : memref<32x256xf32, #tpu.memory_space<vmem>>, vector<1x16xf32>,
      %get3A_2899 = vector.shape_cast %get3A_2898 : vector<1x16xf32> to vector<16xf32>
      %add3A_2900 = arith.addf %add3A_2894, %get3A_2899 : vector<16xf32>
      %get3A_2901 = arith.constant 21 : i32
      %get3A_2902 = arith.index_cast %get3A_2901 : i32 to index
      %get3A_2903 = arith.constant 224 : index
      %get3A_2904 = tpu.vector_load %arg6[%get3A_2902, %get3A_2903] {strides = array<i32>} : memref<32x256xf32, #tpu.memory_space<vmem>>, vector<1x16xf32>,
      %get3A_2905 = vector.shape_cast %get3A_2904 : vector<1x16xf32> to vector<16xf32>
      %add3A_2906 = arith.addf %add3A_2900, %get3A_2905 : vector<16xf32>
      %get3A_2907 = arith.constant 22 : i32
      %get3A_2908 = arith.index_cast %get3A_2907 : i32 to index
      %get3A_2909 = arith.constant 224 : index
      %get3A_2910 = tpu.vector_load %arg6[%get3A_2908, %get3A_2909] {strides = array<i32>} : memref<32x256xf32, #tpu.memory_space<vmem>>, vector<1x16xf32>,
      %get3A_2911 = vector.shape_cast %get3A_2910 : vector<1x16xf32> to vector<16xf32>
      %add3A_2912 = arith.addf %add3A_2906, %get3A_2911 : vector<16xf32>
      %get3A_2913 = arith.constant 23 : i32
      %get3A_2914 = arith.index_cast %get3A_2913 : i32 to index
      %get3A_2915 = arith.constant 224 : index
      %get3A_2916 = tpu.vector_load %arg6[%get3A_2914, %get3A_2915] {strides = array<i32>} : memref<32x256xf32, #tpu.memory_space<vmem>>, vector<1x16xf32>,
      %get3A_2917 = vector.shape_cast %get3A_2916 : vector<1x16xf32> to vector<16xf32>
      %add3A_2918 = arith.addf %add3A_2912, %get3A_2917 : vector<16xf32>
      %get3A_2919 = arith.constant 24 : i32
      %get3A_2920 = arith.index_cast %get3A_2919 : i32 to index
      %get3A_2921 = arith.constant 224 : index
      %get3A_2922 = tpu.vector_load %arg6[%get3A_2920, %get3A_2921] {strides = array<i32>} : memref<32x256xf32, #tpu.memory_space<vmem>>, vector<1x16xf32>,
      %get3A_2923 = vector.shape_cast %get3A_2922 : vector<1x16xf32> to vector<16xf32>
      %add3A_2924 = arith.addf %add3A_2918, %get3A_2923 : vector<16xf32>
      %get3A_2925 = arith.constant 25 : i32
      %get3A_2926 = arith.index_cast %get3A_2925 : i32 to index
      %get3A_2927 = arith.constant 224 : index
      %get3A_2928 = tpu.vector_load %arg6[%get3A_2926, %get3A_2927] {strides = array<i32>} : memref<32x256xf32, #tpu.memory_space<vmem>>, vector<1x16xf32>,
      %get3A_2929 = vector.shape_cast %get3A_2928 : vector<1x16xf32> to vector<16xf32>
      %add3A_2930 = arith.addf %add3A_2924, %get3A_2929 : vector<16xf32>
      %get3A_2931 = arith.constant 26 : i32
      %get3A_2932 = arith.index_cast %get3A_2931 : i32 to index
      %get3A_2933 = arith.constant 224 : index
      %get3A_2934 = tpu.vector_load %arg6[%get3A_2932, %get3A_2933] {strides = array<i32>} : memref<32x256xf32, #tpu.memory_space<vmem>>, vector<1x16xf32>,
      %get3A_2935 = vector.shape_cast %get3A_2934 : vector<1x16xf32> to vector<16xf32>
      %add3A_2936 = arith.addf %add3A_2930, %get3A_2935 : vector<16xf32>
      %get3A_2937 = arith.constant 27 : i32
      %get3A_2938 = arith.index_cast %get3A_2937 : i32 to index
      %get3A_2939 = arith.constant 224 : index
      %get3A_2940 = tpu.vector_load %arg6[%get3A_2938, %get3A_2939] {strides = array<i32>} : memref<32x256xf32, #tpu.memory_space<vmem>>, vector<1x16xf32>,
      %get3A_2941 = vector.shape_cast %get3A_2940 : vector<1x16xf32> to vector<16xf32>
      %add3A_2942 = arith.addf %add3A_2936, %get3A_2941 : vector<16xf32>
      %get3A_2943 = arith.constant 28 : i32
      %get3A_2944 = arith.index_cast %get3A_2943 : i32 to index
      %get3A_2945 = arith.constant 224 : index
      %get3A_2946 = tpu.vector_load %arg6[%get3A_2944, %get3A_2945] {strides = array<i32>} : memref<32x256xf32, #tpu.memory_space<vmem>>, vector<1x16xf32>,
      %get3A_2947 = vector.shape_cast %get3A_2946 : vector<1x16xf32> to vector<16xf32>
      %add3A_2948 = arith.addf %add3A_2942, %get3A_2947 : vector<16xf32>
      %get3A_2949 = arith.constant 29 : i32
      %get3A_2950 = arith.index_cast %get3A_2949 : i32 to index
      %get3A_2951 = arith.constant 224 : index
      %get3A_2952 = tpu.vector_load %arg6[%get3A_2950, %get3A_2951] {strides = array<i32>} : memref<32x256xf32, #tpu.memory_space<vmem>>, vector<1x16xf32>,
      %get3A_2953 = vector.shape_cast %get3A_2952 : vector<1x16xf32> to vector<16xf32>
      %add3A_2954 = arith.addf %add3A_2948, %get3A_2953 : vector<16xf32>
      %get3A_2955 = arith.constant 30 : i32
      %get3A_2956 = arith.index_cast %get3A_2955 : i32 to index
      %get3A_2957 = arith.constant 224 : index
      %get3A_2958 = tpu.vector_load %arg6[%get3A_2956, %get3A_2957] {strides = array<i32>} : memref<32x256xf32, #tpu.memory_space<vmem>>, vector<1x16xf32>,
      %get3A_2959 = vector.shape_cast %get3A_2958 : vector<1x16xf32> to vector<16xf32>
      %add3A_2960 = arith.addf %add3A_2954, %get3A_2959 : vector<16xf32>
      %get3A_2961 = arith.constant 31 : i32
      %get3A_2962 = arith.index_cast %get3A_2961 : i32 to index
      %get3A_2963 = arith.constant 224 : index
      %get3A_2964 = tpu.vector_load %arg6[%get3A_2962, %get3A_2963] {strides = array<i32>} : memref<32x256xf32, #tpu.memory_space<vmem>>, vector<1x16xf32>,
      %get3A_2965 = vector.shape_cast %get3A_2964 : vector<1x16xf32> to vector<16xf32>
      %add3A_2966 = arith.addf %add3A_2960, %get3A_2965 : vector<16xf32>
      %mul3A_2967 = arith.constant 3.125000e-02 : f32
      %mul3A_2968 = vector.broadcast %mul3A_2967 : f32 to vector<16xf32>
      %mul3A_2969 = arith.mulf %add3A_2966, %mul3A_2968 : vector<16xf32>
      %swap3A_2970 = arith.constant 224 : index
      %swap3A_2971 = tpu.vector_load %arg7[%swap3A_2970] {strides = array<i32>} : memref<256xf32, #tpu.memory_space<vmem>>, vector<16xf32>,
      %swap3A_2972 = vector.shape_cast %swap3A_2971 : vector<16xf32> to vector<16xf32>
      %swap3A_2973 = vector.shape_cast %mul3A_2969 : vector<16xf32> to vector<16xf32>
      tpu.vector_store %arg7[%swap3A_2970], %swap3A_2973 {strides = array<i32>} : memref<256xf32, #tpu.memory_space<vmem>>, vector<16xf32>,
      %get3A_2974 = arith.constant 0 : i32
      %get3A_2975 = arith.index_cast %get3A_2974 : i32 to index
      %get3A_2976 = arith.constant 240 : index
      %get3A_2977 = tpu.vector_load %arg6[%get3A_2975, %get3A_2976] {strides = array<i32>} : memref<32x256xf32, #tpu.memory_space<vmem>>, vector<1x16xf32>,
      %get3A_2978 = vector.shape_cast %get3A_2977 : vector<1x16xf32> to vector<16xf32>
      %get3A_2979 = arith.constant 1 : i32
      %get3A_2980 = arith.index_cast %get3A_2979 : i32 to index
      %get3A_2981 = arith.constant 240 : index
      %get3A_2982 = tpu.vector_load %arg6[%get3A_2980, %get3A_2981] {strides = array<i32>} : memref<32x256xf32, #tpu.memory_space<vmem>>, vector<1x16xf32>,
      %get3A_2983 = vector.shape_cast %get3A_2982 : vector<1x16xf32> to vector<16xf32>
      %add3A_2984 = arith.addf %get3A_2978, %get3A_2983 : vector<16xf32>
      %get3A_2985 = arith.constant 2 : i32
      %get3A_2986 = arith.index_cast %get3A_2985 : i32 to index
      %get3A_2987 = arith.constant 240 : index
      %get3A_2988 = tpu.vector_load %arg6[%get3A_2986, %get3A_2987] {strides = array<i32>} : memref<32x256xf32, #tpu.memory_space<vmem>>, vector<1x16xf32>,
      %get3A_2989 = vector.shape_cast %get3A_2988 : vector<1x16xf32> to vector<16xf32>
      %add3A_2990 = arith.addf %add3A_2984, %get3A_2989 : vector<16xf32>
      %get3A_2991 = arith.constant 3 : i32
      %get3A_2992 = arith.index_cast %get3A_2991 : i32 to index
      %get3A_2993 = arith.constant 240 : index
      %get3A_2994 = tpu.vector_load %arg6[%get3A_2992, %get3A_2993] {strides = array<i32>} : memref<32x256xf32, #tpu.memory_space<vmem>>, vector<1x16xf32>,
      %get3A_2995 = vector.shape_cast %get3A_2994 : vector<1x16xf32> to vector<16xf32>
      %add3A_2996 = arith.addf %add3A_2990, %get3A_2995 : vector<16xf32>
      %get3A_2997 = arith.constant 4 : i32
      %get3A_2998 = arith.index_cast %get3A_2997 : i32 to index
      %get3A_2999 = arith.constant 240 : index
      %get3A_3000 = tpu.vector_load %arg6[%get3A_2998, %get3A_2999] {strides = array<i32>} : memref<32x256xf32, #tpu.memory_space<vmem>>, vector<1x16xf32>,
      %get3A_3001 = vector.shape_cast %get3A_3000 : vector<1x16xf32> to vector<16xf32>
      %add3A_3002 = arith.addf %add3A_2996, %get3A_3001 : vector<16xf32>
      %get3A_3003 = arith.constant 5 : i32
      %get3A_3004 = arith.index_cast %get3A_3003 : i32 to index
      %get3A_3005 = arith.constant 240 : index
      %get3A_3006 = tpu.vector_load %arg6[%get3A_3004, %get3A_3005] {strides = array<i32>} : memref<32x256xf32, #tpu.memory_space<vmem>>, vector<1x16xf32>,
      %get3A_3007 = vector.shape_cast %get3A_3006 : vector<1x16xf32> to vector<16xf32>
      %add3A_3008 = arith.addf %add3A_3002, %get3A_3007 : vector<16xf32>
      %get3A_3009 = arith.constant 6 : i32
      %get3A_3010 = arith.index_cast %get3A_3009 : i32 to index
      %get3A_3011 = arith.constant 240 : index
      %get3A_3012 = tpu.vector_load %arg6[%get3A_3010, %get3A_3011] {strides = array<i32>} : memref<32x256xf32, #tpu.memory_space<vmem>>, vector<1x16xf32>,
      %get3A_3013 = vector.shape_cast %get3A_3012 : vector<1x16xf32> to vector<16xf32>
      %add3A_3014 = arith.addf %add3A_3008, %get3A_3013 : vector<16xf32>
      %get3A_3015 = arith.constant 7 : i32
      %get3A_3016 = arith.index_cast %get3A_3015 : i32 to index
      %get3A_3017 = arith.constant 240 : index
      %get3A_3018 = tpu.vector_load %arg6[%get3A_3016, %get3A_3017] {strides = array<i32>} : memref<32x256xf32, #tpu.memory_space<vmem>>, vector<1x16xf32>,
      %get3A_3019 = vector.shape_cast %get3A_3018 : vector<1x16xf32> to vector<16xf32>
      %add3A_3020 = arith.addf %add3A_3014, %get3A_3019 : vector<16xf32>
      %get3A_3021 = arith.constant 8 : i32
      %get3A_3022 = arith.index_cast %get3A_3021 : i32 to index
      %get3A_3023 = arith.constant 240 : index
      %get3A_3024 = tpu.vector_load %arg6[%get3A_3022, %get3A_3023] {strides = array<i32>} : memref<32x256xf32, #tpu.memory_space<vmem>>, vector<1x16xf32>,
      %get3A_3025 = vector.shape_cast %get3A_3024 : vector<1x16xf32> to vector<16xf32>
      %add3A_3026 = arith.addf %add3A_3020, %get3A_3025 : vector<16xf32>
      %get3A_3027 = arith.constant 9 : i32
      %get3A_3028 = arith.index_cast %get3A_3027 : i32 to index
      %get3A_3029 = arith.constant 240 : index
      %get3A_3030 = tpu.vector_load %arg6[%get3A_3028, %get3A_3029] {strides = array<i32>} : memref<32x256xf32, #tpu.memory_space<vmem>>, vector<1x16xf32>,
      %get3A_3031 = vector.shape_cast %get3A_3030 : vector<1x16xf32> to vector<16xf32>
      %add3A_3032 = arith.addf %add3A_3026, %get3A_3031 : vector<16xf32>
      %get3A_3033 = arith.constant 10 : i32
      %get3A_3034 = arith.index_cast %get3A_3033 : i32 to index
      %get3A_3035 = arith.constant 240 : index
      %get3A_3036 = tpu.vector_load %arg6[%get3A_3034, %get3A_3035] {strides = array<i32>} : memref<32x256xf32, #tpu.memory_space<vmem>>, vector<1x16xf32>,
      %get3A_3037 = vector.shape_cast %get3A_3036 : vector<1x16xf32> to vector<16xf32>
      %add3A_3038 = arith.addf %add3A_3032, %get3A_3037 : vector<16xf32>
      %get3A_3039 = arith.constant 11 : i32
      %get3A_3040 = arith.index_cast %get3A_3039 : i32 to index
      %get3A_3041 = arith.constant 240 : index
      %get3A_3042 = tpu.vector_load %arg6[%get3A_3040, %get3A_3041] {strides = array<i32>} : memref<32x256xf32, #tpu.memory_space<vmem>>, vector<1x16xf32>,
      %get3A_3043 = vector.shape_cast %get3A_3042 : vector<1x16xf32> to vector<16xf32>
      %add3A_3044 = arith.addf %add3A_3038, %get3A_3043 : vector<16xf32>
      %get3A_3045 = arith.constant 12 : i32
      %get3A_3046 = arith.index_cast %get3A_3045 : i32 to index
      %get3A_3047 = arith.constant 240 : index
      %get3A_3048 = tpu.vector_load %arg6[%get3A_3046, %get3A_3047] {strides = array<i32>} : memref<32x256xf32, #tpu.memory_space<vmem>>, vector<1x16xf32>,
      %get3A_3049 = vector.shape_cast %get3A_3048 : vector<1x16xf32> to vector<16xf32>
      %add3A_3050 = arith.addf %add3A_3044, %get3A_3049 : vector<16xf32>
      %get3A_3051 = arith.constant 13 : i32
      %get3A_3052 = arith.index_cast %get3A_3051 : i32 to index
      %get3A_3053 = arith.constant 240 : index
      %get3A_3054 = tpu.vector_load %arg6[%get3A_3052, %get3A_3053] {strides = array<i32>} : memref<32x256xf32, #tpu.memory_space<vmem>>, vector<1x16xf32>,
      %get3A_3055 = vector.shape_cast %get3A_3054 : vector<1x16xf32> to vector<16xf32>
      %add3A_3056 = arith.addf %add3A_3050, %get3A_3055 : vector<16xf32>
      %get3A_3057 = arith.constant 14 : i32
      %get3A_3058 = arith.index_cast %get3A_3057 : i32 to index
      %get3A_3059 = arith.constant 240 : index
      %get3A_3060 = tpu.vector_load %arg6[%get3A_3058, %get3A_3059] {strides = array<i32>} : memref<32x256xf32, #tpu.memory_space<vmem>>, vector<1x16xf32>,
      %get3A_3061 = vector.shape_cast %get3A_3060 : vector<1x16xf32> to vector<16xf32>
      %add3A_3062 = arith.addf %add3A_3056, %get3A_3061 : vector<16xf32>
      %get3A_3063 = arith.constant 15 : i32
      %get3A_3064 = arith.index_cast %get3A_3063 : i32 to index
      %get3A_3065 = arith.constant 240 : index
      %get3A_3066 = tpu.vector_load %arg6[%get3A_3064, %get3A_3065] {strides = array<i32>} : memref<32x256xf32, #tpu.memory_space<vmem>>, vector<1x16xf32>,
      %get3A_3067 = vector.shape_cast %get3A_3066 : vector<1x16xf32> to vector<16xf32>
      %add3A_3068 = arith.addf %add3A_3062, %get3A_3067 : vector<16xf32>
      %get3A_3069 = arith.constant 16 : i32
      %get3A_3070 = arith.index_cast %get3A_3069 : i32 to index
      %get3A_3071 = arith.constant 240 : index
      %get3A_3072 = tpu.vector_load %arg6[%get3A_3070, %get3A_3071] {strides = array<i32>} : memref<32x256xf32, #tpu.memory_space<vmem>>, vector<1x16xf32>,
      %get3A_3073 = vector.shape_cast %get3A_3072 : vector<1x16xf32> to vector<16xf32>
      %add3A_3074 = arith.addf %add3A_3068, %get3A_3073 : vector<16xf32>
      %get3A_3075 = arith.constant 17 : i32
      %get3A_3076 = arith.index_cast %get3A_3075 : i32 to index
      %get3A_3077 = arith.constant 240 : index
      %get3A_3078 = tpu.vector_load %arg6[%get3A_3076, %get3A_3077] {strides = array<i32>} : memref<32x256xf32, #tpu.memory_space<vmem>>, vector<1x16xf32>,
      %get3A_3079 = vector.shape_cast %get3A_3078 : vector<1x16xf32> to vector<16xf32>
      %add3A_3080 = arith.addf %add3A_3074, %get3A_3079 : vector<16xf32>
      %get3A_3081 = arith.constant 18 : i32
      %get3A_3082 = arith.index_cast %get3A_3081 : i32 to index
      %get3A_3083 = arith.constant 240 : index
      %get3A_3084 = tpu.vector_load %arg6[%get3A_3082, %get3A_3083] {strides = array<i32>} : memref<32x256xf32, #tpu.memory_space<vmem>>, vector<1x16xf32>,
      %get3A_3085 = vector.shape_cast %get3A_3084 : vector<1x16xf32> to vector<16xf32>
      %add3A_3086 = arith.addf %add3A_3080, %get3A_3085 : vector<16xf32>
      %get3A_3087 = arith.constant 19 : i32
      %get3A_3088 = arith.index_cast %get3A_3087 : i32 to index
      %get3A_3089 = arith.constant 240 : index
      %get3A_3090 = tpu.vector_load %arg6[%get3A_3088, %get3A_3089] {strides = array<i32>} : memref<32x256xf32, #tpu.memory_space<vmem>>, vector<1x16xf32>,
      %get3A_3091 = vector.shape_cast %get3A_3090 : vector<1x16xf32> to vector<16xf32>
      %add3A_3092 = arith.addf %add3A_3086, %get3A_3091 : vector<16xf32>
      %get3A_3093 = arith.constant 20 : i32
      %get3A_3094 = arith.index_cast %get3A_3093 : i32 to index
      %get3A_3095 = arith.constant 240 : index
      %get3A_3096 = tpu.vector_load %arg6[%get3A_3094, %get3A_3095] {strides = array<i32>} : memref<32x256xf32, #tpu.memory_space<vmem>>, vector<1x16xf32>,
      %get3A_3097 = vector.shape_cast %get3A_3096 : vector<1x16xf32> to vector<16xf32>
      %add3A_3098 = arith.addf %add3A_3092, %get3A_3097 : vector<16xf32>
      %get3A_3099 = arith.constant 21 : i32
      %get3A_3100 = arith.index_cast %get3A_3099 : i32 to index
      %get3A_3101 = arith.constant 240 : index
      %get3A_3102 = tpu.vector_load %arg6[%get3A_3100, %get3A_3101] {strides = array<i32>} : memref<32x256xf32, #tpu.memory_space<vmem>>, vector<1x16xf32>,
      %get3A_3103 = vector.shape_cast %get3A_3102 : vector<1x16xf32> to vector<16xf32>
      %add3A_3104 = arith.addf %add3A_3098, %get3A_3103 : vector<16xf32>
      %get3A_3105 = arith.constant 22 : i32
      %get3A_3106 = arith.index_cast %get3A_3105 : i32 to index
      %get3A_3107 = arith.constant 240 : index
      %get3A_3108 = tpu.vector_load %arg6[%get3A_3106, %get3A_3107] {strides = array<i32>} : memref<32x256xf32, #tpu.memory_space<vmem>>, vector<1x16xf32>,
      %get3A_3109 = vector.shape_cast %get3A_3108 : vector<1x16xf32> to vector<16xf32>
      %add3A_3110 = arith.addf %add3A_3104, %get3A_3109 : vector<16xf32>
      %get3A_3111 = arith.constant 23 : i32
      %get3A_3112 = arith.index_cast %get3A_3111 : i32 to index
      %get3A_3113 = arith.constant 240 : index
      %get3A_3114 = tpu.vector_load %arg6[%get3A_3112, %get3A_3113] {strides = array<i32>} : memref<32x256xf32, #tpu.memory_space<vmem>>, vector<1x16xf32>,
      %get3A_3115 = vector.shape_cast %get3A_3114 : vector<1x16xf32> to vector<16xf32>
      %add3A_3116 = arith.addf %add3A_3110, %get3A_3115 : vector<16xf32>
      %get3A_3117 = arith.constant 24 : i32
      %get3A_3118 = arith.index_cast %get3A_3117 : i32 to index
      %get3A_3119 = arith.constant 240 : index
      %get3A_3120 = tpu.vector_load %arg6[%get3A_3118, %get3A_3119] {strides = array<i32>} : memref<32x256xf32, #tpu.memory_space<vmem>>, vector<1x16xf32>,
      %get3A_3121 = vector.shape_cast %get3A_3120 : vector<1x16xf32> to vector<16xf32>
      %add3A_3122 = arith.addf %add3A_3116, %get3A_3121 : vector<16xf32>
      %get3A_3123 = arith.constant 25 : i32
      %get3A_3124 = arith.index_cast %get3A_3123 : i32 to index
      %get3A_3125 = arith.constant 240 : index
      %get3A_3126 = tpu.vector_load %arg6[%get3A_3124, %get3A_3125] {strides = array<i32>} : memref<32x256xf32, #tpu.memory_space<vmem>>, vector<1x16xf32>,
      %get3A_3127 = vector.shape_cast %get3A_3126 : vector<1x16xf32> to vector<16xf32>
      %add3A_3128 = arith.addf %add3A_3122, %get3A_3127 : vector<16xf32>
      %get3A_3129 = arith.constant 26 : i32
      %get3A_3130 = arith.index_cast %get3A_3129 : i32 to index
      %get3A_3131 = arith.constant 240 : index
      %get3A_3132 = tpu.vector_load %arg6[%get3A_3130, %get3A_3131] {strides = array<i32>} : memref<32x256xf32, #tpu.memory_space<vmem>>, vector<1x16xf32>,
      %get3A_3133 = vector.shape_cast %get3A_3132 : vector<1x16xf32> to vector<16xf32>
      %add3A_3134 = arith.addf %add3A_3128, %get3A_3133 : vector<16xf32>
      %get3A_3135 = arith.constant 27 : i32
      %get3A_3136 = arith.index_cast %get3A_3135 : i32 to index
      %get3A_3137 = arith.constant 240 : index
      %get3A_3138 = tpu.vector_load %arg6[%get3A_3136, %get3A_3137] {strides = array<i32>} : memref<32x256xf32, #tpu.memory_space<vmem>>, vector<1x16xf32>,
      %get3A_3139 = vector.shape_cast %get3A_3138 : vector<1x16xf32> to vector<16xf32>
      %add3A_3140 = arith.addf %add3A_3134, %get3A_3139 : vector<16xf32>
      %get3A_3141 = arith.constant 28 : i32
      %get3A_3142 = arith.index_cast %get3A_3141 : i32 to index
      %get3A_3143 = arith.constant 240 : index
      %get3A_3144 = tpu.vector_load %arg6[%get3A_3142, %get3A_3143] {strides = array<i32>} : memref<32x256xf32, #tpu.memory_space<vmem>>, vector<1x16xf32>,
      %get3A_3145 = vector.shape_cast %get3A_3144 : vector<1x16xf32> to vector<16xf32>
      %add3A_3146 = arith.addf %add3A_3140, %get3A_3145 : vector<16xf32>
      %get3A_3147 = arith.constant 29 : i32
      %get3A_3148 = arith.index_cast %get3A_3147 : i32 to index
      %get3A_3149 = arith.constant 240 : index
      %get3A_3150 = tpu.vector_load %arg6[%get3A_3148, %get3A_3149] {strides = array<i32>} : memref<32x256xf32, #tpu.memory_space<vmem>>, vector<1x16xf32>,
      %get3A_3151 = vector.shape_cast %get3A_3150 : vector<1x16xf32> to vector<16xf32>
      %add3A_3152 = arith.addf %add3A_3146, %get3A_3151 : vector<16xf32>
      %get3A_3153 = arith.constant 30 : i32
      %get3A_3154 = arith.index_cast %get3A_3153 : i32 to index
      %get3A_3155 = arith.constant 240 : index
      %get3A_3156 = tpu.vector_load %arg6[%get3A_3154, %get3A_3155] {strides = array<i32>} : memref<32x256xf32, #tpu.memory_space<vmem>>, vector<1x16xf32>,
      %get3A_3157 = vector.shape_cast %get3A_3156 : vector<1x16xf32> to vector<16xf32>
      %add3A_3158 = arith.addf %add3A_3152, %get3A_3157 : vector<16xf32>
      %get3A_3159 = arith.constant 31 : i32
      %get3A_3160 = arith.index_cast %get3A_3159 : i32 to index
      %get3A_3161 = arith.constant 240 : index
      %get3A_3162 = tpu.vector_load %arg6[%get3A_3160, %get3A_3161] {strides = array<i32>} : memref<32x256xf32, #tpu.memory_space<vmem>>, vector<1x16xf32>,
      %get3A_3163 = vector.shape_cast %get3A_3162 : vector<1x16xf32> to vector<16xf32>
      %add3A_3164 = arith.addf %add3A_3158, %get3A_3163 : vector<16xf32>
      %mul3A_3165 = arith.constant 3.125000e-02 : f32
      %mul3A_3166 = vector.broadcast %mul3A_3165 : f32 to vector<16xf32>
      %mul3A_3167 = arith.mulf %add3A_3164, %mul3A_3166 : vector<16xf32>
      %swap3A_3168 = arith.constant 240 : index
      %swap3A_3169 = tpu.vector_load %arg7[%swap3A_3168] {strides = array<i32>} : memref<256xf32, #tpu.memory_space<vmem>>, vector<16xf32>,
      %swap3A_3170 = vector.shape_cast %swap3A_3169 : vector<16xf32> to vector<16xf32>
      %swap3A_3171 = vector.shape_cast %mul3A_3167 : vector<16xf32> to vector<16xf32>
      tpu.vector_store %arg7[%swap3A_3168], %swap3A_3171 {strides = array<i32>} : memref<256xf32, #tpu.memory_space<vmem>>, vector<16xf32>,
      "tpu.region"() ({
        %run_scoped3A = tpu.sem_alloc : memref<!tpu.dma_semaphore, #tpu.memory_space<semaphore_mem>>
        tpu.enqueue_dma source(%arg7 : memref<256xf32, #tpu.memory_space<vmem>>) target(%arg4 : memref<256xf32, #tpu.memory_space<hbm>>) target_semaphore(%run_scoped3A : memref<!tpu.dma_semaphore, #tpu.memory_space<semaphore_mem>>)
        tpu.wait_dma2 semaphore(%run_scoped3A : memref<!tpu.dma_semaphore, #tpu.memory_space<semaphore_mem>>) src(%arg7 : memref<256xf32, #tpu.memory_space<vmem>>) dst(%arg4 : memref<256xf32, #tpu.memory_space<hbm>>)
        tpu.yield
      }) : () -> ()
    } else {
    }
    return
  }
}

#map = affine_map<(d0, d1) -> (0)>
#map1 = affine_map<(d0, d1) -> (0, 0)>
module attributes {stable_mosaic.version = 14 : i64} {
  func.func @_sc_retrieve(%arg0: i32, %arg1: i32, %arg2: memref<16xi32, #tpu.memory_space<hbm>>, %arg3: memref<3200000xi32, #tpu.memory_space<hbm>>, %arg4: memref<32000x1024xf32, #tpu.memory_space<hbm>>, %arg5: memref<32x1024xf32, #tpu.memory_space<hbm>>, %arg6: memref<16xi32, #tpu.memory_space<vmem>>, %arg7: memref<32xi32, #tpu.memory_space<vmem>>, %arg8: memref<32x1024xf32, #tpu.memory_space<vmem>>, %arg9: memref<!tpu.dma_semaphore, #tpu.memory_space<semaphore_mem>>) attributes {dimension_semantics = [#tpu.dimension_semantics<core_parallel>, #tpu.dimension_semantics<subcore_parallel>], iteration_bounds = array<i64: 2, 16>, scalar_prefetch = 0 : i64, scratch_operands = 4 : i64, tpu.core_type = #tpu.core_type<sc_vector_subcore>, window_params = [{transform_indices = #map}, {transform_indices = #map}, {transform_indices = #map1}, {transform_indices = #map1}]} {
    %eq3A = arith.constant 0 : i32
    %eq3A_0 = arith.cmpi eq, %arg0, %eq3A : i32
    %eq3A_1 = arith.constant 0 : i32
    %eq3A_2 = arith.cmpi eq, %arg1, %eq3A_1 : i32
    %and3A = arith.andi %eq3A_0, %eq3A_2 : i1
    %convert_element_type3A = arith.extui %and3A : i1 to i32
    %cond3A = arith.constant 0 : i32
    %cond3A_3 = arith.cmpi ne, %convert_element_type3A, %cond3A : i32
    scf.if %cond3A_3 {
      "tpu.region"() ({
        %run_scoped3A = tpu.sem_alloc : memref<!tpu.dma_semaphore, #tpu.memory_space<semaphore_mem>>
        tpu.enqueue_dma source(%arg2 : memref<16xi32, #tpu.memory_space<hbm>>) target(%arg6 : memref<16xi32, #tpu.memory_space<vmem>>) target_semaphore(%run_scoped3A : memref<!tpu.dma_semaphore, #tpu.memory_space<semaphore_mem>>)
        tpu.wait_dma2 semaphore(%run_scoped3A : memref<!tpu.dma_semaphore, #tpu.memory_space<semaphore_mem>>) src(%arg2 : memref<16xi32, #tpu.memory_space<hbm>>) dst(%arg6 : memref<16xi32, #tpu.memory_space<vmem>>)
        tpu.yield
      }) : () -> ()
      %get3A = arith.constant 0 : index
      %get3A_4 = tpu.vector_load %arg6[%get3A] {strides = array<i32>} : memref<16xi32, #tpu.memory_space<vmem>>, vector<16xi32>,
      %get3A_5 = vector.shape_cast %get3A_4 : vector<16xi32> to vector<16xi32>
      %slice3A = vector.extract_strided_slice %get3A_5 {offsets = [0], sizes = [1], strides = [1]} : vector<16xi32> to vector<1xi32>
      %squeeze3A = vector.extract %slice3A[0] : i32 from vector<1xi32>
      %mul3A = arith.constant 32 : i32
      %mul3A_6 = arith.muli %squeeze3A, %mul3A : i32
      "tpu.region"() ({
        %run_scoped3A = tpu.sem_alloc : memref<!tpu.dma_semaphore, #tpu.memory_space<semaphore_mem>>
        %dma_start3A_11 = tpu.memref_slice %arg3[%mul3A_6] : memref<3200000xi32, #tpu.memory_space<hbm>> -> memref<32xi32, #tpu.memory_space<hbm>>
        %dma_start3A_12 = tpu.memref_slice %arg3[%mul3A_6] : memref<3200000xi32, #tpu.memory_space<hbm>> -> memref<32xi32, #tpu.memory_space<hbm>>
        tpu.enqueue_dma source(%dma_start3A_12 : memref<32xi32, #tpu.memory_space<hbm>>) target(%arg7 : memref<32xi32, #tpu.memory_space<vmem>>) target_semaphore(%run_scoped3A : memref<!tpu.dma_semaphore, #tpu.memory_space<semaphore_mem>>)
        %dma_wait3A_13 = tpu.memref_slice %arg3[%mul3A_6] : memref<3200000xi32, #tpu.memory_space<hbm>> -> memref<32xi32, #tpu.memory_space<hbm>>
        %dma_wait3A_14 = tpu.memref_slice %arg3[%mul3A_6] : memref<3200000xi32, #tpu.memory_space<hbm>> -> memref<32xi32, #tpu.memory_space<hbm>>
        tpu.wait_dma2 semaphore(%run_scoped3A : memref<!tpu.dma_semaphore, #tpu.memory_space<semaphore_mem>>) src(%dma_wait3A_14 : memref<32xi32, #tpu.memory_space<hbm>>) dst(%arg7 : memref<32xi32, #tpu.memory_space<vmem>>)
        tpu.yield
      }) : () -> ()
      %dma_start3A = arith.constant 0 : i32
      %dma_start3A_7 = arith.constant 0 : i32
      %dma_start3A_8 = tpu.memref_slice %arg4[%dma_start3A, %dma_start3A_7] : memref<32000x1024xf32, #tpu.memory_space<hbm>> -> memref<32000x1024xf32, #tpu.memory_space<hbm>>
      tpu.enqueue_indirect_dma source(%dma_start3A_8 : memref<32000x1024xf32, #tpu.memory_space<hbm>>) target(%arg8 : memref<32x1024xf32, #tpu.memory_space<vmem>>) offsets(%arg7 : memref<32xi32, #tpu.memory_space<vmem>>) semaphore(%arg9 : memref<!tpu.dma_semaphore, #tpu.memory_space<semaphore_mem>>)
      %dma_wait3A = arith.constant 0 : i32
      %dma_wait3A_9 = arith.constant 0 : i32
      %dma_wait3A_10 = tpu.memref_slice %arg4[%dma_wait3A, %dma_wait3A_9] : memref<32000x1024xf32, #tpu.memory_space<hbm>> -> memref<32000x1024xf32, #tpu.memory_space<hbm>>
      tpu.wait_indirect_dma semaphore(%arg9 : memref<!tpu.dma_semaphore, #tpu.memory_space<semaphore_mem>>) src(%dma_wait3A_10 : memref<32000x1024xf32, #tpu.memory_space<hbm>>) dst(%arg8 : memref<32x1024xf32, #tpu.memory_space<vmem>>)
      "tpu.region"() ({
        %run_scoped3A = tpu.sem_alloc : memref<!tpu.dma_semaphore, #tpu.memory_space<semaphore_mem>>
        tpu.enqueue_dma source(%arg8 : memref<32x1024xf32, #tpu.memory_space<vmem>>) target(%arg5 : memref<32x1024xf32, #tpu.memory_space<hbm>>) target_semaphore(%run_scoped3A : memref<!tpu.dma_semaphore, #tpu.memory_space<semaphore_mem>>)
        tpu.wait_dma2 semaphore(%run_scoped3A : memref<!tpu.dma_semaphore, #tpu.memory_space<semaphore_mem>>) src(%arg8 : memref<32x1024xf32, #tpu.memory_space<vmem>>) dst(%arg5 : memref<32x1024xf32, #tpu.memory_space<hbm>>)
        tpu.yield
      }) : () -> ()
    } else {
    }
    return
  }
}

module attributes {stable_mosaic.version = 14 : i64} {
  func.func @_tc_argmax_body(%arg0: i32, %arg1: memref<1x256xf32, #tpu.memory_space<vmem>>, %arg2: memref<2000x256xf32, #tpu.memory_space<vmem>>, %arg3: memref<16xi32, #tpu.memory_space<smem>>, %arg4: memref<1xf32, #tpu.memory_space<smem>>, %arg5: memref<1xi32, #tpu.memory_space<smem>>) attributes {dimension_semantics = [#tpu.dimension_semantics<arbitrary>], iteration_bounds = array<i64: 50>, scalar_prefetch = 0 : i64, scratch_operands = 2 : i64, tpu.core_type = #tpu.core_type<tc>, window_params = [{pipeline_mode = #tpu.pipeline_mode<synchronous>, transform_indices = @transform_0, window_bounds = array<i64: 1, 256>}, {transform_indices = @transform_1, window_bounds = array<i64: 2000, 256>}, {transform_indices = @transform_2, window_bounds = array<i64: 16>}]} {
    %eq3A = arith.constant 0 : i32
    %eq3A_0 = arith.cmpi eq, %arg0, %eq3A : i32
    %convert_element_type3A = arith.extui %eq3A_0 : i1 to i32
    %cond3A = arith.constant 0 : i32
    %cond3A_1 = arith.cmpi ne, %convert_element_type3A, %cond3A : i32
    scf.if %cond3A_1 {
      %swap3A = arith.constant 0xFF800000 : f32
      %swap3A_27 = arith.constant 0 : index
      %swap3A_28 = memref.load %arg4[%swap3A_27] : memref<1xf32, #tpu.memory_space<smem>>
      memref.store %swap3A, %arg4[%swap3A_27] : memref<1xf32, #tpu.memory_space<smem>>
      %swap3A_29 = arith.constant 0 : i32
      %swap3A_30 = arith.constant 0 : index
      %swap3A_31 = memref.load %arg5[%swap3A_30] : memref<1xi32, #tpu.memory_space<smem>>
      memref.store %swap3A_29, %arg5[%swap3A_30] : memref<1xi32, #tpu.memory_space<smem>>
    } else {
    }
    %get3A = arith.constant 0 : index
    %get3A_2 = arith.constant 0 : index
    %get3A_3 = vector.load %arg2[%get3A, %get3A_2] : memref<2000x256xf32, #tpu.memory_space<vmem>>, vector<2000x256xf32>
    %get3A_4 = arith.constant 0 : index
    %get3A_5 = arith.constant 0 : index
    %get3A_6 = vector.load %arg1[%get3A_4, %get3A_5] : memref<1x256xf32, #tpu.memory_space<vmem>>, vector<1x256xf32>
    %dot_general3A = arith.constant dense<0.000000e+00> : vector<2000x1xf32>
    %dot_general3A_7 = tpu.matmul %get3A_3, %get3A_6, %dot_general3A {dimension_numbers = #tpu.dot_dimension_numbers<[1], [1], [0], [0], [0, 0, 1, 0], [], []>, transpose_lhs_hint = false} : vector<2000x256xf32>, vector<1x256xf32>, vector<2000x1xf32> -> vector<2000x1xf32>
    %reduce_max3A = vector.shape_cast %dot_general3A_7 : vector<2000x1xf32> to vector<1x2000x1xf32>
    %reduce_max3A_8 = arith.constant dense<0xFF800000> : vector<1xf32>
    %reduce_max3A_9 = vector.multi_reduction <maximumf>, %reduce_max3A, %reduce_max3A_8 [1, 2] : vector<1x2000x1xf32> to vector<1xf32>
    %reduce_max3A_10 = vector.shape_cast %reduce_max3A_9 : vector<1xf32> to vector<1x1x1xf32>
    %reduce_max3A_11 = vector.extract %reduce_max3A_10[0, 0, 0] : f32 from vector<1x1x1xf32>
    %iota3A = tpu.iota {dimensions = array<i32: 0>} : vector<2000x1xi32>
    %ge3A = vector.broadcast %reduce_max3A_11 : f32 to vector<2000x1xf32>
    %ge3A_12 = arith.cmpf oge, %dot_general3A_7, %ge3A : vector<2000x1xf32>
    %jit3A = arith.constant 100000 : i32
    %broadcast_in_dim3A = vector.broadcast %jit3A : i32 to vector<2000x1xi32>
    %select_n3A = arith.select %ge3A_12, %iota3A, %broadcast_in_dim3A : vector<2000x1xi1>, vector<2000x1xi32>
    %reduce_min3A = vector.shape_cast %select_n3A : vector<2000x1xi32> to vector<1x2000x1xi32>
    %reduce_min3A_13 = arith.constant dense<2147483647> : vector<1xi32>
    %reduce_min3A_14 = vector.multi_reduction <minsi>, %reduce_min3A, %reduce_min3A_13 [1, 2] : vector<1x2000x1xi32> to vector<1xi32>
    %reduce_min3A_15 = vector.shape_cast %reduce_min3A_14 : vector<1xi32> to vector<1x1x1xi32>
    %reduce_min3A_16 = vector.extract %reduce_min3A_15[0, 0, 0] : i32 from vector<1x1x1xi32>
    %get3A_17 = arith.constant 0 : index
    %get3A_18 = memref.load %arg4[%get3A_17] : memref<1xf32, #tpu.memory_space<smem>>
    %gt3A = arith.cmpf ogt, %reduce_max3A_11, %get3A_18 : f32
    %convert_element_type3A_19 = arith.extui %gt3A : i1 to i32
    %cond3A_20 = arith.constant 0 : i32
    %cond3A_21 = arith.cmpi ne, %convert_element_type3A_19, %cond3A_20 : i32
    scf.if %cond3A_21 {
      %swap3A = arith.constant 0 : index
      %swap3A_27 = memref.load %arg4[%swap3A] : memref<1xf32, #tpu.memory_space<smem>>
      memref.store %reduce_max3A_11, %arg4[%swap3A] : memref<1xf32, #tpu.memory_space<smem>>
      %mul3A = arith.constant 2000 : i32
      %mul3A_28 = arith.muli %arg0, %mul3A : i32
      %add3A = arith.addi %mul3A_28, %reduce_min3A_16 : i32
      %swap3A_29 = arith.constant 0 : index
      %swap3A_30 = memref.load %arg5[%swap3A_29] : memref<1xi32, #tpu.memory_space<smem>>
      memref.store %add3A, %arg5[%swap3A_29] : memref<1xi32, #tpu.memory_space<smem>>
    } else {
    }
    %eq3A_22 = arith.constant 49 : i32
    %eq3A_23 = arith.cmpi eq, %arg0, %eq3A_22 : i32
    %convert_element_type3A_24 = arith.extui %eq3A_23 : i1 to i32
    %cond3A_25 = arith.constant 0 : i32
    %cond3A_26 = arith.cmpi ne, %convert_element_type3A_24, %cond3A_25 : i32
    scf.if %cond3A_26 {
      %get3A_27 = arith.constant 0 : index
      %get3A_28 = memref.load %arg5[%get3A_27] : memref<1xi32, #tpu.memory_space<smem>>
      %swap3A = arith.constant 0 : index
      %swap3A_29 = memref.load %arg3[%swap3A] : memref<16xi32, #tpu.memory_space<smem>>
      memref.store %get3A_28, %arg3[%swap3A] : memref<16xi32, #tpu.memory_space<smem>>
      %get3A_30 = arith.constant 0 : index
      %get3A_31 = memref.load %arg5[%get3A_30] : memref<1xi32, #tpu.memory_space<smem>>
      %swap3A_32 = arith.constant 1 : index
      %swap3A_33 = memref.load %arg3[%swap3A_32] : memref<16xi32, #tpu.memory_space<smem>>
      memref.store %get3A_31, %arg3[%swap3A_32] : memref<16xi32, #tpu.memory_space<smem>>
      %get3A_34 = arith.constant 0 : index
      %get3A_35 = memref.load %arg5[%get3A_34] : memref<1xi32, #tpu.memory_space<smem>>
      %swap3A_36 = arith.constant 2 : index
      %swap3A_37 = memref.load %arg3[%swap3A_36] : memref<16xi32, #tpu.memory_space<smem>>
      memref.store %get3A_35, %arg3[%swap3A_36] : memref<16xi32, #tpu.memory_space<smem>>
      %get3A_38 = arith.constant 0 : index
      %get3A_39 = memref.load %arg5[%get3A_38] : memref<1xi32, #tpu.memory_space<smem>>
      %swap3A_40 = arith.constant 3 : index
      %swap3A_41 = memref.load %arg3[%swap3A_40] : memref<16xi32, #tpu.memory_space<smem>>
      memref.store %get3A_39, %arg3[%swap3A_40] : memref<16xi32, #tpu.memory_space<smem>>
      %get3A_42 = arith.constant 0 : index
      %get3A_43 = memref.load %arg5[%get3A_42] : memref<1xi32, #tpu.memory_space<smem>>
      %swap3A_44 = arith.constant 4 : index
      %swap3A_45 = memref.load %arg3[%swap3A_44] : memref<16xi32, #tpu.memory_space<smem>>
      memref.store %get3A_43, %arg3[%swap3A_44] : memref<16xi32, #tpu.memory_space<smem>>
      %get3A_46 = arith.constant 0 : index
      %get3A_47 = memref.load %arg5[%get3A_46] : memref<1xi32, #tpu.memory_space<smem>>
      %swap3A_48 = arith.constant 5 : index
      %swap3A_49 = memref.load %arg3[%swap3A_48] : memref<16xi32, #tpu.memory_space<smem>>
      memref.store %get3A_47, %arg3[%swap3A_48] : memref<16xi32, #tpu.memory_space<smem>>
      %get3A_50 = arith.constant 0 : index
      %get3A_51 = memref.load %arg5[%get3A_50] : memref<1xi32, #tpu.memory_space<smem>>
      %swap3A_52 = arith.constant 6 : index
      %swap3A_53 = memref.load %arg3[%swap3A_52] : memref<16xi32, #tpu.memory_space<smem>>
      memref.store %get3A_51, %arg3[%swap3A_52] : memref<16xi32, #tpu.memory_space<smem>>
      %get3A_54 = arith.constant 0 : index
      %get3A_55 = memref.load %arg5[%get3A_54] : memref<1xi32, #tpu.memory_space<smem>>
      %swap3A_56 = arith.constant 7 : index
      %swap3A_57 = memref.load %arg3[%swap3A_56] : memref<16xi32, #tpu.memory_space<smem>>
      memref.store %get3A_55, %arg3[%swap3A_56] : memref<16xi32, #tpu.memory_space<smem>>
      %get3A_58 = arith.constant 0 : index
      %get3A_59 = memref.load %arg5[%get3A_58] : memref<1xi32, #tpu.memory_space<smem>>
      %swap3A_60 = arith.constant 8 : index
      %swap3A_61 = memref.load %arg3[%swap3A_60] : memref<16xi32, #tpu.memory_space<smem>>
      memref.store %get3A_59, %arg3[%swap3A_60] : memref<16xi32, #tpu.memory_space<smem>>
      %get3A_62 = arith.constant 0 : index
      %get3A_63 = memref.load %arg5[%get3A_62] : memref<1xi32, #tpu.memory_space<smem>>
      %swap3A_64 = arith.constant 9 : index
      %swap3A_65 = memref.load %arg3[%swap3A_64] : memref<16xi32, #tpu.memory_space<smem>>
      memref.store %get3A_63, %arg3[%swap3A_64] : memref<16xi32, #tpu.memory_space<smem>>
      %get3A_66 = arith.constant 0 : index
      %get3A_67 = memref.load %arg5[%get3A_66] : memref<1xi32, #tpu.memory_space<smem>>
      %swap3A_68 = arith.constant 10 : index
      %swap3A_69 = memref.load %arg3[%swap3A_68] : memref<16xi32, #tpu.memory_space<smem>>
      memref.store %get3A_67, %arg3[%swap3A_68] : memref<16xi32, #tpu.memory_space<smem>>
      %get3A_70 = arith.constant 0 : index
      %get3A_71 = memref.load %arg5[%get3A_70] : memref<1xi32, #tpu.memory_space<smem>>
      %swap3A_72 = arith.constant 11 : index
      %swap3A_73 = memref.load %arg3[%swap3A_72] : memref<16xi32, #tpu.memory_space<smem>>
      memref.store %get3A_71, %arg3[%swap3A_72] : memref<16xi32, #tpu.memory_space<smem>>
      %get3A_74 = arith.constant 0 : index
      %get3A_75 = memref.load %arg5[%get3A_74] : memref<1xi32, #tpu.memory_space<smem>>
      %swap3A_76 = arith.constant 12 : index
      %swap3A_77 = memref.load %arg3[%swap3A_76] : memref<16xi32, #tpu.memory_space<smem>>
      memref.store %get3A_75, %arg3[%swap3A_76] : memref<16xi32, #tpu.memory_space<smem>>
      %get3A_78 = arith.constant 0 : index
      %get3A_79 = memref.load %arg5[%get3A_78] : memref<1xi32, #tpu.memory_space<smem>>
      %swap3A_80 = arith.constant 13 : index
      %swap3A_81 = memref.load %arg3[%swap3A_80] : memref<16xi32, #tpu.memory_space<smem>>
      memref.store %get3A_79, %arg3[%swap3A_80] : memref<16xi32, #tpu.memory_space<smem>>
      %get3A_82 = arith.constant 0 : index
      %get3A_83 = memref.load %arg5[%get3A_82] : memref<1xi32, #tpu.memory_space<smem>>
      %swap3A_84 = arith.constant 14 : index
      %swap3A_85 = memref.load %arg3[%swap3A_84] : memref<16xi32, #tpu.memory_space<smem>>
      memref.store %get3A_83, %arg3[%swap3A_84] : memref<16xi32, #tpu.memory_space<smem>>
      %get3A_86 = arith.constant 0 : index
      %get3A_87 = memref.load %arg5[%get3A_86] : memref<1xi32, #tpu.memory_space<smem>>
      %swap3A_88 = arith.constant 15 : index
      %swap3A_89 = memref.load %arg3[%swap3A_88] : memref<16xi32, #tpu.memory_space<smem>>
      memref.store %get3A_87, %arg3[%swap3A_88] : memref<16xi32, #tpu.memory_space<smem>>
    } else {
    }
    return
  }
  func.func @transform_0(%arg0: i32) -> (i32, i32) {
    %c0_i32 = arith.constant 0 : i32
    %c0_i32_0 = arith.constant 0 : i32
    %c0_i32_1 = arith.constant 0 : i32
    return %c0_i32, %c0_i32_0 : i32, i32
  }
  func.func @transform_1(%arg0: i32) -> (i32, i32) {
    %c0_i32 = arith.constant 0 : i32
    %c0_i32_0 = arith.constant 0 : i32
    return %arg0, %c0_i32 : i32, i32
  }
  func.func @transform_2(%arg0: i32) -> i32 {
    %c0_i32 = arith.constant 0 : i32
    %c0_i32_0 = arith.constant 0 : i32
    return %c0_i32 : i32
  }
}

module attributes {stable_mosaic.version = 14 : i64} {
  func.func @_tc_attn_body(%arg0: memref<32x1024xf32, #tpu.memory_space<vmem>>, %arg1: memref<32x32xf32, #tpu.memory_space<vmem>>, %arg2: memref<32x1xf32, #tpu.memory_space<vmem>>, %arg3: memref<1x1024xf32, #tpu.memory_space<vmem>>, %arg4: memref<1x1024xf32, #tpu.memory_space<vmem>>, %arg5: memref<1024x1024xf32, #tpu.memory_space<vmem>>, %arg6: memref<1024x1024xf32, #tpu.memory_space<vmem>>, %arg7: memref<1024x1024xf32, #tpu.memory_space<vmem>>, %arg8: memref<1024x1024xf32, #tpu.memory_space<vmem>>, %arg9: memref<32x1024xf32, #tpu.memory_space<vmem>>, %arg10: memref<32x1024xf32, #tpu.memory_space<vmem>>) attributes {dimension_semantics = [], scalar_prefetch = 0 : i64, scratch_operands = 1 : i64, tpu.core_type = #tpu.core_type<tc>} {
    %get3A = arith.constant 0 : index
    %get3A_0 = arith.constant 0 : index
    %get3A_1 = vector.load %arg0[%get3A, %get3A_0] : memref<32x1024xf32, #tpu.memory_space<vmem>>, vector<32x1024xf32>
    %reduce_sum3A = arith.constant dense<0.000000e+00> : vector<32xf32>
    %reduce_sum3A_2 = vector.multi_reduction <add>, %get3A_1, %reduce_sum3A [1] : vector<32x1024xf32> to vector<32xf32>
    %broadcast_in_dim3A = vector.shape_cast %reduce_sum3A_2 : vector<32xf32> to vector<32x1xf32>
    %div3A = arith.constant 1.024000e+03 : f32
    %div3A_3 = vector.broadcast %div3A : f32 to vector<32x1xf32>
    %div3A_4 = arith.divf %broadcast_in_dim3A, %div3A_3 : vector<32x1xf32>
    %sub3A = vector.broadcast %div3A_4 : vector<32x1xf32> to vector<32x1024xf32>
    %sub3A_5 = arith.subf %get3A_1, %sub3A : vector<32x1024xf32>
    %mul3A = arith.mulf %sub3A_5, %sub3A_5 : vector<32x1024xf32>
    %reduce_sum3A_6 = arith.constant dense<0.000000e+00> : vector<32xf32>
    %reduce_sum3A_7 = vector.multi_reduction <add>, %mul3A, %reduce_sum3A_6 [1] : vector<32x1024xf32> to vector<32xf32>
    %broadcast_in_dim3A_8 = vector.shape_cast %reduce_sum3A_7 : vector<32xf32> to vector<32x1xf32>
    %div3A_9 = arith.constant 1.024000e+03 : f32
    %div3A_10 = vector.broadcast %div3A_9 : f32 to vector<32x1xf32>
    %div3A_11 = arith.divf %broadcast_in_dim3A_8, %div3A_10 : vector<32x1xf32>
    %add3A = arith.constant 9.99999974E-6 : f32
    %add3A_12 = vector.broadcast %add3A : f32 to vector<32x1xf32>
    %add3A_13 = arith.addf %div3A_11, %add3A_12 : vector<32x1xf32>
    %rsqrt3A = math.rsqrt %add3A_13 : vector<32x1xf32>
    %mul3A_14 = vector.broadcast %rsqrt3A : vector<32x1xf32> to vector<32x1024xf32>
    %mul3A_15 = arith.mulf %sub3A_5, %mul3A_14 : vector<32x1024xf32>
    %get3A_16 = arith.constant 0 : index
    %get3A_17 = arith.constant 0 : index
    %get3A_18 = vector.load %arg3[%get3A_16, %get3A_17] : memref<1x1024xf32, #tpu.memory_space<vmem>>, vector<1x1024xf32>
    %mul3A_19 = vector.broadcast %get3A_18 : vector<1x1024xf32> to vector<32x1024xf32>
    %mul3A_20 = arith.mulf %mul3A_15, %mul3A_19 : vector<32x1024xf32>
    %get3A_21 = arith.constant 0 : index
    %get3A_22 = arith.constant 0 : index
    %get3A_23 = vector.load %arg4[%get3A_21, %get3A_22] : memref<1x1024xf32, #tpu.memory_space<vmem>>, vector<1x1024xf32>
    %add3A_24 = vector.broadcast %get3A_23 : vector<1x1024xf32> to vector<32x1024xf32>
    %add3A_25 = arith.addf %mul3A_20, %add3A_24 : vector<32x1024xf32>
    %get3A_26 = arith.constant 0 : index
    %get3A_27 = arith.constant 0 : index
    %get3A_28 = vector.load %arg5[%get3A_26, %get3A_27] : memref<1024x1024xf32, #tpu.memory_space<vmem>>, vector<1024x1024xf32>
    %dot_general3A = arith.constant dense<0.000000e+00> : vector<32x1024xf32>
    %dot_general3A_29 = tpu.matmul %add3A_25, %get3A_28, %dot_general3A {dimension_numbers = #tpu.dot_dimension_numbers<[1], [0], [0], [1], [0, 0, 1, 1], [], []>, precision = #tpu.contract_precision<fp32>, transpose_lhs_hint = false} : vector<32x1024xf32>, vector<1024x1024xf32>, vector<32x1024xf32> -> vector<32x1024xf32>
    %get3A_30 = arith.constant 0 : index
    %get3A_31 = arith.constant 0 : index
    %get3A_32 = vector.load %arg6[%get3A_30, %get3A_31] : memref<1024x1024xf32, #tpu.memory_space<vmem>>, vector<1024x1024xf32>
    %dot_general3A_33 = arith.constant dense<0.000000e+00> : vector<32x1024xf32>
    %dot_general3A_34 = tpu.matmul %add3A_25, %get3A_32, %dot_general3A_33 {dimension_numbers = #tpu.dot_dimension_numbers<[1], [0], [0], [1], [0, 0, 1, 1], [], []>, precision = #tpu.contract_precision<fp32>, transpose_lhs_hint = false} : vector<32x1024xf32>, vector<1024x1024xf32>, vector<32x1024xf32> -> vector<32x1024xf32>
    %get3A_35 = arith.constant 0 : index
    %get3A_36 = arith.constant 0 : index
    %get3A_37 = vector.load %arg7[%get3A_35, %get3A_36] : memref<1024x1024xf32, #tpu.memory_space<vmem>>, vector<1024x1024xf32>
    %dot_general3A_38 = arith.constant dense<0.000000e+00> : vector<32x1024xf32>
    %dot_general3A_39 = tpu.matmul %add3A_25, %get3A_37, %dot_general3A_38 {dimension_numbers = #tpu.dot_dimension_numbers<[1], [0], [0], [1], [0, 0, 1, 1], [], []>, precision = #tpu.contract_precision<fp32>, transpose_lhs_hint = false} : vector<32x1024xf32>, vector<1024x1024xf32>, vector<32x1024xf32> -> vector<32x1024xf32>
    %iota3A = tpu.iota {dimensions = array<i32: 1>} : vector<1x32xi32>
    %convert_element_type3A = arith.sitofp %iota3A : vector<1x32xi32> to vector<1x32xf32>
    %mul3A_40 = arith.constant -0.287823141 : f32
    %mul3A_41 = vector.broadcast %mul3A_40 : f32 to vector<1x32xf32>
    %mul3A_42 = arith.mulf %convert_element_type3A, %mul3A_41 : vector<1x32xf32>
    %exp3A = math.exp %mul3A_42 : vector<1x32xf32>
    %get3A_43 = arith.constant 0 : index
    %get3A_44 = arith.constant 0 : index
    %get3A_45 = vector.load %arg2[%get3A_43, %get3A_44] : memref<32x1xf32, #tpu.memory_space<vmem>>, vector<32x1xf32>
    %mul3A_46 = vector.broadcast %get3A_45 : vector<32x1xf32> to vector<32x32xf32>
    %mul3A_47 = vector.broadcast %exp3A : vector<1x32xf32> to vector<32x32xf32>
    %mul3A_48 = arith.mulf %mul3A_46, %mul3A_47 : vector<32x32xf32>
    %cos3A = math.cos %mul3A_48 : vector<32x32xf32>
    %sin3A = math.sin %mul3A_48 : vector<32x32xf32>
    %get3A_49 = arith.constant 0 : index
    %get3A_50 = arith.constant 0 : index
    %get3A_51 = vector.load %arg1[%get3A_49, %get3A_50] : memref<32x32xf32, #tpu.memory_space<vmem>>, vector<32x32xf32>
    %slice3A = vector.extract_strided_slice %dot_general3A_29 {offsets = [0, 0], sizes = [32, 64], strides = [1, 1]} : vector<32x1024xf32> to vector<32x64xf32>
    %slice3A_52 = vector.extract_strided_slice %slice3A {offsets = [0, 0], sizes = [32, 32], strides = [1, 1]} : vector<32x64xf32> to vector<32x32xf32>
    %slice3A_53 = vector.extract_strided_slice %slice3A {offsets = [0, 32], sizes = [32, 32], strides = [1, 1]} : vector<32x64xf32> to vector<32x32xf32>
    %mul3A_54 = arith.mulf %slice3A_52, %cos3A : vector<32x32xf32>
    %mul3A_55 = arith.mulf %slice3A_53, %sin3A : vector<32x32xf32>
    %sub3A_56 = arith.subf %mul3A_54, %mul3A_55 : vector<32x32xf32>
    %mul3A_57 = arith.mulf %slice3A_53, %cos3A : vector<32x32xf32>
    %mul3A_58 = arith.mulf %slice3A_52, %sin3A : vector<32x32xf32>
    %add3A_59 = arith.addf %mul3A_57, %mul3A_58 : vector<32x32xf32>
    %concatenate3A = tpu.concatenate %sub3A_56, %add3A_59 in 1 : vector<32x32xf32>, vector<32x32xf32> -> vector<32x64xf32>
    %slice3A_60 = vector.extract_strided_slice %dot_general3A_34 {offsets = [0, 0], sizes = [32, 64], strides = [1, 1]} : vector<32x1024xf32> to vector<32x64xf32>
    %slice3A_61 = vector.extract_strided_slice %slice3A_60 {offsets = [0, 0], sizes = [32, 32], strides = [1, 1]} : vector<32x64xf32> to vector<32x32xf32>
    %slice3A_62 = vector.extract_strided_slice %slice3A_60 {offsets = [0, 32], sizes = [32, 32], strides = [1, 1]} : vector<32x64xf32> to vector<32x32xf32>
    %mul3A_63 = arith.mulf %slice3A_61, %cos3A : vector<32x32xf32>
    %mul3A_64 = arith.mulf %slice3A_62, %sin3A : vector<32x32xf32>
    %sub3A_65 = arith.subf %mul3A_63, %mul3A_64 : vector<32x32xf32>
    %mul3A_66 = arith.mulf %slice3A_62, %cos3A : vector<32x32xf32>
    %mul3A_67 = arith.mulf %slice3A_61, %sin3A : vector<32x32xf32>
    %add3A_68 = arith.addf %mul3A_66, %mul3A_67 : vector<32x32xf32>
    %concatenate3A_69 = tpu.concatenate %sub3A_65, %add3A_68 in 1 : vector<32x32xf32>, vector<32x32xf32> -> vector<32x64xf32>
    %dot_general3A_70 = arith.constant dense<0.000000e+00> : vector<32x32xf32>
    %dot_general3A_71 = tpu.matmul %concatenate3A, %concatenate3A_69, %dot_general3A_70 {dimension_numbers = #tpu.dot_dimension_numbers<[1], [1], [0], [0], [0, 0, 1, 0], [], []>, precision = #tpu.contract_precision<fp32>, transpose_lhs_hint = false} : vector<32x64xf32>, vector<32x64xf32>, vector<32x32xf32> -> vector<32x32xf32>
    %mul3A_72 = arith.constant 1.250000e-01 : f32
    %mul3A_73 = vector.broadcast %mul3A_72 : f32 to vector<32x32xf32>
    %mul3A_74 = arith.mulf %dot_general3A_71, %mul3A_73 : vector<32x32xf32>
    %add3A_75 = arith.addf %mul3A_74, %get3A_51 : vector<32x32xf32>
    %reduce_max3A = arith.constant dense<0xFF800000> : vector<32xf32>
    %reduce_max3A_76 = vector.multi_reduction <maximumf>, %add3A_75, %reduce_max3A [1] : vector<32x32xf32> to vector<32xf32>
    %broadcast_in_dim3A_77 = vector.shape_cast %reduce_max3A_76 : vector<32xf32> to vector<32x1xf32>
    %sub3A_78 = vector.broadcast %broadcast_in_dim3A_77 : vector<32x1xf32> to vector<32x32xf32>
    %sub3A_79 = arith.subf %add3A_75, %sub3A_78 : vector<32x32xf32>
    %exp3A_80 = math.exp %sub3A_79 : vector<32x32xf32>
    %reduce_sum3A_81 = arith.constant dense<0.000000e+00> : vector<32xf32>
    %reduce_sum3A_82 = vector.multi_reduction <add>, %exp3A_80, %reduce_sum3A_81 [1] : vector<32x32xf32> to vector<32xf32>
    %broadcast_in_dim3A_83 = vector.shape_cast %reduce_sum3A_82 : vector<32xf32> to vector<32x1xf32>
    %div3A_84 = vector.broadcast %broadcast_in_dim3A_83 : vector<32x1xf32> to vector<32x32xf32>
    %div3A_85 = arith.divf %exp3A_80, %div3A_84 : vector<32x32xf32>
    %slice3A_86 = vector.extract_strided_slice %dot_general3A_39 {offsets = [0, 0], sizes = [32, 64], strides = [1, 1]} : vector<32x1024xf32> to vector<32x64xf32>
    %dot_general3A_87 = arith.constant dense<0.000000e+00> : vector<32x64xf32>
    %dot_general3A_88 = tpu.matmul %div3A_85, %slice3A_86, %dot_general3A_87 {dimension_numbers = #tpu.dot_dimension_numbers<[1], [0], [0], [1], [0, 0, 1, 1], [], []>, precision = #tpu.contract_precision<fp32>, transpose_lhs_hint = false} : vector<32x32xf32>, vector<32x64xf32>, vector<32x64xf32> -> vector<32x64xf32>
    %swap3A = arith.constant 0 : index
    %swap3A_89 = arith.constant 0 : index
    %swap3A_90 = vector.load %arg10[%swap3A, %swap3A_89] : memref<32x1024xf32, #tpu.memory_space<vmem>>, vector<32x64xf32>
    tpu.vector_store %arg10[%swap3A, %swap3A_89], %dot_general3A_88 {strides = array<i32>} : memref<32x1024xf32, #tpu.memory_space<vmem>>, vector<32x64xf32>,
    %slice3A_91 = vector.extract_strided_slice %dot_general3A_29 {offsets = [0, 64], sizes = [32, 64], strides = [1, 1]} : vector<32x1024xf32> to vector<32x64xf32>
    %slice3A_92 = vector.extract_strided_slice %slice3A_91 {offsets = [0, 0], sizes = [32, 32], strides = [1, 1]} : vector<32x64xf32> to vector<32x32xf32>
    %slice3A_93 = vector.extract_strided_slice %slice3A_91 {offsets = [0, 32], sizes = [32, 32], strides = [1, 1]} : vector<32x64xf32> to vector<32x32xf32>
    %mul3A_94 = arith.mulf %slice3A_92, %cos3A : vector<32x32xf32>
    %mul3A_95 = arith.mulf %slice3A_93, %sin3A : vector<32x32xf32>
    %sub3A_96 = arith.subf %mul3A_94, %mul3A_95 : vector<32x32xf32>
    %mul3A_97 = arith.mulf %slice3A_93, %cos3A : vector<32x32xf32>
    %mul3A_98 = arith.mulf %slice3A_92, %sin3A : vector<32x32xf32>
    %add3A_99 = arith.addf %mul3A_97, %mul3A_98 : vector<32x32xf32>
    %concatenate3A_100 = tpu.concatenate %sub3A_96, %add3A_99 in 1 : vector<32x32xf32>, vector<32x32xf32> -> vector<32x64xf32>
    %slice3A_101 = vector.extract_strided_slice %dot_general3A_34 {offsets = [0, 64], sizes = [32, 64], strides = [1, 1]} : vector<32x1024xf32> to vector<32x64xf32>
    %slice3A_102 = vector.extract_strided_slice %slice3A_101 {offsets = [0, 0], sizes = [32, 32], strides = [1, 1]} : vector<32x64xf32> to vector<32x32xf32>
    %slice3A_103 = vector.extract_strided_slice %slice3A_101 {offsets = [0, 32], sizes = [32, 32], strides = [1, 1]} : vector<32x64xf32> to vector<32x32xf32>
    %mul3A_104 = arith.mulf %slice3A_102, %cos3A : vector<32x32xf32>
    %mul3A_105 = arith.mulf %slice3A_103, %sin3A : vector<32x32xf32>
    %sub3A_106 = arith.subf %mul3A_104, %mul3A_105 : vector<32x32xf32>
    %mul3A_107 = arith.mulf %slice3A_103, %cos3A : vector<32x32xf32>
    %mul3A_108 = arith.mulf %slice3A_102, %sin3A : vector<32x32xf32>
    %add3A_109 = arith.addf %mul3A_107, %mul3A_108 : vector<32x32xf32>
    %concatenate3A_110 = tpu.concatenate %sub3A_106, %add3A_109 in 1 : vector<32x32xf32>, vector<32x32xf32> -> vector<32x64xf32>
    %dot_general3A_111 = arith.constant dense<0.000000e+00> : vector<32x32xf32>
    %dot_general3A_112 = tpu.matmul %concatenate3A_100, %concatenate3A_110, %dot_general3A_111 {dimension_numbers = #tpu.dot_dimension_numbers<[1], [1], [0], [0], [0, 0, 1, 0], [], []>, precision = #tpu.contract_precision<fp32>, transpose_lhs_hint = false} : vector<32x64xf32>, vector<32x64xf32>, vector<32x32xf32> -> vector<32x32xf32>
    %mul3A_113 = arith.constant 1.250000e-01 : f32
    %mul3A_114 = vector.broadcast %mul3A_113 : f32 to vector<32x32xf32>
    %mul3A_115 = arith.mulf %dot_general3A_112, %mul3A_114 : vector<32x32xf32>
    %add3A_116 = arith.addf %mul3A_115, %get3A_51 : vector<32x32xf32>
    %reduce_max3A_117 = arith.constant dense<0xFF800000> : vector<32xf32>
    %reduce_max3A_118 = vector.multi_reduction <maximumf>, %add3A_116, %reduce_max3A_117 [1] : vector<32x32xf32> to vector<32xf32>
    %broadcast_in_dim3A_119 = vector.shape_cast %reduce_max3A_118 : vector<32xf32> to vector<32x1xf32>
    %sub3A_120 = vector.broadcast %broadcast_in_dim3A_119 : vector<32x1xf32> to vector<32x32xf32>
    %sub3A_121 = arith.subf %add3A_116, %sub3A_120 : vector<32x32xf32>
    %exp3A_122 = math.exp %sub3A_121 : vector<32x32xf32>
    %reduce_sum3A_123 = arith.constant dense<0.000000e+00> : vector<32xf32>
    %reduce_sum3A_124 = vector.multi_reduction <add>, %exp3A_122, %reduce_sum3A_123 [1] : vector<32x32xf32> to vector<32xf32>
    %broadcast_in_dim3A_125 = vector.shape_cast %reduce_sum3A_124 : vector<32xf32> to vector<32x1xf32>
    %div3A_126 = vector.broadcast %broadcast_in_dim3A_125 : vector<32x1xf32> to vector<32x32xf32>
    %div3A_127 = arith.divf %exp3A_122, %div3A_126 : vector<32x32xf32>
    %slice3A_128 = vector.extract_strided_slice %dot_general3A_39 {offsets = [0, 64], sizes = [32, 64], strides = [1, 1]} : vector<32x1024xf32> to vector<32x64xf32>
    %dot_general3A_129 = arith.constant dense<0.000000e+00> : vector<32x64xf32>
    %dot_general3A_130 = tpu.matmul %div3A_127, %slice3A_128, %dot_general3A_129 {dimension_numbers = #tpu.dot_dimension_numbers<[1], [0], [0], [1], [0, 0, 1, 1], [], []>, precision = #tpu.contract_precision<fp32>, transpose_lhs_hint = false} : vector<32x32xf32>, vector<32x64xf32>, vector<32x64xf32> -> vector<32x64xf32>
    %swap3A_131 = arith.constant 0 : index
    %swap3A_132 = arith.constant 64 : index
    %swap3A_133 = vector.load %arg10[%swap3A_131, %swap3A_132] : memref<32x1024xf32, #tpu.memory_space<vmem>>, vector<32x64xf32>
    tpu.vector_store %arg10[%swap3A_131, %swap3A_132], %dot_general3A_130 {strides = array<i32>} : memref<32x1024xf32, #tpu.memory_space<vmem>>, vector<32x64xf32>,
    %slice3A_134 = vector.extract_strided_slice %dot_general3A_29 {offsets = [0, 128], sizes = [32, 64], strides = [1, 1]} : vector<32x1024xf32> to vector<32x64xf32>
    %slice3A_135 = vector.extract_strided_slice %slice3A_134 {offsets = [0, 0], sizes = [32, 32], strides = [1, 1]} : vector<32x64xf32> to vector<32x32xf32>
    %slice3A_136 = vector.extract_strided_slice %slice3A_134 {offsets = [0, 32], sizes = [32, 32], strides = [1, 1]} : vector<32x64xf32> to vector<32x32xf32>
    %mul3A_137 = arith.mulf %slice3A_135, %cos3A : vector<32x32xf32>
    %mul3A_138 = arith.mulf %slice3A_136, %sin3A : vector<32x32xf32>
    %sub3A_139 = arith.subf %mul3A_137, %mul3A_138 : vector<32x32xf32>
    %mul3A_140 = arith.mulf %slice3A_136, %cos3A : vector<32x32xf32>
    %mul3A_141 = arith.mulf %slice3A_135, %sin3A : vector<32x32xf32>
    %add3A_142 = arith.addf %mul3A_140, %mul3A_141 : vector<32x32xf32>
    %concatenate3A_143 = tpu.concatenate %sub3A_139, %add3A_142 in 1 : vector<32x32xf32>, vector<32x32xf32> -> vector<32x64xf32>
    %slice3A_144 = vector.extract_strided_slice %dot_general3A_34 {offsets = [0, 128], sizes = [32, 64], strides = [1, 1]} : vector<32x1024xf32> to vector<32x64xf32>
    %slice3A_145 = vector.extract_strided_slice %slice3A_144 {offsets = [0, 0], sizes = [32, 32], strides = [1, 1]} : vector<32x64xf32> to vector<32x32xf32>
    %slice3A_146 = vector.extract_strided_slice %slice3A_144 {offsets = [0, 32], sizes = [32, 32], strides = [1, 1]} : vector<32x64xf32> to vector<32x32xf32>
    %mul3A_147 = arith.mulf %slice3A_145, %cos3A : vector<32x32xf32>
    %mul3A_148 = arith.mulf %slice3A_146, %sin3A : vector<32x32xf32>
    %sub3A_149 = arith.subf %mul3A_147, %mul3A_148 : vector<32x32xf32>
    %mul3A_150 = arith.mulf %slice3A_146, %cos3A : vector<32x32xf32>
    %mul3A_151 = arith.mulf %slice3A_145, %sin3A : vector<32x32xf32>
    %add3A_152 = arith.addf %mul3A_150, %mul3A_151 : vector<32x32xf32>
    %concatenate3A_153 = tpu.concatenate %sub3A_149, %add3A_152 in 1 : vector<32x32xf32>, vector<32x32xf32> -> vector<32x64xf32>
    %dot_general3A_154 = arith.constant dense<0.000000e+00> : vector<32x32xf32>
    %dot_general3A_155 = tpu.matmul %concatenate3A_143, %concatenate3A_153, %dot_general3A_154 {dimension_numbers = #tpu.dot_dimension_numbers<[1], [1], [0], [0], [0, 0, 1, 0], [], []>, precision = #tpu.contract_precision<fp32>, transpose_lhs_hint = false} : vector<32x64xf32>, vector<32x64xf32>, vector<32x32xf32> -> vector<32x32xf32>
    %mul3A_156 = arith.constant 1.250000e-01 : f32
    %mul3A_157 = vector.broadcast %mul3A_156 : f32 to vector<32x32xf32>
    %mul3A_158 = arith.mulf %dot_general3A_155, %mul3A_157 : vector<32x32xf32>
    %add3A_159 = arith.addf %mul3A_158, %get3A_51 : vector<32x32xf32>
    %reduce_max3A_160 = arith.constant dense<0xFF800000> : vector<32xf32>
    %reduce_max3A_161 = vector.multi_reduction <maximumf>, %add3A_159, %reduce_max3A_160 [1] : vector<32x32xf32> to vector<32xf32>
    %broadcast_in_dim3A_162 = vector.shape_cast %reduce_max3A_161 : vector<32xf32> to vector<32x1xf32>
    %sub3A_163 = vector.broadcast %broadcast_in_dim3A_162 : vector<32x1xf32> to vector<32x32xf32>
    %sub3A_164 = arith.subf %add3A_159, %sub3A_163 : vector<32x32xf32>
    %exp3A_165 = math.exp %sub3A_164 : vector<32x32xf32>
    %reduce_sum3A_166 = arith.constant dense<0.000000e+00> : vector<32xf32>
    %reduce_sum3A_167 = vector.multi_reduction <add>, %exp3A_165, %reduce_sum3A_166 [1] : vector<32x32xf32> to vector<32xf32>
    %broadcast_in_dim3A_168 = vector.shape_cast %reduce_sum3A_167 : vector<32xf32> to vector<32x1xf32>
    %div3A_169 = vector.broadcast %broadcast_in_dim3A_168 : vector<32x1xf32> to vector<32x32xf32>
    %div3A_170 = arith.divf %exp3A_165, %div3A_169 : vector<32x32xf32>
    %slice3A_171 = vector.extract_strided_slice %dot_general3A_39 {offsets = [0, 128], sizes = [32, 64], strides = [1, 1]} : vector<32x1024xf32> to vector<32x64xf32>
    %dot_general3A_172 = arith.constant dense<0.000000e+00> : vector<32x64xf32>
    %dot_general3A_173 = tpu.matmul %div3A_170, %slice3A_171, %dot_general3A_172 {dimension_numbers = #tpu.dot_dimension_numbers<[1], [0], [0], [1], [0, 0, 1, 1], [], []>, precision = #tpu.contract_precision<fp32>, transpose_lhs_hint = false} : vector<32x32xf32>, vector<32x64xf32>, vector<32x64xf32> -> vector<32x64xf32>
    %swap3A_174 = arith.constant 0 : index
    %swap3A_175 = arith.constant 128 : index
    %swap3A_176 = vector.load %arg10[%swap3A_174, %swap3A_175] : memref<32x1024xf32, #tpu.memory_space<vmem>>, vector<32x64xf32>
    tpu.vector_store %arg10[%swap3A_174, %swap3A_175], %dot_general3A_173 {strides = array<i32>} : memref<32x1024xf32, #tpu.memory_space<vmem>>, vector<32x64xf32>,
    %slice3A_177 = vector.extract_strided_slice %dot_general3A_29 {offsets = [0, 192], sizes = [32, 64], strides = [1, 1]} : vector<32x1024xf32> to vector<32x64xf32>
    %slice3A_178 = vector.extract_strided_slice %slice3A_177 {offsets = [0, 0], sizes = [32, 32], strides = [1, 1]} : vector<32x64xf32> to vector<32x32xf32>
    %slice3A_179 = vector.extract_strided_slice %slice3A_177 {offsets = [0, 32], sizes = [32, 32], strides = [1, 1]} : vector<32x64xf32> to vector<32x32xf32>
    %mul3A_180 = arith.mulf %slice3A_178, %cos3A : vector<32x32xf32>
    %mul3A_181 = arith.mulf %slice3A_179, %sin3A : vector<32x32xf32>
    %sub3A_182 = arith.subf %mul3A_180, %mul3A_181 : vector<32x32xf32>
    %mul3A_183 = arith.mulf %slice3A_179, %cos3A : vector<32x32xf32>
    %mul3A_184 = arith.mulf %slice3A_178, %sin3A : vector<32x32xf32>
    %add3A_185 = arith.addf %mul3A_183, %mul3A_184 : vector<32x32xf32>
    %concatenate3A_186 = tpu.concatenate %sub3A_182, %add3A_185 in 1 : vector<32x32xf32>, vector<32x32xf32> -> vector<32x64xf32>
    %slice3A_187 = vector.extract_strided_slice %dot_general3A_34 {offsets = [0, 192], sizes = [32, 64], strides = [1, 1]} : vector<32x1024xf32> to vector<32x64xf32>
    %slice3A_188 = vector.extract_strided_slice %slice3A_187 {offsets = [0, 0], sizes = [32, 32], strides = [1, 1]} : vector<32x64xf32> to vector<32x32xf32>
    %slice3A_189 = vector.extract_strided_slice %slice3A_187 {offsets = [0, 32], sizes = [32, 32], strides = [1, 1]} : vector<32x64xf32> to vector<32x32xf32>
    %mul3A_190 = arith.mulf %slice3A_188, %cos3A : vector<32x32xf32>
    %mul3A_191 = arith.mulf %slice3A_189, %sin3A : vector<32x32xf32>
    %sub3A_192 = arith.subf %mul3A_190, %mul3A_191 : vector<32x32xf32>
    %mul3A_193 = arith.mulf %slice3A_189, %cos3A : vector<32x32xf32>
    %mul3A_194 = arith.mulf %slice3A_188, %sin3A : vector<32x32xf32>
    %add3A_195 = arith.addf %mul3A_193, %mul3A_194 : vector<32x32xf32>
    %concatenate3A_196 = tpu.concatenate %sub3A_192, %add3A_195 in 1 : vector<32x32xf32>, vector<32x32xf32> -> vector<32x64xf32>
    %dot_general3A_197 = arith.constant dense<0.000000e+00> : vector<32x32xf32>
    %dot_general3A_198 = tpu.matmul %concatenate3A_186, %concatenate3A_196, %dot_general3A_197 {dimension_numbers = #tpu.dot_dimension_numbers<[1], [1], [0], [0], [0, 0, 1, 0], [], []>, precision = #tpu.contract_precision<fp32>, transpose_lhs_hint = false} : vector<32x64xf32>, vector<32x64xf32>, vector<32x32xf32> -> vector<32x32xf32>
    %mul3A_199 = arith.constant 1.250000e-01 : f32
    %mul3A_200 = vector.broadcast %mul3A_199 : f32 to vector<32x32xf32>
    %mul3A_201 = arith.mulf %dot_general3A_198, %mul3A_200 : vector<32x32xf32>
    %add3A_202 = arith.addf %mul3A_201, %get3A_51 : vector<32x32xf32>
    %reduce_max3A_203 = arith.constant dense<0xFF800000> : vector<32xf32>
    %reduce_max3A_204 = vector.multi_reduction <maximumf>, %add3A_202, %reduce_max3A_203 [1] : vector<32x32xf32> to vector<32xf32>
    %broadcast_in_dim3A_205 = vector.shape_cast %reduce_max3A_204 : vector<32xf32> to vector<32x1xf32>
    %sub3A_206 = vector.broadcast %broadcast_in_dim3A_205 : vector<32x1xf32> to vector<32x32xf32>
    %sub3A_207 = arith.subf %add3A_202, %sub3A_206 : vector<32x32xf32>
    %exp3A_208 = math.exp %sub3A_207 : vector<32x32xf32>
    %reduce_sum3A_209 = arith.constant dense<0.000000e+00> : vector<32xf32>
    %reduce_sum3A_210 = vector.multi_reduction <add>, %exp3A_208, %reduce_sum3A_209 [1] : vector<32x32xf32> to vector<32xf32>
    %broadcast_in_dim3A_211 = vector.shape_cast %reduce_sum3A_210 : vector<32xf32> to vector<32x1xf32>
    %div3A_212 = vector.broadcast %broadcast_in_dim3A_211 : vector<32x1xf32> to vector<32x32xf32>
    %div3A_213 = arith.divf %exp3A_208, %div3A_212 : vector<32x32xf32>
    %slice3A_214 = vector.extract_strided_slice %dot_general3A_39 {offsets = [0, 192], sizes = [32, 64], strides = [1, 1]} : vector<32x1024xf32> to vector<32x64xf32>
    %dot_general3A_215 = arith.constant dense<0.000000e+00> : vector<32x64xf32>
    %dot_general3A_216 = tpu.matmul %div3A_213, %slice3A_214, %dot_general3A_215 {dimension_numbers = #tpu.dot_dimension_numbers<[1], [0], [0], [1], [0, 0, 1, 1], [], []>, precision = #tpu.contract_precision<fp32>, transpose_lhs_hint = false} : vector<32x32xf32>, vector<32x64xf32>, vector<32x64xf32> -> vector<32x64xf32>
    %swap3A_217 = arith.constant 0 : index
    %swap3A_218 = arith.constant 192 : index
    %swap3A_219 = vector.load %arg10[%swap3A_217, %swap3A_218] : memref<32x1024xf32, #tpu.memory_space<vmem>>, vector<32x64xf32>
    tpu.vector_store %arg10[%swap3A_217, %swap3A_218], %dot_general3A_216 {strides = array<i32>} : memref<32x1024xf32, #tpu.memory_space<vmem>>, vector<32x64xf32>,
    %slice3A_220 = vector.extract_strided_slice %dot_general3A_29 {offsets = [0, 256], sizes = [32, 64], strides = [1, 1]} : vector<32x1024xf32> to vector<32x64xf32>
    %slice3A_221 = vector.extract_strided_slice %slice3A_220 {offsets = [0, 0], sizes = [32, 32], strides = [1, 1]} : vector<32x64xf32> to vector<32x32xf32>
    %slice3A_222 = vector.extract_strided_slice %slice3A_220 {offsets = [0, 32], sizes = [32, 32], strides = [1, 1]} : vector<32x64xf32> to vector<32x32xf32>
    %mul3A_223 = arith.mulf %slice3A_221, %cos3A : vector<32x32xf32>
    %mul3A_224 = arith.mulf %slice3A_222, %sin3A : vector<32x32xf32>
    %sub3A_225 = arith.subf %mul3A_223, %mul3A_224 : vector<32x32xf32>
    %mul3A_226 = arith.mulf %slice3A_222, %cos3A : vector<32x32xf32>
    %mul3A_227 = arith.mulf %slice3A_221, %sin3A : vector<32x32xf32>
    %add3A_228 = arith.addf %mul3A_226, %mul3A_227 : vector<32x32xf32>
    %concatenate3A_229 = tpu.concatenate %sub3A_225, %add3A_228 in 1 : vector<32x32xf32>, vector<32x32xf32> -> vector<32x64xf32>
    %slice3A_230 = vector.extract_strided_slice %dot_general3A_34 {offsets = [0, 256], sizes = [32, 64], strides = [1, 1]} : vector<32x1024xf32> to vector<32x64xf32>
    %slice3A_231 = vector.extract_strided_slice %slice3A_230 {offsets = [0, 0], sizes = [32, 32], strides = [1, 1]} : vector<32x64xf32> to vector<32x32xf32>
    %slice3A_232 = vector.extract_strided_slice %slice3A_230 {offsets = [0, 32], sizes = [32, 32], strides = [1, 1]} : vector<32x64xf32> to vector<32x32xf32>
    %mul3A_233 = arith.mulf %slice3A_231, %cos3A : vector<32x32xf32>
    %mul3A_234 = arith.mulf %slice3A_232, %sin3A : vector<32x32xf32>
    %sub3A_235 = arith.subf %mul3A_233, %mul3A_234 : vector<32x32xf32>
    %mul3A_236 = arith.mulf %slice3A_232, %cos3A : vector<32x32xf32>
    %mul3A_237 = arith.mulf %slice3A_231, %sin3A : vector<32x32xf32>
    %add3A_238 = arith.addf %mul3A_236, %mul3A_237 : vector<32x32xf32>
    %concatenate3A_239 = tpu.concatenate %sub3A_235, %add3A_238 in 1 : vector<32x32xf32>, vector<32x32xf32> -> vector<32x64xf32>
    %dot_general3A_240 = arith.constant dense<0.000000e+00> : vector<32x32xf32>
    %dot_general3A_241 = tpu.matmul %concatenate3A_229, %concatenate3A_239, %dot_general3A_240 {dimension_numbers = #tpu.dot_dimension_numbers<[1], [1], [0], [0], [0, 0, 1, 0], [], []>, precision = #tpu.contract_precision<fp32>, transpose_lhs_hint = false} : vector<32x64xf32>, vector<32x64xf32>, vector<32x32xf32> -> vector<32x32xf32>
    %mul3A_242 = arith.constant 1.250000e-01 : f32
    %mul3A_243 = vector.broadcast %mul3A_242 : f32 to vector<32x32xf32>
    %mul3A_244 = arith.mulf %dot_general3A_241, %mul3A_243 : vector<32x32xf32>
    %add3A_245 = arith.addf %mul3A_244, %get3A_51 : vector<32x32xf32>
    %reduce_max3A_246 = arith.constant dense<0xFF800000> : vector<32xf32>
    %reduce_max3A_247 = vector.multi_reduction <maximumf>, %add3A_245, %reduce_max3A_246 [1] : vector<32x32xf32> to vector<32xf32>
    %broadcast_in_dim3A_248 = vector.shape_cast %reduce_max3A_247 : vector<32xf32> to vector<32x1xf32>
    %sub3A_249 = vector.broadcast %broadcast_in_dim3A_248 : vector<32x1xf32> to vector<32x32xf32>
    %sub3A_250 = arith.subf %add3A_245, %sub3A_249 : vector<32x32xf32>
    %exp3A_251 = math.exp %sub3A_250 : vector<32x32xf32>
    %reduce_sum3A_252 = arith.constant dense<0.000000e+00> : vector<32xf32>
    %reduce_sum3A_253 = vector.multi_reduction <add>, %exp3A_251, %reduce_sum3A_252 [1] : vector<32x32xf32> to vector<32xf32>
    %broadcast_in_dim3A_254 = vector.shape_cast %reduce_sum3A_253 : vector<32xf32> to vector<32x1xf32>
    %div3A_255 = vector.broadcast %broadcast_in_dim3A_254 : vector<32x1xf32> to vector<32x32xf32>
    %div3A_256 = arith.divf %exp3A_251, %div3A_255 : vector<32x32xf32>
    %slice3A_257 = vector.extract_strided_slice %dot_general3A_39 {offsets = [0, 256], sizes = [32, 64], strides = [1, 1]} : vector<32x1024xf32> to vector<32x64xf32>
    %dot_general3A_258 = arith.constant dense<0.000000e+00> : vector<32x64xf32>
    %dot_general3A_259 = tpu.matmul %div3A_256, %slice3A_257, %dot_general3A_258 {dimension_numbers = #tpu.dot_dimension_numbers<[1], [0], [0], [1], [0, 0, 1, 1], [], []>, precision = #tpu.contract_precision<fp32>, transpose_lhs_hint = false} : vector<32x32xf32>, vector<32x64xf32>, vector<32x64xf32> -> vector<32x64xf32>
    %swap3A_260 = arith.constant 0 : index
    %swap3A_261 = arith.constant 256 : index
    %swap3A_262 = vector.load %arg10[%swap3A_260, %swap3A_261] : memref<32x1024xf32, #tpu.memory_space<vmem>>, vector<32x64xf32>
    tpu.vector_store %arg10[%swap3A_260, %swap3A_261], %dot_general3A_259 {strides = array<i32>} : memref<32x1024xf32, #tpu.memory_space<vmem>>, vector<32x64xf32>,
    %slice3A_263 = vector.extract_strided_slice %dot_general3A_29 {offsets = [0, 320], sizes = [32, 64], strides = [1, 1]} : vector<32x1024xf32> to vector<32x64xf32>
    %slice3A_264 = vector.extract_strided_slice %slice3A_263 {offsets = [0, 0], sizes = [32, 32], strides = [1, 1]} : vector<32x64xf32> to vector<32x32xf32>
    %slice3A_265 = vector.extract_strided_slice %slice3A_263 {offsets = [0, 32], sizes = [32, 32], strides = [1, 1]} : vector<32x64xf32> to vector<32x32xf32>
    %mul3A_266 = arith.mulf %slice3A_264, %cos3A : vector<32x32xf32>
    %mul3A_267 = arith.mulf %slice3A_265, %sin3A : vector<32x32xf32>
    %sub3A_268 = arith.subf %mul3A_266, %mul3A_267 : vector<32x32xf32>
    %mul3A_269 = arith.mulf %slice3A_265, %cos3A : vector<32x32xf32>
    %mul3A_270 = arith.mulf %slice3A_264, %sin3A : vector<32x32xf32>
    %add3A_271 = arith.addf %mul3A_269, %mul3A_270 : vector<32x32xf32>
    %concatenate3A_272 = tpu.concatenate %sub3A_268, %add3A_271 in 1 : vector<32x32xf32>, vector<32x32xf32> -> vector<32x64xf32>
    %slice3A_273 = vector.extract_strided_slice %dot_general3A_34 {offsets = [0, 320], sizes = [32, 64], strides = [1, 1]} : vector<32x1024xf32> to vector<32x64xf32>
    %slice3A_274 = vector.extract_strided_slice %slice3A_273 {offsets = [0, 0], sizes = [32, 32], strides = [1, 1]} : vector<32x64xf32> to vector<32x32xf32>
    %slice3A_275 = vector.extract_strided_slice %slice3A_273 {offsets = [0, 32], sizes = [32, 32], strides = [1, 1]} : vector<32x64xf32> to vector<32x32xf32>
    %mul3A_276 = arith.mulf %slice3A_274, %cos3A : vector<32x32xf32>
    %mul3A_277 = arith.mulf %slice3A_275, %sin3A : vector<32x32xf32>
    %sub3A_278 = arith.subf %mul3A_276, %mul3A_277 : vector<32x32xf32>
    %mul3A_279 = arith.mulf %slice3A_275, %cos3A : vector<32x32xf32>
    %mul3A_280 = arith.mulf %slice3A_274, %sin3A : vector<32x32xf32>
    %add3A_281 = arith.addf %mul3A_279, %mul3A_280 : vector<32x32xf32>
    %concatenate3A_282 = tpu.concatenate %sub3A_278, %add3A_281 in 1 : vector<32x32xf32>, vector<32x32xf32> -> vector<32x64xf32>
    %dot_general3A_283 = arith.constant dense<0.000000e+00> : vector<32x32xf32>
    %dot_general3A_284 = tpu.matmul %concatenate3A_272, %concatenate3A_282, %dot_general3A_283 {dimension_numbers = #tpu.dot_dimension_numbers<[1], [1], [0], [0], [0, 0, 1, 0], [], []>, precision = #tpu.contract_precision<fp32>, transpose_lhs_hint = false} : vector<32x64xf32>, vector<32x64xf32>, vector<32x32xf32> -> vector<32x32xf32>
    %mul3A_285 = arith.constant 1.250000e-01 : f32
    %mul3A_286 = vector.broadcast %mul3A_285 : f32 to vector<32x32xf32>
    %mul3A_287 = arith.mulf %dot_general3A_284, %mul3A_286 : vector<32x32xf32>
    %add3A_288 = arith.addf %mul3A_287, %get3A_51 : vector<32x32xf32>
    %reduce_max3A_289 = arith.constant dense<0xFF800000> : vector<32xf32>
    %reduce_max3A_290 = vector.multi_reduction <maximumf>, %add3A_288, %reduce_max3A_289 [1] : vector<32x32xf32> to vector<32xf32>
    %broadcast_in_dim3A_291 = vector.shape_cast %reduce_max3A_290 : vector<32xf32> to vector<32x1xf32>
    %sub3A_292 = vector.broadcast %broadcast_in_dim3A_291 : vector<32x1xf32> to vector<32x32xf32>
    %sub3A_293 = arith.subf %add3A_288, %sub3A_292 : vector<32x32xf32>
    %exp3A_294 = math.exp %sub3A_293 : vector<32x32xf32>
    %reduce_sum3A_295 = arith.constant dense<0.000000e+00> : vector<32xf32>
    %reduce_sum3A_296 = vector.multi_reduction <add>, %exp3A_294, %reduce_sum3A_295 [1] : vector<32x32xf32> to vector<32xf32>
    %broadcast_in_dim3A_297 = vector.shape_cast %reduce_sum3A_296 : vector<32xf32> to vector<32x1xf32>
    %div3A_298 = vector.broadcast %broadcast_in_dim3A_297 : vector<32x1xf32> to vector<32x32xf32>
    %div3A_299 = arith.divf %exp3A_294, %div3A_298 : vector<32x32xf32>
    %slice3A_300 = vector.extract_strided_slice %dot_general3A_39 {offsets = [0, 320], sizes = [32, 64], strides = [1, 1]} : vector<32x1024xf32> to vector<32x64xf32>
    %dot_general3A_301 = arith.constant dense<0.000000e+00> : vector<32x64xf32>
    %dot_general3A_302 = tpu.matmul %div3A_299, %slice3A_300, %dot_general3A_301 {dimension_numbers = #tpu.dot_dimension_numbers<[1], [0], [0], [1], [0, 0, 1, 1], [], []>, precision = #tpu.contract_precision<fp32>, transpose_lhs_hint = false} : vector<32x32xf32>, vector<32x64xf32>, vector<32x64xf32> -> vector<32x64xf32>
    %swap3A_303 = arith.constant 0 : index
    %swap3A_304 = arith.constant 320 : index
    %swap3A_305 = vector.load %arg10[%swap3A_303, %swap3A_304] : memref<32x1024xf32, #tpu.memory_space<vmem>>, vector<32x64xf32>
    tpu.vector_store %arg10[%swap3A_303, %swap3A_304], %dot_general3A_302 {strides = array<i32>} : memref<32x1024xf32, #tpu.memory_space<vmem>>, vector<32x64xf32>,
    %slice3A_306 = vector.extract_strided_slice %dot_general3A_29 {offsets = [0, 384], sizes = [32, 64], strides = [1, 1]} : vector<32x1024xf32> to vector<32x64xf32>
    %slice3A_307 = vector.extract_strided_slice %slice3A_306 {offsets = [0, 0], sizes = [32, 32], strides = [1, 1]} : vector<32x64xf32> to vector<32x32xf32>
    %slice3A_308 = vector.extract_strided_slice %slice3A_306 {offsets = [0, 32], sizes = [32, 32], strides = [1, 1]} : vector<32x64xf32> to vector<32x32xf32>
    %mul3A_309 = arith.mulf %slice3A_307, %cos3A : vector<32x32xf32>
    %mul3A_310 = arith.mulf %slice3A_308, %sin3A : vector<32x32xf32>
    %sub3A_311 = arith.subf %mul3A_309, %mul3A_310 : vector<32x32xf32>
    %mul3A_312 = arith.mulf %slice3A_308, %cos3A : vector<32x32xf32>
    %mul3A_313 = arith.mulf %slice3A_307, %sin3A : vector<32x32xf32>
    %add3A_314 = arith.addf %mul3A_312, %mul3A_313 : vector<32x32xf32>
    %concatenate3A_315 = tpu.concatenate %sub3A_311, %add3A_314 in 1 : vector<32x32xf32>, vector<32x32xf32> -> vector<32x64xf32>
    %slice3A_316 = vector.extract_strided_slice %dot_general3A_34 {offsets = [0, 384], sizes = [32, 64], strides = [1, 1]} : vector<32x1024xf32> to vector<32x64xf32>
    %slice3A_317 = vector.extract_strided_slice %slice3A_316 {offsets = [0, 0], sizes = [32, 32], strides = [1, 1]} : vector<32x64xf32> to vector<32x32xf32>
    %slice3A_318 = vector.extract_strided_slice %slice3A_316 {offsets = [0, 32], sizes = [32, 32], strides = [1, 1]} : vector<32x64xf32> to vector<32x32xf32>
    %mul3A_319 = arith.mulf %slice3A_317, %cos3A : vector<32x32xf32>
    %mul3A_320 = arith.mulf %slice3A_318, %sin3A : vector<32x32xf32>
    %sub3A_321 = arith.subf %mul3A_319, %mul3A_320 : vector<32x32xf32>
    %mul3A_322 = arith.mulf %slice3A_318, %cos3A : vector<32x32xf32>
    %mul3A_323 = arith.mulf %slice3A_317, %sin3A : vector<32x32xf32>
    %add3A_324 = arith.addf %mul3A_322, %mul3A_323 : vector<32x32xf32>
    %concatenate3A_325 = tpu.concatenate %sub3A_321, %add3A_324 in 1 : vector<32x32xf32>, vector<32x32xf32> -> vector<32x64xf32>
    %dot_general3A_326 = arith.constant dense<0.000000e+00> : vector<32x32xf32>
    %dot_general3A_327 = tpu.matmul %concatenate3A_315, %concatenate3A_325, %dot_general3A_326 {dimension_numbers = #tpu.dot_dimension_numbers<[1], [1], [0], [0], [0, 0, 1, 0], [], []>, precision = #tpu.contract_precision<fp32>, transpose_lhs_hint = false} : vector<32x64xf32>, vector<32x64xf32>, vector<32x32xf32> -> vector<32x32xf32>
    %mul3A_328 = arith.constant 1.250000e-01 : f32
    %mul3A_329 = vector.broadcast %mul3A_328 : f32 to vector<32x32xf32>
    %mul3A_330 = arith.mulf %dot_general3A_327, %mul3A_329 : vector<32x32xf32>
    %add3A_331 = arith.addf %mul3A_330, %get3A_51 : vector<32x32xf32>
    %reduce_max3A_332 = arith.constant dense<0xFF800000> : vector<32xf32>
    %reduce_max3A_333 = vector.multi_reduction <maximumf>, %add3A_331, %reduce_max3A_332 [1] : vector<32x32xf32> to vector<32xf32>
    %broadcast_in_dim3A_334 = vector.shape_cast %reduce_max3A_333 : vector<32xf32> to vector<32x1xf32>
    %sub3A_335 = vector.broadcast %broadcast_in_dim3A_334 : vector<32x1xf32> to vector<32x32xf32>
    %sub3A_336 = arith.subf %add3A_331, %sub3A_335 : vector<32x32xf32>
    %exp3A_337 = math.exp %sub3A_336 : vector<32x32xf32>
    %reduce_sum3A_338 = arith.constant dense<0.000000e+00> : vector<32xf32>
    %reduce_sum3A_339 = vector.multi_reduction <add>, %exp3A_337, %reduce_sum3A_338 [1] : vector<32x32xf32> to vector<32xf32>
    %broadcast_in_dim3A_340 = vector.shape_cast %reduce_sum3A_339 : vector<32xf32> to vector<32x1xf32>
    %div3A_341 = vector.broadcast %broadcast_in_dim3A_340 : vector<32x1xf32> to vector<32x32xf32>
    %div3A_342 = arith.divf %exp3A_337, %div3A_341 : vector<32x32xf32>
    %slice3A_343 = vector.extract_strided_slice %dot_general3A_39 {offsets = [0, 384], sizes = [32, 64], strides = [1, 1]} : vector<32x1024xf32> to vector<32x64xf32>
    %dot_general3A_344 = arith.constant dense<0.000000e+00> : vector<32x64xf32>
    %dot_general3A_345 = tpu.matmul %div3A_342, %slice3A_343, %dot_general3A_344 {dimension_numbers = #tpu.dot_dimension_numbers<[1], [0], [0], [1], [0, 0, 1, 1], [], []>, precision = #tpu.contract_precision<fp32>, transpose_lhs_hint = false} : vector<32x32xf32>, vector<32x64xf32>, vector<32x64xf32> -> vector<32x64xf32>
    %swap3A_346 = arith.constant 0 : index
    %swap3A_347 = arith.constant 384 : index
    %swap3A_348 = vector.load %arg10[%swap3A_346, %swap3A_347] : memref<32x1024xf32, #tpu.memory_space<vmem>>, vector<32x64xf32>
    tpu.vector_store %arg10[%swap3A_346, %swap3A_347], %dot_general3A_345 {strides = array<i32>} : memref<32x1024xf32, #tpu.memory_space<vmem>>, vector<32x64xf32>,
    %slice3A_349 = vector.extract_strided_slice %dot_general3A_29 {offsets = [0, 448], sizes = [32, 64], strides = [1, 1]} : vector<32x1024xf32> to vector<32x64xf32>
    %slice3A_350 = vector.extract_strided_slice %slice3A_349 {offsets = [0, 0], sizes = [32, 32], strides = [1, 1]} : vector<32x64xf32> to vector<32x32xf32>
    %slice3A_351 = vector.extract_strided_slice %slice3A_349 {offsets = [0, 32], sizes = [32, 32], strides = [1, 1]} : vector<32x64xf32> to vector<32x32xf32>
    %mul3A_352 = arith.mulf %slice3A_350, %cos3A : vector<32x32xf32>
    %mul3A_353 = arith.mulf %slice3A_351, %sin3A : vector<32x32xf32>
    %sub3A_354 = arith.subf %mul3A_352, %mul3A_353 : vector<32x32xf32>
    %mul3A_355 = arith.mulf %slice3A_351, %cos3A : vector<32x32xf32>
    %mul3A_356 = arith.mulf %slice3A_350, %sin3A : vector<32x32xf32>
    %add3A_357 = arith.addf %mul3A_355, %mul3A_356 : vector<32x32xf32>
    %concatenate3A_358 = tpu.concatenate %sub3A_354, %add3A_357 in 1 : vector<32x32xf32>, vector<32x32xf32> -> vector<32x64xf32>
    %slice3A_359 = vector.extract_strided_slice %dot_general3A_34 {offsets = [0, 448], sizes = [32, 64], strides = [1, 1]} : vector<32x1024xf32> to vector<32x64xf32>
    %slice3A_360 = vector.extract_strided_slice %slice3A_359 {offsets = [0, 0], sizes = [32, 32], strides = [1, 1]} : vector<32x64xf32> to vector<32x32xf32>
    %slice3A_361 = vector.extract_strided_slice %slice3A_359 {offsets = [0, 32], sizes = [32, 32], strides = [1, 1]} : vector<32x64xf32> to vector<32x32xf32>
    %mul3A_362 = arith.mulf %slice3A_360, %cos3A : vector<32x32xf32>
    %mul3A_363 = arith.mulf %slice3A_361, %sin3A : vector<32x32xf32>
    %sub3A_364 = arith.subf %mul3A_362, %mul3A_363 : vector<32x32xf32>
    %mul3A_365 = arith.mulf %slice3A_361, %cos3A : vector<32x32xf32>
    %mul3A_366 = arith.mulf %slice3A_360, %sin3A : vector<32x32xf32>
    %add3A_367 = arith.addf %mul3A_365, %mul3A_366 : vector<32x32xf32>
    %concatenate3A_368 = tpu.concatenate %sub3A_364, %add3A_367 in 1 : vector<32x32xf32>, vector<32x32xf32> -> vector<32x64xf32>
    %dot_general3A_369 = arith.constant dense<0.000000e+00> : vector<32x32xf32>
    %dot_general3A_370 = tpu.matmul %concatenate3A_358, %concatenate3A_368, %dot_general3A_369 {dimension_numbers = #tpu.dot_dimension_numbers<[1], [1], [0], [0], [0, 0, 1, 0], [], []>, precision = #tpu.contract_precision<fp32>, transpose_lhs_hint = false} : vector<32x64xf32>, vector<32x64xf32>, vector<32x32xf32> -> vector<32x32xf32>
    %mul3A_371 = arith.constant 1.250000e-01 : f32
    %mul3A_372 = vector.broadcast %mul3A_371 : f32 to vector<32x32xf32>
    %mul3A_373 = arith.mulf %dot_general3A_370, %mul3A_372 : vector<32x32xf32>
    %add3A_374 = arith.addf %mul3A_373, %get3A_51 : vector<32x32xf32>
    %reduce_max3A_375 = arith.constant dense<0xFF800000> : vector<32xf32>
    %reduce_max3A_376 = vector.multi_reduction <maximumf>, %add3A_374, %reduce_max3A_375 [1] : vector<32x32xf32> to vector<32xf32>
    %broadcast_in_dim3A_377 = vector.shape_cast %reduce_max3A_376 : vector<32xf32> to vector<32x1xf32>
    %sub3A_378 = vector.broadcast %broadcast_in_dim3A_377 : vector<32x1xf32> to vector<32x32xf32>
    %sub3A_379 = arith.subf %add3A_374, %sub3A_378 : vector<32x32xf32>
    %exp3A_380 = math.exp %sub3A_379 : vector<32x32xf32>
    %reduce_sum3A_381 = arith.constant dense<0.000000e+00> : vector<32xf32>
    %reduce_sum3A_382 = vector.multi_reduction <add>, %exp3A_380, %reduce_sum3A_381 [1] : vector<32x32xf32> to vector<32xf32>
    %broadcast_in_dim3A_383 = vector.shape_cast %reduce_sum3A_382 : vector<32xf32> to vector<32x1xf32>
    %div3A_384 = vector.broadcast %broadcast_in_dim3A_383 : vector<32x1xf32> to vector<32x32xf32>
    %div3A_385 = arith.divf %exp3A_380, %div3A_384 : vector<32x32xf32>
    %slice3A_386 = vector.extract_strided_slice %dot_general3A_39 {offsets = [0, 448], sizes = [32, 64], strides = [1, 1]} : vector<32x1024xf32> to vector<32x64xf32>
    %dot_general3A_387 = arith.constant dense<0.000000e+00> : vector<32x64xf32>
    %dot_general3A_388 = tpu.matmul %div3A_385, %slice3A_386, %dot_general3A_387 {dimension_numbers = #tpu.dot_dimension_numbers<[1], [0], [0], [1], [0, 0, 1, 1], [], []>, precision = #tpu.contract_precision<fp32>, transpose_lhs_hint = false} : vector<32x32xf32>, vector<32x64xf32>, vector<32x64xf32> -> vector<32x64xf32>
    %swap3A_389 = arith.constant 0 : index
    %swap3A_390 = arith.constant 448 : index
    %swap3A_391 = vector.load %arg10[%swap3A_389, %swap3A_390] : memref<32x1024xf32, #tpu.memory_space<vmem>>, vector<32x64xf32>
    tpu.vector_store %arg10[%swap3A_389, %swap3A_390], %dot_general3A_388 {strides = array<i32>} : memref<32x1024xf32, #tpu.memory_space<vmem>>, vector<32x64xf32>,
    %slice3A_392 = vector.extract_strided_slice %dot_general3A_29 {offsets = [0, 512], sizes = [32, 64], strides = [1, 1]} : vector<32x1024xf32> to vector<32x64xf32>
    %slice3A_393 = vector.extract_strided_slice %slice3A_392 {offsets = [0, 0], sizes = [32, 32], strides = [1, 1]} : vector<32x64xf32> to vector<32x32xf32>
    %slice3A_394 = vector.extract_strided_slice %slice3A_392 {offsets = [0, 32], sizes = [32, 32], strides = [1, 1]} : vector<32x64xf32> to vector<32x32xf32>
    %mul3A_395 = arith.mulf %slice3A_393, %cos3A : vector<32x32xf32>
    %mul3A_396 = arith.mulf %slice3A_394, %sin3A : vector<32x32xf32>
    %sub3A_397 = arith.subf %mul3A_395, %mul3A_396 : vector<32x32xf32>
    %mul3A_398 = arith.mulf %slice3A_394, %cos3A : vector<32x32xf32>
    %mul3A_399 = arith.mulf %slice3A_393, %sin3A : vector<32x32xf32>
    %add3A_400 = arith.addf %mul3A_398, %mul3A_399 : vector<32x32xf32>
    %concatenate3A_401 = tpu.concatenate %sub3A_397, %add3A_400 in 1 : vector<32x32xf32>, vector<32x32xf32> -> vector<32x64xf32>
    %slice3A_402 = vector.extract_strided_slice %dot_general3A_34 {offsets = [0, 512], sizes = [32, 64], strides = [1, 1]} : vector<32x1024xf32> to vector<32x64xf32>
    %slice3A_403 = vector.extract_strided_slice %slice3A_402 {offsets = [0, 0], sizes = [32, 32], strides = [1, 1]} : vector<32x64xf32> to vector<32x32xf32>
    %slice3A_404 = vector.extract_strided_slice %slice3A_402 {offsets = [0, 32], sizes = [32, 32], strides = [1, 1]} : vector<32x64xf32> to vector<32x32xf32>
    %mul3A_405 = arith.mulf %slice3A_403, %cos3A : vector<32x32xf32>
    %mul3A_406 = arith.mulf %slice3A_404, %sin3A : vector<32x32xf32>
    %sub3A_407 = arith.subf %mul3A_405, %mul3A_406 : vector<32x32xf32>
    %mul3A_408 = arith.mulf %slice3A_404, %cos3A : vector<32x32xf32>
    %mul3A_409 = arith.mulf %slice3A_403, %sin3A : vector<32x32xf32>
    %add3A_410 = arith.addf %mul3A_408, %mul3A_409 : vector<32x32xf32>
    %concatenate3A_411 = tpu.concatenate %sub3A_407, %add3A_410 in 1 : vector<32x32xf32>, vector<32x32xf32> -> vector<32x64xf32>
    %dot_general3A_412 = arith.constant dense<0.000000e+00> : vector<32x32xf32>
    %dot_general3A_413 = tpu.matmul %concatenate3A_401, %concatenate3A_411, %dot_general3A_412 {dimension_numbers = #tpu.dot_dimension_numbers<[1], [1], [0], [0], [0, 0, 1, 0], [], []>, precision = #tpu.contract_precision<fp32>, transpose_lhs_hint = false} : vector<32x64xf32>, vector<32x64xf32>, vector<32x32xf32> -> vector<32x32xf32>
    %mul3A_414 = arith.constant 1.250000e-01 : f32
    %mul3A_415 = vector.broadcast %mul3A_414 : f32 to vector<32x32xf32>
    %mul3A_416 = arith.mulf %dot_general3A_413, %mul3A_415 : vector<32x32xf32>
    %add3A_417 = arith.addf %mul3A_416, %get3A_51 : vector<32x32xf32>
    %reduce_max3A_418 = arith.constant dense<0xFF800000> : vector<32xf32>
    %reduce_max3A_419 = vector.multi_reduction <maximumf>, %add3A_417, %reduce_max3A_418 [1] : vector<32x32xf32> to vector<32xf32>
    %broadcast_in_dim3A_420 = vector.shape_cast %reduce_max3A_419 : vector<32xf32> to vector<32x1xf32>
    %sub3A_421 = vector.broadcast %broadcast_in_dim3A_420 : vector<32x1xf32> to vector<32x32xf32>
    %sub3A_422 = arith.subf %add3A_417, %sub3A_421 : vector<32x32xf32>
    %exp3A_423 = math.exp %sub3A_422 : vector<32x32xf32>
    %reduce_sum3A_424 = arith.constant dense<0.000000e+00> : vector<32xf32>
    %reduce_sum3A_425 = vector.multi_reduction <add>, %exp3A_423, %reduce_sum3A_424 [1] : vector<32x32xf32> to vector<32xf32>
    %broadcast_in_dim3A_426 = vector.shape_cast %reduce_sum3A_425 : vector<32xf32> to vector<32x1xf32>
    %div3A_427 = vector.broadcast %broadcast_in_dim3A_426 : vector<32x1xf32> to vector<32x32xf32>
    %div3A_428 = arith.divf %exp3A_423, %div3A_427 : vector<32x32xf32>
    %slice3A_429 = vector.extract_strided_slice %dot_general3A_39 {offsets = [0, 512], sizes = [32, 64], strides = [1, 1]} : vector<32x1024xf32> to vector<32x64xf32>
    %dot_general3A_430 = arith.constant dense<0.000000e+00> : vector<32x64xf32>
    %dot_general3A_431 = tpu.matmul %div3A_428, %slice3A_429, %dot_general3A_430 {dimension_numbers = #tpu.dot_dimension_numbers<[1], [0], [0], [1], [0, 0, 1, 1], [], []>, precision = #tpu.contract_precision<fp32>, transpose_lhs_hint = false} : vector<32x32xf32>, vector<32x64xf32>, vector<32x64xf32> -> vector<32x64xf32>
    %swap3A_432 = arith.constant 0 : index
    %swap3A_433 = arith.constant 512 : index
    %swap3A_434 = vector.load %arg10[%swap3A_432, %swap3A_433] : memref<32x1024xf32, #tpu.memory_space<vmem>>, vector<32x64xf32>
    tpu.vector_store %arg10[%swap3A_432, %swap3A_433], %dot_general3A_431 {strides = array<i32>} : memref<32x1024xf32, #tpu.memory_space<vmem>>, vector<32x64xf32>,
    %slice3A_435 = vector.extract_strided_slice %dot_general3A_29 {offsets = [0, 576], sizes = [32, 64], strides = [1, 1]} : vector<32x1024xf32> to vector<32x64xf32>
    %slice3A_436 = vector.extract_strided_slice %slice3A_435 {offsets = [0, 0], sizes = [32, 32], strides = [1, 1]} : vector<32x64xf32> to vector<32x32xf32>
    %slice3A_437 = vector.extract_strided_slice %slice3A_435 {offsets = [0, 32], sizes = [32, 32], strides = [1, 1]} : vector<32x64xf32> to vector<32x32xf32>
    %mul3A_438 = arith.mulf %slice3A_436, %cos3A : vector<32x32xf32>
    %mul3A_439 = arith.mulf %slice3A_437, %sin3A : vector<32x32xf32>
    %sub3A_440 = arith.subf %mul3A_438, %mul3A_439 : vector<32x32xf32>
    %mul3A_441 = arith.mulf %slice3A_437, %cos3A : vector<32x32xf32>
    %mul3A_442 = arith.mulf %slice3A_436, %sin3A : vector<32x32xf32>
    %add3A_443 = arith.addf %mul3A_441, %mul3A_442 : vector<32x32xf32>
    %concatenate3A_444 = tpu.concatenate %sub3A_440, %add3A_443 in 1 : vector<32x32xf32>, vector<32x32xf32> -> vector<32x64xf32>
    %slice3A_445 = vector.extract_strided_slice %dot_general3A_34 {offsets = [0, 576], sizes = [32, 64], strides = [1, 1]} : vector<32x1024xf32> to vector<32x64xf32>
    %slice3A_446 = vector.extract_strided_slice %slice3A_445 {offsets = [0, 0], sizes = [32, 32], strides = [1, 1]} : vector<32x64xf32> to vector<32x32xf32>
    %slice3A_447 = vector.extract_strided_slice %slice3A_445 {offsets = [0, 32], sizes = [32, 32], strides = [1, 1]} : vector<32x64xf32> to vector<32x32xf32>
    %mul3A_448 = arith.mulf %slice3A_446, %cos3A : vector<32x32xf32>
    %mul3A_449 = arith.mulf %slice3A_447, %sin3A : vector<32x32xf32>
    %sub3A_450 = arith.subf %mul3A_448, %mul3A_449 : vector<32x32xf32>
    %mul3A_451 = arith.mulf %slice3A_447, %cos3A : vector<32x32xf32>
    %mul3A_452 = arith.mulf %slice3A_446, %sin3A : vector<32x32xf32>
    %add3A_453 = arith.addf %mul3A_451, %mul3A_452 : vector<32x32xf32>
    %concatenate3A_454 = tpu.concatenate %sub3A_450, %add3A_453 in 1 : vector<32x32xf32>, vector<32x32xf32> -> vector<32x64xf32>
    %dot_general3A_455 = arith.constant dense<0.000000e+00> : vector<32x32xf32>
    %dot_general3A_456 = tpu.matmul %concatenate3A_444, %concatenate3A_454, %dot_general3A_455 {dimension_numbers = #tpu.dot_dimension_numbers<[1], [1], [0], [0], [0, 0, 1, 0], [], []>, precision = #tpu.contract_precision<fp32>, transpose_lhs_hint = false} : vector<32x64xf32>, vector<32x64xf32>, vector<32x32xf32> -> vector<32x32xf32>
    %mul3A_457 = arith.constant 1.250000e-01 : f32
    %mul3A_458 = vector.broadcast %mul3A_457 : f32 to vector<32x32xf32>
    %mul3A_459 = arith.mulf %dot_general3A_456, %mul3A_458 : vector<32x32xf32>
    %add3A_460 = arith.addf %mul3A_459, %get3A_51 : vector<32x32xf32>
    %reduce_max3A_461 = arith.constant dense<0xFF800000> : vector<32xf32>
    %reduce_max3A_462 = vector.multi_reduction <maximumf>, %add3A_460, %reduce_max3A_461 [1] : vector<32x32xf32> to vector<32xf32>
    %broadcast_in_dim3A_463 = vector.shape_cast %reduce_max3A_462 : vector<32xf32> to vector<32x1xf32>
    %sub3A_464 = vector.broadcast %broadcast_in_dim3A_463 : vector<32x1xf32> to vector<32x32xf32>
    %sub3A_465 = arith.subf %add3A_460, %sub3A_464 : vector<32x32xf32>
    %exp3A_466 = math.exp %sub3A_465 : vector<32x32xf32>
    %reduce_sum3A_467 = arith.constant dense<0.000000e+00> : vector<32xf32>
    %reduce_sum3A_468 = vector.multi_reduction <add>, %exp3A_466, %reduce_sum3A_467 [1] : vector<32x32xf32> to vector<32xf32>
    %broadcast_in_dim3A_469 = vector.shape_cast %reduce_sum3A_468 : vector<32xf32> to vector<32x1xf32>
    %div3A_470 = vector.broadcast %broadcast_in_dim3A_469 : vector<32x1xf32> to vector<32x32xf32>
    %div3A_471 = arith.divf %exp3A_466, %div3A_470 : vector<32x32xf32>
    %slice3A_472 = vector.extract_strided_slice %dot_general3A_39 {offsets = [0, 576], sizes = [32, 64], strides = [1, 1]} : vector<32x1024xf32> to vector<32x64xf32>
    %dot_general3A_473 = arith.constant dense<0.000000e+00> : vector<32x64xf32>
    %dot_general3A_474 = tpu.matmul %div3A_471, %slice3A_472, %dot_general3A_473 {dimension_numbers = #tpu.dot_dimension_numbers<[1], [0], [0], [1], [0, 0, 1, 1], [], []>, precision = #tpu.contract_precision<fp32>, transpose_lhs_hint = false} : vector<32x32xf32>, vector<32x64xf32>, vector<32x64xf32> -> vector<32x64xf32>
    %swap3A_475 = arith.constant 0 : index
    %swap3A_476 = arith.constant 576 : index
    %swap3A_477 = vector.load %arg10[%swap3A_475, %swap3A_476] : memref<32x1024xf32, #tpu.memory_space<vmem>>, vector<32x64xf32>
    tpu.vector_store %arg10[%swap3A_475, %swap3A_476], %dot_general3A_474 {strides = array<i32>} : memref<32x1024xf32, #tpu.memory_space<vmem>>, vector<32x64xf32>,
    %slice3A_478 = vector.extract_strided_slice %dot_general3A_29 {offsets = [0, 640], sizes = [32, 64], strides = [1, 1]} : vector<32x1024xf32> to vector<32x64xf32>
    %slice3A_479 = vector.extract_strided_slice %slice3A_478 {offsets = [0, 0], sizes = [32, 32], strides = [1, 1]} : vector<32x64xf32> to vector<32x32xf32>
    %slice3A_480 = vector.extract_strided_slice %slice3A_478 {offsets = [0, 32], sizes = [32, 32], strides = [1, 1]} : vector<32x64xf32> to vector<32x32xf32>
    %mul3A_481 = arith.mulf %slice3A_479, %cos3A : vector<32x32xf32>
    %mul3A_482 = arith.mulf %slice3A_480, %sin3A : vector<32x32xf32>
    %sub3A_483 = arith.subf %mul3A_481, %mul3A_482 : vector<32x32xf32>
    %mul3A_484 = arith.mulf %slice3A_480, %cos3A : vector<32x32xf32>
    %mul3A_485 = arith.mulf %slice3A_479, %sin3A : vector<32x32xf32>
    %add3A_486 = arith.addf %mul3A_484, %mul3A_485 : vector<32x32xf32>
    %concatenate3A_487 = tpu.concatenate %sub3A_483, %add3A_486 in 1 : vector<32x32xf32>, vector<32x32xf32> -> vector<32x64xf32>
    %slice3A_488 = vector.extract_strided_slice %dot_general3A_34 {offsets = [0, 640], sizes = [32, 64], strides = [1, 1]} : vector<32x1024xf32> to vector<32x64xf32>
    %slice3A_489 = vector.extract_strided_slice %slice3A_488 {offsets = [0, 0], sizes = [32, 32], strides = [1, 1]} : vector<32x64xf32> to vector<32x32xf32>
    %slice3A_490 = vector.extract_strided_slice %slice3A_488 {offsets = [0, 32], sizes = [32, 32], strides = [1, 1]} : vector<32x64xf32> to vector<32x32xf32>
    %mul3A_491 = arith.mulf %slice3A_489, %cos3A : vector<32x32xf32>
    %mul3A_492 = arith.mulf %slice3A_490, %sin3A : vector<32x32xf32>
    %sub3A_493 = arith.subf %mul3A_491, %mul3A_492 : vector<32x32xf32>
    %mul3A_494 = arith.mulf %slice3A_490, %cos3A : vector<32x32xf32>
    %mul3A_495 = arith.mulf %slice3A_489, %sin3A : vector<32x32xf32>
    %add3A_496 = arith.addf %mul3A_494, %mul3A_495 : vector<32x32xf32>
    %concatenate3A_497 = tpu.concatenate %sub3A_493, %add3A_496 in 1 : vector<32x32xf32>, vector<32x32xf32> -> vector<32x64xf32>
    %dot_general3A_498 = arith.constant dense<0.000000e+00> : vector<32x32xf32>
    %dot_general3A_499 = tpu.matmul %concatenate3A_487, %concatenate3A_497, %dot_general3A_498 {dimension_numbers = #tpu.dot_dimension_numbers<[1], [1], [0], [0], [0, 0, 1, 0], [], []>, precision = #tpu.contract_precision<fp32>, transpose_lhs_hint = false} : vector<32x64xf32>, vector<32x64xf32>, vector<32x32xf32> -> vector<32x32xf32>
    %mul3A_500 = arith.constant 1.250000e-01 : f32
    %mul3A_501 = vector.broadcast %mul3A_500 : f32 to vector<32x32xf32>
    %mul3A_502 = arith.mulf %dot_general3A_499, %mul3A_501 : vector<32x32xf32>
    %add3A_503 = arith.addf %mul3A_502, %get3A_51 : vector<32x32xf32>
    %reduce_max3A_504 = arith.constant dense<0xFF800000> : vector<32xf32>
    %reduce_max3A_505 = vector.multi_reduction <maximumf>, %add3A_503, %reduce_max3A_504 [1] : vector<32x32xf32> to vector<32xf32>
    %broadcast_in_dim3A_506 = vector.shape_cast %reduce_max3A_505 : vector<32xf32> to vector<32x1xf32>
    %sub3A_507 = vector.broadcast %broadcast_in_dim3A_506 : vector<32x1xf32> to vector<32x32xf32>
    %sub3A_508 = arith.subf %add3A_503, %sub3A_507 : vector<32x32xf32>
    %exp3A_509 = math.exp %sub3A_508 : vector<32x32xf32>
    %reduce_sum3A_510 = arith.constant dense<0.000000e+00> : vector<32xf32>
    %reduce_sum3A_511 = vector.multi_reduction <add>, %exp3A_509, %reduce_sum3A_510 [1] : vector<32x32xf32> to vector<32xf32>
    %broadcast_in_dim3A_512 = vector.shape_cast %reduce_sum3A_511 : vector<32xf32> to vector<32x1xf32>
    %div3A_513 = vector.broadcast %broadcast_in_dim3A_512 : vector<32x1xf32> to vector<32x32xf32>
    %div3A_514 = arith.divf %exp3A_509, %div3A_513 : vector<32x32xf32>
    %slice3A_515 = vector.extract_strided_slice %dot_general3A_39 {offsets = [0, 640], sizes = [32, 64], strides = [1, 1]} : vector<32x1024xf32> to vector<32x64xf32>
    %dot_general3A_516 = arith.constant dense<0.000000e+00> : vector<32x64xf32>
    %dot_general3A_517 = tpu.matmul %div3A_514, %slice3A_515, %dot_general3A_516 {dimension_numbers = #tpu.dot_dimension_numbers<[1], [0], [0], [1], [0, 0, 1, 1], [], []>, precision = #tpu.contract_precision<fp32>, transpose_lhs_hint = false} : vector<32x32xf32>, vector<32x64xf32>, vector<32x64xf32> -> vector<32x64xf32>
    %swap3A_518 = arith.constant 0 : index
    %swap3A_519 = arith.constant 640 : index
    %swap3A_520 = vector.load %arg10[%swap3A_518, %swap3A_519] : memref<32x1024xf32, #tpu.memory_space<vmem>>, vector<32x64xf32>
    tpu.vector_store %arg10[%swap3A_518, %swap3A_519], %dot_general3A_517 {strides = array<i32>} : memref<32x1024xf32, #tpu.memory_space<vmem>>, vector<32x64xf32>,
    %slice3A_521 = vector.extract_strided_slice %dot_general3A_29 {offsets = [0, 704], sizes = [32, 64], strides = [1, 1]} : vector<32x1024xf32> to vector<32x64xf32>
    %slice3A_522 = vector.extract_strided_slice %slice3A_521 {offsets = [0, 0], sizes = [32, 32], strides = [1, 1]} : vector<32x64xf32> to vector<32x32xf32>
    %slice3A_523 = vector.extract_strided_slice %slice3A_521 {offsets = [0, 32], sizes = [32, 32], strides = [1, 1]} : vector<32x64xf32> to vector<32x32xf32>
    %mul3A_524 = arith.mulf %slice3A_522, %cos3A : vector<32x32xf32>
    %mul3A_525 = arith.mulf %slice3A_523, %sin3A : vector<32x32xf32>
    %sub3A_526 = arith.subf %mul3A_524, %mul3A_525 : vector<32x32xf32>
    %mul3A_527 = arith.mulf %slice3A_523, %cos3A : vector<32x32xf32>
    %mul3A_528 = arith.mulf %slice3A_522, %sin3A : vector<32x32xf32>
    %add3A_529 = arith.addf %mul3A_527, %mul3A_528 : vector<32x32xf32>
    %concatenate3A_530 = tpu.concatenate %sub3A_526, %add3A_529 in 1 : vector<32x32xf32>, vector<32x32xf32> -> vector<32x64xf32>
    %slice3A_531 = vector.extract_strided_slice %dot_general3A_34 {offsets = [0, 704], sizes = [32, 64], strides = [1, 1]} : vector<32x1024xf32> to vector<32x64xf32>
    %slice3A_532 = vector.extract_strided_slice %slice3A_531 {offsets = [0, 0], sizes = [32, 32], strides = [1, 1]} : vector<32x64xf32> to vector<32x32xf32>
    %slice3A_533 = vector.extract_strided_slice %slice3A_531 {offsets = [0, 32], sizes = [32, 32], strides = [1, 1]} : vector<32x64xf32> to vector<32x32xf32>
    %mul3A_534 = arith.mulf %slice3A_532, %cos3A : vector<32x32xf32>
    %mul3A_535 = arith.mulf %slice3A_533, %sin3A : vector<32x32xf32>
    %sub3A_536 = arith.subf %mul3A_534, %mul3A_535 : vector<32x32xf32>
    %mul3A_537 = arith.mulf %slice3A_533, %cos3A : vector<32x32xf32>
    %mul3A_538 = arith.mulf %slice3A_532, %sin3A : vector<32x32xf32>
    %add3A_539 = arith.addf %mul3A_537, %mul3A_538 : vector<32x32xf32>
    %concatenate3A_540 = tpu.concatenate %sub3A_536, %add3A_539 in 1 : vector<32x32xf32>, vector<32x32xf32> -> vector<32x64xf32>
    %dot_general3A_541 = arith.constant dense<0.000000e+00> : vector<32x32xf32>
    %dot_general3A_542 = tpu.matmul %concatenate3A_530, %concatenate3A_540, %dot_general3A_541 {dimension_numbers = #tpu.dot_dimension_numbers<[1], [1], [0], [0], [0, 0, 1, 0], [], []>, precision = #tpu.contract_precision<fp32>, transpose_lhs_hint = false} : vector<32x64xf32>, vector<32x64xf32>, vector<32x32xf32> -> vector<32x32xf32>
    %mul3A_543 = arith.constant 1.250000e-01 : f32
    %mul3A_544 = vector.broadcast %mul3A_543 : f32 to vector<32x32xf32>
    %mul3A_545 = arith.mulf %dot_general3A_542, %mul3A_544 : vector<32x32xf32>
    %add3A_546 = arith.addf %mul3A_545, %get3A_51 : vector<32x32xf32>
    %reduce_max3A_547 = arith.constant dense<0xFF800000> : vector<32xf32>
    %reduce_max3A_548 = vector.multi_reduction <maximumf>, %add3A_546, %reduce_max3A_547 [1] : vector<32x32xf32> to vector<32xf32>
    %broadcast_in_dim3A_549 = vector.shape_cast %reduce_max3A_548 : vector<32xf32> to vector<32x1xf32>
    %sub3A_550 = vector.broadcast %broadcast_in_dim3A_549 : vector<32x1xf32> to vector<32x32xf32>
    %sub3A_551 = arith.subf %add3A_546, %sub3A_550 : vector<32x32xf32>
    %exp3A_552 = math.exp %sub3A_551 : vector<32x32xf32>
    %reduce_sum3A_553 = arith.constant dense<0.000000e+00> : vector<32xf32>
    %reduce_sum3A_554 = vector.multi_reduction <add>, %exp3A_552, %reduce_sum3A_553 [1] : vector<32x32xf32> to vector<32xf32>
    %broadcast_in_dim3A_555 = vector.shape_cast %reduce_sum3A_554 : vector<32xf32> to vector<32x1xf32>
    %div3A_556 = vector.broadcast %broadcast_in_dim3A_555 : vector<32x1xf32> to vector<32x32xf32>
    %div3A_557 = arith.divf %exp3A_552, %div3A_556 : vector<32x32xf32>
    %slice3A_558 = vector.extract_strided_slice %dot_general3A_39 {offsets = [0, 704], sizes = [32, 64], strides = [1, 1]} : vector<32x1024xf32> to vector<32x64xf32>
    %dot_general3A_559 = arith.constant dense<0.000000e+00> : vector<32x64xf32>
    %dot_general3A_560 = tpu.matmul %div3A_557, %slice3A_558, %dot_general3A_559 {dimension_numbers = #tpu.dot_dimension_numbers<[1], [0], [0], [1], [0, 0, 1, 1], [], []>, precision = #tpu.contract_precision<fp32>, transpose_lhs_hint = false} : vector<32x32xf32>, vector<32x64xf32>, vector<32x64xf32> -> vector<32x64xf32>
    %swap3A_561 = arith.constant 0 : index
    %swap3A_562 = arith.constant 704 : index
    %swap3A_563 = vector.load %arg10[%swap3A_561, %swap3A_562] : memref<32x1024xf32, #tpu.memory_space<vmem>>, vector<32x64xf32>
    tpu.vector_store %arg10[%swap3A_561, %swap3A_562], %dot_general3A_560 {strides = array<i32>} : memref<32x1024xf32, #tpu.memory_space<vmem>>, vector<32x64xf32>,
    %slice3A_564 = vector.extract_strided_slice %dot_general3A_29 {offsets = [0, 768], sizes = [32, 64], strides = [1, 1]} : vector<32x1024xf32> to vector<32x64xf32>
    %slice3A_565 = vector.extract_strided_slice %slice3A_564 {offsets = [0, 0], sizes = [32, 32], strides = [1, 1]} : vector<32x64xf32> to vector<32x32xf32>
    %slice3A_566 = vector.extract_strided_slice %slice3A_564 {offsets = [0, 32], sizes = [32, 32], strides = [1, 1]} : vector<32x64xf32> to vector<32x32xf32>
    %mul3A_567 = arith.mulf %slice3A_565, %cos3A : vector<32x32xf32>
    %mul3A_568 = arith.mulf %slice3A_566, %sin3A : vector<32x32xf32>
    %sub3A_569 = arith.subf %mul3A_567, %mul3A_568 : vector<32x32xf32>
    %mul3A_570 = arith.mulf %slice3A_566, %cos3A : vector<32x32xf32>
    %mul3A_571 = arith.mulf %slice3A_565, %sin3A : vector<32x32xf32>
    %add3A_572 = arith.addf %mul3A_570, %mul3A_571 : vector<32x32xf32>
    %concatenate3A_573 = tpu.concatenate %sub3A_569, %add3A_572 in 1 : vector<32x32xf32>, vector<32x32xf32> -> vector<32x64xf32>
    %slice3A_574 = vector.extract_strided_slice %dot_general3A_34 {offsets = [0, 768], sizes = [32, 64], strides = [1, 1]} : vector<32x1024xf32> to vector<32x64xf32>
    %slice3A_575 = vector.extract_strided_slice %slice3A_574 {offsets = [0, 0], sizes = [32, 32], strides = [1, 1]} : vector<32x64xf32> to vector<32x32xf32>
    %slice3A_576 = vector.extract_strided_slice %slice3A_574 {offsets = [0, 32], sizes = [32, 32], strides = [1, 1]} : vector<32x64xf32> to vector<32x32xf32>
    %mul3A_577 = arith.mulf %slice3A_575, %cos3A : vector<32x32xf32>
    %mul3A_578 = arith.mulf %slice3A_576, %sin3A : vector<32x32xf32>
    %sub3A_579 = arith.subf %mul3A_577, %mul3A_578 : vector<32x32xf32>
    %mul3A_580 = arith.mulf %slice3A_576, %cos3A : vector<32x32xf32>
    %mul3A_581 = arith.mulf %slice3A_575, %sin3A : vector<32x32xf32>
    %add3A_582 = arith.addf %mul3A_580, %mul3A_581 : vector<32x32xf32>
    %concatenate3A_583 = tpu.concatenate %sub3A_579, %add3A_582 in 1 : vector<32x32xf32>, vector<32x32xf32> -> vector<32x64xf32>
    %dot_general3A_584 = arith.constant dense<0.000000e+00> : vector<32x32xf32>
    %dot_general3A_585 = tpu.matmul %concatenate3A_573, %concatenate3A_583, %dot_general3A_584 {dimension_numbers = #tpu.dot_dimension_numbers<[1], [1], [0], [0], [0, 0, 1, 0], [], []>, precision = #tpu.contract_precision<fp32>, transpose_lhs_hint = false} : vector<32x64xf32>, vector<32x64xf32>, vector<32x32xf32> -> vector<32x32xf32>
    %mul3A_586 = arith.constant 1.250000e-01 : f32
    %mul3A_587 = vector.broadcast %mul3A_586 : f32 to vector<32x32xf32>
    %mul3A_588 = arith.mulf %dot_general3A_585, %mul3A_587 : vector<32x32xf32>
    %add3A_589 = arith.addf %mul3A_588, %get3A_51 : vector<32x32xf32>
    %reduce_max3A_590 = arith.constant dense<0xFF800000> : vector<32xf32>
    %reduce_max3A_591 = vector.multi_reduction <maximumf>, %add3A_589, %reduce_max3A_590 [1] : vector<32x32xf32> to vector<32xf32>
    %broadcast_in_dim3A_592 = vector.shape_cast %reduce_max3A_591 : vector<32xf32> to vector<32x1xf32>
    %sub3A_593 = vector.broadcast %broadcast_in_dim3A_592 : vector<32x1xf32> to vector<32x32xf32>
    %sub3A_594 = arith.subf %add3A_589, %sub3A_593 : vector<32x32xf32>
    %exp3A_595 = math.exp %sub3A_594 : vector<32x32xf32>
    %reduce_sum3A_596 = arith.constant dense<0.000000e+00> : vector<32xf32>
    %reduce_sum3A_597 = vector.multi_reduction <add>, %exp3A_595, %reduce_sum3A_596 [1] : vector<32x32xf32> to vector<32xf32>
    %broadcast_in_dim3A_598 = vector.shape_cast %reduce_sum3A_597 : vector<32xf32> to vector<32x1xf32>
    %div3A_599 = vector.broadcast %broadcast_in_dim3A_598 : vector<32x1xf32> to vector<32x32xf32>
    %div3A_600 = arith.divf %exp3A_595, %div3A_599 : vector<32x32xf32>
    %slice3A_601 = vector.extract_strided_slice %dot_general3A_39 {offsets = [0, 768], sizes = [32, 64], strides = [1, 1]} : vector<32x1024xf32> to vector<32x64xf32>
    %dot_general3A_602 = arith.constant dense<0.000000e+00> : vector<32x64xf32>
    %dot_general3A_603 = tpu.matmul %div3A_600, %slice3A_601, %dot_general3A_602 {dimension_numbers = #tpu.dot_dimension_numbers<[1], [0], [0], [1], [0, 0, 1, 1], [], []>, precision = #tpu.contract_precision<fp32>, transpose_lhs_hint = false} : vector<32x32xf32>, vector<32x64xf32>, vector<32x64xf32> -> vector<32x64xf32>
    %swap3A_604 = arith.constant 0 : index
    %swap3A_605 = arith.constant 768 : index
    %swap3A_606 = vector.load %arg10[%swap3A_604, %swap3A_605] : memref<32x1024xf32, #tpu.memory_space<vmem>>, vector<32x64xf32>
    tpu.vector_store %arg10[%swap3A_604, %swap3A_605], %dot_general3A_603 {strides = array<i32>} : memref<32x1024xf32, #tpu.memory_space<vmem>>, vector<32x64xf32>,
    %slice3A_607 = vector.extract_strided_slice %dot_general3A_29 {offsets = [0, 832], sizes = [32, 64], strides = [1, 1]} : vector<32x1024xf32> to vector<32x64xf32>
    %slice3A_608 = vector.extract_strided_slice %slice3A_607 {offsets = [0, 0], sizes = [32, 32], strides = [1, 1]} : vector<32x64xf32> to vector<32x32xf32>
    %slice3A_609 = vector.extract_strided_slice %slice3A_607 {offsets = [0, 32], sizes = [32, 32], strides = [1, 1]} : vector<32x64xf32> to vector<32x32xf32>
    %mul3A_610 = arith.mulf %slice3A_608, %cos3A : vector<32x32xf32>
    %mul3A_611 = arith.mulf %slice3A_609, %sin3A : vector<32x32xf32>
    %sub3A_612 = arith.subf %mul3A_610, %mul3A_611 : vector<32x32xf32>
    %mul3A_613 = arith.mulf %slice3A_609, %cos3A : vector<32x32xf32>
    %mul3A_614 = arith.mulf %slice3A_608, %sin3A : vector<32x32xf32>
    %add3A_615 = arith.addf %mul3A_613, %mul3A_614 : vector<32x32xf32>
    %concatenate3A_616 = tpu.concatenate %sub3A_612, %add3A_615 in 1 : vector<32x32xf32>, vector<32x32xf32> -> vector<32x64xf32>
    %slice3A_617 = vector.extract_strided_slice %dot_general3A_34 {offsets = [0, 832], sizes = [32, 64], strides = [1, 1]} : vector<32x1024xf32> to vector<32x64xf32>
    %slice3A_618 = vector.extract_strided_slice %slice3A_617 {offsets = [0, 0], sizes = [32, 32], strides = [1, 1]} : vector<32x64xf32> to vector<32x32xf32>
    %slice3A_619 = vector.extract_strided_slice %slice3A_617 {offsets = [0, 32], sizes = [32, 32], strides = [1, 1]} : vector<32x64xf32> to vector<32x32xf32>
    %mul3A_620 = arith.mulf %slice3A_618, %cos3A : vector<32x32xf32>
    %mul3A_621 = arith.mulf %slice3A_619, %sin3A : vector<32x32xf32>
    %sub3A_622 = arith.subf %mul3A_620, %mul3A_621 : vector<32x32xf32>
    %mul3A_623 = arith.mulf %slice3A_619, %cos3A : vector<32x32xf32>
    %mul3A_624 = arith.mulf %slice3A_618, %sin3A : vector<32x32xf32>
    %add3A_625 = arith.addf %mul3A_623, %mul3A_624 : vector<32x32xf32>
    %concatenate3A_626 = tpu.concatenate %sub3A_622, %add3A_625 in 1 : vector<32x32xf32>, vector<32x32xf32> -> vector<32x64xf32>
    %dot_general3A_627 = arith.constant dense<0.000000e+00> : vector<32x32xf32>
    %dot_general3A_628 = tpu.matmul %concatenate3A_616, %concatenate3A_626, %dot_general3A_627 {dimension_numbers = #tpu.dot_dimension_numbers<[1], [1], [0], [0], [0, 0, 1, 0], [], []>, precision = #tpu.contract_precision<fp32>, transpose_lhs_hint = false} : vector<32x64xf32>, vector<32x64xf32>, vector<32x32xf32> -> vector<32x32xf32>
    %mul3A_629 = arith.constant 1.250000e-01 : f32
    %mul3A_630 = vector.broadcast %mul3A_629 : f32 to vector<32x32xf32>
    %mul3A_631 = arith.mulf %dot_general3A_628, %mul3A_630 : vector<32x32xf32>
    %add3A_632 = arith.addf %mul3A_631, %get3A_51 : vector<32x32xf32>
    %reduce_max3A_633 = arith.constant dense<0xFF800000> : vector<32xf32>
    %reduce_max3A_634 = vector.multi_reduction <maximumf>, %add3A_632, %reduce_max3A_633 [1] : vector<32x32xf32> to vector<32xf32>
    %broadcast_in_dim3A_635 = vector.shape_cast %reduce_max3A_634 : vector<32xf32> to vector<32x1xf32>
    %sub3A_636 = vector.broadcast %broadcast_in_dim3A_635 : vector<32x1xf32> to vector<32x32xf32>
    %sub3A_637 = arith.subf %add3A_632, %sub3A_636 : vector<32x32xf32>
    %exp3A_638 = math.exp %sub3A_637 : vector<32x32xf32>
    %reduce_sum3A_639 = arith.constant dense<0.000000e+00> : vector<32xf32>
    %reduce_sum3A_640 = vector.multi_reduction <add>, %exp3A_638, %reduce_sum3A_639 [1] : vector<32x32xf32> to vector<32xf32>
    %broadcast_in_dim3A_641 = vector.shape_cast %reduce_sum3A_640 : vector<32xf32> to vector<32x1xf32>
    %div3A_642 = vector.broadcast %broadcast_in_dim3A_641 : vector<32x1xf32> to vector<32x32xf32>
    %div3A_643 = arith.divf %exp3A_638, %div3A_642 : vector<32x32xf32>
    %slice3A_644 = vector.extract_strided_slice %dot_general3A_39 {offsets = [0, 832], sizes = [32, 64], strides = [1, 1]} : vector<32x1024xf32> to vector<32x64xf32>
    %dot_general3A_645 = arith.constant dense<0.000000e+00> : vector<32x64xf32>
    %dot_general3A_646 = tpu.matmul %div3A_643, %slice3A_644, %dot_general3A_645 {dimension_numbers = #tpu.dot_dimension_numbers<[1], [0], [0], [1], [0, 0, 1, 1], [], []>, precision = #tpu.contract_precision<fp32>, transpose_lhs_hint = false} : vector<32x32xf32>, vector<32x64xf32>, vector<32x64xf32> -> vector<32x64xf32>
    %swap3A_647 = arith.constant 0 : index
    %swap3A_648 = arith.constant 832 : index
    %swap3A_649 = vector.load %arg10[%swap3A_647, %swap3A_648] : memref<32x1024xf32, #tpu.memory_space<vmem>>, vector<32x64xf32>
    tpu.vector_store %arg10[%swap3A_647, %swap3A_648], %dot_general3A_646 {strides = array<i32>} : memref<32x1024xf32, #tpu.memory_space<vmem>>, vector<32x64xf32>,
    %slice3A_650 = vector.extract_strided_slice %dot_general3A_29 {offsets = [0, 896], sizes = [32, 64], strides = [1, 1]} : vector<32x1024xf32> to vector<32x64xf32>
    %slice3A_651 = vector.extract_strided_slice %slice3A_650 {offsets = [0, 0], sizes = [32, 32], strides = [1, 1]} : vector<32x64xf32> to vector<32x32xf32>
    %slice3A_652 = vector.extract_strided_slice %slice3A_650 {offsets = [0, 32], sizes = [32, 32], strides = [1, 1]} : vector<32x64xf32> to vector<32x32xf32>
    %mul3A_653 = arith.mulf %slice3A_651, %cos3A : vector<32x32xf32>
    %mul3A_654 = arith.mulf %slice3A_652, %sin3A : vector<32x32xf32>
    %sub3A_655 = arith.subf %mul3A_653, %mul3A_654 : vector<32x32xf32>
    %mul3A_656 = arith.mulf %slice3A_652, %cos3A : vector<32x32xf32>
    %mul3A_657 = arith.mulf %slice3A_651, %sin3A : vector<32x32xf32>
    %add3A_658 = arith.addf %mul3A_656, %mul3A_657 : vector<32x32xf32>
    %concatenate3A_659 = tpu.concatenate %sub3A_655, %add3A_658 in 1 : vector<32x32xf32>, vector<32x32xf32> -> vector<32x64xf32>
    %slice3A_660 = vector.extract_strided_slice %dot_general3A_34 {offsets = [0, 896], sizes = [32, 64], strides = [1, 1]} : vector<32x1024xf32> to vector<32x64xf32>
    %slice3A_661 = vector.extract_strided_slice %slice3A_660 {offsets = [0, 0], sizes = [32, 32], strides = [1, 1]} : vector<32x64xf32> to vector<32x32xf32>
    %slice3A_662 = vector.extract_strided_slice %slice3A_660 {offsets = [0, 32], sizes = [32, 32], strides = [1, 1]} : vector<32x64xf32> to vector<32x32xf32>
    %mul3A_663 = arith.mulf %slice3A_661, %cos3A : vector<32x32xf32>
    %mul3A_664 = arith.mulf %slice3A_662, %sin3A : vector<32x32xf32>
    %sub3A_665 = arith.subf %mul3A_663, %mul3A_664 : vector<32x32xf32>
    %mul3A_666 = arith.mulf %slice3A_662, %cos3A : vector<32x32xf32>
    %mul3A_667 = arith.mulf %slice3A_661, %sin3A : vector<32x32xf32>
    %add3A_668 = arith.addf %mul3A_666, %mul3A_667 : vector<32x32xf32>
    %concatenate3A_669 = tpu.concatenate %sub3A_665, %add3A_668 in 1 : vector<32x32xf32>, vector<32x32xf32> -> vector<32x64xf32>
    %dot_general3A_670 = arith.constant dense<0.000000e+00> : vector<32x32xf32>
    %dot_general3A_671 = tpu.matmul %concatenate3A_659, %concatenate3A_669, %dot_general3A_670 {dimension_numbers = #tpu.dot_dimension_numbers<[1], [1], [0], [0], [0, 0, 1, 0], [], []>, precision = #tpu.contract_precision<fp32>, transpose_lhs_hint = false} : vector<32x64xf32>, vector<32x64xf32>, vector<32x32xf32> -> vector<32x32xf32>
    %mul3A_672 = arith.constant 1.250000e-01 : f32
    %mul3A_673 = vector.broadcast %mul3A_672 : f32 to vector<32x32xf32>
    %mul3A_674 = arith.mulf %dot_general3A_671, %mul3A_673 : vector<32x32xf32>
    %add3A_675 = arith.addf %mul3A_674, %get3A_51 : vector<32x32xf32>
    %reduce_max3A_676 = arith.constant dense<0xFF800000> : vector<32xf32>
    %reduce_max3A_677 = vector.multi_reduction <maximumf>, %add3A_675, %reduce_max3A_676 [1] : vector<32x32xf32> to vector<32xf32>
    %broadcast_in_dim3A_678 = vector.shape_cast %reduce_max3A_677 : vector<32xf32> to vector<32x1xf32>
    %sub3A_679 = vector.broadcast %broadcast_in_dim3A_678 : vector<32x1xf32> to vector<32x32xf32>
    %sub3A_680 = arith.subf %add3A_675, %sub3A_679 : vector<32x32xf32>
    %exp3A_681 = math.exp %sub3A_680 : vector<32x32xf32>
    %reduce_sum3A_682 = arith.constant dense<0.000000e+00> : vector<32xf32>
    %reduce_sum3A_683 = vector.multi_reduction <add>, %exp3A_681, %reduce_sum3A_682 [1] : vector<32x32xf32> to vector<32xf32>
    %broadcast_in_dim3A_684 = vector.shape_cast %reduce_sum3A_683 : vector<32xf32> to vector<32x1xf32>
    %div3A_685 = vector.broadcast %broadcast_in_dim3A_684 : vector<32x1xf32> to vector<32x32xf32>
    %div3A_686 = arith.divf %exp3A_681, %div3A_685 : vector<32x32xf32>
    %slice3A_687 = vector.extract_strided_slice %dot_general3A_39 {offsets = [0, 896], sizes = [32, 64], strides = [1, 1]} : vector<32x1024xf32> to vector<32x64xf32>
    %dot_general3A_688 = arith.constant dense<0.000000e+00> : vector<32x64xf32>
    %dot_general3A_689 = tpu.matmul %div3A_686, %slice3A_687, %dot_general3A_688 {dimension_numbers = #tpu.dot_dimension_numbers<[1], [0], [0], [1], [0, 0, 1, 1], [], []>, precision = #tpu.contract_precision<fp32>, transpose_lhs_hint = false} : vector<32x32xf32>, vector<32x64xf32>, vector<32x64xf32> -> vector<32x64xf32>
    %swap3A_690 = arith.constant 0 : index
    %swap3A_691 = arith.constant 896 : index
    %swap3A_692 = vector.load %arg10[%swap3A_690, %swap3A_691] : memref<32x1024xf32, #tpu.memory_space<vmem>>, vector<32x64xf32>
    tpu.vector_store %arg10[%swap3A_690, %swap3A_691], %dot_general3A_689 {strides = array<i32>} : memref<32x1024xf32, #tpu.memory_space<vmem>>, vector<32x64xf32>,
    %slice3A_693 = vector.extract_strided_slice %dot_general3A_29 {offsets = [0, 960], sizes = [32, 64], strides = [1, 1]} : vector<32x1024xf32> to vector<32x64xf32>
    %slice3A_694 = vector.extract_strided_slice %slice3A_693 {offsets = [0, 0], sizes = [32, 32], strides = [1, 1]} : vector<32x64xf32> to vector<32x32xf32>
    %slice3A_695 = vector.extract_strided_slice %slice3A_693 {offsets = [0, 32], sizes = [32, 32], strides = [1, 1]} : vector<32x64xf32> to vector<32x32xf32>
    %mul3A_696 = arith.mulf %slice3A_694, %cos3A : vector<32x32xf32>
    %mul3A_697 = arith.mulf %slice3A_695, %sin3A : vector<32x32xf32>
    %sub3A_698 = arith.subf %mul3A_696, %mul3A_697 : vector<32x32xf32>
    %mul3A_699 = arith.mulf %slice3A_695, %cos3A : vector<32x32xf32>
    %mul3A_700 = arith.mulf %slice3A_694, %sin3A : vector<32x32xf32>
    %add3A_701 = arith.addf %mul3A_699, %mul3A_700 : vector<32x32xf32>
    %concatenate3A_702 = tpu.concatenate %sub3A_698, %add3A_701 in 1 : vector<32x32xf32>, vector<32x32xf32> -> vector<32x64xf32>
    %slice3A_703 = vector.extract_strided_slice %dot_general3A_34 {offsets = [0, 960], sizes = [32, 64], strides = [1, 1]} : vector<32x1024xf32> to vector<32x64xf32>
    %slice3A_704 = vector.extract_strided_slice %slice3A_703 {offsets = [0, 0], sizes = [32, 32], strides = [1, 1]} : vector<32x64xf32> to vector<32x32xf32>
    %slice3A_705 = vector.extract_strided_slice %slice3A_703 {offsets = [0, 32], sizes = [32, 32], strides = [1, 1]} : vector<32x64xf32> to vector<32x32xf32>
    %mul3A_706 = arith.mulf %slice3A_704, %cos3A : vector<32x32xf32>
    %mul3A_707 = arith.mulf %slice3A_705, %sin3A : vector<32x32xf32>
    %sub3A_708 = arith.subf %mul3A_706, %mul3A_707 : vector<32x32xf32>
    %mul3A_709 = arith.mulf %slice3A_705, %cos3A : vector<32x32xf32>
    %mul3A_710 = arith.mulf %slice3A_704, %sin3A : vector<32x32xf32>
    %add3A_711 = arith.addf %mul3A_709, %mul3A_710 : vector<32x32xf32>
    %concatenate3A_712 = tpu.concatenate %sub3A_708, %add3A_711 in 1 : vector<32x32xf32>, vector<32x32xf32> -> vector<32x64xf32>
    %dot_general3A_713 = arith.constant dense<0.000000e+00> : vector<32x32xf32>
    %dot_general3A_714 = tpu.matmul %concatenate3A_702, %concatenate3A_712, %dot_general3A_713 {dimension_numbers = #tpu.dot_dimension_numbers<[1], [1], [0], [0], [0, 0, 1, 0], [], []>, precision = #tpu.contract_precision<fp32>, transpose_lhs_hint = false} : vector<32x64xf32>, vector<32x64xf32>, vector<32x32xf32> -> vector<32x32xf32>
    %mul3A_715 = arith.constant 1.250000e-01 : f32
    %mul3A_716 = vector.broadcast %mul3A_715 : f32 to vector<32x32xf32>
    %mul3A_717 = arith.mulf %dot_general3A_714, %mul3A_716 : vector<32x32xf32>
    %add3A_718 = arith.addf %mul3A_717, %get3A_51 : vector<32x32xf32>
    %reduce_max3A_719 = arith.constant dense<0xFF800000> : vector<32xf32>
    %reduce_max3A_720 = vector.multi_reduction <maximumf>, %add3A_718, %reduce_max3A_719 [1] : vector<32x32xf32> to vector<32xf32>
    %broadcast_in_dim3A_721 = vector.shape_cast %reduce_max3A_720 : vector<32xf32> to vector<32x1xf32>
    %sub3A_722 = vector.broadcast %broadcast_in_dim3A_721 : vector<32x1xf32> to vector<32x32xf32>
    %sub3A_723 = arith.subf %add3A_718, %sub3A_722 : vector<32x32xf32>
    %exp3A_724 = math.exp %sub3A_723 : vector<32x32xf32>
    %reduce_sum3A_725 = arith.constant dense<0.000000e+00> : vector<32xf32>
    %reduce_sum3A_726 = vector.multi_reduction <add>, %exp3A_724, %reduce_sum3A_725 [1] : vector<32x32xf32> to vector<32xf32>
    %broadcast_in_dim3A_727 = vector.shape_cast %reduce_sum3A_726 : vector<32xf32> to vector<32x1xf32>
    %div3A_728 = vector.broadcast %broadcast_in_dim3A_727 : vector<32x1xf32> to vector<32x32xf32>
    %div3A_729 = arith.divf %exp3A_724, %div3A_728 : vector<32x32xf32>
    %slice3A_730 = vector.extract_strided_slice %dot_general3A_39 {offsets = [0, 960], sizes = [32, 64], strides = [1, 1]} : vector<32x1024xf32> to vector<32x64xf32>
    %dot_general3A_731 = arith.constant dense<0.000000e+00> : vector<32x64xf32>
    %dot_general3A_732 = tpu.matmul %div3A_729, %slice3A_730, %dot_general3A_731 {dimension_numbers = #tpu.dot_dimension_numbers<[1], [0], [0], [1], [0, 0, 1, 1], [], []>, precision = #tpu.contract_precision<fp32>, transpose_lhs_hint = false} : vector<32x32xf32>, vector<32x64xf32>, vector<32x64xf32> -> vector<32x64xf32>
    %swap3A_733 = arith.constant 0 : index
    %swap3A_734 = arith.constant 960 : index
    %swap3A_735 = vector.load %arg10[%swap3A_733, %swap3A_734] : memref<32x1024xf32, #tpu.memory_space<vmem>>, vector<32x64xf32>
    tpu.vector_store %arg10[%swap3A_733, %swap3A_734], %dot_general3A_732 {strides = array<i32>} : memref<32x1024xf32, #tpu.memory_space<vmem>>, vector<32x64xf32>,
    %get3A_736 = arith.constant 0 : index
    %get3A_737 = arith.constant 0 : index
    %get3A_738 = vector.load %arg10[%get3A_736, %get3A_737] : memref<32x1024xf32, #tpu.memory_space<vmem>>, vector<32x1024xf32>
    %get3A_739 = arith.constant 0 : index
    %get3A_740 = arith.constant 0 : index
    %get3A_741 = vector.load %arg8[%get3A_739, %get3A_740] : memref<1024x1024xf32, #tpu.memory_space<vmem>>, vector<1024x1024xf32>
    %dot_general3A_742 = arith.constant dense<0.000000e+00> : vector<32x1024xf32>
    %dot_general3A_743 = tpu.matmul %get3A_738, %get3A_741, %dot_general3A_742 {dimension_numbers = #tpu.dot_dimension_numbers<[1], [0], [0], [1], [0, 0, 1, 1], [], []>, precision = #tpu.contract_precision<fp32>, transpose_lhs_hint = false} : vector<32x1024xf32>, vector<1024x1024xf32>, vector<32x1024xf32> -> vector<32x1024xf32>
    %swap3A_744 = arith.constant 0 : index
    %swap3A_745 = arith.constant 0 : index
    %swap3A_746 = vector.load %arg9[%swap3A_744, %swap3A_745] : memref<32x1024xf32, #tpu.memory_space<vmem>>, vector<32x1024xf32>
    tpu.vector_store %arg9[%swap3A_744, %swap3A_745], %dot_general3A_743 {strides = array<i32>} : memref<32x1024xf32, #tpu.memory_space<vmem>>, vector<32x1024xf32>,
    return
  }
}

</mosaic_0001>

<sc_bundles>
// kernel: kernel.6.cloned.1.call-start
scs
__scs_entry_jumppad:
0x0: {  	(pc) =	sbr.rel $0x88, $3  }
0x1: {  	(tag) =	ssettag $0x0;
	lr =	simm.s32 $0x1  }
0x2: {  	[smem:$0x3F94] =	sst lr;
	_ =	strace $0xD0000000  }
0x3: {  	_ = 	snop  }
0x4: {  	_ = 	snop  }
0x5: {  	_ = 	snop  }
0x6: {  	_ = 	snop  }
0x7: {  	_ = 	snop  }
__scs_overlays_trampoline_lowered:
0x8: {  	[smem:$0x3FA3] =	sst s0  }
0x9: {  	[smem:$0x3FA4] =	sst s1  }
0xa: {  	[smem:$0x3FA5] =	sst s2  }
0xb: {  	[smem:$0x3FA6] =	sst s3  }
0xc: {  	[smem:$0x3FA7] =	sst s4  }
0xd: {  	[smem:$0x3FA8] =	sst s5  }
0xe: {  	[smem:$0x3FA9] =	sst s6  }
0xf: {  	[smem:$0x3FAA] =	sst s7  }
0x10: {  	[smem:$0x3FAB] =	sst s8  }
0x11: {  	[smem:$0x3FAC] =	sst s9;
	s0 =	simm.s32 @!p0 $0x0  }
0x12: {  	s1 =	sld [smem:$0x3F92];
	s0 =	simm.s32 @p0 $0x1  }
0x13: {  	[smem:$0x3FAD] =	sst s0;
	s0 =	simm.s32 @!p1 $0x0  }
0x14: {  	s2 =	sld [smem:$0x3F91];
	s0 =	simm.s32 @p1 $0x1  }
0x15: {  	[smem:$0x3FAE] =	sst s0;
	s0 =	simm.s32 @!p2 $0x0  }
0x16: {  	s3 =	sld [smem:$0x3FDB];
	s0 =	simm.s32 @p2 $0x1  }
0x17: {  	s4 =	simm.s32 $0x1BF5;
	[smem:$0x3FB0] =	sst s0  }
0x18: {  	s0 =	sld [smem:$0x3F93];
	_ =	swait.ge [sflag:s4], $0x0  }
0x19: {  	s7 =	sld [smem:$0x3F94]  }
0x1a: {  	s8 =	sadd.s32 $0xFFFFE003, lr  }
0x1b: {  	s9 =	sadd.s32 $0xFFFFFEF7, lr;
	s5 =	simm.s32 $0xFFFFFFFF;
	p2 =	slt.u32 s8, $0xFFFFF086  }
0x1c: {  	p1 =	slt.u32 s9, $0xF7A;
	s5 =	simm.s32 @!p2 $0x0  }
0x1d: {  	s5 =	simm.s32 @p1 $0x1;
	p0 =	seq.s32 s7, s2  }
0x1e: {  	s7 =	smul.u32 @!p0 $0xF7A, s2;
	p2 =	seq.s32 @!p0 s5, $0x0  }
0x1f: {  	s9 =	smul.u32 $0xF7A, s1;
	s8 =	simm.s32 @!p0 $0x1BF5;
	p2 =	por !p2, p0  }
0x20: {  	[sflag:s8] =	ssyncset.s32 @!p0 $0xFFFFF086;
	s6 =	sadd.s32 @!p0 s3, s7;
	s7 =	simm.s32 @!p0 $0x108  }
0x21: {  	s3 =	sadd.s32 s3, s9;
	s6 =	sadd.s32 @!p0 $0x88, s6;
	s7 =	simm.s32 @p2 $0x1082  }
0x22: {  	[simem:s7], [sflag:s8] =	dma.local @!p0 [hbm:s6], $0xF7A  }
0x23: {  	s9 =	sor.u32 $0xD0000000, s2;
	s6 =	simm.s32 $0x108;
	_ =	swait.ge @!p0 [sflag:s8], $0x0  }
0x24: {  	s3 =	sadd.s32 $0x88, s3;
	s6 =	simm.s32 @!p1 $0x1082;
	[sflag:s4] =	ssyncset.s32 $0xFFFFF086  }
0x25: {  	[simem:s6], [sflag:s4] =	dma.local [hbm:s3], $0xF7A  }
0x26: {  	[smem:$0x3F94] =	sst s1;
	(tag) =	ssettag s2;
	_ =	strace s9  }
0x27: {  	s1 =	sld [smem:$0x3FA4]  }
0x28: {  	s2 =	sld [smem:$0x3FA5]  }
0x29: {  	s4 =	sld [smem:$0x3FA7]  }
0x2a: {  	p0 =	seq.s32 s5, $0x0;
	s5 =	sld [smem:$0x3FA8]  }
0x2b: {  	s6 =	sld [smem:$0x3FA9]  }
0x2c: {  	s7 =	sld [smem:$0x3FAA]  }
0x2d: {  	s3 =	simm.s32 $0x108;
	s8 =	sld [smem:$0x3FAB]  }
0x2e: {  	s3 =	simm.s32 @!p0 $0x1082;
	s9 =	sld [smem:$0x3FAC]  }
0x2f: {  	lr =	sadd.s32 s0, s3;
	s0 =	sld [smem:$0x3FA3]  }
0x30: {  	s3 =	sld [smem:$0x3FA6]  }
0x31: {  	[smem:$0x3FAF] =	sst s10  }
0x32: {  	s10 =	sld [smem:$0x3FAD];
	_ =	sdelay $0x3  }
0x33: {  	p0 =	seq.s32 s10, $0x1;
	s10 =	sld [smem:$0x3FAF];
	_ =	sdelay $0x3  }
0x34: {  	[smem:$0x3FAF] =	sst s10  }
0x35: {  	s10 =	sld [smem:$0x3FAE];
	_ =	sdelay $0x3  }
0x36: {  	p1 =	seq.s32 s10, $0x1;
	s10 =	sld [smem:$0x3FAF];
	_ =	sdelay $0x3  }
0x37: {  	[smem:$0x3FAF] =	sst s10  }
0x38: {  	s10 =	sld [smem:$0x3FB0]  }
0x39: {  	_ = 	snop;
	(pc) =	sbr.ind lr, $3  }
0x3a: {  	_ = 	snop  }
0x3b: {  	_ = 	snop  }
0x3c: {  	p2 =	seq.s32 s10, $0x1;
	s10 =	sld [smem:$0x3FAF]  }
0x3d: {  	_ =	shalt  }
0x3e: {  	_ =	shalt  }
0x3f: {  	_ =	shalt  }
0x40: {  	_ =	shalt  }
0x41: {  	_ =	shalt  }
0x42: {  	_ =	shalt  }
0x43: {  	_ =	shalt  }
0x44: {  	_ =	shalt  }
0x45: {  	_ =	shalt  }
0x46: {  	_ =	shalt  }
0x47: {  	_ =	shalt  }
0x48: {  	_ =	shalt  }
0x49: {  	_ =	shalt  }
0x4a: {  	_ =	shalt  }
0x4b: {  	_ =	shalt  }
0x4c: {  	_ =	shalt  }
0x4d: {  	_ =	shalt  }
0x4e: {  	_ =	shalt  }
0x4f: {  	_ =	shalt  }
0x50: {  	_ =	shalt  }
0x51: {  	_ =	shalt  }
0x52: {  	_ =	shalt  }
0x53: {  	_ =	shalt  }
0x54: {  	_ =	shalt  }
0x55: {  	_ =	shalt  }
0x56: {  	_ =	shalt  }
0x57: {  	_ =	shalt  }
0x58: {  	_ =	shalt  }
0x59: {  	_ =	shalt  }
0x5a: {  	_ =	shalt  }
0x5b: {  	_ =	shalt  }
0x5c: {  	_ =	shalt  }
0x5d: {  	_ =	shalt  }
0x5e: {  	_ =	shalt  }
0x5f: {  	_ =	shalt  }
0x60: {  	_ =	shalt  }
0x61: {  	_ =	shalt  }
0x62: {  	_ =	shalt  }
0x63: {  	_ =	shalt  }
0x64: {  	_ =	shalt  }
0x65: {  	_ =	shalt  }
0x66: {  	_ =	shalt  }
0x67: {  	_ =	shalt  }
0x68: {  	_ =	shalt  }
0x69: {  	_ =	shalt  }
0x6a: {  	_ =	shalt  }
0x6b: {  	_ =	shalt  }
0x6c: {  	_ =	shalt  }
0x6d: {  	_ =	shalt  }
0x6e: {  	_ =	shalt  }
0x6f: {  	_ =	shalt  }
0x70: {  	_ =	shalt  }
0x71: {  	_ =	shalt  }
0x72: {  	_ =	shalt  }
0x73: {  	_ =	shalt  }
0x74: {  	_ =	shalt  }
0x75: {  	_ =	shalt  }
0x76: {  	_ =	shalt  }
0x77: {  	_ =	shalt  }
0x78: {  	_ =	shalt  }
0x79: {  	_ =	shalt  }
0x7a: {  	_ =	shalt  }
0x7b: {  	_ =	shalt  }
0x7c: {  	_ =	shalt  }
0x7d: {  	_ =	shalt  }
0x7e: {  	_ =	shalt  }
0x7f: {  	_ =	shalt  }
0x80: {  	_ =	shalt  }
0x81: {  	_ =	shalt  }
0x82: {  	_ =	shalt  }
0x83: {  	_ =	shalt  }
0x84: {  	_ =	shalt  }
0x85: {  	_ =	shalt  }
0x86: {  	_ =	shalt  }
0x87: {  	_ =	shalt  }
.Lfunc_end0:
.L_simem_size_0:
called_computation_lowered:
.L_overlay_start_0:
0x88: {  	s2 =	sld [smem:$0x3FD9]  }
0x89: {  	s3 =	sld [smem:$0x3FFE];
	_ =	sdelay $0x1  }
0x8a: {  	s1 =	srdreg.scid  }
0x8b: {  	s0 =	sand.u32 $0x1, s1  }
0x8c: {  	s18 =	sshll.u32 s0, $0xA;
	s2 =	sadd.s32 s3, s2  }
0x8d: {  	s2 =	sadd.s32 s2, s18  }
0x8e: {  	[smem:$0x3FBB] =	sst s2  }
0x8f: {  	_ = 	snop  }
0x90: {  	s2 =	sld [smem:$0x3FC9]  }
0x91: {  	s19 =	sld [smem:$0x3FC4]  }
0x92: {  	s4 =	sld [smem:$0x3FD0];
	(tm) =	ssettm $0x1  }
0x93: {  	s5 =	sld [smem:$0x3FFB];
	_ =	sdelay $0x3  }
0x94: {  	_ =	strace s5  }
0x95: {  	s5 =	sld [smem:$0x3FFC];
	_ =	sdelay $0x3  }
0x96: {  	_ =	strace s5  }
0x97: {  	s5 =	sld [smem:$0x3FFD];
	_ =	sdelay $0x3  }
0x98: {  	_ =	strace s5  }
0x99: {  	_ =	strace $0x8FFFFFFF  }
0x9a: {  	s20 =	sld [smem:$0x3FDB];
	_ =	sdelay $0x1  }
0x9b: {  	s6 =	simm.s32 $_scs_section_size  }
0x9c: {  	s7 =	simm.s32 $_size__tile_overlayer_lowered;
	s8 =	simm.s32 $_tile_overlayer_lowered  }
0x9d: {  	s23 =	simm.s32 $0x1BFF;
	s22 =	sshll.u32 s8, $0x1;
	s5 =	sadd.s32 s6, s20  }
0x9e: {  	s9 =	simm.s32 $0x0;
	s21 =	sshll.u32 s7, $0x1;
	s7 =	sadd.s32 s22, s5  }
0x9f: {  	[timem:s9], [sflag:s23] =	dma.local [hbm:s7], s21  }
0xa0: {  	_ =	swait.ge [sflag:s23], s21  }
0xa1: {  	s6 =	ssub.s32 $0x0, s21;
	[sflag:s23] =	ssyncset.done $0x0  }
0xa2: {  	[sflag:s23] =	ssyncadd.s32 s6;
	_ =	sdelay $0x1  }
0xa3: {  	s24 =	simm.s32 $0x1B8B  }
0xa4: {  	_ =	swait.ge [sflag:s24], $0x1  }
0xa5: {  	[sflag:s24] =	ssyncset.done $0x0  }
0xa6: {  	s25 =	simm.s32 $0x1B8E;
	[sflag:s24] =	ssyncadd.s32 $0xFFFFFFFF  }
0xa7: {  	s26 =	simm.s32 $execute0_lowered;
	[smem:$0x3FD2] =	sst s25  }
0xa8: {  	s6 =	sshll.u32 s26, $0x1;
	_ =	strace $0x80000046;
	[dreg:$0x1] =	wrdreg $0xFFFFFFFF  }
0xa9: {  	s28 =	simm.s32 $_size_execute0_lowered;
	s5 =	sadd.s32 s5, s6;
	[dreg:$0x0] =	wrdreg $0x0  }
0xaa: {  	s6 =	sshll.u32 s28, $0x1;
	[dreg:$0x2] =	wrdreg s5  }
0xab: {  	[dreg:$0x3] =	wrdreg s6  }
0xac: {  	[dreg:$0x4] =	wrdreg $0xC0  }
0xad: {  	_ =	task [dreg:s9], $0x5FFFF  }
0xae: {  	[dreg:$0x1] =	wrdreg $0xFFFFFFFF  }
0xaf: {  	[dreg:$0x0] =	wrdreg $0x60  }
0xb0: {  	[dreg:$0x2] =	wrdreg s2  }
0xb1: {  	[dreg:$0x3] =	wrdreg s19  }
0xb2: {  	[dreg:$0x4] =	wrdreg s4  }
0xb3: {  	[dreg:$0x5] =	wrdreg $0x9  }
0xb4: {  	_ =	task.clear_ibuf [dreg:s9], $0x6FFFF;
	_ =	strace $0x90000046  }
0xb5: {  	s29 =	simm.s32 $0x9;
	_ =	strace $0x80000048  }
0xb6: {  	_ =	swait.ge [sflag:s29], $0x1  }
0xb7: {  	[sflag:s29] =	ssyncadd.s32 $0xFFFFFFFF  }
0xb8: {  	_ =	strace $0x90000048  }
0xb9: {  	_ =	sfence  }
0xba: {  	s30 =	sld [smem:$0x0];
	_ =	sdelay $0x2  }
0xbb: {  	s31 =	sshll.u32 s1, $0xD;
	s1 =	sshrl.u32 s1, $0x2  }
0xbc: {  	s3 =	sand.u32 $0x4000, s31;
	s1 =	sadd.s32 s1, s30  }
0xbd: {  	s0 =	sor.u32 s3, s0;
	s1 =	sshll.u32 s1, $0x11  }
0xbe: {  	s0 =	sor.u32 s1, s0  }
0xbf: {  	s0 =	sadd.s32 $0x8F2B, s0  }
0xc0: {  	[sflag:s0] =	ssyncadd.remote.s32 $0x1  }
0xc1: {  	_ =	sfence.sel $0xFFFF  }
0xc2: {  	[dreg:$0x0] =	wrdreg $0xFFFFFFFF;
	(pc) =	sbr.abs _section_cstart, $3  }
0xc3: {  	[dreg:$0x1] =	wrdreg $0xFFFFFFFF  }
0xc4: {  	_ =	task.clear_ibuf [dreg:s9], $0x2FFFF;
	_ =	strace $0x9FFFFFFF  }
0xc5: {  	(tm) =	ssettm $0x7FFFFFFF  }
tec
execute0_lowered:
.L_overlay_start_1:
0x0: {  	(tag) =	ssettag $0x1  }
0x1: {  	s0 =	srdreg.scid  }
0x2: {  	s1 =	stileid.u32;
	s5 =	sand.u32 $0x1, s0  }
0x3: {  	s7 =	sor.u32 s1, s5  }
0x4: {  	p0 =	sne.s32 s7, $0x0  }
.Ltmp0:
0x5: {  	s6 =	rddreg [dreg:$0x0];
	(pc) =	sbr.rel @p0 .LBB2_3-.Ltmp0, $4  }
0x6: {  	s2 =	rddreg [dreg:$0x1]  }
0x7: {  	s3 =	rddreg [dreg:$0x2];
	s4 =	simm.s32 $0x0  }
0x8: {  	[smem:$0x7FF] =	sst s4  }
0x9: {  	s0 =	rddreg [dreg:$0x3];
	_ =	strace $0x80000047  }
0xa: {  	v0 =	vlaneseq.u32  }
0xb: {  	s5 =	ssub.s32 $0x2, s5;
	s6 =	sadd.s32 $0x4, s6;
	v1 =	vand.u32 $0x7, v0;
	v63 =	vshrl.u32 v0, $0x3  }
0xc: {  	s8 =	simm.s32 $0x80;
	s9 =	simm.s32 $0x880;
	s10 =	simm.s32 $0x1080;
	v0 =	vor.u32 $0x8, v0;
	[tilespmem:$0x1FFD0] =	vst v1;
	v1 =	vmul.u32 $0x8, v63  }
0xd: {  	s11 =	simm.s32 $0x1880;
	s12 =	simm.s32 $0x1;
	s7 =	sshrl.u32 s5, $0x1;
	[tilespmem:$0x1FFF0] =	vst v0  }
0xe: {  	vm0 =	vmmov $0xffff;
	s13 =	simm.s32 $0x2080;
	s5 =	ssub.s32 s5, s7;
	s7 =	simm.s32 $0x2;
	[tilespmem:$0x1FFE0] =	vst v1  }
.LBB2_2:
0xf: {  	[tilespmem:s4], [sflag:$0x2] =	stream.linear.gather [hbm4b:s6+s4], $0x20, $0x38;
	[tilespmem:$0x2180] =	vst v63  }
0x10: {  	_ =	swait.ge [sflag:s7], $0x20  }
0x11: {  	[sflag:s7] =	ssyncset.done $0x0  }
0x12: {  	[sflag:s7] =	ssyncadd.s32 $0xFFFFFFE0  }
0x13: {  	v0 =	vld [tilespmem:$0x0];
	_ =	sdelay $0x2  }
0x14: {  	v2 =	vld [tilespmem:$0x1FFD0]  }
0x15: {  	v3 =	vld [tilespmem:$0x1FFE0]  }
0x16: {  	v4 =	vld [tilespmem:$0x1FFF0];
	v1 =	vshll.u32 v0, $0x1  }
0x17: {  	v0 =	vand.u32 $0x7, v0;
	v1 =	vand.u32 $0xFFFFFFF0, v1  }
0x18: {  	v0 =	vor.u32 v0, v1  }
0x19: {  	v1 =	vperm.xlane v0, v2;
	_ =	sdelay $0x1  }
0x1a: {  	v0 =	vperm.xlane v0, v4;
	v1 =	vadd.s32 v3, v1;
	_ =	sdelay $0x1  }
0x1b: {  	v0 =	vadd.s32 v3, v0;
	_ =	sdelay $0x2  }
0x1c: {  	[tilespmem:s8], [sflag:$0x1] =	stream.indirect_vreg.gather [hbm4b:s2+s4], $0x80, v1, vm0, $0xb8;
	[tilespmem:$0x2180] =	vst v63  }
0x1d: {  	_ = 	snop  }
0x1e: {  	[tilespmem:s9], [sflag:$0x1] =	stream.indirect_vreg.gather [hbm4b:s2+s4], $0x80, v0, vm0, $0xb8;
	[tilespmem:$0x2180] =	vst v63  }
0x1f: {  	v0 =	vld [tilespmem:$0x10];
	_ =	sdelay $0x4  }
0x20: {  	v15 =	vshll.u32 v0, $0x1  }
0x21: {  	v0 =	vand.u32 $0x7, v0;
	v1 =	vand.u32 $0xFFFFFFF0, v15  }
0x22: {  	v0 =	vor.u32 v0, v1  }
0x23: {  	v1 =	vperm.xlane v0, v2;
	_ =	sdelay $0x1  }
0x24: {  	v0 =	vperm.xlane v0, v4;
	v1 =	vadd.s32 v3, v1;
	_ =	sdelay $0x1  }
0x25: {  	v0 =	vadd.s32 v3, v0;
	_ =	sdelay $0x2  }
0x26: {  	[tilespmem:s10], [sflag:$0x1] =	stream.indirect_vreg.gather [hbm4b:s2+s4], $0x80, v1, vm0, $0xb8;
	[tilespmem:$0x2180] =	vst v63  }
0x27: {  	_ = 	snop  }
0x28: {  	[tilespmem:s11], [sflag:$0x1] =	stream.indirect_vreg.gather [hbm4b:s2+s4], $0x80, v0, vm0, $0xb8;
	[tilespmem:$0x2180] =	vst v63  }
0x29: {  	_ =	swait.ge [sflag:s12], $0x2000  }
0x2a: {  	[sflag:s12] =	ssyncset.done $0x0  }
0x2b: {  	[sflag:s12] =	ssyncadd.s32 $0xFFFFE000  }
0x2c: {  	v50 =	vld [tilespmem:$0x80]  }
0x2d: {  	v49 =	vld [tilespmem:$0x100]  }
0x2e: {  	v53 =	vld [tilespmem:$0x180]  }
0x2f: {  	v60 =	vld [tilespmem:$0x200]  }
0x30: {  	v16 =	vld [tilespmem:$0x280]  }
0x31: {  	v17 =	vld [tilespmem:$0x300]  }
0x32: {  	v18 =	vld [tilespmem:$0x380]  }
0x33: {  	v19 =	vld [tilespmem:$0x400]  }
0x34: {  	v20 =	vld [tilespmem:$0x880]  }
0x35: {  	v21 =	vld [tilespmem:$0x900]  }
0x36: {  	v22 =	vld [tilespmem:$0x980]  }
0x37: {  	v23 =	vld [tilespmem:$0xA00]  }
0x38: {  	v24 =	vld [tilespmem:$0xA80]  }
0x39: {  	v25 =	vld [tilespmem:$0xB00]  }
0x3a: {  	v26 =	vld [tilespmem:$0xB80];
	[tilespmem:$0x1EDA0] =	vst v16  }
0x3b: {  	v27 =	vld [tilespmem:$0xC00];
	[tilespmem:$0x1EDB0] =	vst v17  }
0x3c: {  	v28 =	vld [tilespmem:$0x1080];
	[tilespmem:$0x1EDC0] =	vst v18  }
0x3d: {  	v29 =	vld [tilespmem:$0x1100];
	[tilespmem:$0x1EDD0] =	vst v19  }
0x3e: {  	v30 =	vld [tilespmem:$0x1180];
	[tilespmem:$0x1EDE0] =	vst v20  }
0x3f: {  	v31 =	vld [tilespmem:$0x1200];
	[tilespmem:$0x1EDF0] =	vst v21  }
0x40: {  	v32 =	vld [tilespmem:$0x1280];
	[tilespmem:$0x1EE00] =	vst v22  }
0x41: {  	v33 =	vld [tilespmem:$0x1300];
	[tilespmem:$0x1EE20] =	vst v23  }
0x42: {  	v34 =	vld [tilespmem:$0x1380];
	[tilespmem:$0x1EE40] =	vst v24  }
0x43: {  	v35 =	vld [tilespmem:$0x1400];
	[tilespmem:$0x1EE60] =	vst v25  }
0x44: {  	v36 =	vld [tilespmem:$0x1880];
	[tilespmem:$0x1EE80] =	vst v26  }
0x45: {  	v37 =	vld [tilespmem:$0x1900];
	[tilespmem:$0x1EEA0] =	vst v27  }
0x46: {  	v38 =	vld [tilespmem:$0x1980];
	[tilespmem:$0x1EEC0] =	vst v28  }
0x47: {  	v39 =	vld [tilespmem:$0x1A00];
	[tilespmem:$0x1EEF0] =	vst v29  }
0x48: {  	v40 =	vld [tilespmem:$0x1A80];
	[tilespmem:$0x1EF20] =	vst v30  }
0x49: {  	v41 =	vld [tilespmem:$0x1B00];
	[tilespmem:$0x1EF50] =	vst v31  }
0x4a: {  	v42 =	vld [tilespmem:$0x1B80];
	[tilespmem:$0x1EF80] =	vst v32  }
0x4b: {  	v43 =	vld [tilespmem:$0x1C00];
	[tilespmem:$0x1EFB0] =	vst v33  }
0x4c: {  	v46 =	vld [tilespmem:$0x410];
	[tilespmem:$0x1EFE0] =	vst v34  }
0x4d: {  	v44 =	vld [tilespmem:$0x990];
	[tilespmem:$0x1F020] =	vst v35  }
0x4e: {  	v45 =	vld [tilespmem:$0xA10];
	[tilespmem:$0x1F060] =	vst v36  }
0x4f: {  	v47 =	vld [tilespmem:$0xA90];
	[tilespmem:$0x1F0A0] =	vst v37  }
0x50: {  	v48 =	vld [tilespmem:$0xB10];
	[tilespmem:$0x1F0E0] =	vst v38  }
0x51: {  	v51 =	vld [tilespmem:$0xB90];
	[tilespmem:$0x1F120] =	vst v39  }
0x52: {  	v52 =	vld [tilespmem:$0xC10];
	[tilespmem:$0x1F160] =	vst v40  }
0x53: {  	v54 =	vld [tilespmem:$0x1090];
	[tilespmem:$0x1F1A0] =	vst v41  }
0x54: {  	v55 =	vld [tilespmem:$0x1110];
	[tilespmem:$0x1F1E0] =	vst v42  }
0x55: {  	v56 =	vld [tilespmem:$0x1190];
	[tilespmem:$0x1F220] =	vst v43  }
0x56: {  	v57 =	vld [tilespmem:$0x1210];
	[tilespmem:$0x1EE10] =	vst v44  }
0x57: {  	v58 =	vld [tilespmem:$0x1290];
	[tilespmem:$0x1EE30] =	vst v45  }
0x58: {  	v59 =	vld [tilespmem:$0x1310];
	[tilespmem:$0x1EE50] =	vst v47  }
0x59: {  	v61 =	vld [tilespmem:$0x1390];
	[tilespmem:$0x1EE70] =	vst v48  }
0x5a: {  	v62 =	vld [tilespmem:$0x1410];
	[tilespmem:$0x1EE90] =	vst v51  }
0x5b: {  	v63 =	vld [tilespmem:$0x1890];
	[tilespmem:$0x1EEB0] =	vst v52  }
0x5c: {  	v4 =	vld [tilespmem:$0x1910];
	[tilespmem:$0x1EEE0] =	vst v54  }
0x5d: {  	v5 =	vld [tilespmem:$0x1990];
	[tilespmem:$0x1EF10] =	vst v55  }
0x5e: {  	v6 =	vld [tilespmem:$0x1A10];
	[tilespmem:$0x1EF40] =	vst v56  }
0x5f: {  	v7 =	vld [tilespmem:$0x1A90];
	[tilespmem:$0x1EF70] =	vst v57  }
0x60: {  	v8 =	vld [tilespmem:$0x1B10];
	[tilespmem:$0x1EFA0] =	vst v58  }
0x61: {  	v9 =	vld [tilespmem:$0x1B90];
	[tilespmem:$0x1EFD0] =	vst v59  }
0x62: {  	v10 =	vld [tilespmem:$0x1C10];
	[tilespmem:$0x1F000] =	vst v61  }
0x63: {  	v23 =	vld [tilespmem:$0x90];
	[tilespmem:$0x1F040] =	vst v62  }
0x64: {  	v20 =	vld [tilespmem:$0x110];
	[tilespmem:$0x1F080] =	vst v63  }
0x65: {  	v26 =	vld [tilespmem:$0x190];
	[tilespmem:$0x1F0C0] =	vst v4  }
0x66: {  	v30 =	vld [tilespmem:$0x210];
	[tilespmem:$0x1F100] =	vst v5  }
0x67: {  	v34 =	vld [tilespmem:$0x290];
	[tilespmem:$0x1F140] =	vst v6  }
0x68: {  	v38 =	vld [tilespmem:$0x310];
	[tilespmem:$0x1F180] =	vst v7  }
0x69: {  	v42 =	vld [tilespmem:$0x390];
	[tilespmem:$0x1F1C0] =	vst v8  }
0x6a: {  	v28 =	vld [tilespmem:$0x890];
	[tilespmem:$0x1F200] =	vst v9  }
0x6b: {  	v32 =	vld [tilespmem:$0x910];
	[tilespmem:$0x1F240] =	vst v10  }
0x6c: {  	v8 =	vld [tilespmem:$0xA0]  }
0x6d: {  	v7 =	vld [tilespmem:$0x120]  }
0x6e: {  	v10 =	vld [tilespmem:$0x1A0]  }
0x6f: {  	v12 =	vld [tilespmem:$0x220]  }
0x70: {  	v14 =	vld [tilespmem:$0x2A0]  }
0x71: {  	v16 =	vld [tilespmem:$0x320]  }
0x72: {  	v18 =	vld [tilespmem:$0x3A0]  }
0x73: {  	v24 =	vld [tilespmem:$0x420]  }
0x74: {  	v27 =	vld [tilespmem:$0x8A0]  }
0x75: {  	v31 =	vld [tilespmem:$0x920]  }
0x76: {  	v36 =	vld [tilespmem:$0x9A0]  }
0x77: {  	v40 =	vld [tilespmem:$0xA20]  }
0x78: {  	v44 =	vld [tilespmem:$0xAA0]  }
0x79: {  	v51 =	vld [tilespmem:$0xB20]  }
0x7a: {  	v58 =	vld [tilespmem:$0xBA0]  }
0x7b: {  	v0 =	vld [tilespmem:$0xC20]  }
0x7c: {  	v11 =	vld [tilespmem:$0x10A0]  }
0x7d: {  	v13 =	vld [tilespmem:$0x1120]  }
0x7e: {  	v15 =	vld [tilespmem:$0x11A0]  }
0x7f: {  	v17 =	vld [tilespmem:$0x1220]  }
0x80: {  	v19 =	vld [tilespmem:$0x12A0]  }
0x81: {  	v21 =	vld [tilespmem:$0x1320]  }
0x82: {  	v22 =	vld [tilespmem:$0x13A0]  }
0x83: {  	v25 =	vld [tilespmem:$0x1420]  }
0x84: {  	v29 =	vld [tilespmem:$0x18A0]  }
0x85: {  	v33 =	vld [tilespmem:$0x1920]  }
0x86: {  	v35 =	vld [tilespmem:$0x19A0]  }
0x87: {  	v37 =	vld [tilespmem:$0x1A20]  }
0x88: {  	v39 =	vld [tilespmem:$0x1AA0]  }
0x89: {  	v41 =	vld [tilespmem:$0x1B20]  }
0x8a: {  	v43 =	vld [tilespmem:$0x1BA0]  }
0x8b: {  	v45 =	vld [tilespmem:$0x1C20]  }
0x8c: {  	v1 =	vld [tilespmem:$0xB0]  }
0x8d: {  	v2 =	vld [tilespmem:$0x1B0]  }
0x8e: {  	v63 =	vld [tilespmem:$0x1BB0]  }
0x8f: {  	v3 =	vld [tilespmem:$0x230]  }
0x90: {  	v4 =	vld [tilespmem:$0x2B0]  }
0x91: {  	v5 =	vld [tilespmem:$0x330]  }
0x92: {  	v6 =	vld [tilespmem:$0x3B0]  }
0x93: {  	[tilespmem:$0x1F250] =	vst v63;
	v63 =	vld [tilespmem:$0x9C0]  }
0x94: {  	v9 =	vld [tilespmem:$0x430]  }
0x95: {  	v52 =	vld [tilespmem:$0x1230]  }
0x96: {  	v59 =	vld [tilespmem:$0x12B0]  }
0x97: {  	v47 =	vld [tilespmem:$0x13B0]  }
0x98: {  	[tilespmem:$0x1F410] =	vst v63;
	v63 =	vld [tilespmem:$0x13C0]  }
0x99: {  	v48 =	vld [tilespmem:$0x1430]  }
0x9a: {  	v54 =	vld [tilespmem:$0x18B0]  }
0x9b: {  	v55 =	vld [tilespmem:$0x1930]  }
0x9c: {  	v56 =	vld [tilespmem:$0x19B0]  }
0x9d: {  	[tilespmem:$0x1F710] =	vst v63;
	v63 =	vld [tilespmem:$0x1D0]  }
0x9e: {  	v57 =	vld [tilespmem:$0x1A30]  }
0x9f: {  	v61 =	vld [tilespmem:$0x1AB0]  }
0xa0: {  	v62 =	vld [tilespmem:$0x1B30]  }
0xa1: {  	v49 =	vadd.f32 v49, v50;
	v50 =	vld [tilespmem:$0xE80]  }
0xa2: {  	[tilespmem:$0x1F2D0] =	vst v63;
	v63 =	vld [tilespmem:$0xBD0]  }
0xa3: {  	v20 =	vadd.f32 v20, v23;
	v23 =	vld [tilespmem:$0x1EDA0]  }
0xa4: {  	[tilespmem:$0x1EED0] =	vst v0;
	v0 =	vld [tilespmem:$0x130]  }
0xa5: {  	[tilespmem:$0x1EF00] =	vst v11;
	v11 =	vld [tilespmem:$0x8B0]  }
0xa6: {  	[tilespmem:$0x1EF30] =	vst v13;
	v13 =	vld [tilespmem:$0x930]  }
0xa7: {  	[tilespmem:$0x1F530] =	vst v63;
	v63 =	vld [tilespmem:$0x19D0]  }
0xa8: {  	[tilespmem:$0x1EF60] =	vst v15;
	v15 =	vld [tilespmem:$0x9B0]  }
0xa9: {  	[tilespmem:$0x1EF90] =	vst v17;
	v17 =	vld [tilespmem:$0xA30]  }
0xaa: {  	[tilespmem:$0x1EFC0] =	vst v19;
	v19 =	vld [tilespmem:$0xAB0]  }
0xab: {  	[tilespmem:$0x1F070] =	vst v25;
	v25 =	vld [tilespmem:$0xB30]  }
0xac: {  	[tilespmem:$0x1F830] =	vst v63;
	v63 =	vld [tilespmem:$0x8E0]  }
0xad: {  	[tilespmem:$0x1F0B0] =	vst v29;
	v29 =	vld [tilespmem:$0xBB0]  }
0xae: {  	[tilespmem:$0x1F0F0] =	vst v33;
	v33 =	vld [tilespmem:$0xC30]  }
0xaf: {  	[tilespmem:$0x1F170] =	vst v37;
	v37 =	vld [tilespmem:$0x10B0]  }
0xb0: {  	[tilespmem:$0x1F1F0] =	vst v41;
	v41 =	vld [tilespmem:$0x1130]  }
0xb1: {  	[tilespmem:$0x1F3F0] =	vst v63;
	v63 =	vld [tilespmem:$0x10E0]  }
0xb2: {  	[tilespmem:$0x1F260] =	vst v45;
	v45 =	vld [tilespmem:$0x11B0]  }
0xb3: {  	[tilespmem:$0x1EFF0] =	vst v21;
	v21 =	vld [tilespmem:$0x1330]  }
0xb4: {  	[tilespmem:$0x1F130] =	vst v35;
	v35 =	vld [tilespmem:$0x1C30]  }
0xb5: {  	[tilespmem:$0x1F1B0] =	vst v39;
	v39 =	vld [tilespmem:$0xC0]  }
0xb6: {  	[tilespmem:$0x1F5E0] =	vst v63;
	v63 =	vld [tilespmem:$0x18E0]  }
0xb7: {  	[tilespmem:$0x1F230] =	vst v43;
	v43 =	vld [tilespmem:$0x140]  }
0xb8: {  	[tilespmem:$0x1F050] =	vst v47;
	v47 =	vld [tilespmem:$0x1C0]  }
0xb9: {  	[tilespmem:$0x1F090] =	vst v48;
	v48 =	vld [tilespmem:$0x240]  }
0xba: {  	[tilespmem:$0x1F0D0] =	vst v54;
	v54 =	vld [tilespmem:$0x2C0]  }
0xbb: {  	[tilespmem:$0x1F7E0] =	vst v63;
	v63 =	vld [tilespmem:$0x970]  }
0xbc: {  	[tilespmem:$0x1F110] =	vst v55;
	v55 =	vld [tilespmem:$0x340]  }
0xbd: {  	[tilespmem:$0x1F150] =	vst v56;
	v56 =	vld [tilespmem:$0x3C0]  }
0xbe: {  	[tilespmem:$0x1F190] =	vst v57;
	v57 =	vld [tilespmem:$0x440]  }
0xbf: {  	[tilespmem:$0x1F1D0] =	vst v61;
	v61 =	vld [tilespmem:$0x8C0]  }
0xc0: {  	[tilespmem:$0x1F440] =	vst v63;
	v63 =	vld [tilespmem:$0x9F0]  }
0xc1: {  	[tilespmem:$0x1F210] =	vst v62;
	v62 =	vld [tilespmem:$0x940]  }
0xc2: {  	[tilespmem:$0x1F030] =	vst v22;
	v22 =	vld [tilespmem:$0xF0];
	v7 =	vadd.f32 v7, v8  }
0xc3: {  	[tilespmem:$0x1FB20] =	vst v50;
	v50 =	vadd.f32 v26, v20;
	v20 =	vld [tilespmem:$0x1480]  }
0xc4: {  	v7 =	vadd.f32 v10, v7;
	v10 =	vld [tilespmem:$0x1EDC0]  }
0xc5: {  	[tilespmem:$0x1F480] =	vst v63;
	v63 =	vld [tilespmem:$0xA70]  }
0xc6: {  	v8 =	vadd.f32 v30, v50;
	v30 =	vld [tilespmem:$0x1500]  }
0xc7: {  	v50 =	vld [tilespmem:$0x1580]  }
0xc8: {  	v26 =	vadd.f32 v12, v7;
	v12 =	vld [tilespmem:$0x1700]  }
0xc9: {  	[tilespmem:$0x1F290] =	vst v35;
	v35 =	vld [tilespmem:$0xA40]  }
0xca: {  	[tilespmem:$0x1F4C0] =	vst v63;
	v63 =	vld [tilespmem:$0xAF0]  }
0xcb: {  	[tilespmem:$0x1F270] =	vst v39;
	v39 =	vld [tilespmem:$0xAC0]  }
0xcc: {  	[tilespmem:$0x1F280] =	vst v43;
	v43 =	vld [tilespmem:$0xB40]  }
0xcd: {  	[tilespmem:$0x1F2C0] =	vst v47;
	v47 =	vld [tilespmem:$0xBC0]  }
0xce: {  	[tilespmem:$0x1F2E0] =	vst v48;
	v48 =	vld [tilespmem:$0xC40]  }
0xcf: {  	[tilespmem:$0x1F500] =	vst v63;
	v63 =	vld [tilespmem:$0xB70]  }
0xd0: {  	[tilespmem:$0x1F300] =	vst v54;
	v54 =	vld [tilespmem:$0x10C0]  }
0xd1: {  	[tilespmem:$0x1F320] =	vst v55;
	v55 =	vld [tilespmem:$0x1140]  }
0xd2: {  	[tilespmem:$0x1F350] =	vst v56;
	v56 =	vld [tilespmem:$0x11C0]  }
0xd3: {  	[tilespmem:$0x1F380] =	vst v57;
	v57 =	vld [tilespmem:$0x1240]  }
0xd4: {  	[tilespmem:$0x1F540] =	vst v63;
	v63 =	vld [tilespmem:$0xBF0]  }
0xd5: {  	[tilespmem:$0x1F3B0] =	vst v61;
	v61 =	vld [tilespmem:$0x12C0]  }
0xd6: {  	[tilespmem:$0x1F3E0] =	vst v62;
	v62 =	vld [tilespmem:$0x1340]  }
0xd7: {  	[tilespmem:$0x1F010] =	vst v21;
	v21 =	vld [tilespmem:$0x170]  }
0xd8: {  	v0 =	vadd.f32 v0, v1;
	[tilespmem:$0x1FBA0] =	vst v20;
	v20 =	vld [tilespmem:$0x1C80]  }
0xd9: {  	[tilespmem:$0x1F580] =	vst v63;
	v63 =	vld [tilespmem:$0xC70]  }
0xda: {  	v0 =	vadd.f32 v2, v0;
	v2 =	vadd.f32 v14, v26;
	v14 =	vld [tilespmem:$0x1780]  }
0xdb: {  	v26 =	vld [tilespmem:$0x1D80]  }
0xdc: {  	[tilespmem:$0x1FBC0] =	vst v30;
	v30 =	vld [tilespmem:$0x1E00]  }
0xdd: {  	[tilespmem:$0x1FBF0] =	vst v50;
	v50 =	vld [tilespmem:$0x2000]  }
0xde: {  	[tilespmem:$0x1F5C0] =	vst v63;
	v63 =	vld [tilespmem:$0x10F0]  }
0xdf: {  	v2 =	vadd.f32 v16, v2;
	v16 =	vld [tilespmem:$0x1EDD0]  }
0xe0: {  	[tilespmem:$0x1FC80] =	vst v12;
	v12 =	vld [tilespmem:$0x1EE70]  }
0xe1: {  	[tilespmem:$0x1F450] =	vst v35;
	v35 =	vld [tilespmem:$0x1440]  }
0xe2: {  	[tilespmem:$0x1F490] =	vst v39;
	v39 =	vld [tilespmem:$0x18C0]  }
0xe3: {  	[tilespmem:$0x1F600] =	vst v63;
	v63 =	vld [tilespmem:$0x1170]  }
0xe4: {  	[tilespmem:$0x1F4D0] =	vst v43;
	v43 =	vld [tilespmem:$0x1940]  }
0xe5: {  	[tilespmem:$0x1F510] =	vst v47;
	v47 =	vld [tilespmem:$0x19C0]  }
0xe6: {  	[tilespmem:$0x1F550] =	vst v48;
	v48 =	vld [tilespmem:$0x1A40]  }
0xe7: {  	[tilespmem:$0x1F590] =	vst v54;
	v54 =	vld [tilespmem:$0x1AC0]  }
0xe8: {  	[tilespmem:$0x1F640] =	vst v63;
	v63 =	vld [tilespmem:$0x11F0]  }
0xe9: {  	[tilespmem:$0x1F5D0] =	vst v55;
	v55 =	vld [tilespmem:$0x1B40]  }
0xea: {  	[tilespmem:$0x1F610] =	vst v56;
	v56 =	vld [tilespmem:$0x1BC0]  }
0xeb: {  	[tilespmem:$0x1F650] =	vst v57;
	v57 =	vld [tilespmem:$0x1C40]  }
0xec: {  	[tilespmem:$0x1F690] =	vst v61;
	v61 =	vld [tilespmem:$0xD0]  }
0xed: {  	[tilespmem:$0x1F680] =	vst v63;
	v63 =	vld [tilespmem:$0x1270]  }
0xee: {  	[tilespmem:$0x1F6D0] =	vst v62;
	v62 =	vld [tilespmem:$0x150]  }
0xef: {  	v2 =	vadd.f32 v18, v2;
	v18 =	vld [tilespmem:$0x1800]  }
0xf0: {  	[tilespmem:$0x1FD10] =	vst v20;
	v20 =	vld [tilespmem:$0x1EEB0]  }
0xf1: {  	[tilespmem:$0x1FCB0] =	vst v14;
	v14 =	vld [tilespmem:$0x1EE80]  }
0xf2: {  	[tilespmem:$0x1F6C0] =	vst v63;
	v63 =	vld [tilespmem:$0x12F0]  }
0xf3: {  	[tilespmem:$0x1FD70] =	vst v26;
	v26 =	vld [tilespmem:$0xD10]  }
0xf4: {  	v2 =	vadd.f32 v24, v2;
	v24 =	vld [tilespmem:$0x1D00]  }
0xf5: {  	[tilespmem:$0x1FDA0] =	vst v30;
	v30 =	vld [tilespmem:$0x1EF00]  }
0xf6: {  	[tilespmem:$0x1FE60] =	vst v50;
	v50 =	vld [tilespmem:$0x1490]  }
0xf7: {  	[tilespmem:$0x1F700] =	vst v63;
	v63 =	vld [tilespmem:$0x1370]  }
0xf8: {  	[tilespmem:$0x1F750] =	vst v35;
	v35 =	vld [tilespmem:$0x250]  }
0xf9: {  	[tilespmem:$0x1F790] =	vst v39;
	v39 =	vld [tilespmem:$0x2D0]  }
0xfa: {  	[tilespmem:$0x1F7D0] =	vst v43;
	v43 =	vld [tilespmem:$0x350]  }
0xfb: {  	[tilespmem:$0x1F810] =	vst v47;
	v47 =	vld [tilespmem:$0x3D0]  }
0xfc: {  	[tilespmem:$0x1F740] =	vst v63;
	v63 =	vld [tilespmem:$0x13F0]  }
0xfd: {  	[tilespmem:$0x1F850] =	vst v48;
	v48 =	vld [tilespmem:$0x450]  }
0xfe: {  	[tilespmem:$0x1F890] =	vst v54;
	v54 =	vld [tilespmem:$0x8D0]  }
0xff: {  	[tilespmem:$0x1F8D0] =	vst v55;
	v55 =	vld [tilespmem:$0x950]  }
0x100: {  	v0 =	vadd.f32 v3, v0;
	[tilespmem:$0x1F910] =	vst v56;
	v56 =	vld [tilespmem:$0x9D0]  }
0x101: {  	[tilespmem:$0x1F780] =	vst v63;
	v63 =	vld [tilespmem:$0x1470]  }
0x102: {  	v0 =	vadd.f32 v4, v0;
	[tilespmem:$0x1F950] =	vst v57;
	v57 =	vld [tilespmem:$0xA50]  }
0x103: {  	[tilespmem:$0x1F2A0] =	vst v61;
	v61 =	vld [tilespmem:$0xAD0]  }
0x104: {  	v0 =	vadd.f32 v5, v0;
	[tilespmem:$0x1F2B0] =	vst v62;
	v62 =	vld [tilespmem:$0xB50]  }
0x105: {  	v2 =	vadd.f32 v27, v2;
	v27 =	vld [tilespmem:$0x1EEE0]  }
0x106: {  	v0 =	vadd.f32 v6, v0;
	[tilespmem:$0x1F7C0] =	vst v63;
	v63 =	vld [tilespmem:$0x18F0]  }
0x107: {  	[tilespmem:$0x1FCE0] =	vst v18;
	v18 =	vld [tilespmem:$0x1EEA0]  }
0x108: {  	v0 =	vadd.f32 v9, v0;
	v9 =	vld [tilespmem:$0x590]  }
0x109: {  	v2 =	vadd.f32 v31, v2;
	v31 =	vld [tilespmem:$0xE10]  }
0x10a: {  	[tilespmem:$0x1FAD0] =	vst v26;
	v26 =	vld [tilespmem:$0x1C90]  }
0x10b: {  	[tilespmem:$0x1F800] =	vst v63;
	v63 =	vld [tilespmem:$0x1970]  }
0x10c: {  	[tilespmem:$0x1FD40] =	vst v24;
	v24 =	vld [tilespmem:$0x1EEC0]  }
0x10d: {  	v0 =	vadd.f32 v11, v0;
	v11 =	vld [tilespmem:$0x610]  }
0x10e: {  	v2 =	vadd.f32 v36, v2;
	v36 =	vld [tilespmem:$0x1EF30]  }
0x10f: {  	[tilespmem:$0x1F2F0] =	vst v35;
	v35 =	vld [tilespmem:$0xC50]  }
0x110: {  	[tilespmem:$0x1F840] =	vst v63;
	v63 =	vld [tilespmem:$0x19F0]  }
0x111: {  	[tilespmem:$0x1F310] =	vst v39;
	v39 =	vld [tilespmem:$0x10D0]  }
0x112: {  	[tilespmem:$0x1F340] =	vst v43;
	v43 =	vld [tilespmem:$0x1150]  }
0x113: {  	[tilespmem:$0x1F370] =	vst v47;
	v47 =	vld [tilespmem:$0x11D0]  }
0x114: {  	[tilespmem:$0x1F3A0] =	vst v48;
	v48 =	vld [tilespmem:$0x1250]  }
0x115: {  	[tilespmem:$0x1F880] =	vst v63;
	v63 =	vld [tilespmem:$0x1A70]  }
0x116: {  	[tilespmem:$0x1F3D0] =	vst v54;
	v54 =	vld [tilespmem:$0x12D0]  }
0x117: {  	[tilespmem:$0x1F400] =	vst v55;
	v55 =	vld [tilespmem:$0x1350]  }
0x118: {  	[tilespmem:$0x1F430] =	vst v56;
	v56 =	vld [tilespmem:$0x13D0]  }
0x119: {  	[tilespmem:$0x1F470] =	vst v57;
	v57 =	vld [tilespmem:$0x1450]  }
0x11a: {  	[tilespmem:$0x1F8C0] =	vst v63;
	v63 =	vld [tilespmem:$0x1AF0]  }
0x11b: {  	[tilespmem:$0x1F4B0] =	vst v61;
	v61 =	vld [tilespmem:$0x18D0]  }
0x11c: {  	[tilespmem:$0x1F4F0] =	vst v62;
	v62 =	vld [tilespmem:$0x1950]  }
0x11d: {  	v0 =	vadd.f32 v13, v0;
	v13 =	vld [tilespmem:$0x690]  }
0x11e: {  	v2 =	vadd.f32 v40, v2;
	v40 =	vld [tilespmem:$0x1EF40]  }
0x11f: {  	[tilespmem:$0x1F900] =	vst v63;
	v63 =	vld [tilespmem:$0x1B70]  }
0x120: {  	[tilespmem:$0x1F9F0] =	vst v9;
	v9 =	vld [tilespmem:$0x1EFC0]  }
0x121: {  	[tilespmem:$0x1FB10] =	vst v31;
	v31 =	vld [tilespmem:$0x1F090]  }
0x122: {  	v0 =	vadd.f32 v15, v0;
	v15 =	vld [tilespmem:$0x710]  }
0x123: {  	v2 =	vadd.f32 v44, v2;
	v44 =	vld [tilespmem:$0x1EF60]  }
0x124: {  	[tilespmem:$0x1F940] =	vst v63;
	v63 =	vld [tilespmem:$0x1BF0]  }
0x125: {  	[tilespmem:$0x1FA10] =	vst v11;
	v11 =	vld [tilespmem:$0x1EFD0]  }
0x126: {  	[tilespmem:$0x1F570] =	vst v35;
	v35 =	vld [tilespmem:$0x1A50]  }
0x127: {  	[tilespmem:$0x1F5B0] =	vst v39;
	v39 =	vld [tilespmem:$0x1AD0]  }
0x128: {  	[tilespmem:$0x1F5F0] =	vst v43;
	v43 =	vld [tilespmem:$0x1B50]  }
0x129: {  	[tilespmem:$0x1F980] =	vst v63;
	v63 =	vld [tilespmem:$0x1C70]  }
0x12a: {  	[tilespmem:$0x1F630] =	vst v47;
	v47 =	vld [tilespmem:$0x1BD0]  }
0x12b: {  	[tilespmem:$0x1F670] =	vst v48;
	v48 =	vld [tilespmem:$0x1C50]  }
0x12c: {  	[tilespmem:$0x1F730] =	vst v56;
	v56 =	vld [tilespmem:$0x1E0]  }
0x12d: {  	[tilespmem:$0x1F7F0] =	vst v62;
	v62 =	vld [tilespmem:$0x260]  }
0x12e: {  	[tilespmem:$0x1F9C0] =	vst v63;
	v63 =	vld [tilespmem:$0x480]  }
0x12f: {  	[tilespmem:$0x1F6B0] =	vst v54;
	v54 =	vld [tilespmem:$0x2E0]  }
0x130: {  	[tilespmem:$0x1F6F0] =	vst v55;
	v55 =	vld [tilespmem:$0x360]  }
0x131: {  	[tilespmem:$0x1F770] =	vst v57;
	v57 =	vld [tilespmem:$0x3E0]  }
0x132: {  	[tilespmem:$0x1F7B0] =	vst v61;
	v61 =	vld [tilespmem:$0x460]  }
0x133: {  	[tilespmem:$0x1F9A0] =	vst v63;
	v63 =	vld [tilespmem:$0x500]  }
0x134: {  	v0 =	vadd.f32 v17, v0;
	v17 =	vld [tilespmem:$0x790]  }
0x135: {  	v2 =	vadd.f32 v51, v2;
	v51 =	vld [tilespmem:$0x1EF80]  }
0x136: {  	[tilespmem:$0x1FA30] =	vst v13;
	v13 =	vld [tilespmem:$0x1EFE0]  }
0x137: {  	v0 =	vadd.f32 v19, v0;
	v19 =	vld [tilespmem:$0x810]  }
0x138: {  	[tilespmem:$0x1F9B0] =	vst v63;
	v63 =	vld [tilespmem:$0x580]  }
0x139: {  	v2 =	vadd.f32 v58, v2;
	v58 =	vld [tilespmem:$0x1510]  }
0x13a: {  	[tilespmem:$0x1FA50] =	vst v15;
	v15 =	vld [tilespmem:$0x1710]  }
0x13b: {  	v0 =	vadd.f32 v25, v0;
	v25 =	vld [tilespmem:$0x1EED0]  }
0x13c: {  	[tilespmem:$0x1F970] =	vst v48;
	v48 =	vld [tilespmem:$0xE0]  }
0x13d: {  	[tilespmem:$0x1F9E0] =	vst v63;
	v63 =	vld [tilespmem:$0x600]  }
0x13e: {  	[tilespmem:$0x1F930] =	vst v47;
	v47 =	vld [tilespmem:$0x160]  }
0x13f: {  	[tilespmem:$0x1F870] =	vst v35;
	v35 =	vld [tilespmem:$0x960]  }
0x140: {  	[tilespmem:$0x1F8B0] =	vst v39;
	v39 =	vld [tilespmem:$0x9E0]  }
0x141: {  	[tilespmem:$0x1F8F0] =	vst v43;
	v43 =	vld [tilespmem:$0xA60]  }
0x142: {  	[tilespmem:$0x1FA00] =	vst v63;
	v63 =	vld [tilespmem:$0x680]  }
0x143: {  	[tilespmem:$0x1F330] =	vst v54;
	v54 =	vld [tilespmem:$0xAE0]  }
0x144: {  	[tilespmem:$0x1F360] =	vst v55;
	v55 =	vld [tilespmem:$0xB60]  }
0x145: {  	[tilespmem:$0x1F390] =	vst v57;
	v57 =	vld [tilespmem:$0xBE0]  }
0x146: {  	[tilespmem:$0x1F3C0] =	vst v61;
	v61 =	vld [tilespmem:$0xC60]  }
0x147: {  	[tilespmem:$0x1FA20] =	vst v63;
	v63 =	vld [tilespmem:$0x700]  }
0x148: {  	[tilespmem:$0x1FA70] =	vst v17;
	v17 =	vld [tilespmem:$0x1F010]  }
0x149: {  	v0 =	vadd.f32 v29, v0;
	v29 =	vld [tilespmem:$0x1EEF0]  }
0x14a: {  	[tilespmem:$0x1FA90] =	vst v19;
	v19 =	vld [tilespmem:$0x1F020]  }
0x14b: {  	v0 =	vadd.f32 v33, v0;
	v33 =	vld [tilespmem:$0xE90]  }
0x14c: {  	[tilespmem:$0x1FA40] =	vst v63;
	v63 =	vld [tilespmem:$0x780]  }
0x14d: {  	v2 =	vadd.f32 v25, v2;
	v25 =	vld [tilespmem:$0x1F050]  }
0x14e: {  	[tilespmem:$0x1F420] =	vst v35;
	v35 =	vld [tilespmem:$0x1160]  }
0x14f: {  	[tilespmem:$0x1F460] =	vst v39;
	v39 =	vld [tilespmem:$0x11E0]  }
0x150: {  	[tilespmem:$0x1F4A0] =	vst v43;
	v43 =	vld [tilespmem:$0x1260]  }
0x151: {  	[tilespmem:$0x1FA60] =	vst v63;
	v63 =	vld [tilespmem:$0x800]  }
0x152: {  	[tilespmem:$0x1F4E0] =	vst v54;
	v54 =	vld [tilespmem:$0x12E0]  }
0x153: {  	[tilespmem:$0x1F520] =	vst v55;
	v55 =	vld [tilespmem:$0x1360]  }
0x154: {  	[tilespmem:$0x1F560] =	vst v57;
	v57 =	vld [tilespmem:$0x13E0]  }
0x155: {  	[tilespmem:$0x1F5A0] =	vst v61;
	v61 =	vld [tilespmem:$0x1460]  }
0x156: {  	[tilespmem:$0x1FA80] =	vst v63;
	v63 =	vld [tilespmem:$0xC80]  }
0x157: {  	v0 =	vadd.f32 v37, v0;
	v37 =	vld [tilespmem:$0xF10]  }
0x158: {  	v2 =	vadd.f32 v30, v2;
	v30 =	vld [tilespmem:$0x1F080]  }
0x159: {  	v0 =	vadd.f32 v41, v0;
	v41 =	vld [tilespmem:$0xF90];
	[tilespmem:$0x1F620] =	vst v35  }
0x15a: {  	[tilespmem:$0x1F660] =	vst v39;
	v35 =	vld [tilespmem:$0x1960]  }
0x15b: {  	[tilespmem:$0x1FAA0] =	vst v63;
	v63 =	vld [tilespmem:$0xD00]  }
0x15c: {  	[tilespmem:$0x1F6A0] =	vst v43;
	v39 =	vld [tilespmem:$0x19E0]  }
0x15d: {  	[tilespmem:$0x1F6E0] =	vst v54;
	v43 =	vld [tilespmem:$0x1A60]  }
0x15e: {  	[tilespmem:$0x1F720] =	vst v55;
	v55 =	vld [tilespmem:$0x1B60]  }
0x15f: {  	[tilespmem:$0x1F7A0] =	vst v61;
	v61 =	vld [tilespmem:$0x1C60]  }
0x160: {  	[tilespmem:$0x1FAC0] =	vst v63;
	v63 =	vld [tilespmem:$0xD80]  }
0x161: {  	[tilespmem:$0x1F760] =	vst v57;
	v54 =	vld [tilespmem:$0x1AE0]  }
0x162: {  	v57 =	vld [tilespmem:$0x1BE0];
	[tilespmem:$0x1F820] =	vst v35  }
0x163: {  	[tilespmem:$0x1F920] =	vst v55;
	v55 =	vld [tilespmem:$0x1F0]  }
0x164: {  	[tilespmem:$0x1F990] =	vst v61;
	v61 =	vld [tilespmem:$0x270]  }
0x165: {  	[tilespmem:$0x1FAE0] =	vst v63;
	v63 =	vld [tilespmem:$0xE00]  }
0x166: {  	[tilespmem:$0x1F860] =	vst v39;
	v35 =	vld [tilespmem:$0x2F0]  }
0x167: {  	[tilespmem:$0x1F8A0] =	vst v43;
	v39 =	vld [tilespmem:$0x370]  }
0x168: {  	[tilespmem:$0x1F8E0] =	vst v54;
	v43 =	vld [tilespmem:$0x3F0]  }
0x169: {  	[tilespmem:$0x1F960] =	vst v57;
	v54 =	vld [tilespmem:$0x470]  }
0x16a: {  	v57 =	vld [tilespmem:$0x8F0];
	[tilespmem:$0x1FB00] =	vst v63;
	v63 =	vadd.f32 v53, v49  }
0x16b: {  	v53 =	vld [tilespmem:$0xF80]  }
0x16c: {  	v49 =	vld [tilespmem:$0xF00];
	v60 =	vadd.f32 v60, v63  }
0x16d: {  	v63 =	vld [tilespmem:$0x1000]  }
0x16e: {  	v1 =	vadd.f32 v23, v60;
	v60 =	vld [tilespmem:$0x1600]  }
0x16f: {  	v23 =	vld [tilespmem:$0x1EDE0]  }
0x170: {  	[tilespmem:$0x1FB60] =	vst v53;
	v53 =	vld [tilespmem:$0x1EDB0]  }
0x171: {  	[tilespmem:$0x1FB40] =	vst v49;
	v49 =	vadd.f32 v34, v8;
	v8 =	vld [tilespmem:$0x1680]  }
0x172: {  	v34 =	vld [tilespmem:$0x1EE00]  }
0x173: {  	[tilespmem:$0x1FB80] =	vst v63;
	v63 =	vadd.f32 v38, v49;
	v38 =	vld [tilespmem:$0x1F00]  }
0x174: {  	v49 =	vld [tilespmem:$0x1EE20]  }
0x175: {  	v3 =	vadd.f32 v42, v63;
	v42 =	vld [tilespmem:$0x1EE10]  }
0x176: {  	[tilespmem:$0x1FC20] =	vst v60;
	v60 =	vld [tilespmem:$0x490]  }
0x177: {  	v63 =	vld [tilespmem:$0x1EE40]  }
0x178: {  	v1 =	vadd.f32 v53, v1;
	v53 =	vld [tilespmem:$0x1EE30]  }
0x179: {  	[tilespmem:$0x1FC50] =	vst v8;
	v8 =	vld [tilespmem:$0x1EE50];
	v3 =	vadd.f32 v46, v3  }
0x17a: {  	v46 =	vld [tilespmem:$0x1F80];
	v1 =	vadd.f32 v10, v1  }
0x17b: {  	v3 =	vadd.f32 v28, v3;
	v28 =	vld [tilespmem:$0x1EDF0]  }
0x17c: {  	[tilespmem:$0x1FE00] =	vst v38;
	v38 =	vld [tilespmem:$0x510];
	v1 =	vadd.f32 v16, v1  }
0x17d: {  	v10 =	vld [tilespmem:$0x1EE60]  }
0x17e: {  	v16 =	vld [tilespmem:$0x1EE90];
	v1 =	vadd.f32 v23, v1  }
0x17f: {  	[tilespmem:$0x1F9D0] =	vst v60;
	v60 =	vld [tilespmem:$0x1EFA0]  }
0x180: {  	v3 =	vadd.f32 v32, v3;
	v32 =	vld [tilespmem:$0x1E80];
	v1 =	vadd.f32 v28, v1  }
0x181: {  	v23 =	vld [tilespmem:$0xC90]  }
0x182: {  	[tilespmem:$0x1FE30] =	vst v46;
	v46 =	vld [tilespmem:$0x1010];
	v1 =	vadd.f32 v34, v1  }
0x183: {  	v3 =	vadd.f32 v42, v3;
	v42 =	vld [tilespmem:$0x1EF50]  }
0x184: {  	v28 =	vld [tilespmem:$0xD90];
	v1 =	vadd.f32 v49, v1  }
0x185: {  	[tilespmem:$0x1FBB0] =	vst v50;
	v3 =	vadd.f32 v53, v3;
	v53 =	vld [tilespmem:$0x1EF90]  }
0x186: {  	[tilespmem:$0x1FDD0] =	vst v32;
	v32 =	vld [tilespmem:$0x1EF10];
	v1 =	vadd.f32 v63, v1  }
0x187: {  	[tilespmem:$0x1FD30] =	vst v26;
	v34 =	vld [tilespmem:$0x1EF20];
	v3 =	vadd.f32 v8, v3  }
0x188: {  	[tilespmem:$0x1FBE0] =	vst v58;
	v8 =	vld [tilespmem:$0x1EFB0];
	v1 =	vadd.f32 v10, v1  }
0x189: {  	[tilespmem:$0x1FAB0] =	vst v23;
	v23 =	vld [tilespmem:$0x1810];
	v3 =	vadd.f32 v12, v3  }
0x18a: {  	[tilespmem:$0x1FCA0] =	vst v15;
	v49 =	vld [tilespmem:$0x1EF70];
	v1 =	vadd.f32 v14, v1  }
0x18b: {  	[tilespmem:$0x1FB30] =	vst v33;
	v12 =	vld [tilespmem:$0x1690];
	v3 =	vadd.f32 v16, v3  }
0x18c: {  	[tilespmem:$0x1FAF0] =	vst v28;
	v28 =	vld [tilespmem:$0x1F070];
	v1 =	vadd.f32 v18, v1  }
0x18d: {  	[tilespmem:$0x1FB50] =	vst v37;
	v63 =	vld [tilespmem:$0x1590];
	v3 =	vadd.f32 v20, v3  }
0x18e: {  	[tilespmem:$0x1FB70] =	vst v41;
	v10 =	vld [tilespmem:$0x1610];
	v1 =	vadd.f32 v24, v1  }
0x18f: {  	[tilespmem:$0x1FB90] =	vst v46;
	v3 =	vadd.f32 v27, v3;
	v18 =	vld [tilespmem:$0x1790]  }
0x190: {  	[tilespmem:$0x1FD00] =	vst v23;
	v1 =	vadd.f32 v29, v1;
	v29 =	vld [tilespmem:$0x1D10]  }
0x191: {  	[tilespmem:$0x1FC70] =	vst v12;
	v3 =	vadd.f32 v32, v3;
	v32 =	vld [tilespmem:$0x1D90]  }
0x192: {  	v16 =	vld [tilespmem:$0x1F000];
	[tilespmem:$0x1FC10] =	vst v63  }
0x193: {  	v20 =	vld [tilespmem:$0x1F030];
	[tilespmem:$0x1FC40] =	vst v10  }
0x194: {  	v14 =	vld [tilespmem:$0x1EFF0];
	[tilespmem:$0x1FCD0] =	vst v18  }
0x195: {  	v27 =	vld [tilespmem:$0x1F060];
	[tilespmem:$0x1FD60] =	vst v29  }
0x196: {  	v24 =	vld [tilespmem:$0x1F040];
	[tilespmem:$0x1FD90] =	vst v32  }
0x197: {  	v4 =	vld [tilespmem:$0x1F0A0]  }
0x198: {  	v33 =	vld [tilespmem:$0x1F0B0]  }
0x199: {  	v1 =	vadd.f32 v34, v1;
	v34 =	vld [tilespmem:$0x1E10]  }
0x19a: {  	v2 =	vadd.f32 v36, v2;
	v36 =	vld [tilespmem:$0x1F0C0]  }
0x19b: {  	v37 =	vld [tilespmem:$0x1F0D0]  }
0x19c: {  	v3 =	vadd.f32 v40, v3;
	v40 =	vld [tilespmem:$0x1E90]  }
0x19d: {  	v41 =	vld [tilespmem:$0x1F0E0]  }
0x19e: {  	v1 =	vadd.f32 v42, v1;
	v42 =	vld [tilespmem:$0x1F0F0]  }
0x19f: {  	v2 =	vadd.f32 v44, v2;
	v44 =	vld [tilespmem:$0x1F10]  }
0x1a0: {  	v0 =	vadd.f32 v45, v0;
	v45 =	vld [tilespmem:$0x1F100]  }
0x1a1: {  	v46 =	vld [tilespmem:$0x1F110]  }
0x1a2: {  	v3 =	vadd.f32 v49, v3;
	v49 =	vld [tilespmem:$0x1F90]  }
0x1a3: {  	v50 =	vld [tilespmem:$0x1F120]  }
0x1a4: {  	v0 =	vadd.f32 v52, v0;
	v1 =	vadd.f32 v51, v1;
	v51 =	vld [tilespmem:$0x1F130]  }
0x1a5: {  	v52 =	vld [tilespmem:$0x2010]  }
0x1a6: {  	v0 =	vadd.f32 v59, v0;
	v2 =	vadd.f32 v53, v2;
	v53 =	vld [tilespmem:$0x1F140]  }
0x1a7: {  	v58 =	vld [tilespmem:$0x1F150]  }
0x1a8: {  	v0 =	vadd.f32 v17, v0;
	v59 =	vld [tilespmem:$0x1F160]  }
0x1a9: {  	v3 =	vadd.f32 v60, v3;
	v60 =	vld [tilespmem:$0x1F170]  }
0x1aa: {  	v0 =	vadd.f32 v25, v0;
	v25 =	vld [tilespmem:$0x520]  }
0x1ab: {  	v63 =	vld [tilespmem:$0x1F180]  }
0x1ac: {  	v2 =	vadd.f32 v9, v2;
	v9 =	vld [tilespmem:$0x1F1A0]  }
0x1ad: {  	v10 =	vld [tilespmem:$0x1F1B0]  }
0x1ae: {  	v3 =	vadd.f32 v11, v3;
	v11 =	vld [tilespmem:$0x1F1C0]  }
0x1af: {  	v12 =	vld [tilespmem:$0x1F1D0]  }
0x1b0: {  	v2 =	vadd.f32 v14, v2;
	v14 =	vld [tilespmem:$0x1F1F0]  }
0x1b1: {  	v26 =	vld [tilespmem:$0x720]  }
0x1b2: {  	v15 =	vld [tilespmem:$0x1F200]  }
0x1b3: {  	v2 =	vadd.f32 v20, v2;
	v17 =	vld [tilespmem:$0x1F220]  }
0x1b4: {  	v18 =	vld [tilespmem:$0x1F230]  }
0x1b5: {  	v2 =	vadd.f32 v28, v2;
	v28 =	vld [tilespmem:$0x820]  }
0x1b6: {  	v20 =	vld [tilespmem:$0x1F250]  }
0x1b7: {  	v23 =	vld [tilespmem:$0x1F260]  }
0x1b8: {  	v32 =	vld [tilespmem:$0xD20]  }
0x1b9: {  	v29 =	vld [tilespmem:$0x1F290]  }
0x1ba: {  	v0 =	vadd.f32 v31, v0;
	v31 =	vld [tilespmem:$0x1F2B0]  }
0x1bb: {  	v5 =	vld [tilespmem:$0x630]  }
0x1bc: {  	v3 =	vadd.f32 v16, v3;
	v16 =	vld [tilespmem:$0x1F210]  }
0x1bd: {  	v1 =	vadd.f32 v8, v1;
	v8 =	vld [tilespmem:$0x1F190]  }
0x1be: {  	v3 =	vadd.f32 v24, v3;
	v24 =	vld [tilespmem:$0x1F270]  }
0x1bf: {  	v1 =	vadd.f32 v13, v1;
	v13 =	vld [tilespmem:$0x1F1E0]  }
0x1c0: {  	[tilespmem:$0x1FE50] =	vst v49;
	v49 =	vld [tilespmem:$0x4A0]  }
0x1c1: {  	[tilespmem:$0x1FDF0] =	vst v40;
	v40 =	vld [tilespmem:$0x620]  }
0x1c2: {  	v3 =	vadd.f32 v30, v3;
	v30 =	vld [tilespmem:$0x1F2A0]  }
0x1c3: {  	v2 =	vadd.f32 v33, v2;
	v33 =	vld [tilespmem:$0x1F2C0]  }
0x1c4: {  	[tilespmem:$0x1FE80] =	vst v52;
	v52 =	vld [tilespmem:$0x1F2E0]  }
0x1c5: {  	[tilespmem:$0x1FDC0] =	vst v34;
	v34 =	vadd.f32 v47, v48;
	v48 =	vld [tilespmem:$0xF20]  }
0x1c6: {  	v0 =	vadd.f32 v37, v0;
	v37 =	vadd.f32 v21, v22;
	v21 =	vld [tilespmem:$0x1F380]  }
0x1c7: {  	v22 =	vld [tilespmem:$0x1F390]  }
0x1c8: {  	[tilespmem:$0x1FE20] =	vst v44;
	v44 =	vld [tilespmem:$0x1F410]  }
0x1c9: {  	v47 =	vld [tilespmem:$0x1E20]  }
0x1ca: {  	v1 =	vadd.f32 v19, v1;
	v19 =	vld [tilespmem:$0x1F240]  }
0x1cb: {  	v2 =	vadd.f32 v42, v2;
	v42 =	vld [tilespmem:$0xE20]  }
0x1cc: {  	v3 =	vadd.f32 v36, v3;
	v36 =	vld [tilespmem:$0x1F2D0]  }
0x1cd: {  	v0 =	vadd.f32 v46, v0;
	v46 =	vld [tilespmem:$0x1F420]  }
0x1ce: {  	v1 =	vadd.f32 v27, v1;
	v27 =	vld [tilespmem:$0x1F280]  }
0x1cf: {  	v0 =	vadd.f32 v58, v0;
	v58 =	vld [tilespmem:$0xCA0]  }
0x1d0: {  	v3 =	vadd.f32 v45, v3;
	v45 =	vld [tilespmem:$0xEA0]  }
0x1d1: {  	v2 =	vadd.f32 v51, v2;
	v51 =	vld [tilespmem:$0xFA0]  }
0x1d2: {  	v1 =	vadd.f32 v4, v1;
	v4 =	vld [tilespmem:$0x5B0]  }
0x1d3: {  	[tilespmem:$0x1FDE0] =	vst v47;
	v47 =	vld [tilespmem:$0x1F5E0]  }
0x1d4: {  	v25 =	vadd.f32 v25, v49;
	v49 =	vld [tilespmem:$0xD40]  }
0x1d5: {  	v2 =	vadd.f32 v60, v2;
	v60 =	vld [tilespmem:$0x5A0]  }
0x1d6: {  	v3 =	vadd.f32 v53, v3;
	v53 =	vld [tilespmem:$0x6A0]  }
0x1d7: {  	v0 =	vadd.f32 v8, v0;
	v8 =	vld [tilespmem:$0x1F300]  }
0x1d8: {  	v1 =	vadd.f32 v41, v1;
	v41 =	vld [tilespmem:$0xDA0]  }
0x1d9: {  	v3 =	vadd.f32 v63, v3;
	v63 =	vld [tilespmem:$0x1F2F0]  }
0x1da: {  	v2 =	vadd.f32 v10, v2;
	v10 =	vld [tilespmem:$0x14A0]  }
0x1db: {  	v0 =	vadd.f32 v12, v0;
	v12 =	vld [tilespmem:$0x1F330]  }
0x1dc: {  	v1 =	vadd.f32 v50, v1;
	v50 =	vld [tilespmem:$0x1F430]  }
0x1dd: {  	v3 =	vadd.f32 v11, v3;
	v11 =	vld [tilespmem:$0x1F320]  }
0x1de: {  	v2 =	vadd.f32 v14, v2;
	v14 =	vld [tilespmem:$0x1F340]  }
0x1df: {  	v0 =	vadd.f32 v16, v0;
	v16 =	vld [tilespmem:$0x1F350]  }
0x1e0: {  	v1 =	vadd.f32 v59, v1;
	v59 =	vld [tilespmem:$0x7A0]  }
0x1e1: {  	v60 =	vadd.f32 v60, v25;
	v25 =	vld [tilespmem:$0xE40]  }
0x1e2: {  	v3 =	vadd.f32 v15, v3;
	v15 =	vld [tilespmem:$0x15A0]  }
0x1e3: {  	v0 =	vadd.f32 v20, v0;
	v20 =	vld [tilespmem:$0x16A0]  }
0x1e4: {  	v1 =	vadd.f32 v9, v1;
	v9 =	vld [tilespmem:$0x1F310]  }
0x1e5: {  	[tilespmem:$0x1FBD0] =	vst v10;
	v10 =	vld [tilespmem:$0x1F4A0]  }
0x1e6: {  	v60 =	vadd.f32 v40, v60;
	v40 =	vld [tilespmem:$0xF40]  }
0x1e7: {  	v0 =	vadd.f32 v29, v0;
	v29 =	vld [tilespmem:$0x1F3B0]  }
0x1e8: {  	v1 =	vadd.f32 v13, v1;
	v13 =	vld [tilespmem:$0x1520]  }
0x1e9: {  	[tilespmem:$0x1FF40] =	vst v0;
	v0 =	vadd.f32 v31, v30;
	v30 =	vld [tilespmem:$0x1F3C0]  }
0x1ea: {  	v31 =	vld [tilespmem:$0x1820]  }
0x1eb: {  	v1 =	vadd.f32 v17, v1;
	v17 =	vld [tilespmem:$0x1F360]  }
0x1ec: {  	[tilespmem:$0x1FC30] =	vst v15;
	v15 =	vld [tilespmem:$0x1F4E0]  }
0x1ed: {  	[tilespmem:$0x1FC90] =	vst v20;
	v20 =	vld [tilespmem:$0x1F530]  }
0x1ee: {  	v0 =	vadd.f32 v36, v0;
	v36 =	vld [tilespmem:$0x1F3F0]  }
0x1ef: {  	[tilespmem:$0x1FF00] =	vst v1;
	v1 =	vadd.f32 v18, v2;
	v18 =	vld [tilespmem:$0x1620]  }
0x1f0: {  	v2 =	vadd.f32 v19, v3;
	v19 =	vld [tilespmem:$0x1F370]  }
0x1f1: {  	v3 =	vadd.f32 v55, v37;
	v37 =	vld [tilespmem:$0x1D20]  }
0x1f2: {  	v55 =	vld [tilespmem:$0x1F450]  }
0x1f3: {  	v0 =	vadd.f32 v63, v0;
	v63 =	vld [tilespmem:$0x1F480]  }
0x1f4: {  	[tilespmem:$0x1FC00] =	vst v13;
	v13 =	vld [tilespmem:$0x1F4C0]  }
0x1f5: {  	v1 =	vadd.f32 v23, v1;
	v23 =	vld [tilespmem:$0x1720]  }
0x1f6: {  	[tilespmem:$0x1FF10] =	vst v2;
	v2 =	vadd.f32 v56, v34;
	v34 =	vld [tilespmem:$0x1CA0]  }
0x1f7: {  	v56 =	vld [tilespmem:$0x1F460]  }
0x1f8: {  	v3 =	vadd.f32 v61, v3;
	v61 =	vld [tilespmem:$0x1F470]  }
0x1f9: {  	[tilespmem:$0x1FD20] =	vst v31;
	v31 =	vld [tilespmem:$0x1F580]  }
0x1fa: {  	v0 =	vadd.f32 v9, v0;
	v9 =	vld [tilespmem:$0x1F490]  }
0x1fb: {  	v2 =	vadd.f32 v62, v2;
	v62 =	vld [tilespmem:$0x1020]  }
0x1fc: {  	[tilespmem:$0x1FF30] =	vst v1;
	v1 =	vadd.f32 v27, v24;
	v24 =	vld [tilespmem:$0x1F3A0]  }
0x1fd: {  	v27 =	vld [tilespmem:$0x17A0]  }
0x1fe: {  	v3 =	vadd.f32 v35, v3;
	v35 =	vld [tilespmem:$0x1F3E0]  }
0x1ff: {  	v0 =	vadd.f32 v14, v0;
	v14 =	vld [tilespmem:$0x1F4D0]  }
0x200: {  	[tilespmem:$0x1FC60] =	vst v18;
	v18 =	vld [tilespmem:$0x1F510]  }
0x201: {  	[tilespmem:$0x1FD80] =	vst v37;
	v37 =	vld [tilespmem:$0x1F5C0]  }
0x202: {  	v1 =	vadd.f32 v33, v1;
	v33 =	vld [tilespmem:$0x1F3D0]  }
0x203: {  	v3 =	vadd.f32 v39, v3;
	v39 =	vld [tilespmem:$0x1F400]  }
0x204: {  	v2 =	vadd.f32 v12, v2;
	v12 =	vld [tilespmem:$0x1F4B0]  }
0x205: {  	v0 =	vadd.f32 v19, v0;
	v19 =	vld [tilespmem:$0x1F520]  }
0x206: {  	[tilespmem:$0x1FD50] =	vst v34;
	v34 =	vld [tilespmem:$0x1F5A0]  }
0x207: {  	v3 =	vadd.f32 v43, v3;
	v43 =	vld [tilespmem:$0x1DA0]  }
0x208: {  	v1 =	vadd.f32 v52, v1;
	v52 =	vld [tilespmem:$0x1F440]  }
0x209: {  	v2 =	vadd.f32 v17, v2;
	v17 =	vld [tilespmem:$0x1F500]  }
0x20a: {  	[tilespmem:$0x1FCF0] =	vst v27;
	v27 =	vld [tilespmem:$0x1F560]  }
0x20b: {  	v0 =	vadd.f32 v24, v0;
	v24 =	vld [tilespmem:$0x7B0]  }
0x20c: {  	v3 =	vadd.f32 v54, v3;
	v54 =	vld [tilespmem:$0x1EA0]  }
0x20d: {  	v1 =	vadd.f32 v8, v1;
	v8 =	vld [tilespmem:$0x1FA0]  }
0x20e: {  	v2 =	vadd.f32 v22, v2;
	v22 =	vld [tilespmem:$0x1F550]  }
0x20f: {  	v0 =	vadd.f32 v33, v0;
	v33 =	vld [tilespmem:$0x1F590]  }
0x210: {  	v3 =	vadd.f32 v57, v3;
	v57 =	vld [tilespmem:$0x1F20]  }
0x211: {  	v1 =	vadd.f32 v11, v1;
	v11 =	vld [tilespmem:$0x2020]  }
0x212: {  	v2 =	vadd.f32 v30, v2;
	v30 =	vld [tilespmem:$0x730]  }
0x213: {  	v0 =	vadd.f32 v39, v0;
	v39 =	vld [tilespmem:$0x4B0]  }
0x214: {  	[tilespmem:$0x1FDB0] =	vst v43;
	v43 =	vld [tilespmem:$0x830]  }
0x215: {  	v1 =	vadd.f32 v16, v1;
	v16 =	vld [tilespmem:$0x1F4F0]  }
0x216: {  	v2 =	vadd.f32 v36, v2;
	v36 =	vld [tilespmem:$0x1F5B0]  }
0x217: {  	v3 =	vadd.f32 v52, v3;
	v52 =	vld [tilespmem:$0x1F5F0]  }
0x218: {  	v0 =	vadd.f32 v50, v0;
	v50 =	vld [tilespmem:$0x530]  }
0x219: {  	v1 =	vadd.f32 v21, v1;
	v21 =	vld [tilespmem:$0x1F540]  }
0x21a: {  	v2 =	vadd.f32 v46, v2;
	v3 =	vadd.f32 v63, v3;
	v46 =	vld [tilespmem:$0x1F5D0]  }
0x21b: {  	v0 =	vadd.f32 v61, v0;
	v61 =	vld [tilespmem:$0x1F620]  }
0x21c: {  	v1 =	vadd.f32 v29, v1;
	v3 =	vadd.f32 v13, v3;
	v29 =	vld [tilespmem:$0x1F570]  }
0x21d: {  	v2 =	vadd.f32 v56, v2;
	v56 =	vld [tilespmem:$0x1F610]  }
0x21e: {  	v0 =	vadd.f32 v12, v0;
	v3 =	vadd.f32 v17, v3;
	v17 =	vld [tilespmem:$0x1F640]  }
0x21f: {  	v50 =	vadd.f32 v50, v39;
	v39 =	vld [tilespmem:$0xDC0]  }
0x220: {  	v1 =	vadd.f32 v35, v1;
	v0 =	vadd.f32 v16, v0;
	v16 =	vld [tilespmem:$0x1F630]  }
0x221: {  	v2 =	vadd.f32 v10, v2;
	v3 =	vadd.f32 v21, v3;
	v21 =	vld [tilespmem:$0x6B0]  }
0x222: {  	v1 =	vadd.f32 v44, v1;
	v4 =	vadd.f32 v4, v50;
	v50 =	vld [tilespmem:$0xEC0]  }
0x223: {  	v2 =	vadd.f32 v15, v2;
	v6 =	vadd.f32 v20, v0;
	v20 =	vld [tilespmem:$0x1F660]  }
0x224: {  	v1 =	vadd.f32 v55, v1;
	v55 =	vld [tilespmem:$0x1F600]  }
0x225: {  	v2 =	vadd.f32 v19, v2;
	v3 =	vadd.f32 v31, v3;
	v19 =	vld [tilespmem:$0x1F650]  }
0x226: {  	v6 =	vadd.f32 v29, v6;
	v29 =	vld [tilespmem:$0x1F690]  }
0x227: {  	v44 =	vadd.f32 v37, v3;
	v3 =	vld [tilespmem:$0xD30]  }
0x228: {  	v4 =	vadd.f32 v5, v4;
	v2 =	vadd.f32 v27, v2;
	v27 =	vld [tilespmem:$0x1F680]  }
0x229: {  	v6 =	vadd.f32 v36, v6;
	v36 =	vld [tilespmem:$0x1F6C0]  }
0x22a: {  	v4 =	vadd.f32 v21, v4;
	v21 =	vld [tilespmem:$0x1FA60]  }
0x22b: {  	v35 =	vadd.f32 v34, v2;
	v2 =	vld [tilespmem:$0xCB0]  }
0x22c: {  	[tilespmem:$0x1FE10] =	vst v54;
	v54 =	vadd.f32 v52, v6;
	v6 =	vld [tilespmem:$0xDB0]  }
0x22d: {  	v1 =	vadd.f32 v9, v1;
	v9 =	vadd.f32 v55, v44;
	v44 =	vld [tilespmem:$0x1F6D0]  }
0x22e: {  	v55 =	vld [tilespmem:$0x1F710]  }
0x22f: {  	v4 =	vadd.f32 v30, v4;
	v30 =	vld [tilespmem:$0x15C0]  }
0x230: {  	[tilespmem:$0x1FE70] =	vst v8;
	v1 =	vadd.f32 v14, v1;
	v8 =	vadd.f32 v47, v35;
	v35 =	vld [tilespmem:$0x1F6B0]  }
0x231: {  	v47 =	vld [tilespmem:$0x1F6F0]  }
0x232: {  	v1 =	vadd.f32 v18, v1;
	v18 =	vadd.f32 v17, v9;
	v9 =	vld [tilespmem:$0xF30]  }
0x233: {  	v10 =	vadd.f32 v16, v54;
	v54 =	vld [tilespmem:$0x1F700]  }
0x234: {  	v4 =	vadd.f32 v24, v4;
	v24 =	vld [tilespmem:$0x1FAA0]  }
0x235: {  	v63 =	vadd.f32 v61, v8;
	v8 =	vld [tilespmem:$0xEB0]  }
0x236: {  	[tilespmem:$0x1FCC0] =	vst v23;
	v23 =	vadd.f32 v22, v1;
	v22 =	vld [tilespmem:$0x1F670]  }
0x237: {  	v61 =	vld [tilespmem:$0x1F730]  }
0x238: {  	v13 =	vadd.f32 v27, v18;
	v27 =	vld [tilespmem:$0x1530]  }
0x239: {  	v4 =	vadd.f32 v43, v4;
	v43 =	vld [tilespmem:$0x17C0]  }
0x23a: {  	v7 =	vadd.f32 v33, v23;
	v33 =	vld [tilespmem:$0x1F6A0]  }
0x23b: {  	v12 =	vadd.f32 v20, v63;
	v63 =	vld [tilespmem:$0x1F740]  }
0x23c: {  	v20 =	vld [tilespmem:$0x1F760]  }
0x23d: {  	v37 =	vadd.f32 v36, v13;
	v36 =	vld [tilespmem:$0x1630]  }
0x23e: {  	v13 =	vld [tilespmem:$0x1F750]  }
0x23f: {  	v2 =	vadd.f32 v2, v4;
	v4 =	vld [tilespmem:$0x750]  }
0x240: {  	v7 =	vadd.f32 v46, v7;
	v46 =	vld [tilespmem:$0x1F6E0]  }
0x241: {  	v23 =	vadd.f32 v22, v10;
	v10 =	vld [tilespmem:$0xFB0]  }
0x242: {  	v22 =	vld [tilespmem:$0x1F770]  }
0x243: {  	v17 =	vadd.f32 v54, v37;
	v37 =	vld [tilespmem:$0x1830]  }
0x244: {  	v54 =	vld [tilespmem:$0x1F800]  }
0x245: {  	[tilespmem:$0x1FE40] =	vst v57;
	v57 =	vadd.f32 v56, v7;
	v7 =	vld [tilespmem:$0xE30]  }
0x246: {  	v34 =	vadd.f32 v33, v12;
	v12 =	vld [tilespmem:$0x14B0]  }
0x247: {  	v17 =	vadd.f32 v63, v17;
	v63 =	vld [tilespmem:$0x1730]  }
0x248: {  	v14 =	vadd.f32 v35, v23;
	v23 =	vld [tilespmem:$0x1F780]  }
0x249: {  	v2 =	vadd.f32 v3, v2;
	v33 =	vld [tilespmem:$0x1F7B0]  }
0x24a: {  	v35 =	vld [tilespmem:$0x1F7C0]  }
0x24b: {  	v2 =	vadd.f32 v6, v2;
	v6 =	vld [tilespmem:$0x4D0]  }
0x24c: {  	[tilespmem:$0x1FE90] =	vst v11;
	v11 =	vadd.f32 v19, v57;
	v57 =	vld [tilespmem:$0x1F720]  }
0x24d: {  	v52 =	vadd.f32 v47, v14;
	v14 =	vld [tilespmem:$0x15B0]  }
0x24e: {  	v16 =	vadd.f32 v46, v34;
	v34 =	vld [tilespmem:$0x17B0]  }
0x24f: {  	v46 =	vld [tilespmem:$0x1F7E0]  }
0x250: {  	v31 =	vadd.f32 v29, v11;
	v11 =	vld [tilespmem:$0x1030]  }
0x251: {  	v29 =	vld [tilespmem:$0x1F790]  }
0x252: {  	v18 =	vadd.f32 v61, v52;
	v52 =	vld [tilespmem:$0x1F7F0]  }
0x253: {  	v2 =	vadd.f32 v7, v2;
	v7 =	vld [tilespmem:$0x550]  }
0x254: {  	v15 =	vadd.f32 v44, v31;
	v31 =	vld [tilespmem:$0x1F7A0]  }
0x255: {  	v44 =	vld [tilespmem:$0x1F7D0]  }
0x256: {  	v16 =	vadd.f32 v57, v16;
	v57 =	vld [tilespmem:$0x1CB0]  }
0x257: {  	v17 =	vadd.f32 v23, v17;
	v2 =	vadd.f32 v8, v2;
	v8 =	vld [tilespmem:$0x6D0]  }
0x258: {  	v18 =	vadd.f32 v22, v18;
	v56 =	vadd.f32 v55, v15;
	v15 =	vld [tilespmem:$0x16B0]  }
0x259: {  	v17 =	vadd.f32 v35, v17;
	v35 =	vld [tilespmem:$0x1DB0]  }
0x25a: {  	v18 =	vadd.f32 v33, v18;
	v33 =	vld [tilespmem:$0x1F860]  }
0x25b: {  	v2 =	vadd.f32 v9, v2;
	v9 =	vld [tilespmem:$0x850]  }
0x25c: {  	v19 =	vadd.f32 v13, v56;
	v56 =	vld [tilespmem:$0x1F810]  }
0x25d: {  	v13 =	vld [tilespmem:$0x1F820]  }
0x25e: {  	v55 =	vadd.f32 v54, v17;
	v17 =	vld [tilespmem:$0x1F830]  }
0x25f: {  	v16 =	vadd.f32 v20, v16;
	v54 =	vld [tilespmem:$0x1F30]  }
0x260: {  	v6 =	vadd.f32 v7, v6;
	v7 =	vld [tilespmem:$0x660]  }
0x261: {  	v16 =	vadd.f32 v31, v16;
	v31 =	vld [tilespmem:$0x1F850]  }
0x262: {  	v18 =	vadd.f32 v52, v18;
	v52 =	vld [tilespmem:$0x1F8A0]  }
0x263: {  	v19 =	vadd.f32 v29, v19;
	v29 =	vld [tilespmem:$0x1F840]  }
0x264: {  	v47 =	vadd.f32 v46, v16;
	v16 =	vld [tilespmem:$0x1D30]  }
0x265: {  	v46 =	vld [tilespmem:$0x1F880]  }
0x266: {  	v2 =	vadd.f32 v10, v2;
	v19 =	vadd.f32 v44, v19;
	v44 =	vld [tilespmem:$0x1F870]  }
0x267: {  	v20 =	vadd.f32 v13, v47;
	v47 =	vld [tilespmem:$0x1F890]  }
0x268: {  	v2 =	vadd.f32 v11, v2;
	v13 =	vld [tilespmem:$0x1F8D0]  }
0x269: {  	v18 =	vadd.f32 v17, v18;
	v17 =	vld [tilespmem:$0x1F8E0]  }
0x26a: {  	v2 =	vadd.f32 v12, v2;
	v12 =	vld [tilespmem:$0x1FC20]  }
0x26b: {  	v61 =	vadd.f32 v56, v19;
	v19 =	vld [tilespmem:$0x1E30]  }
0x26c: {  	v56 =	vld [tilespmem:$0x1F8C0]  }
0x26d: {  	v22 =	vadd.f32 v29, v55;
	v29 =	vld [tilespmem:$0x1EB0]  }
0x26e: {  	v55 =	vld [tilespmem:$0x1F8B0]  }
0x26f: {  	v20 =	vadd.f32 v33, v20;
	v33 =	vld [tilespmem:$0x4C0]  }
0x270: {  	v2 =	vadd.f32 v27, v2;
	v27 =	vld [tilespmem:$0x1FC50]  }
0x271: {  	v23 =	vadd.f32 v31, v61;
	v61 =	vld [tilespmem:$0x1FB0]  }
0x272: {  	v31 =	vld [tilespmem:$0x1F8F0]  }
0x273: {  	v20 =	vadd.f32 v52, v20;
	v52 =	vld [tilespmem:$0x1F900]  }
0x274: {  	v22 =	vadd.f32 v46, v22;
	v2 =	vadd.f32 v14, v2;
	v14 =	vld [tilespmem:$0x1FCA0]  }
0x275: {  	v23 =	vadd.f32 v47, v23;
	v47 =	vld [tilespmem:$0x2030]  }
0x276: {  	v46 =	vadd.f32 v56, v22;
	v22 =	vld [tilespmem:$0x540]  }
0x277: {  	v18 =	vadd.f32 v44, v18;
	v56 =	vld [tilespmem:$0x1F910]  }
0x278: {  	v2 =	vadd.f32 v36, v2;
	v36 =	vld [tilespmem:$0x16D0]  }
0x279: {  	v44 =	vadd.f32 v55, v18;
	v18 =	vadd.f32 v17, v20;
	v17 =	vld [tilespmem:$0x1F920]  }
0x27a: {  	v20 =	vld [tilespmem:$0x1F940]  }
0x27b: {  	v55 =	vld [tilespmem:$0x6C0]  }
0x27c: {  	v2 =	vadd.f32 v15, v2;
	v15 =	vld [tilespmem:$0x1FCB0]  }
0x27d: {  	v44 =	vadd.f32 v31, v44;
	v31 =	vld [tilespmem:$0x5C0]  }
0x27e: {  	v23 =	vadd.f32 v13, v23;
	v46 =	vadd.f32 v52, v46;
	v52 =	vld [tilespmem:$0x1F950]  }
0x27f: {  	v2 =	vadd.f32 v63, v2;
	v63 =	vld [tilespmem:$0x15D0]  }
0x280: {  	v13 =	vadd.f32 v56, v23;
	v23 =	vld [tilespmem:$0x640]  }
0x281: {  	v56 =	vld [tilespmem:$0x740]  }
0x282: {  	v22 =	vadd.f32 v22, v33;
	v33 =	vld [tilespmem:$0x5F0]  }
0x283: {  	v0 =	vadd.f32 v17, v18;
	v18 =	vld [tilespmem:$0x1F930]  }
0x284: {  	v17 =	vld [tilespmem:$0x1F970]  }
0x285: {  	v46 =	vadd.f32 v20, v46;
	v20 =	vld [tilespmem:$0x1F990]  }
0x286: {  	v2 =	vadd.f32 v34, v2;
	v34 =	vld [tilespmem:$0x1750]  }
0x287: {  	v1 =	vadd.f32 v52, v13;
	v13 =	vld [tilespmem:$0x1F960]  }
0x288: {  	v52 =	vld [tilespmem:$0x1F9B0]  }
0x289: {  	v2 =	vadd.f32 v37, v2;
	v37 =	vld [tilespmem:$0x1FD70]  }
0x28a: {  	v22 =	vadd.f32 v31, v22;
	v31 =	vld [tilespmem:$0x6F0]  }
0x28b: {  	v2 =	vadd.f32 v57, v2;
	v57 =	vld [tilespmem:$0x1FD80]  }
0x28c: {  	v44 =	vadd.f32 v18, v44;
	v18 =	vld [tilespmem:$0x1F980]  }
0x28d: {  	v16 =	vadd.f32 v16, v2;
	v2 =	vld [tilespmem:$0x1FE50]  }
0x28e: {  	[tilespmem:$0x1FF60] =	vst v1;
	v1 =	vadd.f32 v17, v44;
	v44 =	vld [tilespmem:$0x1F9A0]  }
0x28f: {  	v17 =	vld [tilespmem:$0x1F9C0]  }
0x290: {  	v0 =	vadd.f32 v13, v0;
	v13 =	vld [tilespmem:$0x1FB00]  }
0x291: {  	v16 =	vadd.f32 v35, v16;
	v35 =	vld [tilespmem:$0x1ED0]  }
0x292: {  	v0 =	vadd.f32 v20, v0;
	v20 =	vld [tilespmem:$0x1F9E0]  }
0x293: {  	[tilespmem:$0x1FF70] =	vst v1;
	v1 =	vadd.f32 v18, v46;
	v46 =	vld [tilespmem:$0x7C0]  }
0x294: {  	v18 =	vld [tilespmem:$0x1F9D0]  }
0x295: {  	v16 =	vadd.f32 v19, v16;
	v19 =	vld [tilespmem:$0x1FE00]  }
0x296: {  	[tilespmem:$0x1FF90] =	vst v0;
	v0 =	vadd.f32 v52, v44;
	v44 =	vld [tilespmem:$0x840]  }
0x297: {  	v52 =	vld [tilespmem:$0x1F9F0]  }
0x298: {  	v1 =	vadd.f32 v17, v1;
	v17 =	vld [tilespmem:$0x1FA00]  }
0x299: {  	v16 =	vadd.f32 v29, v16;
	v29 =	vld [tilespmem:$0x4E0]  }
0x29a: {  	v0 =	vadd.f32 v20, v0;
	v20 =	vld [tilespmem:$0x1FA20]  }
0x29b: {  	v16 =	vadd.f32 v54, v16;
	v54 =	vld [tilespmem:$0x1FE60]  }
0x29c: {  	[tilespmem:$0x1FFA0] =	vst v1;
	v1 =	vadd.f32 v38, v18;
	v38 =	vld [tilespmem:$0xCC0]  }
0x29d: {  	v18 =	vld [tilespmem:$0x1FA10]  }
0x29e: {  	v61 =	vadd.f32 v61, v16;
	v16 =	vld [tilespmem:$0x1FE90]  }
0x29f: {  	v1 =	vadd.f32 v52, v1;
	v0 =	vadd.f32 v17, v0;
	v52 =	vld [tilespmem:$0x1FA30]  }
0x2a0: {  	v17 =	vld [tilespmem:$0x1FA40]  }
0x2a1: {  	v0 =	vadd.f32 v20, v0;
	v20 =	vld [tilespmem:$0x1FA50]  }
0x2a2: {  	v1 =	vadd.f32 v18, v1;
	v18 =	vadd.f32 v53, v60;
	v53 =	vld [tilespmem:$0x1040]  }
0x2a3: {  	v60 =	vld [tilespmem:$0x14C0]  }
0x2a4: {  	v1 =	vadd.f32 v52, v1;
	v52 =	vld [tilespmem:$0xFC0]  }
0x2a5: {  	v5 =	vadd.f32 v26, v18;
	v26 =	vld [tilespmem:$0x1540]  }
0x2a6: {  	v0 =	vadd.f32 v17, v0;
	v17 =	vld [tilespmem:$0x1FA70]  }
0x2a7: {  	v18 =	vld [tilespmem:$0x1FA80]  }
0x2a8: {  	v5 =	vadd.f32 v59, v5;
	v59 =	vld [tilespmem:$0x1640]  }
0x2a9: {  	v1 =	vadd.f32 v20, v1;
	v20 =	vld [tilespmem:$0x1FA90]  }
0x2aa: {  	v0 =	vadd.f32 v21, v0;
	v21 =	vld [tilespmem:$0x16C0]  }
0x2ab: {  	v5 =	vadd.f32 v28, v5;
	v28 =	vld [tilespmem:$0x1FAB0]  }
0x2ac: {  	[tilespmem:$0x1FEA0] =	vst v26;
	v26 =	vld [tilespmem:$0x1740]  }
0x2ad: {  	v1 =	vadd.f32 v17, v1;
	v17 =	vld [tilespmem:$0x1FAC0]  }
0x2ae: {  	v0 =	vadd.f32 v18, v0;
	v18 =	vld [tilespmem:$0x1FAD0]  }
0x2af: {  	v5 =	vadd.f32 v58, v5;
	v58 =	vld [tilespmem:$0x1840]  }
0x2b0: {  	v1 =	vadd.f32 v20, v1;
	v20 =	vld [tilespmem:$0x1CC0]  }
0x2b1: {  	[tilespmem:$0x1FEB0] =	vst v21;
	v21 =	vld [tilespmem:$0x1FAE0]  }
0x2b2: {  	v0 =	vadd.f32 v24, v0;
	v24 =	vadd.f32 v32, v5;
	v32 =	vld [tilespmem:$0x1DC0]  }
0x2b3: {  	v5 =	vld [tilespmem:$0x7D0]  }
0x2b4: {  	v1 =	vadd.f32 v28, v1;
	v28 =	vld [tilespmem:$0x1FAF0]  }
0x2b5: {  	[tilespmem:$0x1FEC0] =	vst v26;
	v26 =	vld [tilespmem:$0x1D40]  }
0x2b6: {  	v0 =	vadd.f32 v17, v0;
	v17 =	vadd.f32 v41, v24;
	v24 =	vld [tilespmem:$0x1FB20]  }
0x2b7: {  	v41 =	vld [tilespmem:$0x1FB40]  }
0x2b8: {  	v1 =	vadd.f32 v18, v1;
	v18 =	vld [tilespmem:$0x1E40]  }
0x2b9: {  	[tilespmem:$0x1FED0] =	vst v20;
	v20 =	vld [tilespmem:$0x1FB10]  }
0x2ba: {  	v0 =	vadd.f32 v21, v0;
	v21 =	vld [tilespmem:$0x1EC0]  }
0x2bb: {  	v3 =	vadd.f32 v42, v17;
	v42 =	vld [tilespmem:$0x2040]  }
0x2bc: {  	v17 =	vld [tilespmem:$0x1FB70]  }
0x2bd: {  	[tilespmem:$0x1FEF0] =	vst v32;
	v32 =	vld [tilespmem:$0x1FC0]  }
0x2be: {  	v1 =	vadd.f32 v28, v1;
	v28 =	vld [tilespmem:$0x1FB30]  }
0x2bf: {  	v3 =	vadd.f32 v45, v3;
	v45 =	vld [tilespmem:$0x1FB50]  }
0x2c0: {  	v0 =	vadd.f32 v13, v0;
	v13 =	vld [tilespmem:$0x1FB60]  }
0x2c1: {  	[tilespmem:$0x1FEE0] =	vst v26;
	v26 =	vld [tilespmem:$0x1F40]  }
0x2c2: {  	[tilespmem:$0x1FF20] =	vst v18;
	v18 =	vld [tilespmem:$0x1FB80]  }
0x2c3: {  	v0 =	vadd.f32 v24, v0;
	v24 =	vld [tilespmem:$0x1FBA0]  }
0x2c4: {  	[tilespmem:$0x1FF50] =	vst v21;
	v21 =	vld [tilespmem:$0x5D0]  }
0x2c5: {  	v1 =	vadd.f32 v20, v1;
	v20 =	vld [tilespmem:$0x1FB90]  }
0x2c6: {  	[tilespmem:$0x1FFC0] =	vst v42;
	v42 =	vld [tilespmem:$0x1FBE0]  }
0x2c7: {  	v3 =	vadd.f32 v48, v3;
	[tilespmem:$0x1FFB0] =	vst v32;
	v32 =	vld [tilespmem:$0x1FBC0]  }
0x2c8: {  	v0 =	vadd.f32 v41, v0;
	v41 =	vld [tilespmem:$0x1FBD0]  }
0x2c9: {  	v3 =	vadd.f32 v51, v3;
	v51 =	vld [tilespmem:$0x1FC00];
	v1 =	vadd.f32 v28, v1  }
0x2ca: {  	v28 =	vld [tilespmem:$0x1FBB0]  }
0x2cb: {  	[tilespmem:$0x1FF80] =	vst v26;
	v26 =	vld [tilespmem:$0x650];
	v1 =	vadd.f32 v45, v1  }
0x2cc: {  	v0 =	vadd.f32 v13, v0;
	v13 =	vld [tilespmem:$0xCD0]  }
0x2cd: {  	v3 =	vadd.f32 v62, v3;
	v62 =	vld [tilespmem:$0x1FC10];
	v1 =	vadd.f32 v17, v1  }
0x2ce: {  	v45 =	vld [tilespmem:$0x1FBF0];
	v0 =	vadd.f32 v18, v0  }
0x2cf: {  	v18 =	vld [tilespmem:$0x1FC30];
	v1 =	vadd.f32 v20, v1  }
0x2d0: {  	v3 =	vadd.f32 v41, v3;
	v41 =	vld [tilespmem:$0x1FC80];
	v0 =	vadd.f32 v24, v0  }
0x2d1: {  	v1 =	vadd.f32 v28, v1;
	v28 =	vld [tilespmem:$0x1FC60]  }
0x2d2: {  	v3 =	vadd.f32 v51, v3;
	v20 =	vld [tilespmem:$0x1FC40];
	v0 =	vadd.f32 v32, v0  }
0x2d3: {  	v10 =	vadd.f32 v42, v1;
	v42 =	vld [tilespmem:$0x1FC90]  }
0x2d4: {  	v32 =	vld [tilespmem:$0x1FC70];
	v3 =	vadd.f32 v18, v3;
	v48 =	vadd.f32 v45, v0  }
0x2d5: {  	v18 =	vld [tilespmem:$0x1FCC0];
	v10 =	vadd.f32 v62, v10  }
0x2d6: {  	v17 =	vld [tilespmem:$0xD50];
	v11 =	vadd.f32 v12, v48;
	v3 =	vadd.f32 v28, v3  }
0x2d7: {  	v28 =	vld [tilespmem:$0x1FCF0];
	v24 =	vadd.f32 v20, v10  }
0x2d8: {  	v51 =	vld [tilespmem:$0xE50];
	v11 =	vadd.f32 v27, v11;
	v3 =	vadd.f32 v42, v3  }
0x2d9: {  	v6 =	vadd.f32 v21, v6;
	v12 =	vadd.f32 v32, v24;
	v24 =	vld [tilespmem:$0x1FCE0]  }
0x2da: {  	v20 =	vld [tilespmem:$0x1FCD0];
	v11 =	vadd.f32 v41, v11;
	v3 =	vadd.f32 v18, v3  }
0x2db: {  	v6 =	vadd.f32 v26, v6;
	v26 =	vld [tilespmem:$0x7E0]  }
0x2dc: {  	v11 =	vadd.f32 v15, v11;
	v32 =	vadd.f32 v28, v3;
	v28 =	vld [tilespmem:$0x1FD20]  }
0x2dd: {  	v45 =	vld [tilespmem:$0xFD0];
	v12 =	vadd.f32 v14, v12  }
0x2de: {  	v11 =	vadd.f32 v24, v11;
	v24 =	vld [tilespmem:$0x1FD10]  }
0x2df: {  	v12 =	vadd.f32 v20, v12;
	v20 =	vld [tilespmem:$0x1FD00]  }
0x2e0: {  	v48 =	vld [tilespmem:$0xF50]  }
0x2e1: {  	v14 =	vadd.f32 v28, v32;
	v32 =	vld [tilespmem:$0x1FD30]  }
0x2e2: {  	v62 =	vld [tilespmem:$0xDD0]  }
0x2e3: {  	v11 =	vadd.f32 v24, v11;
	v24 =	vld [tilespmem:$0x1FD60]  }
0x2e4: {  	v6 =	vadd.f32 v8, v6;
	v15 =	vld [tilespmem:$0x1FD40];
	v12 =	vadd.f32 v20, v12  }
0x2e5: {  	v27 =	vld [tilespmem:$0x1550]  }
0x2e6: {  	v4 =	vadd.f32 v4, v6;
	v20 =	vld [tilespmem:$0x1FD50];
	v12 =	vadd.f32 v32, v12  }
0x2e7: {  	v10 =	vld [tilespmem:$0xED0]  }
0x2e8: {  	v4 =	vadd.f32 v5, v4;
	v12 =	vadd.f32 v24, v12;
	v24 =	vld [tilespmem:$0x1FDA0]  }
0x2e9: {  	v42 =	vld [tilespmem:$0x1050];
	v15 =	vadd.f32 v15, v11  }
0x2ea: {  	v4 =	vadd.f32 v9, v4;
	v41 =	vld [tilespmem:$0x14D0]  }
0x2eb: {  	v14 =	vadd.f32 v20, v14;
	v15 =	vadd.f32 v37, v15;
	v20 =	vld [tilespmem:$0x1FD90]  }
0x2ec: {  	v4 =	vadd.f32 v13, v4;
	v13 =	vld [tilespmem:$0x1770]  }
0x2ed: {  	v15 =	vadd.f32 v24, v15;
	v24 =	vld [tilespmem:$0x1FDC0]  }
0x2ee: {  	v18 =	vld [tilespmem:$0x1650];
	v4 =	vadd.f32 v17, v4  }
0x2ef: {  	v17 =	vld [tilespmem:$0x17E0]  }
0x2f0: {  	v3 =	vld [tilespmem:$0x4F0];
	v4 =	vadd.f32 v62, v4;
	v12 =	vadd.f32 v20, v12  }
0x2f1: {  	v62 =	vld [tilespmem:$0x1760]  }
0x2f2: {  	v4 =	vadd.f32 v51, v4;
	v12 =	vadd.f32 v24, v12;
	v24 =	vld [tilespmem:$0x1FDD0]  }
0x2f3: {  	v51 =	vld [tilespmem:$0x15E0]  }
0x2f4: {  	v28 =	vld [tilespmem:$0x1850];
	v4 =	vadd.f32 v10, v4  }
0x2f5: {  	v20 =	vld [tilespmem:$0x1FDB0]  }
0x2f6: {  	v4 =	vadd.f32 v48, v4;
	v48 =	vld [tilespmem:$0x14F0]  }
0x2f7: {  	v0 =	vadd.f32 v24, v15;
	v24 =	vld [tilespmem:$0x1FDE0]  }
0x2f8: {  	v11 =	vld [tilespmem:$0x1CD0];
	v4 =	vadd.f32 v45, v4;
	v14 =	vadd.f32 v57, v14  }
0x2f9: {  	v45 =	vld [tilespmem:$0x1FF50]  }
0x2fa: {  	v32 =	vld [tilespmem:$0x17D0];
	v4 =	vadd.f32 v42, v4;
	v14 =	vadd.f32 v20, v14  }
0x2fb: {  	v37 =	vld [tilespmem:$0x1DD0]  }
0x2fc: {  	v4 =	vadd.f32 v41, v4;
	v1 =	vadd.f32 v24, v14;
	v24 =	vld [tilespmem:$0x1FE10]  }
0x2fd: {  	v42 =	vld [tilespmem:$0x1EF0]  }
0x2fe: {  	v57 =	vld [tilespmem:$0x1D50];
	v4 =	vadd.f32 v27, v4  }
0x2ff: {  	v14 =	vld [tilespmem:$0x1FDF0]  }
0x300: {  	v41 =	vld [tilespmem:$0x1FF30];
	v4 =	vadd.f32 v63, v4  }
0x301: {  	v0 =	vadd.f32 v19, v0;
	v19 =	vadd.f32 v24, v1;
	v1 =	vld [tilespmem:$0x1FE20]  }
0x302: {  	v27 =	vld [tilespmem:$0x1FED0]  }
0x303: {  	v63 =	vld [tilespmem:$0x1FEB0];
	v4 =	vadd.f32 v18, v4  }
0x304: {  	v18 =	vld [tilespmem:$0x1FEC0];
	v12 =	vadd.f32 v14, v12  }
0x305: {  	v20 =	vld [tilespmem:$0x1E50];
	v4 =	vadd.f32 v36, v4  }
0x306: {  	v12 =	vadd.f32 v1, v12;
	v1 =	vld [tilespmem:$0x1FE30]  }
0x307: {  	v36 =	vld [tilespmem:$0x1E70];
	v4 =	vadd.f32 v34, v4  }
0x308: {  	v34 =	vld [tilespmem:$0x1FF00]  }
0x309: {  	v4 =	vadd.f32 v32, v4;
	v32 =	vld [tilespmem:$0x1E60]  }
0x30a: {  	v15 =	vld [tilespmem:$0x1F50]  }
0x30b: {  	v0 =	vadd.f32 v1, v0;
	v1 =	vld [tilespmem:$0x1FE40]  }
0x30c: {  	v4 =	vadd.f32 v28, v4;
	v28 =	vld [tilespmem:$0x1D70]  }
0x30d: {  	v54 =	vadd.f32 v54, v0;
	v0 =	vld [tilespmem:$0x1FE70]  }
0x30e: {  	v12 =	vadd.f32 v2, v12;
	v2 =	vld [tilespmem:$0x1FE80]  }
0x30f: {  	v14 =	vld [tilespmem:$0x1FD0]  }
0x310: {  	v24 =	vld [tilespmem:$0x2050];
	v1 =	vadd.f32 v1, v19  }
0x311: {  	v19 =	vld [tilespmem:$0x560]  }
0x312: {  	v1 =	vadd.f32 v0, v1;
	v0 =	vld [tilespmem:$0x570]  }
0x313: {  	v12 =	vadd.f32 v2, v12;
	v2 =	vld [tilespmem:$0x5E0]  }
0x314: {  	v16 =	vadd.f32 v16, v1;
	v1 =	vadd.f32 v47, v61;
	v47 =	vld [tilespmem:$0x760]  }
0x315: {  	v61 =	vadd.f32 v23, v22;
	v22 =	vld [tilespmem:$0xDF0]  }
0x316: {  	v19 =	vadd.f32 v19, v29;
	v29 =	vld [tilespmem:$0x670]  }
0x317: {  	v0 =	vadd.f32 v0, v3;
	v3 =	vld [tilespmem:$0x6E0]  }
0x318: {  	v23 =	vld [tilespmem:$0xE60];
	v2 =	vadd.f32 v2, v19  }
0x319: {  	v21 =	vadd.f32 v55, v61;
	v61 =	vld [tilespmem:$0x770];
	v0 =	vadd.f32 v33, v0  }
0x31a: {  	v19 =	vld [tilespmem:$0xD70];
	v2 =	vadd.f32 v7, v2  }
0x31b: {  	v21 =	vadd.f32 v56, v21;
	v56 =	vld [tilespmem:$0xCF0];
	v0 =	vadd.f32 v29, v0  }
0x31c: {  	v29 =	vld [tilespmem:$0x7F0];
	v2 =	vadd.f32 v3, v2  }
0x31d: {  	v0 =	vadd.f32 v31, v0;
	v31 =	vld [tilespmem:$0x860]  }
0x31e: {  	v33 =	vadd.f32 v46, v21;
	v46 =	vld [tilespmem:$0x870];
	v2 =	vadd.f32 v47, v2  }
0x31f: {  	v47 =	vld [tilespmem:$0xCE0];
	v0 =	vadd.f32 v61, v0  }
0x320: {  	v21 =	vld [tilespmem:$0xDE0];
	v55 =	vadd.f32 v44, v33;
	v2 =	vadd.f32 v26, v2  }
0x321: {  	v61 =	vld [tilespmem:$0xD60];
	v0 =	vadd.f32 v29, v0  }
0x322: {  	v33 =	vld [tilespmem:$0xF60];
	v7 =	vadd.f32 v38, v55;
	v2 =	vadd.f32 v31, v2  }
0x323: {  	v44 =	vld [tilespmem:$0x1060];
	v0 =	vadd.f32 v46, v0  }
0x324: {  	v38 =	vld [tilespmem:$0xF70];
	v7 =	vadd.f32 v49, v7;
	v2 =	vadd.f32 v47, v2  }
0x325: {  	v55 =	vld [tilespmem:$0x1660];
	v0 =	vadd.f32 v56, v0  }
0x326: {  	v26 =	vld [tilespmem:$0xE70];
	v7 =	vadd.f32 v39, v7;
	v2 =	vadd.f32 v61, v2  }
0x327: {  	v29 =	vld [tilespmem:$0xEE0];
	v0 =	vadd.f32 v19, v0  }
0x328: {  	v31 =	vld [tilespmem:$0xEF0];
	v7 =	vadd.f32 v25, v7;
	v2 =	vadd.f32 v21, v2  }
0x329: {  	v49 =	vld [tilespmem:$0x1560];
	v0 =	vadd.f32 v22, v0  }
0x32a: {  	v39 =	vld [tilespmem:$0xFE0];
	v7 =	vadd.f32 v50, v7;
	v2 =	vadd.f32 v23, v2  }
0x32b: {  	v46 =	vld [tilespmem:$0x1070];
	v0 =	vadd.f32 v26, v0  }
0x32c: {  	v7 =	vadd.f32 v40, v7;
	v40 =	vld [tilespmem:$0xFF0];
	v2 =	vadd.f32 v29, v2  }
0x32d: {  	v47 =	vld [tilespmem:$0x14E0];
	v0 =	vadd.f32 v31, v0  }
0x32e: {  	v25 =	vld [tilespmem:$0x1CF0];
	v2 =	vadd.f32 v33, v2  }
0x32f: {  	v56 =	vld [tilespmem:$0x1670];
	v7 =	vadd.f32 v52, v7;
	v0 =	vadd.f32 v38, v0  }
0x330: {  	v52 =	vld [tilespmem:$0x1FEA0];
	v2 =	vadd.f32 v39, v2  }
0x331: {  	v50 =	vld [tilespmem:$0x1570];
	v7 =	vadd.f32 v53, v7;
	v0 =	vadd.f32 v40, v0  }
0x332: {  	v61 =	vld [tilespmem:$0x16F0];
	v2 =	vadd.f32 v44, v2  }
0x333: {  	v19 =	vld [tilespmem:$0x17F0];
	v7 =	vadd.f32 v60, v7;
	v0 =	vadd.f32 v46, v0  }
0x334: {  	v53 =	vld [tilespmem:$0x15F0];
	v2 =	vadd.f32 v47, v2  }
0x335: {  	v21 =	vld [tilespmem:$0x1860];
	v7 =	vadd.f32 v52, v7;
	v0 =	vadd.f32 v48, v0  }
0x336: {  	v22 =	vld [tilespmem:$0x1870];
	v2 =	vadd.f32 v49, v2  }
0x337: {  	v60 =	vld [tilespmem:$0x16E0];
	v7 =	vadd.f32 v30, v7;
	v0 =	vadd.f32 v50, v0  }
0x338: {  	v23 =	vld [tilespmem:$0x1CE0];
	v2 =	vadd.f32 v51, v2  }
0x339: {  	v26 =	vld [tilespmem:$0x1D60];
	v7 =	vadd.f32 v59, v7;
	v0 =	vadd.f32 v53, v0  }
0x33a: {  	v29 =	vld [tilespmem:$0x1DE0];
	v2 =	vadd.f32 v55, v2  }
0x33b: {  	v31 =	vld [tilespmem:$0x1DF0];
	v7 =	vadd.f32 v63, v7;
	v0 =	vadd.f32 v56, v0  }
0x33c: {  	v4 =	vadd.f32 v11, v4;
	v33 =	vld [tilespmem:$0x1FEF0];
	v2 =	vadd.f32 v60, v2  }
0x33d: {  	v38 =	vld [tilespmem:$0x1FF10];
	v7 =	vadd.f32 v18, v7;
	v0 =	vadd.f32 v61, v0  }
0x33e: {  	v4 =	vadd.f32 v57, v4;
	v39 =	vld [tilespmem:$0x1EE0];
	v2 =	vadd.f32 v62, v2  }
0x33f: {  	v52 =	vld [tilespmem:$0x1FF0];
	v7 =	vadd.f32 v43, v7;
	v0 =	vadd.f32 v13, v0  }
0x340: {  	v4 =	vadd.f32 v37, v4;
	v30 =	vld [tilespmem:$0x1FEE0];
	v2 =	vadd.f32 v17, v2  }
0x341: {  	v40 =	vld [tilespmem:$0x1FF20];
	v7 =	vadd.f32 v58, v7;
	v0 =	vadd.f32 v19, v0  }
0x342: {  	v4 =	vadd.f32 v20, v4;
	v44 =	vld [tilespmem:$0x1F60];
	v2 =	vadd.f32 v21, v2  }
0x343: {  	v46 =	vld [tilespmem:$0x1FF60];
	v7 =	vadd.f32 v27, v7;
	v0 =	vadd.f32 v22, v0  }
0x344: {  	v4 =	vadd.f32 v35, v4;
	v47 =	vld [tilespmem:$0x1F70];
	v2 =	vadd.f32 v23, v2  }
0x345: {  	v10 =	vmul.f32 $3.125000000e-02, v34;
	v48 =	vld [tilespmem:$0x1FF70];
	v7 =	vadd.f32 v30, v7;
	v0 =	vadd.f32 v25, v0  }
0x346: {  	v4 =	vadd.f32 v15, v4;
	v49 =	vld [tilespmem:$0x1FE0];
	v2 =	vadd.f32 v26, v2  }
0x347: {  	[tilespmem:$0x2080] =	vst v10;
	v10 =	vmul.f32 $3.125000000e-02, v41;
	v50 =	vld [tilespmem:$0x1FF80];
	v7 =	vadd.f32 v33, v7;
	v0 =	vadd.f32 v28, v0  }
0x348: {  	v4 =	vadd.f32 v14, v4;
	v57 =	vmul.f32 $3.125000000e-02, v54;
	v51 =	vld [tilespmem:$0x1FF90];
	v2 =	vadd.f32 v29, v2  }
0x349: {  	[tilespmem:$0x20A0] =	vst v10;
	v1 =	vmul.f32 $3.125000000e-02, v1;
	v43 =	vld [tilespmem:$0x1FF40];
	v7 =	vadd.f32 v40, v7;
	v0 =	vadd.f32 v31, v0  }
0x34a: {  	v4 =	vadd.f32 v24, v4;
	[tilespmem:$0x2100] =	vst v57;
	v11 =	vmul.f32 $3.125000000e-02, v38;
	v56 =	vld [tilespmem:$0x1FFB0];
	v2 =	vadd.f32 v32, v2  }
0x34b: {  	[tilespmem:$0x2130] =	vst v1;
	v59 =	vmul.f32 $3.125000000e-02, v12;
	v53 =	vld [tilespmem:$0x1FFA0];
	v7 =	vadd.f32 v45, v7;
	v0 =	vadd.f32 v36, v0  }
0x34c: {  	[tilespmem:$0x2090] =	vst v11;
	v63 =	vmul.f32 $3.125000000e-02, v4;
	v60 =	vld [tilespmem:$0x1FFC0];
	v2 =	vadd.f32 v39, v2  }
0x34d: {  	[tilespmem:$0x2110] =	vst v59;
	v10 =	vmul.f32 $3.125000000e-02, v46;
	v55 =	vld [tilespmem:$0x2060];
	v7 =	vadd.f32 v50, v7;
	v0 =	vadd.f32 v42, v0  }
0x34e: {  	[tilespmem:$0x2150] =	vst v63;
	v58 =	vld [tilespmem:$0x2070];
	v11 =	vmul.f32 $3.125000000e-02, v43;
	v2 =	vadd.f32 v44, v2  }
0x34f: {  	[tilespmem:$0x20C0] =	vst v10;
	v10 =	vmul.f32 $3.125000000e-02, v51;
	v7 =	vadd.f32 v56, v7;
	v0 =	vadd.f32 v47, v0  }
0x350: {  	[tilespmem:$0x20B0] =	vst v11;
	v11 =	vmul.f32 $3.125000000e-02, v48;
	v2 =	vadd.f32 v49, v2  }
0x351: {  	v61 =	vmul.f32 $3.125000000e-02, v16;
	[tilespmem:$0x20E0] =	vst v10;
	v7 =	vadd.f32 v60, v7;
	v0 =	vadd.f32 v52, v0  }
0x352: {  	[tilespmem:$0x20D0] =	vst v11;
	v11 =	vmul.f32 $3.125000000e-02, v53;
	v2 =	vadd.f32 v55, v2  }
0x353: {  	[tilespmem:$0x2120] =	vst v61;
	v62 =	vmul.f32 $3.125000000e-02, v7;
	v0 =	vadd.f32 v58, v0  }
0x354: {  	[tilespmem:$0x20F0] =	vst v11;
	v2 =	vmul.f32 $3.125000000e-02, v2  }
0x355: {  	[tilespmem:$0x2140] =	vst v62;
	v0 =	vmul.f32 $3.125000000e-02, v0  }
0x356: {  	p0 =	sne.s32 s5, $0x1;
	[tilespmem:$0x2160] =	vst v2  }
.Ltmp1:
0x357: {  	[tilespmem:$0x2170] =	vst v0;
	(pc) =	sbr.rel @p0 .LBB2_2-.Ltmp1, $4  }
0x358: {  	[hbm4b:s3+s4] =	stream.linear.scatter [tilespmem:s13], [sflag:$0x2], $0x100, $0x38;
	[tilespmem:$0x2180] =	vst v63  }
0x359: {  	_ =	swait.ge [sflag:s7], $0x100  }
0x35a: {  	[sflag:s7] =	ssyncset.done $0x0  }
0x35b: {  	s5 =	sadd.s32 $0xFFFFFFFF, s5;
	[sflag:s7] =	ssyncadd.s32 $0xFFFFFF00  }
.LBB2_3:
0x35c: {  	_ =	sfence.sel $0x180000  }
0x35d: {  	[bflag:$0x0] =	sbarrier.arrive $0xFFFF  }
0x35e: {  	p0 =	sne.s32 s1, $0x0;
	_ =	strace $0x90000047  }
0x35f: {  	s0 =	sadd.s32 @!p0 $0x100000, s0;
	[bflag:$0x2] =	sbarrier.arrive $0xFFFF  }
0x360: {  	[sflag:s0] =	ssyncadd.tile.s32 @!p0 $0x1;
	_ =	shalt  }
.Lfunc_end2:
_tile_overlayer_lowered:
.L_overlay_start_2:
0x361: {  	(tag) =	ssettag $0x2  }
0x362: {  	s0 =	rddreg [dreg:$0x0];
	s2 =	stileid.u32  }
0x363: {  	s1 =	rddreg [dreg:$0x1];
	p0 =	sne.s32 s2, $0x0  }
0x364: {  	s3 =	rddreg [dreg:$0x2];
	[bflag:$0x3] =	sbarrier.arrive $0xFFFF;
	s2 =	simm.s32 @!p0 $0x1C02  }
0x365: {  	[timem:s3], [sflag:s2] =	dma.local @!p0 [hbm:s0], s1  }
0x366: {  	s0 =	simm.s32 @!p0 $0x2  }
0x367: {  	_ =	swait.ge @!p0 [sflag:s0], s1  }
0x368: {  	s1 =	ssub.s32 @!p0 $0x0, s1;
	[sflag:s0] =	ssyncset.done @!p0 $0x0  }
0x369: {  	[sflag:s0] =	ssyncadd.s32 @!p0 s1  }
0x36a: {  	[bflag:$0x3] =	sbarrier.arrive $0xFFFF  }
0x36b: {  	_ =	shalt  }

// kernel: kernel.9.cloned.1.call-start
scs
__scs_entry_jumppad:
0x0: {  	(pc) =	sbr.rel $0x88, $3  }
0x1: {  	(tag) =	ssettag $0x0;
	lr =	simm.s32 $0x1  }
0x2: {  	[smem:$0x3F94] =	sst lr;
	_ =	strace $0xD0000000  }
0x3: {  	_ = 	snop  }
0x4: {  	_ = 	snop  }
0x5: {  	_ = 	snop  }
0x6: {  	_ = 	snop  }
0x7: {  	_ = 	snop  }
__scs_overlays_trampoline_lowered:
0x8: {  	[smem:$0x3FA3] =	sst s0  }
0x9: {  	[smem:$0x3FA4] =	sst s1  }
0xa: {  	[smem:$0x3FA5] =	sst s2  }
0xb: {  	[smem:$0x3FA6] =	sst s3  }
0xc: {  	[smem:$0x3FA7] =	sst s4  }
0xd: {  	[smem:$0x3FA8] =	sst s5  }
0xe: {  	[smem:$0x3FA9] =	sst s6  }
0xf: {  	[smem:$0x3FAA] =	sst s7  }
0x10: {  	[smem:$0x3FAB] =	sst s8  }
0x11: {  	[smem:$0x3FAC] =	sst s9;
	s0 =	simm.s32 @!p0 $0x0  }
0x12: {  	s1 =	sld [smem:$0x3F92];
	s0 =	simm.s32 @p0 $0x1  }
0x13: {  	[smem:$0x3FAD] =	sst s0;
	s0 =	simm.s32 @!p1 $0x0  }
0x14: {  	s2 =	sld [smem:$0x3F91];
	s0 =	simm.s32 @p1 $0x1  }
0x15: {  	[smem:$0x3FAE] =	sst s0;
	s0 =	simm.s32 @!p2 $0x0  }
0x16: {  	s3 =	sld [smem:$0x3FDB];
	s0 =	simm.s32 @p2 $0x1  }
0x17: {  	s4 =	simm.s32 $0x1BF5;
	[smem:$0x3FB0] =	sst s0  }
0x18: {  	s0 =	sld [smem:$0x3F93];
	_ =	swait.ge [sflag:s4], $0x0  }
0x19: {  	s7 =	sld [smem:$0x3F94]  }
0x1a: {  	s8 =	sadd.s32 $0xFFFFE003, lr  }
0x1b: {  	s9 =	sadd.s32 $0xFFFFFEF7, lr;
	s5 =	simm.s32 $0xFFFFFFFF;
	p2 =	slt.u32 s8, $0xFFFFF086  }
0x1c: {  	p1 =	slt.u32 s9, $0xF7A;
	s5 =	simm.s32 @!p2 $0x0  }
0x1d: {  	s5 =	simm.s32 @p1 $0x1;
	p0 =	seq.s32 s7, s2  }
0x1e: {  	s7 =	smul.u32 @!p0 $0xF7A, s2;
	p2 =	seq.s32 @!p0 s5, $0x0  }
0x1f: {  	s9 =	smul.u32 $0xF7A, s1;
	s8 =	simm.s32 @!p0 $0x1BF5;
	p2 =	por !p2, p0  }
0x20: {  	[sflag:s8] =	ssyncset.s32 @!p0 $0xFFFFF086;
	s6 =	sadd.s32 @!p0 s3, s7;
	s7 =	simm.s32 @!p0 $0x108  }
0x21: {  	s3 =	sadd.s32 s3, s9;
	s6 =	sadd.s32 @!p0 $0x88, s6;
	s7 =	simm.s32 @p2 $0x1082  }
0x22: {  	[simem:s7], [sflag:s8] =	dma.local @!p0 [hbm:s6], $0xF7A  }
0x23: {  	s9 =	sor.u32 $0xD0000000, s2;
	s6 =	simm.s32 $0x108;
	_ =	swait.ge @!p0 [sflag:s8], $0x0  }
0x24: {  	s3 =	sadd.s32 $0x88, s3;
	s6 =	simm.s32 @!p1 $0x1082;
	[sflag:s4] =	ssyncset.s32 $0xFFFFF086  }
0x25: {  	[simem:s6], [sflag:s4] =	dma.local [hbm:s3], $0xF7A  }
0x26: {  	[smem:$0x3F94] =	sst s1;
	(tag) =	ssettag s2;
	_ =	strace s9  }
0x27: {  	s1 =	sld [smem:$0x3FA4]  }
0x28: {  	s2 =	sld [smem:$0x3FA5]  }
0x29: {  	s4 =	sld [smem:$0x3FA7]  }
0x2a: {  	p0 =	seq.s32 s5, $0x0;
	s5 =	sld [smem:$0x3FA8]  }
0x2b: {  	s6 =	sld [smem:$0x3FA9]  }
0x2c: {  	s7 =	sld [smem:$0x3FAA]  }
0x2d: {  	s3 =	simm.s32 $0x108;
	s8 =	sld [smem:$0x3FAB]  }
0x2e: {  	s3 =	simm.s32 @!p0 $0x1082;
	s9 =	sld [smem:$0x3FAC]  }
0x2f: {  	lr =	sadd.s32 s0, s3;
	s0 =	sld [smem:$0x3FA3]  }
0x30: {  	s3 =	sld [smem:$0x3FA6]  }
0x31: {  	[smem:$0x3FAF] =	sst s10  }
0x32: {  	s10 =	sld [smem:$0x3FAD];
	_ =	sdelay $0x3  }
0x33: {  	p0 =	seq.s32 s10, $0x1;
	s10 =	sld [smem:$0x3FAF];
	_ =	sdelay $0x3  }
0x34: {  	[smem:$0x3FAF] =	sst s10  }
0x35: {  	s10 =	sld [smem:$0x3FAE];
	_ =	sdelay $0x3  }
0x36: {  	p1 =	seq.s32 s10, $0x1;
	s10 =	sld [smem:$0x3FAF];
	_ =	sdelay $0x3  }
0x37: {  	[smem:$0x3FAF] =	sst s10  }
0x38: {  	s10 =	sld [smem:$0x3FB0]  }
0x39: {  	_ = 	snop;
	(pc) =	sbr.ind lr, $3  }
0x3a: {  	_ = 	snop  }
0x3b: {  	_ = 	snop  }
0x3c: {  	p2 =	seq.s32 s10, $0x1;
	s10 =	sld [smem:$0x3FAF]  }
0x3d: {  	_ =	shalt  }
0x3e: {  	_ =	shalt  }
0x3f: {  	_ =	shalt  }
0x40: {  	_ =	shalt  }
0x41: {  	_ =	shalt  }
0x42: {  	_ =	shalt  }
0x43: {  	_ =	shalt  }
0x44: {  	_ =	shalt  }
0x45: {  	_ =	shalt  }
0x46: {  	_ =	shalt  }
0x47: {  	_ =	shalt  }
0x48: {  	_ =	shalt  }
0x49: {  	_ =	shalt  }
0x4a: {  	_ =	shalt  }
0x4b: {  	_ =	shalt  }
0x4c: {  	_ =	shalt  }
0x4d: {  	_ =	shalt  }
0x4e: {  	_ =	shalt  }
0x4f: {  	_ =	shalt  }
0x50: {  	_ =	shalt  }
0x51: {  	_ =	shalt  }
0x52: {  	_ =	shalt  }
0x53: {  	_ =	shalt  }
0x54: {  	_ =	shalt  }
0x55: {  	_ =	shalt  }
0x56: {  	_ =	shalt  }
0x57: {  	_ =	shalt  }
0x58: {  	_ =	shalt  }
0x59: {  	_ =	shalt  }
0x5a: {  	_ =	shalt  }
0x5b: {  	_ =	shalt  }
0x5c: {  	_ =	shalt  }
0x5d: {  	_ =	shalt  }
0x5e: {  	_ =	shalt  }
0x5f: {  	_ =	shalt  }
0x60: {  	_ =	shalt  }
0x61: {  	_ =	shalt  }
0x62: {  	_ =	shalt  }
0x63: {  	_ =	shalt  }
0x64: {  	_ =	shalt  }
0x65: {  	_ =	shalt  }
0x66: {  	_ =	shalt  }
0x67: {  	_ =	shalt  }
0x68: {  	_ =	shalt  }
0x69: {  	_ =	shalt  }
0x6a: {  	_ =	shalt  }
0x6b: {  	_ =	shalt  }
0x6c: {  	_ =	shalt  }
0x6d: {  	_ =	shalt  }
0x6e: {  	_ =	shalt  }
0x6f: {  	_ =	shalt  }
0x70: {  	_ =	shalt  }
0x71: {  	_ =	shalt  }
0x72: {  	_ =	shalt  }
0x73: {  	_ =	shalt  }
0x74: {  	_ =	shalt  }
0x75: {  	_ =	shalt  }
0x76: {  	_ =	shalt  }
0x77: {  	_ =	shalt  }
0x78: {  	_ =	shalt  }
0x79: {  	_ =	shalt  }
0x7a: {  	_ =	shalt  }
0x7b: {  	_ =	shalt  }
0x7c: {  	_ =	shalt  }
0x7d: {  	_ =	shalt  }
0x7e: {  	_ =	shalt  }
0x7f: {  	_ =	shalt  }
0x80: {  	_ =	shalt  }
0x81: {  	_ =	shalt  }
0x82: {  	_ =	shalt  }
0x83: {  	_ =	shalt  }
0x84: {  	_ =	shalt  }
0x85: {  	_ =	shalt  }
0x86: {  	_ =	shalt  }
0x87: {  	_ =	shalt  }
.Lfunc_end0:
.L_simem_size_0:
called_computation.1_lowered:
.L_overlay_start_0:
0x88: {  	s2 =	sld [smem:$0x3FD9]  }
0x89: {  	s3 =	sld [smem:$0x3FFE];
	_ =	sdelay $0x1  }
0x8a: {  	s1 =	srdreg.scid  }
0x8b: {  	s0 =	sand.u32 $0x1, s1  }
0x8c: {  	s17 =	sshll.u32 s0, $0xA;
	s2 =	sadd.s32 s3, s2  }
0x8d: {  	s2 =	sadd.s32 s2, s17  }
0x8e: {  	[smem:$0x3FBB] =	sst s2  }
0x8f: {  	_ = 	snop  }
0x90: {  	s2 =	sld [smem:$0x3FC3]  }
0x91: {  	s18 =	sld [smem:$0x3FD0];
	(tm) =	ssettm $0x1  }
0x92: {  	s4 =	sld [smem:$0x3FFB];
	_ =	sdelay $0x3  }
0x93: {  	_ =	strace s4  }
0x94: {  	s4 =	sld [smem:$0x3FFC];
	_ =	sdelay $0x3  }
0x95: {  	_ =	strace s4  }
0x96: {  	s4 =	sld [smem:$0x3FFD];
	_ =	sdelay $0x3  }
0x97: {  	_ =	strace s4  }
0x98: {  	_ =	strace $0x8FFFFFFF  }
0x99: {  	s19 =	sld [smem:$0x3FDB];
	_ =	sdelay $0x1  }
0x9a: {  	s5 =	simm.s32 $_scs_section_size  }
0x9b: {  	s6 =	simm.s32 $_size__tile_overlayer_lowered;
	s7 =	simm.s32 $_tile_overlayer_lowered  }
0x9c: {  	s22 =	simm.s32 $0x1BFF;
	s21 =	sshll.u32 s7, $0x1;
	s4 =	sadd.s32 s5, s19  }
0x9d: {  	s8 =	simm.s32 $0x0;
	s20 =	sshll.u32 s6, $0x1;
	s6 =	sadd.s32 s21, s4  }
0x9e: {  	[timem:s8], [sflag:s22] =	dma.local [hbm:s6], s20  }
0x9f: {  	_ =	swait.ge [sflag:s22], s20  }
0xa0: {  	s5 =	ssub.s32 $0x0, s20;
	[sflag:s22] =	ssyncset.done $0x0  }
0xa1: {  	[sflag:s22] =	ssyncadd.s32 s5;
	_ =	sdelay $0x1  }
0xa2: {  	s23 =	simm.s32 $0x1B8B  }
0xa3: {  	_ =	swait.ge [sflag:s23], $0x1  }
0xa4: {  	[sflag:s23] =	ssyncset.done $0x0  }
0xa5: {  	s25 =	simm.s32 $0x1B8E;
	s24 =	sld [smem:$0x3FFE];
	[sflag:s23] =	ssyncadd.s32 $0xFFFFFFFF  }
0xa6: {  	s26 =	simm.s32 $execute0_lowered;
	[smem:$0x3FD2] =	sst s25  }
0xa7: {  	s6 =	sshll.u32 s26, $0x1;
	_ =	strace $0x80000049;
	[dreg:$0x1] =	wrdreg $0xFFFFFFFF  }
0xa8: {  	s28 =	simm.s32 $_size_execute0_lowered;
	s4 =	sadd.s32 s4, s6;
	[dreg:$0x0] =	wrdreg $0x0  }
0xa9: {  	s6 =	sshll.u32 s28, $0x1;
	[dreg:$0x2] =	wrdreg s4  }
0xaa: {  	[dreg:$0x3] =	wrdreg s6  }
0xab: {  	[dreg:$0x4] =	wrdreg $0xC0  }
0xac: {  	_ =	task [dreg:s8], $0x5FFFF  }
0xad: {  	[dreg:$0x1] =	wrdreg $0xFFFFFFFF  }
0xae: {  	[dreg:$0x0] =	wrdreg $0x60  }
0xaf: {  	[dreg:$0x2] =	wrdreg s24  }
0xb0: {  	[dreg:$0x3] =	wrdreg s2  }
0xb1: {  	[dreg:$0x4] =	wrdreg s18  }
0xb2: {  	[dreg:$0x5] =	wrdreg $0x9  }
0xb3: {  	_ =	task.clear_ibuf [dreg:s8], $0x6FFFF;
	_ =	strace $0x90000049  }
0xb4: {  	s29 =	simm.s32 $0x9;
	_ =	strace $0x8000004B  }
0xb5: {  	_ =	swait.ge [sflag:s29], $0x1  }
0xb6: {  	[sflag:s29] =	ssyncadd.s32 $0xFFFFFFFF  }
0xb7: {  	_ =	strace $0x9000004B  }
0xb8: {  	_ =	sfence  }
0xb9: {  	s30 =	sld [smem:$0x0];
	_ =	sdelay $0x2  }
0xba: {  	s31 =	sshll.u32 s1, $0xD;
	s1 =	sshrl.u32 s1, $0x2  }
0xbb: {  	s3 =	sand.u32 $0x4000, s31;
	s1 =	sadd.s32 s1, s30  }
0xbc: {  	s0 =	sor.u32 s3, s0;
	s1 =	sshll.u32 s1, $0x11  }
0xbd: {  	s0 =	sor.u32 s1, s0  }
0xbe: {  	s0 =	sadd.s32 $0x8F2B, s0  }
0xbf: {  	[sflag:s0] =	ssyncadd.remote.s32 $0x1  }
0xc0: {  	_ =	sfence.sel $0xFFFF  }
0xc1: {  	[dreg:$0x0] =	wrdreg $0xFFFFFFFF;
	(pc) =	sbr.abs _section_cstart, $3  }
0xc2: {  	[dreg:$0x1] =	wrdreg $0xFFFFFFFF  }
0xc3: {  	_ =	task.clear_ibuf [dreg:s8], $0x2FFFF;
	_ =	strace $0x9FFFFFFF  }
0xc4: {  	(tm) =	ssettm $0x7FFFFFFF  }
0xc5: {  	_ =	shalt  }
tec
execute0_lowered:
.L_overlay_start_1:
0x0: {  	(tag) =	ssettag $0x1  }
0x1: {  	s0 =	srdreg.scid  }
0x2: {  	s1 =	stileid.u32;
	s6 =	sand.u32 $0x1, s0  }
0x3: {  	s7 =	sor.u32 s1, s6  }
0x4: {  	p0 =	sne.s32 s7, $0x0  }
.Ltmp0:
0x5: {  	s5 =	rddreg [dreg:$0x0];
	(pc) =	sbr.rel @p0 .LBB2_3-.Ltmp0, $4  }
0x6: {  	s2 =	rddreg [dreg:$0x1]  }
0x7: {  	s3 =	rddreg [dreg:$0x2];
	s4 =	simm.s32 $0x0  }
0x8: {  	[smem:$0x7FF] =	sst s4  }
0x9: {  	s0 =	rddreg [dreg:$0x3];
	_ =	strace $0x8000004A  }
0xa: {  	s7 =	sadd.s32 $0x2000, s5;
	s6 =	ssub.s32 $0x2, s6  }
0xb: {  	s30 =	sadd.s32 $0x188A00, s5;
	s8 =	sadd.s32 $0x300, s2;
	s9 =	simm.s32 $0x2  }
0xc: {  	s10 =	simm.s32 $0x80;
	s11 =	simm.s32 $0x100;
	s12 =	simm.s32 $0x900  }
0xd: {  	s13 =	simm.s32 $0x1100;
	s14 =	simm.s32 $0x1900;
	s15 =	simm.s32 $0x2100  }
0xe: {  	s16 =	simm.s32 $0x2900;
	s17 =	simm.s32 $0x3100;
	s18 =	simm.s32 $0x3900  }
0xf: {  	s19 =	simm.s32 $0x4100;
	s20 =	simm.s32 $0x4900;
	s21 =	simm.s32 $0x5100  }
0x10: {  	s22 =	simm.s32 $0x5900;
	s23 =	simm.s32 $0x6100;
	s24 =	simm.s32 $0x6900  }
0x11: {  	v2 =	vlaneseq.u32;
	s25 =	simm.s32 $0x7100;
	s26 =	simm.s32 $0x7900;
	[dreg:$0x4] =	wrdreg s7  }
0x12: {  	vm0 =	vmmov $0xffff;
	s28 =	simm.s32 $0x1;
	s31 =	sshrl.u32 s6, $0x1;
	[dreg:$0x5] =	wrdreg s30;
	v1 =	vshrl.u32 v2, $0x3  }
0x13: {  	s7 =	sadd.s32 $0x200, s2;
	v0 =	vand.u32 $0x7, v2;
	v2 =	vor.u32 $0x8, v2;
	s5 =	ssub.s32 s6, s31;
	s6 =	sadd.s32 $0x100, s2;
	v1 =	vmul.u32 $0x8, v1  }
.LBB2_2:
0x14: {  	s29 =	rddreg [dreg:$0x4]  }
0x15: {  	[tilespmem:s4], [sflag:$0x2] =	stream.linear.gather [hbm4b:s29+s4], $0x80, $0x38;
	[tilespmem:$0x8100] =	vst v63  }
0x16: {  	_ =	swait.ge [sflag:s9], $0x80  }
0x17: {  	[sflag:s9] =	ssyncset.done $0x0  }
0x18: {  	[sflag:s9] =	ssyncadd.s32 $0xFFFFFF80  }
0x19: {  	v3 =	vld [tilespmem:$0x0];
	_ =	sdelay $0x4  }
0x1a: {  	(v2sf) =	vpush v3, $0x0;
	_ =	sdelay $0xe  }
0x1b: {  	s31 =	spop (v2sf)  }
0x1c: {  	s29 =	sshll.u32 s31, $0x2  }
0x1d: {  	s30 =	rddreg [dreg:$0x5];
	s29 =	sand.u32 $0x1FFFFFFC, s29  }
0x1e: {  	s29 =	sadd.s32 s30, s29  }
0x1f: {  	[tilespmem:s10], [sflag:$0x2] =	stream.linear.gather [hbm4b:s29+s4], $0x20, $0x38;
	[tilespmem:$0x8100] =	vst v63  }
0x20: {  	_ =	swait.ge [sflag:s9], $0x20  }
0x21: {  	[sflag:s9] =	ssyncset.done $0x0  }
0x22: {  	[sflag:s9] =	ssyncadd.s32 $0xFFFFFFE0  }
0x23: {  	v3 =	vld [tilespmem:$0x80];
	_ =	sdelay $0x4  }
0x24: {  	v4 =	vshll.u32 v3, $0x3  }
0x25: {  	v3 =	vand.u32 $0x7, v3;
	v4 =	vand.u32 $0xFFFFFFC0, v4  }
0x26: {  	v3 =	vor.u32 v3, v4  }
0x27: {  	v4 =	vperm.xlane v3, v0;
	_ =	sdelay $0x1  }
0x28: {  	v4 =	vadd.s32 v1, v4;
	_ =	sdelay $0x4  }
0x29: {  	[tilespmem:s11], [sflag:$0x1] =	stream.indirect_vreg.gather [hbm4b:s2+s4], $0x80, v4, vm0, $0xb8;
	[tilespmem:$0x8100] =	vst v63  }
0x2a: {  	v3 =	vperm.xlane v3, v2  }
0x2b: {  	[tilespmem:s12], [sflag:$0x1] =	stream.indirect_vreg.gather [hbm4b:s6+s4], $0x80, v4, vm0, $0xb8;
	[tilespmem:$0x8100] =	vst v63  }
0x2c: {  	v3 =	vadd.s32 v1, v3  }
0x2d: {  	[tilespmem:s13], [sflag:$0x1] =	stream.indirect_vreg.gather [hbm4b:s7+s4], $0x80, v4, vm0, $0xb8;
	[tilespmem:$0x8100] =	vst v63  }
0x2e: {  	_ = 	snop  }
0x2f: {  	[tilespmem:s14], [sflag:$0x1] =	stream.indirect_vreg.gather [hbm4b:s8+s4], $0x80, v4, vm0, $0xb8;
	[tilespmem:$0x8100] =	vst v63  }
0x30: {  	_ = 	snop  }
0x31: {  	[tilespmem:s15], [sflag:$0x1] =	stream.indirect_vreg.gather [hbm4b:s2+s4], $0x80, v3, vm0, $0xb8;
	[tilespmem:$0x8100] =	vst v63  }
0x32: {  	_ = 	snop  }
0x33: {  	[tilespmem:s16], [sflag:$0x1] =	stream.indirect_vreg.gather [hbm4b:s6+s4], $0x80, v3, vm0, $0xb8;
	[tilespmem:$0x8100] =	vst v63  }
0x34: {  	_ = 	snop  }
0x35: {  	[tilespmem:s17], [sflag:$0x1] =	stream.indirect_vreg.gather [hbm4b:s7+s4], $0x80, v3, vm0, $0xb8;
	[tilespmem:$0x8100] =	vst v63  }
0x36: {  	_ = 	snop  }
0x37: {  	[tilespmem:s18], [sflag:$0x1] =	stream.indirect_vreg.gather [hbm4b:s8+s4], $0x80, v3, vm0, $0xb8;
	[tilespmem:$0x8100] =	vst v63  }
0x38: {  	v3 =	vld [tilespmem:$0x90];
	_ =	sdelay $0x4  }
0x39: {  	v63 =	vshll.u32 v3, $0x3  }
0x3a: {  	v3 =	vand.u32 $0x7, v3;
	v4 =	vand.u32 $0xFFFFFFC0, v63  }
0x3b: {  	v3 =	vor.u32 v3, v4  }
0x3c: {  	v4 =	vperm.xlane v3, v0;
	_ =	sdelay $0x1  }
0x3d: {  	v4 =	vadd.s32 v1, v4;
	_ =	sdelay $0x4  }
0x3e: {  	[tilespmem:s19], [sflag:$0x1] =	stream.indirect_vreg.gather [hbm4b:s2+s4], $0x80, v4, vm0, $0xb8;
	[tilespmem:$0x8100] =	vst v63  }
0x3f: {  	v3 =	vperm.xlane v3, v2  }
0x40: {  	[tilespmem:s20], [sflag:$0x1] =	stream.indirect_vreg.gather [hbm4b:s6+s4], $0x80, v4, vm0, $0xb8;
	[tilespmem:$0x8100] =	vst v63  }
0x41: {  	v3 =	vadd.s32 v1, v3  }
0x42: {  	[tilespmem:s21], [sflag:$0x1] =	stream.indirect_vreg.gather [hbm4b:s7+s4], $0x80, v4, vm0, $0xb8;
	[tilespmem:$0x8100] =	vst v63  }
0x43: {  	_ = 	snop  }
0x44: {  	[tilespmem:s22], [sflag:$0x1] =	stream.indirect_vreg.gather [hbm4b:s8+s4], $0x80, v4, vm0, $0xb8;
	[tilespmem:$0x8100] =	vst v63  }
0x45: {  	_ = 	snop  }
0x46: {  	[tilespmem:s23], [sflag:$0x1] =	stream.indirect_vreg.gather [hbm4b:s2+s4], $0x80, v3, vm0, $0xb8;
	[tilespmem:$0x8100] =	vst v63  }
0x47: {  	_ = 	snop  }
0x48: {  	[tilespmem:s24], [sflag:$0x1] =	stream.indirect_vreg.gather [hbm4b:s6+s4], $0x80, v3, vm0, $0xb8;
	[tilespmem:$0x8100] =	vst v63  }
0x49: {  	_ = 	snop  }
0x4a: {  	[tilespmem:s25], [sflag:$0x1] =	stream.indirect_vreg.gather [hbm4b:s7+s4], $0x80, v3, vm0, $0xb8;
	[tilespmem:$0x8100] =	vst v63  }
0x4b: {  	_ = 	snop  }
0x4c: {  	[tilespmem:s26], [sflag:$0x1] =	stream.indirect_vreg.gather [hbm4b:s8+s4], $0x80, v3, vm0, $0xb8;
	[tilespmem:$0x8100] =	vst v63  }
0x4d: {  	_ =	swait.ge [sflag:s28], $0x8000  }
0x4e: {  	p0 =	sne.s32 s5, $0x1;
	[sflag:s28] =	ssyncset.done $0x0  }
.Ltmp1:
0x4f: {  	[sflag:s28] =	ssyncadd.s32 $0xFFFF8000;
	(pc) =	sbr.rel @p0 .LBB2_2-.Ltmp1, $4  }
0x50: {  	[hbm4b:s3+s4] =	stream.linear.scatter [tilespmem:s11], [sflag:$0x2], $0x8000, $0x38;
	[tilespmem:$0x8100] =	vst v63  }
0x51: {  	_ =	swait.ge [sflag:s9], $0x8000  }
0x52: {  	[sflag:s9] =	ssyncset.done $0x0  }
0x53: {  	s5 =	sadd.s32 $0xFFFFFFFF, s5;
	[sflag:s9] =	ssyncadd.s32 $0xFFFF8000  }
.LBB2_3:
0x54: {  	_ =	sfence.sel $0x180000  }
0x55: {  	[bflag:$0x0] =	sbarrier.arrive $0xFFFF  }
0x56: {  	p0 =	sne.s32 s1, $0x0;
	_ =	strace $0x9000004A  }
0x57: {  	s0 =	sadd.s32 @!p0 $0x100000, s0;
	[bflag:$0x2] =	sbarrier.arrive $0xFFFF  }
0x58: {  	[sflag:s0] =	ssyncadd.tile.s32 @!p0 $0x1;
	_ =	shalt  }
.Lfunc_end2:
_tile_overlayer_lowered:
.L_overlay_start_2:
0x59: {  	(tag) =	ssettag $0x2  }
0x5a: {  	s0 =	rddreg [dreg:$0x0];
	s2 =	stileid.u32  }
0x5b: {  	s1 =	rddreg [dreg:$0x1];
	p0 =	sne.s32 s2, $0x0  }
0x5c: {  	s3 =	rddreg [dreg:$0x2];
	[bflag:$0x3] =	sbarrier.arrive $0xFFFF;
	s2 =	simm.s32 @!p0 $0x1C02  }
0x5d: {  	[timem:s3], [sflag:s2] =	dma.local @!p0 [hbm:s0], s1  }
0x5e: {  	s0 =	simm.s32 @!p0 $0x2  }
0x5f: {  	_ =	swait.ge @!p0 [sflag:s0], s1  }
0x60: {  	s1 =	ssub.s32 @!p0 $0x0, s1;
	[sflag:s0] =	ssyncset.done @!p0 $0x0  }
0x61: {  	[sflag:s0] =	ssyncadd.s32 @!p0 s1  }
0x62: {  	[bflag:$0x3] =	sbarrier.arrive $0xFFFF  }
0x63: {  	_ =	shalt  }

</sc_bundles>
